<compile_context>
chip_gen: v7x
topology: tpu7x:2x2x1
jax: 0.10.2.dev20260603
libtpu: 0.0.44.dev20260713+nightly
codegen_flags: <defaults>
</compile_context>

<pallas_src>
import functools

import jax
import jax.numpy as jnp
from jax import lax
from jax.experimental import pallas as pl
from jax.experimental.pallas import tpu as pltpu
from jax.experimental.pallas import tpu_sc as plsc

N = 10000
D = 128
NP = 10240
NC, NS = 2, 16
NW = NC * NS
CH = 96
RT = NP // NS
ZB = 64
BM = 512


def _f32(*shape):
    return jax.ShapeDtypeStruct(shape, jnp.float32)


def _edge_kernel(n_chunks, width, heads):
    mesh = plsc.VectorSubcoreMesh(core_axis_name="c", subcore_axis_name="s")

    @functools.partial(
        pl.kernel,
        out_type=[_f32(NC, NP, width), _f32(NC, NP, 16)],
        mesh=mesh,
        compiler_params=pltpu.CompilerParams(
            needs_layout_passes=False, use_tc_tiling_on_sc=False),
        scratch_types=[
            pltpu.VMEM_SHARED((NP, width), jnp.float32),
            pltpu.VMEM_SHARED((NP, 16), jnp.float32),
            pltpu.VMEM((3, 2, CH), jnp.int32),
            pltpu.VMEM((2, CH, width), jnp.float32),
            pltpu.VMEM((2, CH, 16), jnp.float32),
            pltpu.VMEM((2, CH, 16), jnp.float32),
            pltpu.VMEM((2, CH, 16), jnp.float32),
            pltpu.SemaphoreType.DMA,
            pltpu.SemaphoreType.DMA,
            pltpu.SemaphoreType.DMA,
        ],
    )
    def kfn(xw_hbm, att_hbm, srcs_hbm, dsts_hbm, num_out, den_out,
            acc_num, acc_den, idx_v, rows_v, atts_v, attd_v, ex_v,
            sem_g, sem_s, sem_i):
        c = lax.axis_index("c")
        s = lax.axis_index("s")
        w = s * NC + c
        K = n_chunks
        zero16 = jnp.zeros((16,), jnp.float32)
        lanes = lax.iota(jnp.int32, 16)

        def _zrow(r, _):
            for j in range(width // 16):
                rows_v[0, r, pl.ds(j * 16, 16)] = zero16
            ex_v[0, r, pl.ds(0, 16)] = zero16
            ex_v[1, r, pl.ds(0, 16)] = zero16
            return 0
        lax.fori_loop(0, CH, _zrow, 0)

        for i in range(RT // ZB):
            base = s * RT + i * ZB
            pltpu.sync_copy(rows_v.at[0, pl.ds(0, ZB)],
                            acc_num.at[pl.ds(base, ZB)])
            pltpu.sync_copy(ex_v.at[0, pl.ds(0, ZB)],
                            acc_den.at[pl.ds(base, ZB)])
        plsc.subcore_barrier()

        def issue_idx(jj, slot):
            pltpu.async_copy(srcs_hbm.at[w, jj], idx_v.at[slot, 0], sem_i)
            pltpu.async_copy(dsts_hbm.at[w, jj], idx_v.at[slot, 1], sem_i)

        def drain_idx(slot):
            pltpu.make_async_copy(srcs_hbm.at[w, 0], idx_v.at[slot, 0],
                                  sem_i).wait()
            pltpu.make_async_copy(srcs_hbm.at[w, 0], idx_v.at[slot, 1],
                                  sem_i).wait()

        def issue_gathers(slot, p):
            pltpu.async_copy(xw_hbm.at[idx_v.at[slot, 0]], rows_v.at[p],
                             sem_g)
            pltpu.async_copy(att_hbm.at[idx_v.at[slot, 0]], atts_v.at[p],
                             sem_g)
            pltpu.async_copy(att_hbm.at[idx_v.at[slot, 1]], attd_v.at[p],
                             sem_g)

        def drain_gathers(p):
            pltpu.make_async_copy(xw_hbm.at[idx_v.at[0, 0]], rows_v.at[p],
                                  sem_g).wait()
            pltpu.make_async_copy(att_hbm.at[idx_v.at[0, 0]], atts_v.at[p],
                                  sem_g).wait()
            pltpu.make_async_copy(att_hbm.at[idx_v.at[0, 1]], attd_v.at[p],
                                  sem_g).wait()

        def issue_scatters(slot, p):
            pltpu.async_copy(rows_v.at[p], acc_num.at[idx_v.at[slot, 1]],
                             sem_s, add=True)
            pltpu.async_copy(ex_v.at[p], acc_den.at[idx_v.at[slot, 1]],
                             sem_s, add=True)

        def drain_scatters(p):
            pltpu.make_async_copy(rows_v.at[p], acc_num.at[idx_v.at[0, 1]],
                                  sem_s).wait()
            pltpu.make_async_copy(ex_v.at[p], acc_den.at[idx_v.at[0, 1]],
                                  sem_s).wait()

        def compute(p):
            atts_p, attd_p = atts_v.at[p], attd_v.at[p]
            ex_p, rows_p = ex_v.at[p], rows_v.at[p]

            def _grp(g, _):
                rid = g * 16 + lanes
                for h in range(heads):
                    hs = jnp.full((16,), h, jnp.int32)
                    hd = jnp.full((16,), heads + h, jnp.int32)
                    e = (plsc.load_gather(atts_p, [rid, hs])
                         + plsc.load_gather(attd_p, [rid, hd]))
                    e = jnp.where(e < 0, e * jnp.float32(0.2), e)
                    plsc.store_scatter(ex_p, [rid, hs], jnp.exp(e))
                return 0
            lax.fori_loop(0, CH // 16, _grp, 0)

            lph = width // heads // 16

            def _edge(i, _):
                exrow = ex_p[i, pl.ds(0, 16)]
                for h in range(heads):
                    m = exrow[h]
                    for v in range(lph):
                        off = (h * lph + v) * 16
                        rows_p[i, pl.ds(off, 16)] = (
                            rows_p[i, pl.ds(off, 16)] * m)
                return 0
            lax.fori_loop(0, CH, _edge, 0)

        pltpu.sync_copy(srcs_hbm.at[w, 0], idx_v.at[0, 0])
        pltpu.sync_copy(dsts_hbm.at[w, 0], idx_v.at[0, 1])
        issue_idx(1, 1)
        issue_gathers(0, 0)

        def _iter(j, _):
            p = lax.rem(j, 2)
            drain_gathers(p)
            pl.when(j >= 1)(lambda: drain_scatters(1 - p))

            def _pref():
                drain_idx(lax.rem(j + 1, 3))
                issue_gathers(lax.rem(j + 1, 3), 1 - p)
            pl.when(j + 1 < K)(_pref)
            pl.when(j + 2 < K)(
                lambda: issue_idx(j + 2, lax.rem(j + 2, 3)))
            compute(p)
            issue_scatters(lax.rem(j, 3), p)
            return 0
        lax.fori_loop(0, K, _iter, 0)
        drain_scatters(lax.rem(K - 1, 2))

        plsc.subcore_barrier()
        pltpu.sync_copy(acc_num.at[pl.ds(s * RT, RT)],
                        num_out.at[c, pl.ds(s * RT, RT)])
        pltpu.sync_copy(acc_den.at[pl.ds(s * RT, RT)],
                        den_out.at[c, pl.ds(s * RT, RT)])

    return kfn


def _tc_a(x_ref, w1_ref, a1_ref, xw_ref, att_ref):
    xw = jnp.dot(x_ref[...], w1_ref[...], preferred_element_type=jnp.float32)
    xw_ref[...] = xw
    att_ref[...] = jnp.dot(xw, a1_ref[...], preferred_element_type=jnp.float32)


def _tc_b(n0, n1, d0, d1, b1r, w2, a2, bh, xw2_ref, att2_ref):
    num = n0[...] + n1[...]
    den = jnp.dot(d0[...] + d1[...], bh[...],
                  preferred_element_type=jnp.float32)
    h = num / (den + jnp.float32(1e-16)) + b1r[...]
    h = jnp.where(h > 0, h, jnp.exp(h) - jnp.float32(1.0))
    xw2 = jnp.dot(h, w2[...], preferred_element_type=jnp.float32)
    xw2_ref[...] = xw2
    att2_ref[...] = jnp.dot(xw2, a2[...], preferred_element_type=jnp.float32)


def _tc_c(n0, n1, d0, d1, b2r, b2m, wh_ref, bhr, out_ref):
    den = jnp.dot(d0[...] + d1[...], b2m[...],
                  preferred_element_type=jnp.float32)
    h = (n0[...] + n1[...]) / (den + jnp.float32(1e-16)) + b2r[...]
    h = jnp.where(h > 0, h, jnp.exp(h) - jnp.float32(1.0))
    out_ref[...] = jnp.dot(h, wh_ref[...],
                           preferred_element_type=jnp.float32) + bhr[...]


def _full(shape):
    return pl.BlockSpec(shape, lambda i: tuple(0 for _ in shape))


def _rows(width):
    return pl.BlockSpec((BM, width), lambda i: (i, 0))


def kernel(x, edge_index, W1, a_src1, a_dst1, b1, W2, a_src2, a_dst2, b2,
           Wh, bh):
    xp = jnp.zeros((NP, D), jnp.float32).at[:N].set(x)

    eye8 = jnp.eye(8, dtype=jnp.float32)
    a_s = (eye8[:, None, :] * a_src1[:, :, None]).reshape(128, 8)
    a_d = (eye8[:, None, :] * a_dst1[:, :, None]).reshape(128, 8)
    A1 = jnp.concatenate([a_s, a_d], axis=1)
    BH = jnp.concatenate([jnp.kron(eye8, jnp.ones((1, 16), jnp.float32)),
                          jnp.zeros((8, 128), jnp.float32)])
    A2 = (jnp.zeros((32, 16), jnp.float32)
          .at[:, 0].set(a_src2[0]).at[:, 1].set(a_dst2[0]))
    B2 = jnp.zeros((16, 32), jnp.float32).at[0, :].set(1.0)
    Wh8 = jnp.zeros((32, 8), jnp.float32).at[:, :4].set(Wh)
    bh8 = jnp.zeros((1, 8), jnp.float32).at[0, :4].set(bh)
    b1r = b1.reshape(1, 128)
    b2r = b2.reshape(1, 32)

    E = edge_index.shape[1]
    e_tot = E + N
    n_chunks = -(-e_tot // (NW * CH))
    e_pad = n_chunks * NW * CH
    loop = jnp.arange(N, dtype=jnp.int32)
    pad = (jnp.arange(e_pad - e_tot, dtype=jnp.int32) % (NP - N)) + N
    srcs = jnp.concatenate([edge_index[0], loop, pad]).reshape(NW, n_chunks, CH)
    dsts = jnp.concatenate([edge_index[1], loop, pad]).reshape(NW, n_chunks, CH)

    xw, att = pl.pallas_call(
        _tc_a,
        grid=(NP // BM,),
        in_specs=[_rows(128), _full((128, 128)), _full((128, 16))],
        out_specs=[_rows(128), _rows(16)],
        out_shape=[_f32(NP, 128), _f32(NP, 16)],
    )(xp, W1, A1)

    num, den = _edge_kernel(n_chunks, 128, 8)(xw, att, srcs, dsts)

    xw2, att2 = pl.pallas_call(
        _tc_b,
        grid=(NP // BM,),
        in_specs=[_rows(128), _rows(128), _rows(16), _rows(16),
                  _full((1, 128)), _full((128, 32)), _full((32, 16)),
                  _full((16, 128))],
        out_specs=[_rows(32), _rows(16)],
        out_shape=[_f32(NP, 32), _f32(NP, 16)],
    )(num[0], num[1], den[0], den[1], b1r, W2, A2, BH)

    num2, den2 = _edge_kernel(n_chunks, 32, 1)(xw2, att2, srcs, dsts)

    out = pl.pallas_call(
        _tc_c,
        grid=(NP // BM,),
        in_specs=[_rows(32), _rows(32), _rows(16), _rows(16),
                  _full((1, 32)), _full((16, 32)), _full((32, 8)),
                  _full((1, 8))],
        out_specs=_rows(8),
        out_shape=_f32(NP, 8),
    )(num2[0], num2[1], den2[0], den2[1], b2r, B2, Wh8, bh8)

    return out[:N, :4]

# --- scband reference (transcript-rebuilt; emitter-appended) ---
"""Pipeline reference for scband-gatnet-7713761263891 (READ-ONLY COPY).

The authoritative reference and input builder live on the scoring server;
editing this copy changes nothing except your own understanding.
"""

import jax, jax.numpy as jnp
import numpy as np

N = 10000
E = 320000
D = 128


def setup_inputs(seed: int = 0) -> dict:
    key = jax.random.key(seed)
    ks = jax.random.split(key, 14)
    inp = {}
    inp["x"] = jax.random.normal(ks[0], (N, D), dtype=jnp.float32)
    inp["edge_index"] = jax.random.randint(ks[1], (2, E), 0, N, dtype=jnp.int32)
    # gat1: in=128, heads=8, out_per_head=16, concat -> 128
    inp["W1"] = jax.random.normal(ks[2], (D, 8 * 16), dtype=jnp.float32) * 0.1
    inp["a_src1"] = jax.random.normal(ks[3], (8, 16), dtype=jnp.float32) * 0.1
    inp["a_dst1"] = jax.random.normal(ks[4], (8, 16), dtype=jnp.float32) * 0.1
    inp["b1"] = jnp.zeros((128,), dtype=jnp.float32)
    # gat2: in=128, heads=1, out=32, concat=False (mean over heads)
    inp["W2"] = jax.random.normal(ks[5], (128, 32), dtype=jnp.float32) * 0.1
    inp["a_src2"] = jax.random.normal(ks[6], (1, 32), dtype=jnp.float32) * 0.1
    inp["a_dst2"] = jax.random.normal(ks[7], (1, 32), dtype=jnp.float32) * 0.1
    inp["b2"] = jnp.zeros((32,), dtype=jnp.float32)
    # head: 32 -> 4 (formulation != 'ordinal')
    inp["Wh"] = jax.random.normal(ks[8], (32, 4), dtype=jnp.float32) * 0.1
    inp["bh"] = jnp.zeros((4,), dtype=jnp.float32)
    return inp


def _gat_layer(x, ei, W, a_src, a_dst, b, heads, oc, concat):
    n = x.shape[0]
    xw = (x @ W).reshape(n, heads, oc)
    src, dst = ei[0], ei[1]
    alpha_src = jnp.sum(xw * a_src[None, :, :], axis=-1)  # [N, H]
    alpha_dst = jnp.sum(xw * a_dst[None, :, :], axis=-1)  # [N, H]
    e = jax.nn.leaky_relu(alpha_src[src] + alpha_dst[dst], negative_slope=0.2)  # [E, H]
    # segment softmax over incoming edges of each dst node
    emax = jax.ops.segment_max(e, dst, num_segments=n)
    ex = jnp.exp(e - emax[dst])
    esum = jax.ops.segment_sum(ex, dst, num_segments=n)
    alpha = ex / (esum[dst] + 1e-16)
    out = jax.ops.segment_sum(xw[src] * alpha[:, :, None], dst, num_segments=n)
    if concat:
        out = out.reshape(n, heads * oc)
    else:
        out = jnp.mean(out, axis=1)
    return out + b


def reference(x, edge_index, W1, a_src1, a_dst1, b1, W2, a_src2, a_dst2, b2, Wh, bh):
    n = x.shape[0]
    # PyG GATConv default: add self-loops
    loop = jnp.arange(n, dtype=edge_index.dtype)
    ei = jnp.concatenate([edge_index, jnp.stack([loop, loop])], axis=1)
    h = jax.nn.elu(_gat_layer(x, ei, W1, a_src1, a_dst1, b1, 8, 16, True))
    h = jax.nn.elu(_gat_layer(h, ei, W2, a_src2, a_dst2, b2, 1, 32, False))
    return h @ Wh + bh

if __name__ == "__main__":
    import jax
    _d = setup_inputs()
    print(jax.jit(kernel)(*tuple(_d.values())))

</pallas_src>

<mosaic_0001>
#map = affine_map<(d0, d1) -> (0, 0)>
#map1 = affine_map<(d0, d1) -> (0, 0, 0)>
module attributes {stable_mosaic.version = 14 : i64} {
  func.func @kfn(%arg0: i32, %arg1: i32, %arg2: memref<10240x32xf32, #tpu.memory_space<hbm>>, %arg3: memref<10240x16xf32, #tpu.memory_space<hbm>>, %arg4: memref<32x108x96xi32, #tpu.memory_space<hbm>>, %arg5: memref<32x108x96xi32, #tpu.memory_space<hbm>>, %arg6: memref<2x10240x32xf32, #tpu.memory_space<hbm>>, %arg7: memref<2x10240x16xf32, #tpu.memory_space<hbm>>, %arg8: memref<10240x32xf32, #tpu.memory_space<vmem_shared>>, %arg9: memref<10240x16xf32, #tpu.memory_space<vmem_shared>>, %arg10: memref<3x2x96xi32, #tpu.memory_space<vmem>>, %arg11: memref<2x96x32xf32, #tpu.memory_space<vmem>>, %arg12: memref<2x96x16xf32, #tpu.memory_space<vmem>>, %arg13: memref<2x96x16xf32, #tpu.memory_space<vmem>>, %arg14: memref<2x96x16xf32, #tpu.memory_space<vmem>>, %arg15: memref<!tpu.dma_semaphore, #tpu.memory_space<semaphore_mem>>, %arg16: memref<!tpu.dma_semaphore, #tpu.memory_space<semaphore_mem>>, %arg17: memref<!tpu.dma_semaphore, #tpu.memory_space<semaphore_mem>>) attributes {dimension_semantics = [#tpu.dimension_semantics<core_parallel>, #tpu.dimension_semantics<subcore_parallel>], iteration_bounds = array<i64: 2, 16>, scalar_prefetch = 0 : i64, scratch_operands = 10 : i64, tpu.core_type = #tpu.core_type<sc_vector_subcore>, window_params = [{transform_indices = #map}, {transform_indices = #map}, {transform_indices = #map1}, {transform_indices = #map1}, {transform_indices = #map1}, {transform_indices = #map1}]} {
    %mul3A = arith.constant 2 : i32
    %mul3A_0 = arith.muli %arg1, %mul3A : i32
    %add3A = arith.addi %mul3A_0, %arg0 : i32
    %broadcast_in_dim3A = arith.constant 0.000000e+00 : f32
    %broadcast_in_dim3A_1 = vector.broadcast %broadcast_in_dim3A : f32 to vector<16xf32>
    %iota3A = tpu.iota {dimensions = array<i32: 0>} : vector<16xi32>
    %scan3A = arith.constant 0 : i32
    %scan3A_2 = arith.constant 0 : i32
    %scan3A_3 = arith.constant 96 : i32
    %scan3A_4 = arith.addi %scan3A_2, %scan3A_3 : i32
    %scan3A_5 = arith.constant 1 : i32
    %scan3A_6 = scf.for %scan3A_182 = %scan3A_2 to %scan3A_4 step %scan3A_5 iter_args(%scan3A_183 = %scan3A) -> (i32)  : i32 {
      %swap3A = arith.constant 0 : i32
      %swap3A_184 = arith.index_cast %swap3A : i32 to index
      %swap3A_185 = arith.index_cast %scan3A_182 : i32 to index
      %swap3A_186 = arith.constant 0 : index
      %swap3A_187 = tpu.vector_load %arg11[%swap3A_184, %swap3A_185, %swap3A_186] {strides = array<i32>} : memref<2x96x32xf32, #tpu.memory_space<vmem>>, vector<16xf32>,
      tpu.vector_store %arg11[%swap3A_184, %swap3A_185, %swap3A_186], %broadcast_in_dim3A_1 {strides = array<i32>} : memref<2x96x32xf32, #tpu.memory_space<vmem>>, vector<16xf32>,
      %swap3A_188 = arith.constant 0 : i32
      %swap3A_189 = arith.index_cast %swap3A_188 : i32 to index
      %swap3A_190 = arith.index_cast %scan3A_182 : i32 to index
      %swap3A_191 = arith.constant 16 : index
      %swap3A_192 = tpu.vector_load %arg11[%swap3A_189, %swap3A_190, %swap3A_191] {strides = array<i32>} : memref<2x96x32xf32, #tpu.memory_space<vmem>>, vector<16xf32>,
      tpu.vector_store %arg11[%swap3A_189, %swap3A_190, %swap3A_191], %broadcast_in_dim3A_1 {strides = array<i32>} : memref<2x96x32xf32, #tpu.memory_space<vmem>>, vector<16xf32>,
      %swap3A_193 = arith.constant 0 : i32
      %swap3A_194 = arith.index_cast %swap3A_193 : i32 to index
      %swap3A_195 = arith.index_cast %scan3A_182 : i32 to index
      %swap3A_196 = arith.constant 0 : index
      %swap3A_197 = tpu.vector_load %arg14[%swap3A_194, %swap3A_195, %swap3A_196] {strides = array<i32>} : memref<2x96x16xf32, #tpu.memory_space<vmem>>, vector<16xf32>,
      tpu.vector_store %arg14[%swap3A_194, %swap3A_195, %swap3A_196], %broadcast_in_dim3A_1 {strides = array<i32>} : memref<2x96x16xf32, #tpu.memory_space<vmem>>, vector<16xf32>,
      %swap3A_198 = arith.constant 1 : i32
      %swap3A_199 = arith.index_cast %swap3A_198 : i32 to index
      %swap3A_200 = arith.index_cast %scan3A_182 : i32 to index
      %swap3A_201 = arith.constant 0 : index
      %swap3A_202 = tpu.vector_load %arg14[%swap3A_199, %swap3A_200, %swap3A_201] {strides = array<i32>} : memref<2x96x16xf32, #tpu.memory_space<vmem>>, vector<16xf32>,
      tpu.vector_store %arg14[%swap3A_199, %swap3A_200, %swap3A_201], %broadcast_in_dim3A_1 {strides = array<i32>} : memref<2x96x16xf32, #tpu.memory_space<vmem>>, vector<16xf32>,
      %scan3A_203 = arith.constant 0 : i32
      scf.yield %scan3A_203 : i32
    }
    %scan3A_7 = arith.constant 96 : i32
    %mul3A_8 = arith.constant 640 : i32
    %mul3A_9 = arith.muli %arg1, %mul3A_8 : i32
    %add3A_10 = arith.constant 0 : i32
    %add3A_11 = arith.addi %mul3A_9, %add3A_10 : i32
    %run_scoped3A = arith.constant 0 : i32
    "tpu.region"() ({
      %run_scoped3A_182 = tpu.sem_alloc : memref<!tpu.dma_semaphore, #tpu.memory_space<semaphore_mem>>
      %dma_start3A_183 = arith.constant 0 : i32
      %dma_start3A_184 = arith.constant 0 : i32
      %dma_start3A_185 = tpu.memref_slice %arg11[%run_scoped3A, %dma_start3A_183, %dma_start3A_184] : memref<2x96x32xf32, #tpu.memory_space<vmem>> -> memref<1x64x32xf32, #tpu.memory_space<vmem>>
      %dma_start3A_186 = tpu.memref_squeeze %dma_start3A_185 : memref<1x64x32xf32, #tpu.memory_space<vmem>> -> memref<64x32xf32, #tpu.memory_space<vmem>>
      %dma_start3A_187 = arith.constant 0 : i32
      %dma_start3A_188 = tpu.memref_slice %arg8[%add3A_11, %dma_start3A_187] : memref<10240x32xf32, #tpu.memory_space<vmem_shared>> -> memref<64x32xf32, #tpu.memory_space<vmem_shared>>
      %dma_start3A_189 = arith.constant 0 : i32
      %dma_start3A_190 = tpu.memref_slice %arg8[%add3A_11, %dma_start3A_189] : memref<10240x32xf32, #tpu.memory_space<vmem_shared>> -> memref<64x32xf32, #tpu.memory_space<vmem_shared>>
      %dma_start3A_191 = arith.constant 0 : i32
      %dma_start3A_192 = arith.constant 0 : i32
      %dma_start3A_193 = tpu.memref_slice %arg11[%run_scoped3A, %dma_start3A_191, %dma_start3A_192] : memref<2x96x32xf32, #tpu.memory_space<vmem>> -> memref<1x64x32xf32, #tpu.memory_space<vmem>>
      %dma_start3A_194 = tpu.memref_squeeze %dma_start3A_193 : memref<1x64x32xf32, #tpu.memory_space<vmem>> -> memref<64x32xf32, #tpu.memory_space<vmem>>
      tpu.enqueue_dma source(%dma_start3A_194 : memref<64x32xf32, #tpu.memory_space<vmem>>) target(%dma_start3A_190 : memref<64x32xf32, #tpu.memory_space<vmem_shared>>) target_semaphore(%run_scoped3A_182 : memref<!tpu.dma_semaphore, #tpu.memory_space<semaphore_mem>>)
      %dma_wait3A_195 = arith.constant 0 : i32
      %dma_wait3A_196 = arith.constant 0 : i32
      %dma_wait3A_197 = tpu.memref_slice %arg11[%run_scoped3A, %dma_wait3A_195, %dma_wait3A_196] : memref<2x96x32xf32, #tpu.memory_space<vmem>> -> memref<1x64x32xf32, #tpu.memory_space<vmem>>
      %dma_wait3A_198 = tpu.memref_squeeze %dma_wait3A_197 : memref<1x64x32xf32, #tpu.memory_space<vmem>> -> memref<64x32xf32, #tpu.memory_space<vmem>>
      %dma_wait3A_199 = arith.constant 0 : i32
      %dma_wait3A_200 = tpu.memref_slice %arg8[%add3A_11, %dma_wait3A_199] : memref<10240x32xf32, #tpu.memory_space<vmem_shared>> -> memref<64x32xf32, #tpu.memory_space<vmem_shared>>
      %dma_wait3A_201 = arith.constant 0 : i32
      %dma_wait3A_202 = tpu.memref_slice %arg8[%add3A_11, %dma_wait3A_201] : memref<10240x32xf32, #tpu.memory_space<vmem_shared>> -> memref<64x32xf32, #tpu.memory_space<vmem_shared>>
      %dma_wait3A_203 = arith.constant 0 : i32
      %dma_wait3A_204 = arith.constant 0 : i32
      %dma_wait3A_205 = tpu.memref_slice %arg11[%run_scoped3A, %dma_wait3A_203, %dma_wait3A_204] : memref<2x96x32xf32, #tpu.memory_space<vmem>> -> memref<1x64x32xf32, #tpu.memory_space<vmem>>
      %dma_wait3A_206 = tpu.memref_squeeze %dma_wait3A_205 : memref<1x64x32xf32, #tpu.memory_space<vmem>> -> memref<64x32xf32, #tpu.memory_space<vmem>>
      tpu.wait_dma2 semaphore(%run_scoped3A_182 : memref<!tpu.dma_semaphore, #tpu.memory_space<semaphore_mem>>) src(%dma_wait3A_206 : memref<64x32xf32, #tpu.memory_space<vmem>>) dst(%dma_wait3A_202 : memref<64x32xf32, #tpu.memory_space<vmem_shared>>)
      tpu.yield
    }) : () -> ()
    %run_scoped3A_12 = arith.constant 0 : i32
    "tpu.region"() ({
      %run_scoped3A_182 = tpu.sem_alloc : memref<!tpu.dma_semaphore, #tpu.memory_space<semaphore_mem>>
      %dma_start3A_183 = arith.constant 0 : i32
      %dma_start3A_184 = arith.constant 0 : i32
      %dma_start3A_185 = tpu.memref_slice %arg14[%run_scoped3A_12, %dma_start3A_183, %dma_start3A_184] : memref<2x96x16xf32, #tpu.memory_space<vmem>> -> memref<1x64x16xf32, #tpu.memory_space<vmem>>
      %dma_start3A_186 = tpu.memref_squeeze %dma_start3A_185 : memref<1x64x16xf32, #tpu.memory_space<vmem>> -> memref<64x16xf32, #tpu.memory_space<vmem>>
      %dma_start3A_187 = arith.constant 0 : i32
      %dma_start3A_188 = tpu.memref_slice %arg9[%add3A_11, %dma_start3A_187] : memref<10240x16xf32, #tpu.memory_space<vmem_shared>> -> memref<64x16xf32, #tpu.memory_space<vmem_shared>>
      %dma_start3A_189 = arith.constant 0 : i32
      %dma_start3A_190 = tpu.memref_slice %arg9[%add3A_11, %dma_start3A_189] : memref<10240x16xf32, #tpu.memory_space<vmem_shared>> -> memref<64x16xf32, #tpu.memory_space<vmem_shared>>
      %dma_start3A_191 = arith.constant 0 : i32
      %dma_start3A_192 = arith.constant 0 : i32
      %dma_start3A_193 = tpu.memref_slice %arg14[%run_scoped3A_12, %dma_start3A_191, %dma_start3A_192] : memref<2x96x16xf32, #tpu.memory_space<vmem>> -> memref<1x64x16xf32, #tpu.memory_space<vmem>>
      %dma_start3A_194 = tpu.memref_squeeze %dma_start3A_193 : memref<1x64x16xf32, #tpu.memory_space<vmem>> -> memref<64x16xf32, #tpu.memory_space<vmem>>
      tpu.enqueue_dma source(%dma_start3A_194 : memref<64x16xf32, #tpu.memory_space<vmem>>) target(%dma_start3A_190 : memref<64x16xf32, #tpu.memory_space<vmem_shared>>) target_semaphore(%run_scoped3A_182 : memref<!tpu.dma_semaphore, #tpu.memory_space<semaphore_mem>>)
      %dma_wait3A_195 = arith.constant 0 : i32
      %dma_wait3A_196 = arith.constant 0 : i32
      %dma_wait3A_197 = tpu.memref_slice %arg14[%run_scoped3A_12, %dma_wait3A_195, %dma_wait3A_196] : memref<2x96x16xf32, #tpu.memory_space<vmem>> -> memref<1x64x16xf32, #tpu.memory_space<vmem>>
      %dma_wait3A_198 = tpu.memref_squeeze %dma_wait3A_197 : memref<1x64x16xf32, #tpu.memory_space<vmem>> -> memref<64x16xf32, #tpu.memory_space<vmem>>
      %dma_wait3A_199 = arith.constant 0 : i32
      %dma_wait3A_200 = tpu.memref_slice %arg9[%add3A_11, %dma_wait3A_199] : memref<10240x16xf32, #tpu.memory_space<vmem_shared>> -> memref<64x16xf32, #tpu.memory_space<vmem_shared>>
      %dma_wait3A_201 = arith.constant 0 : i32
      %dma_wait3A_202 = tpu.memref_slice %arg9[%add3A_11, %dma_wait3A_201] : memref<10240x16xf32, #tpu.memory_space<vmem_shared>> -> memref<64x16xf32, #tpu.memory_space<vmem_shared>>
      %dma_wait3A_203 = arith.constant 0 : i32
      %dma_wait3A_204 = arith.constant 0 : i32
      %dma_wait3A_205 = tpu.memref_slice %arg14[%run_scoped3A_12, %dma_wait3A_203, %dma_wait3A_204] : memref<2x96x16xf32, #tpu.memory_space<vmem>> -> memref<1x64x16xf32, #tpu.memory_space<vmem>>
      %dma_wait3A_206 = tpu.memref_squeeze %dma_wait3A_205 : memref<1x64x16xf32, #tpu.memory_space<vmem>> -> memref<64x16xf32, #tpu.memory_space<vmem>>
      tpu.wait_dma2 semaphore(%run_scoped3A_182 : memref<!tpu.dma_semaphore, #tpu.memory_space<semaphore_mem>>) src(%dma_wait3A_206 : memref<64x16xf32, #tpu.memory_space<vmem>>) dst(%dma_wait3A_202 : memref<64x16xf32, #tpu.memory_space<vmem_shared>>)
      tpu.yield
    }) : () -> ()
    %mul3A_13 = arith.constant 640 : i32
    %mul3A_14 = arith.muli %arg1, %mul3A_13 : i32
    %add3A_15 = arith.constant 64 : i32
    %add3A_16 = arith.addi %mul3A_14, %add3A_15 : i32
    %run_scoped3A_17 = arith.constant 0 : i32
    "tpu.region"() ({
      %run_scoped3A_182 = tpu.sem_alloc : memref<!tpu.dma_semaphore, #tpu.memory_space<semaphore_mem>>
      %dma_start3A_183 = arith.constant 0 : i32
      %dma_start3A_184 = arith.constant 0 : i32
      %dma_start3A_185 = tpu.memref_slice %arg11[%run_scoped3A_17, %dma_start3A_183, %dma_start3A_184] : memref<2x96x32xf32, #tpu.memory_space<vmem>> -> memref<1x64x32xf32, #tpu.memory_space<vmem>>
      %dma_start3A_186 = tpu.memref_squeeze %dma_start3A_185 : memref<1x64x32xf32, #tpu.memory_space<vmem>> -> memref<64x32xf32, #tpu.memory_space<vmem>>
      %dma_start3A_187 = arith.constant 0 : i32
      %dma_start3A_188 = tpu.memref_slice %arg8[%add3A_16, %dma_start3A_187] : memref<10240x32xf32, #tpu.memory_space<vmem_shared>> -> memref<64x32xf32, #tpu.memory_space<vmem_shared>>
      %dma_start3A_189 = arith.constant 0 : i32
      %dma_start3A_190 = tpu.memref_slice %arg8[%add3A_16, %dma_start3A_189] : memref<10240x32xf32, #tpu.memory_space<vmem_shared>> -> memref<64x32xf32, #tpu.memory_space<vmem_shared>>
      %dma_start3A_191 = arith.constant 0 : i32
      %dma_start3A_192 = arith.constant 0 : i32
      %dma_start3A_193 = tpu.memref_slice %arg11[%run_scoped3A_17, %dma_start3A_191, %dma_start3A_192] : memref<2x96x32xf32, #tpu.memory_space<vmem>> -> memref<1x64x32xf32, #tpu.memory_space<vmem>>
      %dma_start3A_194 = tpu.memref_squeeze %dma_start3A_193 : memref<1x64x32xf32, #tpu.memory_space<vmem>> -> memref<64x32xf32, #tpu.memory_space<vmem>>
      tpu.enqueue_dma source(%dma_start3A_194 : memref<64x32xf32, #tpu.memory_space<vmem>>) target(%dma_start3A_190 : memref<64x32xf32, #tpu.memory_space<vmem_shared>>) target_semaphore(%run_scoped3A_182 : memref<!tpu.dma_semaphore, #tpu.memory_space<semaphore_mem>>)
      %dma_wait3A_195 = arith.constant 0 : i32
      %dma_wait3A_196 = arith.constant 0 : i32
      %dma_wait3A_197 = tpu.memref_slice %arg11[%run_scoped3A_17, %dma_wait3A_195, %dma_wait3A_196] : memref<2x96x32xf32, #tpu.memory_space<vmem>> -> memref<1x64x32xf32, #tpu.memory_space<vmem>>
      %dma_wait3A_198 = tpu.memref_squeeze %dma_wait3A_197 : memref<1x64x32xf32, #tpu.memory_space<vmem>> -> memref<64x32xf32, #tpu.memory_space<vmem>>
      %dma_wait3A_199 = arith.constant 0 : i32
      %dma_wait3A_200 = tpu.memref_slice %arg8[%add3A_16, %dma_wait3A_199] : memref<10240x32xf32, #tpu.memory_space<vmem_shared>> -> memref<64x32xf32, #tpu.memory_space<vmem_shared>>
      %dma_wait3A_201 = arith.constant 0 : i32
      %dma_wait3A_202 = tpu.memref_slice %arg8[%add3A_16, %dma_wait3A_201] : memref<10240x32xf32, #tpu.memory_space<vmem_shared>> -> memref<64x32xf32, #tpu.memory_space<vmem_shared>>
      %dma_wait3A_203 = arith.constant 0 : i32
      %dma_wait3A_204 = arith.constant 0 : i32
      %dma_wait3A_205 = tpu.memref_slice %arg11[%run_scoped3A_17, %dma_wait3A_203, %dma_wait3A_204] : memref<2x96x32xf32, #tpu.memory_space<vmem>> -> memref<1x64x32xf32, #tpu.memory_space<vmem>>
      %dma_wait3A_206 = tpu.memref_squeeze %dma_wait3A_205 : memref<1x64x32xf32, #tpu.memory_space<vmem>> -> memref<64x32xf32, #tpu.memory_space<vmem>>
      tpu.wait_dma2 semaphore(%run_scoped3A_182 : memref<!tpu.dma_semaphore, #tpu.memory_space<semaphore_mem>>) src(%dma_wait3A_206 : memref<64x32xf32, #tpu.memory_space<vmem>>) dst(%dma_wait3A_202 : memref<64x32xf32, #tpu.memory_space<vmem_shared>>)
      tpu.yield
    }) : () -> ()
    %run_scoped3A_18 = arith.constant 0 : i32
    "tpu.region"() ({
      %run_scoped3A_182 = tpu.sem_alloc : memref<!tpu.dma_semaphore, #tpu.memory_space<semaphore_mem>>
      %dma_start3A_183 = arith.constant 0 : i32
      %dma_start3A_184 = arith.constant 0 : i32
      %dma_start3A_185 = tpu.memref_slice %arg14[%run_scoped3A_18, %dma_start3A_183, %dma_start3A_184] : memref<2x96x16xf32, #tpu.memory_space<vmem>> -> memref<1x64x16xf32, #tpu.memory_space<vmem>>
      %dma_start3A_186 = tpu.memref_squeeze %dma_start3A_185 : memref<1x64x16xf32, #tpu.memory_space<vmem>> -> memref<64x16xf32, #tpu.memory_space<vmem>>
      %dma_start3A_187 = arith.constant 0 : i32
      %dma_start3A_188 = tpu.memref_slice %arg9[%add3A_16, %dma_start3A_187] : memref<10240x16xf32, #tpu.memory_space<vmem_shared>> -> memref<64x16xf32, #tpu.memory_space<vmem_shared>>
      %dma_start3A_189 = arith.constant 0 : i32
      %dma_start3A_190 = tpu.memref_slice %arg9[%add3A_16, %dma_start3A_189] : memref<10240x16xf32, #tpu.memory_space<vmem_shared>> -> memref<64x16xf32, #tpu.memory_space<vmem_shared>>
      %dma_start3A_191 = arith.constant 0 : i32
      %dma_start3A_192 = arith.constant 0 : i32
      %dma_start3A_193 = tpu.memref_slice %arg14[%run_scoped3A_18, %dma_start3A_191, %dma_start3A_192] : memref<2x96x16xf32, #tpu.memory_space<vmem>> -> memref<1x64x16xf32, #tpu.memory_space<vmem>>
      %dma_start3A_194 = tpu.memref_squeeze %dma_start3A_193 : memref<1x64x16xf32, #tpu.memory_space<vmem>> -> memref<64x16xf32, #tpu.memory_space<vmem>>
      tpu.enqueue_dma source(%dma_start3A_194 : memref<64x16xf32, #tpu.memory_space<vmem>>) target(%dma_start3A_190 : memref<64x16xf32, #tpu.memory_space<vmem_shared>>) target_semaphore(%run_scoped3A_182 : memref<!tpu.dma_semaphore, #tpu.memory_space<semaphore_mem>>)
      %dma_wait3A_195 = arith.constant 0 : i32
      %dma_wait3A_196 = arith.constant 0 : i32
      %dma_wait3A_197 = tpu.memref_slice %arg14[%run_scoped3A_18, %dma_wait3A_195, %dma_wait3A_196] : memref<2x96x16xf32, #tpu.memory_space<vmem>> -> memref<1x64x16xf32, #tpu.memory_space<vmem>>
      %dma_wait3A_198 = tpu.memref_squeeze %dma_wait3A_197 : memref<1x64x16xf32, #tpu.memory_space<vmem>> -> memref<64x16xf32, #tpu.memory_space<vmem>>
      %dma_wait3A_199 = arith.constant 0 : i32
      %dma_wait3A_200 = tpu.memref_slice %arg9[%add3A_16, %dma_wait3A_199] : memref<10240x16xf32, #tpu.memory_space<vmem_shared>> -> memref<64x16xf32, #tpu.memory_space<vmem_shared>>
      %dma_wait3A_201 = arith.constant 0 : i32
      %dma_wait3A_202 = tpu.memref_slice %arg9[%add3A_16, %dma_wait3A_201] : memref<10240x16xf32, #tpu.memory_space<vmem_shared>> -> memref<64x16xf32, #tpu.memory_space<vmem_shared>>
      %dma_wait3A_203 = arith.constant 0 : i32
      %dma_wait3A_204 = arith.constant 0 : i32
      %dma_wait3A_205 = tpu.memref_slice %arg14[%run_scoped3A_18, %dma_wait3A_203, %dma_wait3A_204] : memref<2x96x16xf32, #tpu.memory_space<vmem>> -> memref<1x64x16xf32, #tpu.memory_space<vmem>>
      %dma_wait3A_206 = tpu.memref_squeeze %dma_wait3A_205 : memref<1x64x16xf32, #tpu.memory_space<vmem>> -> memref<64x16xf32, #tpu.memory_space<vmem>>
      tpu.wait_dma2 semaphore(%run_scoped3A_182 : memref<!tpu.dma_semaphore, #tpu.memory_space<semaphore_mem>>) src(%dma_wait3A_206 : memref<64x16xf32, #tpu.memory_space<vmem>>) dst(%dma_wait3A_202 : memref<64x16xf32, #tpu.memory_space<vmem_shared>>)
      tpu.yield
    }) : () -> ()
    %mul3A_19 = arith.constant 640 : i32
    %mul3A_20 = arith.muli %arg1, %mul3A_19 : i32
    %add3A_21 = arith.constant 128 : i32
    %add3A_22 = arith.addi %mul3A_20, %add3A_21 : i32
    %run_scoped3A_23 = arith.constant 0 : i32
    "tpu.region"() ({
      %run_scoped3A_182 = tpu.sem_alloc : memref<!tpu.dma_semaphore, #tpu.memory_space<semaphore_mem>>
      %dma_start3A_183 = arith.constant 0 : i32
      %dma_start3A_184 = arith.constant 0 : i32
      %dma_start3A_185 = tpu.memref_slice %arg11[%run_scoped3A_23, %dma_start3A_183, %dma_start3A_184] : memref<2x96x32xf32, #tpu.memory_space<vmem>> -> memref<1x64x32xf32, #tpu.memory_space<vmem>>
      %dma_start3A_186 = tpu.memref_squeeze %dma_start3A_185 : memref<1x64x32xf32, #tpu.memory_space<vmem>> -> memref<64x32xf32, #tpu.memory_space<vmem>>
      %dma_start3A_187 = arith.constant 0 : i32
      %dma_start3A_188 = tpu.memref_slice %arg8[%add3A_22, %dma_start3A_187] : memref<10240x32xf32, #tpu.memory_space<vmem_shared>> -> memref<64x32xf32, #tpu.memory_space<vmem_shared>>
      %dma_start3A_189 = arith.constant 0 : i32
      %dma_start3A_190 = tpu.memref_slice %arg8[%add3A_22, %dma_start3A_189] : memref<10240x32xf32, #tpu.memory_space<vmem_shared>> -> memref<64x32xf32, #tpu.memory_space<vmem_shared>>
      %dma_start3A_191 = arith.constant 0 : i32
      %dma_start3A_192 = arith.constant 0 : i32
      %dma_start3A_193 = tpu.memref_slice %arg11[%run_scoped3A_23, %dma_start3A_191, %dma_start3A_192] : memref<2x96x32xf32, #tpu.memory_space<vmem>> -> memref<1x64x32xf32, #tpu.memory_space<vmem>>
      %dma_start3A_194 = tpu.memref_squeeze %dma_start3A_193 : memref<1x64x32xf32, #tpu.memory_space<vmem>> -> memref<64x32xf32, #tpu.memory_space<vmem>>
      tpu.enqueue_dma source(%dma_start3A_194 : memref<64x32xf32, #tpu.memory_space<vmem>>) target(%dma_start3A_190 : memref<64x32xf32, #tpu.memory_space<vmem_shared>>) target_semaphore(%run_scoped3A_182 : memref<!tpu.dma_semaphore, #tpu.memory_space<semaphore_mem>>)
      %dma_wait3A_195 = arith.constant 0 : i32
      %dma_wait3A_196 = arith.constant 0 : i32
      %dma_wait3A_197 = tpu.memref_slice %arg11[%run_scoped3A_23, %dma_wait3A_195, %dma_wait3A_196] : memref<2x96x32xf32, #tpu.memory_space<vmem>> -> memref<1x64x32xf32, #tpu.memory_space<vmem>>
      %dma_wait3A_198 = tpu.memref_squeeze %dma_wait3A_197 : memref<1x64x32xf32, #tpu.memory_space<vmem>> -> memref<64x32xf32, #tpu.memory_space<vmem>>
      %dma_wait3A_199 = arith.constant 0 : i32
      %dma_wait3A_200 = tpu.memref_slice %arg8[%add3A_22, %dma_wait3A_199] : memref<10240x32xf32, #tpu.memory_space<vmem_shared>> -> memref<64x32xf32, #tpu.memory_space<vmem_shared>>
      %dma_wait3A_201 = arith.constant 0 : i32
      %dma_wait3A_202 = tpu.memref_slice %arg8[%add3A_22, %dma_wait3A_201] : memref<10240x32xf32, #tpu.memory_space<vmem_shared>> -> memref<64x32xf32, #tpu.memory_space<vmem_shared>>
      %dma_wait3A_203 = arith.constant 0 : i32
      %dma_wait3A_204 = arith.constant 0 : i32
      %dma_wait3A_205 = tpu.memref_slice %arg11[%run_scoped3A_23, %dma_wait3A_203, %dma_wait3A_204] : memref<2x96x32xf32, #tpu.memory_space<vmem>> -> memref<1x64x32xf32, #tpu.memory_space<vmem>>
      %dma_wait3A_206 = tpu.memref_squeeze %dma_wait3A_205 : memref<1x64x32xf32, #tpu.memory_space<vmem>> -> memref<64x32xf32, #tpu.memory_space<vmem>>
      tpu.wait_dma2 semaphore(%run_scoped3A_182 : memref<!tpu.dma_semaphore, #tpu.memory_space<semaphore_mem>>) src(%dma_wait3A_206 : memref<64x32xf32, #tpu.memory_space<vmem>>) dst(%dma_wait3A_202 : memref<64x32xf32, #tpu.memory_space<vmem_shared>>)
      tpu.yield
    }) : () -> ()
    %run_scoped3A_24 = arith.constant 0 : i32
    "tpu.region"() ({
      %run_scoped3A_182 = tpu.sem_alloc : memref<!tpu.dma_semaphore, #tpu.memory_space<semaphore_mem>>
      %dma_start3A_183 = arith.constant 0 : i32
      %dma_start3A_184 = arith.constant 0 : i32
      %dma_start3A_185 = tpu.memref_slice %arg14[%run_scoped3A_24, %dma_start3A_183, %dma_start3A_184] : memref<2x96x16xf32, #tpu.memory_space<vmem>> -> memref<1x64x16xf32, #tpu.memory_space<vmem>>
      %dma_start3A_186 = tpu.memref_squeeze %dma_start3A_185 : memref<1x64x16xf32, #tpu.memory_space<vmem>> -> memref<64x16xf32, #tpu.memory_space<vmem>>
      %dma_start3A_187 = arith.constant 0 : i32
      %dma_start3A_188 = tpu.memref_slice %arg9[%add3A_22, %dma_start3A_187] : memref<10240x16xf32, #tpu.memory_space<vmem_shared>> -> memref<64x16xf32, #tpu.memory_space<vmem_shared>>
      %dma_start3A_189 = arith.constant 0 : i32
      %dma_start3A_190 = tpu.memref_slice %arg9[%add3A_22, %dma_start3A_189] : memref<10240x16xf32, #tpu.memory_space<vmem_shared>> -> memref<64x16xf32, #tpu.memory_space<vmem_shared>>
      %dma_start3A_191 = arith.constant 0 : i32
      %dma_start3A_192 = arith.constant 0 : i32
      %dma_start3A_193 = tpu.memref_slice %arg14[%run_scoped3A_24, %dma_start3A_191, %dma_start3A_192] : memref<2x96x16xf32, #tpu.memory_space<vmem>> -> memref<1x64x16xf32, #tpu.memory_space<vmem>>
      %dma_start3A_194 = tpu.memref_squeeze %dma_start3A_193 : memref<1x64x16xf32, #tpu.memory_space<vmem>> -> memref<64x16xf32, #tpu.memory_space<vmem>>
      tpu.enqueue_dma source(%dma_start3A_194 : memref<64x16xf32, #tpu.memory_space<vmem>>) target(%dma_start3A_190 : memref<64x16xf32, #tpu.memory_space<vmem_shared>>) target_semaphore(%run_scoped3A_182 : memref<!tpu.dma_semaphore, #tpu.memory_space<semaphore_mem>>)
      %dma_wait3A_195 = arith.constant 0 : i32
      %dma_wait3A_196 = arith.constant 0 : i32
      %dma_wait3A_197 = tpu.memref_slice %arg14[%run_scoped3A_24, %dma_wait3A_195, %dma_wait3A_196] : memref<2x96x16xf32, #tpu.memory_space<vmem>> -> memref<1x64x16xf32, #tpu.memory_space<vmem>>
      %dma_wait3A_198 = tpu.memref_squeeze %dma_wait3A_197 : memref<1x64x16xf32, #tpu.memory_space<vmem>> -> memref<64x16xf32, #tpu.memory_space<vmem>>
      %dma_wait3A_199 = arith.constant 0 : i32
      %dma_wait3A_200 = tpu.memref_slice %arg9[%add3A_22, %dma_wait3A_199] : memref<10240x16xf32, #tpu.memory_space<vmem_shared>> -> memref<64x16xf32, #tpu.memory_space<vmem_shared>>
      %dma_wait3A_201 = arith.constant 0 : i32
      %dma_wait3A_202 = tpu.memref_slice %arg9[%add3A_22, %dma_wait3A_201] : memref<10240x16xf32, #tpu.memory_space<vmem_shared>> -> memref<64x16xf32, #tpu.memory_space<vmem_shared>>
      %dma_wait3A_203 = arith.constant 0 : i32
      %dma_wait3A_204 = arith.constant 0 : i32
      %dma_wait3A_205 = tpu.memref_slice %arg14[%run_scoped3A_24, %dma_wait3A_203, %dma_wait3A_204] : memref<2x96x16xf32, #tpu.memory_space<vmem>> -> memref<1x64x16xf32, #tpu.memory_space<vmem>>
      %dma_wait3A_206 = tpu.memref_squeeze %dma_wait3A_205 : memref<1x64x16xf32, #tpu.memory_space<vmem>> -> memref<64x16xf32, #tpu.memory_space<vmem>>
      tpu.wait_dma2 semaphore(%run_scoped3A_182 : memref<!tpu.dma_semaphore, #tpu.memory_space<semaphore_mem>>) src(%dma_wait3A_206 : memref<64x16xf32, #tpu.memory_space<vmem>>) dst(%dma_wait3A_202 : memref<64x16xf32, #tpu.memory_space<vmem_shared>>)
      tpu.yield
    }) : () -> ()
    %mul3A_25 = arith.constant 640 : i32
    %mul3A_26 = arith.muli %arg1, %mul3A_25 : i32
    %add3A_27 = arith.constant 192 : i32
    %add3A_28 = arith.addi %mul3A_26, %add3A_27 : i32
    %run_scoped3A_29 = arith.constant 0 : i32
    "tpu.region"() ({
      %run_scoped3A_182 = tpu.sem_alloc : memref<!tpu.dma_semaphore, #tpu.memory_space<semaphore_mem>>
      %dma_start3A_183 = arith.constant 0 : i32
      %dma_start3A_184 = arith.constant 0 : i32
      %dma_start3A_185 = tpu.memref_slice %arg11[%run_scoped3A_29, %dma_start3A_183, %dma_start3A_184] : memref<2x96x32xf32, #tpu.memory_space<vmem>> -> memref<1x64x32xf32, #tpu.memory_space<vmem>>
      %dma_start3A_186 = tpu.memref_squeeze %dma_start3A_185 : memref<1x64x32xf32, #tpu.memory_space<vmem>> -> memref<64x32xf32, #tpu.memory_space<vmem>>
      %dma_start3A_187 = arith.constant 0 : i32
      %dma_start3A_188 = tpu.memref_slice %arg8[%add3A_28, %dma_start3A_187] : memref<10240x32xf32, #tpu.memory_space<vmem_shared>> -> memref<64x32xf32, #tpu.memory_space<vmem_shared>>
      %dma_start3A_189 = arith.constant 0 : i32
      %dma_start3A_190 = tpu.memref_slice %arg8[%add3A_28, %dma_start3A_189] : memref<10240x32xf32, #tpu.memory_space<vmem_shared>> -> memref<64x32xf32, #tpu.memory_space<vmem_shared>>
      %dma_start3A_191 = arith.constant 0 : i32
      %dma_start3A_192 = arith.constant 0 : i32
      %dma_start3A_193 = tpu.memref_slice %arg11[%run_scoped3A_29, %dma_start3A_191, %dma_start3A_192] : memref<2x96x32xf32, #tpu.memory_space<vmem>> -> memref<1x64x32xf32, #tpu.memory_space<vmem>>
      %dma_start3A_194 = tpu.memref_squeeze %dma_start3A_193 : memref<1x64x32xf32, #tpu.memory_space<vmem>> -> memref<64x32xf32, #tpu.memory_space<vmem>>
      tpu.enqueue_dma source(%dma_start3A_194 : memref<64x32xf32, #tpu.memory_space<vmem>>) target(%dma_start3A_190 : memref<64x32xf32, #tpu.memory_space<vmem_shared>>) target_semaphore(%run_scoped3A_182 : memref<!tpu.dma_semaphore, #tpu.memory_space<semaphore_mem>>)
      %dma_wait3A_195 = arith.constant 0 : i32
      %dma_wait3A_196 = arith.constant 0 : i32
      %dma_wait3A_197 = tpu.memref_slice %arg11[%run_scoped3A_29, %dma_wait3A_195, %dma_wait3A_196] : memref<2x96x32xf32, #tpu.memory_space<vmem>> -> memref<1x64x32xf32, #tpu.memory_space<vmem>>
      %dma_wait3A_198 = tpu.memref_squeeze %dma_wait3A_197 : memref<1x64x32xf32, #tpu.memory_space<vmem>> -> memref<64x32xf32, #tpu.memory_space<vmem>>
      %dma_wait3A_199 = arith.constant 0 : i32
      %dma_wait3A_200 = tpu.memref_slice %arg8[%add3A_28, %dma_wait3A_199] : memref<10240x32xf32, #tpu.memory_space<vmem_shared>> -> memref<64x32xf32, #tpu.memory_space<vmem_shared>>
      %dma_wait3A_201 = arith.constant 0 : i32
      %dma_wait3A_202 = tpu.memref_slice %arg8[%add3A_28, %dma_wait3A_201] : memref<10240x32xf32, #tpu.memory_space<vmem_shared>> -> memref<64x32xf32, #tpu.memory_space<vmem_shared>>
      %dma_wait3A_203 = arith.constant 0 : i32
      %dma_wait3A_204 = arith.constant 0 : i32
      %dma_wait3A_205 = tpu.memref_slice %arg11[%run_scoped3A_29, %dma_wait3A_203, %dma_wait3A_204] : memref<2x96x32xf32, #tpu.memory_space<vmem>> -> memref<1x64x32xf32, #tpu.memory_space<vmem>>
      %dma_wait3A_206 = tpu.memref_squeeze %dma_wait3A_205 : memref<1x64x32xf32, #tpu.memory_space<vmem>> -> memref<64x32xf32, #tpu.memory_space<vmem>>
      tpu.wait_dma2 semaphore(%run_scoped3A_182 : memref<!tpu.dma_semaphore, #tpu.memory_space<semaphore_mem>>) src(%dma_wait3A_206 : memref<64x32xf32, #tpu.memory_space<vmem>>) dst(%dma_wait3A_202 : memref<64x32xf32, #tpu.memory_space<vmem_shared>>)
      tpu.yield
    }) : () -> ()
    %run_scoped3A_30 = arith.constant 0 : i32
    "tpu.region"() ({
      %run_scoped3A_182 = tpu.sem_alloc : memref<!tpu.dma_semaphore, #tpu.memory_space<semaphore_mem>>
      %dma_start3A_183 = arith.constant 0 : i32
      %dma_start3A_184 = arith.constant 0 : i32
      %dma_start3A_185 = tpu.memref_slice %arg14[%run_scoped3A_30, %dma_start3A_183, %dma_start3A_184] : memref<2x96x16xf32, #tpu.memory_space<vmem>> -> memref<1x64x16xf32, #tpu.memory_space<vmem>>
      %dma_start3A_186 = tpu.memref_squeeze %dma_start3A_185 : memref<1x64x16xf32, #tpu.memory_space<vmem>> -> memref<64x16xf32, #tpu.memory_space<vmem>>
      %dma_start3A_187 = arith.constant 0 : i32
      %dma_start3A_188 = tpu.memref_slice %arg9[%add3A_28, %dma_start3A_187] : memref<10240x16xf32, #tpu.memory_space<vmem_shared>> -> memref<64x16xf32, #tpu.memory_space<vmem_shared>>
      %dma_start3A_189 = arith.constant 0 : i32
      %dma_start3A_190 = tpu.memref_slice %arg9[%add3A_28, %dma_start3A_189] : memref<10240x16xf32, #tpu.memory_space<vmem_shared>> -> memref<64x16xf32, #tpu.memory_space<vmem_shared>>
      %dma_start3A_191 = arith.constant 0 : i32
      %dma_start3A_192 = arith.constant 0 : i32
      %dma_start3A_193 = tpu.memref_slice %arg14[%run_scoped3A_30, %dma_start3A_191, %dma_start3A_192] : memref<2x96x16xf32, #tpu.memory_space<vmem>> -> memref<1x64x16xf32, #tpu.memory_space<vmem>>
      %dma_start3A_194 = tpu.memref_squeeze %dma_start3A_193 : memref<1x64x16xf32, #tpu.memory_space<vmem>> -> memref<64x16xf32, #tpu.memory_space<vmem>>
      tpu.enqueue_dma source(%dma_start3A_194 : memref<64x16xf32, #tpu.memory_space<vmem>>) target(%dma_start3A_190 : memref<64x16xf32, #tpu.memory_space<vmem_shared>>) target_semaphore(%run_scoped3A_182 : memref<!tpu.dma_semaphore, #tpu.memory_space<semaphore_mem>>)
      %dma_wait3A_195 = arith.constant 0 : i32
      %dma_wait3A_196 = arith.constant 0 : i32
      %dma_wait3A_197 = tpu.memref_slice %arg14[%run_scoped3A_30, %dma_wait3A_195, %dma_wait3A_196] : memref<2x96x16xf32, #tpu.memory_space<vmem>> -> memref<1x64x16xf32, #tpu.memory_space<vmem>>
      %dma_wait3A_198 = tpu.memref_squeeze %dma_wait3A_197 : memref<1x64x16xf32, #tpu.memory_space<vmem>> -> memref<64x16xf32, #tpu.memory_space<vmem>>
      %dma_wait3A_199 = arith.constant 0 : i32
      %dma_wait3A_200 = tpu.memref_slice %arg9[%add3A_28, %dma_wait3A_199] : memref<10240x16xf32, #tpu.memory_space<vmem_shared>> -> memref<64x16xf32, #tpu.memory_space<vmem_shared>>
      %dma_wait3A_201 = arith.constant 0 : i32
      %dma_wait3A_202 = tpu.memref_slice %arg9[%add3A_28, %dma_wait3A_201] : memref<10240x16xf32, #tpu.memory_space<vmem_shared>> -> memref<64x16xf32, #tpu.memory_space<vmem_shared>>
      %dma_wait3A_203 = arith.constant 0 : i32
      %dma_wait3A_204 = arith.constant 0 : i32
      %dma_wait3A_205 = tpu.memref_slice %arg14[%run_scoped3A_30, %dma_wait3A_203, %dma_wait3A_204] : memref<2x96x16xf32, #tpu.memory_space<vmem>> -> memref<1x64x16xf32, #tpu.memory_space<vmem>>
      %dma_wait3A_206 = tpu.memref_squeeze %dma_wait3A_205 : memref<1x64x16xf32, #tpu.memory_space<vmem>> -> memref<64x16xf32, #tpu.memory_space<vmem>>
      tpu.wait_dma2 semaphore(%run_scoped3A_182 : memref<!tpu.dma_semaphore, #tpu.memory_space<semaphore_mem>>) src(%dma_wait3A_206 : memref<64x16xf32, #tpu.memory_space<vmem>>) dst(%dma_wait3A_202 : memref<64x16xf32, #tpu.memory_space<vmem_shared>>)
      tpu.yield
    }) : () -> ()
    %mul3A_31 = arith.constant 640 : i32
    %mul3A_32 = arith.muli %arg1, %mul3A_31 : i32
    %add3A_33 = arith.constant 256 : i32
    %add3A_34 = arith.addi %mul3A_32, %add3A_33 : i32
    %run_scoped3A_35 = arith.constant 0 : i32
    "tpu.region"() ({
      %run_scoped3A_182 = tpu.sem_alloc : memref<!tpu.dma_semaphore, #tpu.memory_space<semaphore_mem>>
      %dma_start3A_183 = arith.constant 0 : i32
      %dma_start3A_184 = arith.constant 0 : i32
      %dma_start3A_185 = tpu.memref_slice %arg11[%run_scoped3A_35, %dma_start3A_183, %dma_start3A_184] : memref<2x96x32xf32, #tpu.memory_space<vmem>> -> memref<1x64x32xf32, #tpu.memory_space<vmem>>
      %dma_start3A_186 = tpu.memref_squeeze %dma_start3A_185 : memref<1x64x32xf32, #tpu.memory_space<vmem>> -> memref<64x32xf32, #tpu.memory_space<vmem>>
      %dma_start3A_187 = arith.constant 0 : i32
      %dma_start3A_188 = tpu.memref_slice %arg8[%add3A_34, %dma_start3A_187] : memref<10240x32xf32, #tpu.memory_space<vmem_shared>> -> memref<64x32xf32, #tpu.memory_space<vmem_shared>>
      %dma_start3A_189 = arith.constant 0 : i32
      %dma_start3A_190 = tpu.memref_slice %arg8[%add3A_34, %dma_start3A_189] : memref<10240x32xf32, #tpu.memory_space<vmem_shared>> -> memref<64x32xf32, #tpu.memory_space<vmem_shared>>
      %dma_start3A_191 = arith.constant 0 : i32
      %dma_start3A_192 = arith.constant 0 : i32
      %dma_start3A_193 = tpu.memref_slice %arg11[%run_scoped3A_35, %dma_start3A_191, %dma_start3A_192] : memref<2x96x32xf32, #tpu.memory_space<vmem>> -> memref<1x64x32xf32, #tpu.memory_space<vmem>>
      %dma_start3A_194 = tpu.memref_squeeze %dma_start3A_193 : memref<1x64x32xf32, #tpu.memory_space<vmem>> -> memref<64x32xf32, #tpu.memory_space<vmem>>
      tpu.enqueue_dma source(%dma_start3A_194 : memref<64x32xf32, #tpu.memory_space<vmem>>) target(%dma_start3A_190 : memref<64x32xf32, #tpu.memory_space<vmem_shared>>) target_semaphore(%run_scoped3A_182 : memref<!tpu.dma_semaphore, #tpu.memory_space<semaphore_mem>>)
      %dma_wait3A_195 = arith.constant 0 : i32
      %dma_wait3A_196 = arith.constant 0 : i32
      %dma_wait3A_197 = tpu.memref_slice %arg11[%run_scoped3A_35, %dma_wait3A_195, %dma_wait3A_196] : memref<2x96x32xf32, #tpu.memory_space<vmem>> -> memref<1x64x32xf32, #tpu.memory_space<vmem>>
      %dma_wait3A_198 = tpu.memref_squeeze %dma_wait3A_197 : memref<1x64x32xf32, #tpu.memory_space<vmem>> -> memref<64x32xf32, #tpu.memory_space<vmem>>
      %dma_wait3A_199 = arith.constant 0 : i32
      %dma_wait3A_200 = tpu.memref_slice %arg8[%add3A_34, %dma_wait3A_199] : memref<10240x32xf32, #tpu.memory_space<vmem_shared>> -> memref<64x32xf32, #tpu.memory_space<vmem_shared>>
      %dma_wait3A_201 = arith.constant 0 : i32
      %dma_wait3A_202 = tpu.memref_slice %arg8[%add3A_34, %dma_wait3A_201] : memref<10240x32xf32, #tpu.memory_space<vmem_shared>> -> memref<64x32xf32, #tpu.memory_space<vmem_shared>>
      %dma_wait3A_203 = arith.constant 0 : i32
      %dma_wait3A_204 = arith.constant 0 : i32
      %dma_wait3A_205 = tpu.memref_slice %arg11[%run_scoped3A_35, %dma_wait3A_203, %dma_wait3A_204] : memref<2x96x32xf32, #tpu.memory_space<vmem>> -> memref<1x64x32xf32, #tpu.memory_space<vmem>>
      %dma_wait3A_206 = tpu.memref_squeeze %dma_wait3A_205 : memref<1x64x32xf32, #tpu.memory_space<vmem>> -> memref<64x32xf32, #tpu.memory_space<vmem>>
      tpu.wait_dma2 semaphore(%run_scoped3A_182 : memref<!tpu.dma_semaphore, #tpu.memory_space<semaphore_mem>>) src(%dma_wait3A_206 : memref<64x32xf32, #tpu.memory_space<vmem>>) dst(%dma_wait3A_202 : memref<64x32xf32, #tpu.memory_space<vmem_shared>>)
      tpu.yield
    }) : () -> ()
    %run_scoped3A_36 = arith.constant 0 : i32
    "tpu.region"() ({
      %run_scoped3A_182 = tpu.sem_alloc : memref<!tpu.dma_semaphore, #tpu.memory_space<semaphore_mem>>
      %dma_start3A_183 = arith.constant 0 : i32
      %dma_start3A_184 = arith.constant 0 : i32
      %dma_start3A_185 = tpu.memref_slice %arg14[%run_scoped3A_36, %dma_start3A_183, %dma_start3A_184] : memref<2x96x16xf32, #tpu.memory_space<vmem>> -> memref<1x64x16xf32, #tpu.memory_space<vmem>>
      %dma_start3A_186 = tpu.memref_squeeze %dma_start3A_185 : memref<1x64x16xf32, #tpu.memory_space<vmem>> -> memref<64x16xf32, #tpu.memory_space<vmem>>
      %dma_start3A_187 = arith.constant 0 : i32
      %dma_start3A_188 = tpu.memref_slice %arg9[%add3A_34, %dma_start3A_187] : memref<10240x16xf32, #tpu.memory_space<vmem_shared>> -> memref<64x16xf32, #tpu.memory_space<vmem_shared>>
      %dma_start3A_189 = arith.constant 0 : i32
      %dma_start3A_190 = tpu.memref_slice %arg9[%add3A_34, %dma_start3A_189] : memref<10240x16xf32, #tpu.memory_space<vmem_shared>> -> memref<64x16xf32, #tpu.memory_space<vmem_shared>>
      %dma_start3A_191 = arith.constant 0 : i32
      %dma_start3A_192 = arith.constant 0 : i32
      %dma_start3A_193 = tpu.memref_slice %arg14[%run_scoped3A_36, %dma_start3A_191, %dma_start3A_192] : memref<2x96x16xf32, #tpu.memory_space<vmem>> -> memref<1x64x16xf32, #tpu.memory_space<vmem>>
      %dma_start3A_194 = tpu.memref_squeeze %dma_start3A_193 : memref<1x64x16xf32, #tpu.memory_space<vmem>> -> memref<64x16xf32, #tpu.memory_space<vmem>>
      tpu.enqueue_dma source(%dma_start3A_194 : memref<64x16xf32, #tpu.memory_space<vmem>>) target(%dma_start3A_190 : memref<64x16xf32, #tpu.memory_space<vmem_shared>>) target_semaphore(%run_scoped3A_182 : memref<!tpu.dma_semaphore, #tpu.memory_space<semaphore_mem>>)
      %dma_wait3A_195 = arith.constant 0 : i32
      %dma_wait3A_196 = arith.constant 0 : i32
      %dma_wait3A_197 = tpu.memref_slice %arg14[%run_scoped3A_36, %dma_wait3A_195, %dma_wait3A_196] : memref<2x96x16xf32, #tpu.memory_space<vmem>> -> memref<1x64x16xf32, #tpu.memory_space<vmem>>
      %dma_wait3A_198 = tpu.memref_squeeze %dma_wait3A_197 : memref<1x64x16xf32, #tpu.memory_space<vmem>> -> memref<64x16xf32, #tpu.memory_space<vmem>>
      %dma_wait3A_199 = arith.constant 0 : i32
      %dma_wait3A_200 = tpu.memref_slice %arg9[%add3A_34, %dma_wait3A_199] : memref<10240x16xf32, #tpu.memory_space<vmem_shared>> -> memref<64x16xf32, #tpu.memory_space<vmem_shared>>
      %dma_wait3A_201 = arith.constant 0 : i32
      %dma_wait3A_202 = tpu.memref_slice %arg9[%add3A_34, %dma_wait3A_201] : memref<10240x16xf32, #tpu.memory_space<vmem_shared>> -> memref<64x16xf32, #tpu.memory_space<vmem_shared>>
      %dma_wait3A_203 = arith.constant 0 : i32
      %dma_wait3A_204 = arith.constant 0 : i32
      %dma_wait3A_205 = tpu.memref_slice %arg14[%run_scoped3A_36, %dma_wait3A_203, %dma_wait3A_204] : memref<2x96x16xf32, #tpu.memory_space<vmem>> -> memref<1x64x16xf32, #tpu.memory_space<vmem>>
      %dma_wait3A_206 = tpu.memref_squeeze %dma_wait3A_205 : memref<1x64x16xf32, #tpu.memory_space<vmem>> -> memref<64x16xf32, #tpu.memory_space<vmem>>
      tpu.wait_dma2 semaphore(%run_scoped3A_182 : memref<!tpu.dma_semaphore, #tpu.memory_space<semaphore_mem>>) src(%dma_wait3A_206 : memref<64x16xf32, #tpu.memory_space<vmem>>) dst(%dma_wait3A_202 : memref<64x16xf32, #tpu.memory_space<vmem_shared>>)
      tpu.yield
    }) : () -> ()
    %mul3A_37 = arith.constant 640 : i32
    %mul3A_38 = arith.muli %arg1, %mul3A_37 : i32
    %add3A_39 = arith.constant 320 : i32
    %add3A_40 = arith.addi %mul3A_38, %add3A_39 : i32
    %run_scoped3A_41 = arith.constant 0 : i32
    "tpu.region"() ({
      %run_scoped3A_182 = tpu.sem_alloc : memref<!tpu.dma_semaphore, #tpu.memory_space<semaphore_mem>>
      %dma_start3A_183 = arith.constant 0 : i32
      %dma_start3A_184 = arith.constant 0 : i32
      %dma_start3A_185 = tpu.memref_slice %arg11[%run_scoped3A_41, %dma_start3A_183, %dma_start3A_184] : memref<2x96x32xf32, #tpu.memory_space<vmem>> -> memref<1x64x32xf32, #tpu.memory_space<vmem>>
      %dma_start3A_186 = tpu.memref_squeeze %dma_start3A_185 : memref<1x64x32xf32, #tpu.memory_space<vmem>> -> memref<64x32xf32, #tpu.memory_space<vmem>>
      %dma_start3A_187 = arith.constant 0 : i32
      %dma_start3A_188 = tpu.memref_slice %arg8[%add3A_40, %dma_start3A_187] : memref<10240x32xf32, #tpu.memory_space<vmem_shared>> -> memref<64x32xf32, #tpu.memory_space<vmem_shared>>
      %dma_start3A_189 = arith.constant 0 : i32
      %dma_start3A_190 = tpu.memref_slice %arg8[%add3A_40, %dma_start3A_189] : memref<10240x32xf32, #tpu.memory_space<vmem_shared>> -> memref<64x32xf32, #tpu.memory_space<vmem_shared>>
      %dma_start3A_191 = arith.constant 0 : i32
      %dma_start3A_192 = arith.constant 0 : i32
      %dma_start3A_193 = tpu.memref_slice %arg11[%run_scoped3A_41, %dma_start3A_191, %dma_start3A_192] : memref<2x96x32xf32, #tpu.memory_space<vmem>> -> memref<1x64x32xf32, #tpu.memory_space<vmem>>
      %dma_start3A_194 = tpu.memref_squeeze %dma_start3A_193 : memref<1x64x32xf32, #tpu.memory_space<vmem>> -> memref<64x32xf32, #tpu.memory_space<vmem>>
      tpu.enqueue_dma source(%dma_start3A_194 : memref<64x32xf32, #tpu.memory_space<vmem>>) target(%dma_start3A_190 : memref<64x32xf32, #tpu.memory_space<vmem_shared>>) target_semaphore(%run_scoped3A_182 : memref<!tpu.dma_semaphore, #tpu.memory_space<semaphore_mem>>)
      %dma_wait3A_195 = arith.constant 0 : i32
      %dma_wait3A_196 = arith.constant 0 : i32
      %dma_wait3A_197 = tpu.memref_slice %arg11[%run_scoped3A_41, %dma_wait3A_195, %dma_wait3A_196] : memref<2x96x32xf32, #tpu.memory_space<vmem>> -> memref<1x64x32xf32, #tpu.memory_space<vmem>>
      %dma_wait3A_198 = tpu.memref_squeeze %dma_wait3A_197 : memref<1x64x32xf32, #tpu.memory_space<vmem>> -> memref<64x32xf32, #tpu.memory_space<vmem>>
      %dma_wait3A_199 = arith.constant 0 : i32
      %dma_wait3A_200 = tpu.memref_slice %arg8[%add3A_40, %dma_wait3A_199] : memref<10240x32xf32, #tpu.memory_space<vmem_shared>> -> memref<64x32xf32, #tpu.memory_space<vmem_shared>>
      %dma_wait3A_201 = arith.constant 0 : i32
      %dma_wait3A_202 = tpu.memref_slice %arg8[%add3A_40, %dma_wait3A_201] : memref<10240x32xf32, #tpu.memory_space<vmem_shared>> -> memref<64x32xf32, #tpu.memory_space<vmem_shared>>
      %dma_wait3A_203 = arith.constant 0 : i32
      %dma_wait3A_204 = arith.constant 0 : i32
      %dma_wait3A_205 = tpu.memref_slice %arg11[%run_scoped3A_41, %dma_wait3A_203, %dma_wait3A_204] : memref<2x96x32xf32, #tpu.memory_space<vmem>> -> memref<1x64x32xf32, #tpu.memory_space<vmem>>
      %dma_wait3A_206 = tpu.memref_squeeze %dma_wait3A_205 : memref<1x64x32xf32, #tpu.memory_space<vmem>> -> memref<64x32xf32, #tpu.memory_space<vmem>>
      tpu.wait_dma2 semaphore(%run_scoped3A_182 : memref<!tpu.dma_semaphore, #tpu.memory_space<semaphore_mem>>) src(%dma_wait3A_206 : memref<64x32xf32, #tpu.memory_space<vmem>>) dst(%dma_wait3A_202 : memref<64x32xf32, #tpu.memory_space<vmem_shared>>)
      tpu.yield
    }) : () -> ()
    %run_scoped3A_42 = arith.constant 0 : i32
    "tpu.region"() ({
      %run_scoped3A_182 = tpu.sem_alloc : memref<!tpu.dma_semaphore, #tpu.memory_space<semaphore_mem>>
      %dma_start3A_183 = arith.constant 0 : i32
      %dma_start3A_184 = arith.constant 0 : i32
      %dma_start3A_185 = tpu.memref_slice %arg14[%run_scoped3A_42, %dma_start3A_183, %dma_start3A_184] : memref<2x96x16xf32, #tpu.memory_space<vmem>> -> memref<1x64x16xf32, #tpu.memory_space<vmem>>
      %dma_start3A_186 = tpu.memref_squeeze %dma_start3A_185 : memref<1x64x16xf32, #tpu.memory_space<vmem>> -> memref<64x16xf32, #tpu.memory_space<vmem>>
      %dma_start3A_187 = arith.constant 0 : i32
      %dma_start3A_188 = tpu.memref_slice %arg9[%add3A_40, %dma_start3A_187] : memref<10240x16xf32, #tpu.memory_space<vmem_shared>> -> memref<64x16xf32, #tpu.memory_space<vmem_shared>>
      %dma_start3A_189 = arith.constant 0 : i32
      %dma_start3A_190 = tpu.memref_slice %arg9[%add3A_40, %dma_start3A_189] : memref<10240x16xf32, #tpu.memory_space<vmem_shared>> -> memref<64x16xf32, #tpu.memory_space<vmem_shared>>
      %dma_start3A_191 = arith.constant 0 : i32
      %dma_start3A_192 = arith.constant 0 : i32
      %dma_start3A_193 = tpu.memref_slice %arg14[%run_scoped3A_42, %dma_start3A_191, %dma_start3A_192] : memref<2x96x16xf32, #tpu.memory_space<vmem>> -> memref<1x64x16xf32, #tpu.memory_space<vmem>>
      %dma_start3A_194 = tpu.memref_squeeze %dma_start3A_193 : memref<1x64x16xf32, #tpu.memory_space<vmem>> -> memref<64x16xf32, #tpu.memory_space<vmem>>
      tpu.enqueue_dma source(%dma_start3A_194 : memref<64x16xf32, #tpu.memory_space<vmem>>) target(%dma_start3A_190 : memref<64x16xf32, #tpu.memory_space<vmem_shared>>) target_semaphore(%run_scoped3A_182 : memref<!tpu.dma_semaphore, #tpu.memory_space<semaphore_mem>>)
      %dma_wait3A_195 = arith.constant 0 : i32
      %dma_wait3A_196 = arith.constant 0 : i32
      %dma_wait3A_197 = tpu.memref_slice %arg14[%run_scoped3A_42, %dma_wait3A_195, %dma_wait3A_196] : memref<2x96x16xf32, #tpu.memory_space<vmem>> -> memref<1x64x16xf32, #tpu.memory_space<vmem>>
      %dma_wait3A_198 = tpu.memref_squeeze %dma_wait3A_197 : memref<1x64x16xf32, #tpu.memory_space<vmem>> -> memref<64x16xf32, #tpu.memory_space<vmem>>
      %dma_wait3A_199 = arith.constant 0 : i32
      %dma_wait3A_200 = tpu.memref_slice %arg9[%add3A_40, %dma_wait3A_199] : memref<10240x16xf32, #tpu.memory_space<vmem_shared>> -> memref<64x16xf32, #tpu.memory_space<vmem_shared>>
      %dma_wait3A_201 = arith.constant 0 : i32
      %dma_wait3A_202 = tpu.memref_slice %arg9[%add3A_40, %dma_wait3A_201] : memref<10240x16xf32, #tpu.memory_space<vmem_shared>> -> memref<64x16xf32, #tpu.memory_space<vmem_shared>>
      %dma_wait3A_203 = arith.constant 0 : i32
      %dma_wait3A_204 = arith.constant 0 : i32
      %dma_wait3A_205 = tpu.memref_slice %arg14[%run_scoped3A_42, %dma_wait3A_203, %dma_wait3A_204] : memref<2x96x16xf32, #tpu.memory_space<vmem>> -> memref<1x64x16xf32, #tpu.memory_space<vmem>>
      %dma_wait3A_206 = tpu.memref_squeeze %dma_wait3A_205 : memref<1x64x16xf32, #tpu.memory_space<vmem>> -> memref<64x16xf32, #tpu.memory_space<vmem>>
      tpu.wait_dma2 semaphore(%run_scoped3A_182 : memref<!tpu.dma_semaphore, #tpu.memory_space<semaphore_mem>>) src(%dma_wait3A_206 : memref<64x16xf32, #tpu.memory_space<vmem>>) dst(%dma_wait3A_202 : memref<64x16xf32, #tpu.memory_space<vmem_shared>>)
      tpu.yield
    }) : () -> ()
    %mul3A_43 = arith.constant 640 : i32
    %mul3A_44 = arith.muli %arg1, %mul3A_43 : i32
    %add3A_45 = arith.constant 384 : i32
    %add3A_46 = arith.addi %mul3A_44, %add3A_45 : i32
    %run_scoped3A_47 = arith.constant 0 : i32
    "tpu.region"() ({
      %run_scoped3A_182 = tpu.sem_alloc : memref<!tpu.dma_semaphore, #tpu.memory_space<semaphore_mem>>
      %dma_start3A_183 = arith.constant 0 : i32
      %dma_start3A_184 = arith.constant 0 : i32
      %dma_start3A_185 = tpu.memref_slice %arg11[%run_scoped3A_47, %dma_start3A_183, %dma_start3A_184] : memref<2x96x32xf32, #tpu.memory_space<vmem>> -> memref<1x64x32xf32, #tpu.memory_space<vmem>>
      %dma_start3A_186 = tpu.memref_squeeze %dma_start3A_185 : memref<1x64x32xf32, #tpu.memory_space<vmem>> -> memref<64x32xf32, #tpu.memory_space<vmem>>
      %dma_start3A_187 = arith.constant 0 : i32
      %dma_start3A_188 = tpu.memref_slice %arg8[%add3A_46, %dma_start3A_187] : memref<10240x32xf32, #tpu.memory_space<vmem_shared>> -> memref<64x32xf32, #tpu.memory_space<vmem_shared>>
      %dma_start3A_189 = arith.constant 0 : i32
      %dma_start3A_190 = tpu.memref_slice %arg8[%add3A_46, %dma_start3A_189] : memref<10240x32xf32, #tpu.memory_space<vmem_shared>> -> memref<64x32xf32, #tpu.memory_space<vmem_shared>>
      %dma_start3A_191 = arith.constant 0 : i32
      %dma_start3A_192 = arith.constant 0 : i32
      %dma_start3A_193 = tpu.memref_slice %arg11[%run_scoped3A_47, %dma_start3A_191, %dma_start3A_192] : memref<2x96x32xf32, #tpu.memory_space<vmem>> -> memref<1x64x32xf32, #tpu.memory_space<vmem>>
      %dma_start3A_194 = tpu.memref_squeeze %dma_start3A_193 : memref<1x64x32xf32, #tpu.memory_space<vmem>> -> memref<64x32xf32, #tpu.memory_space<vmem>>
      tpu.enqueue_dma source(%dma_start3A_194 : memref<64x32xf32, #tpu.memory_space<vmem>>) target(%dma_start3A_190 : memref<64x32xf32, #tpu.memory_space<vmem_shared>>) target_semaphore(%run_scoped3A_182 : memref<!tpu.dma_semaphore, #tpu.memory_space<semaphore_mem>>)
      %dma_wait3A_195 = arith.constant 0 : i32
      %dma_wait3A_196 = arith.constant 0 : i32
      %dma_wait3A_197 = tpu.memref_slice %arg11[%run_scoped3A_47, %dma_wait3A_195, %dma_wait3A_196] : memref<2x96x32xf32, #tpu.memory_space<vmem>> -> memref<1x64x32xf32, #tpu.memory_space<vmem>>
      %dma_wait3A_198 = tpu.memref_squeeze %dma_wait3A_197 : memref<1x64x32xf32, #tpu.memory_space<vmem>> -> memref<64x32xf32, #tpu.memory_space<vmem>>
      %dma_wait3A_199 = arith.constant 0 : i32
      %dma_wait3A_200 = tpu.memref_slice %arg8[%add3A_46, %dma_wait3A_199] : memref<10240x32xf32, #tpu.memory_space<vmem_shared>> -> memref<64x32xf32, #tpu.memory_space<vmem_shared>>
      %dma_wait3A_201 = arith.constant 0 : i32
      %dma_wait3A_202 = tpu.memref_slice %arg8[%add3A_46, %dma_wait3A_201] : memref<10240x32xf32, #tpu.memory_space<vmem_shared>> -> memref<64x32xf32, #tpu.memory_space<vmem_shared>>
      %dma_wait3A_203 = arith.constant 0 : i32
      %dma_wait3A_204 = arith.constant 0 : i32
      %dma_wait3A_205 = tpu.memref_slice %arg11[%run_scoped3A_47, %dma_wait3A_203, %dma_wait3A_204] : memref<2x96x32xf32, #tpu.memory_space<vmem>> -> memref<1x64x32xf32, #tpu.memory_space<vmem>>
      %dma_wait3A_206 = tpu.memref_squeeze %dma_wait3A_205 : memref<1x64x32xf32, #tpu.memory_space<vmem>> -> memref<64x32xf32, #tpu.memory_space<vmem>>
      tpu.wait_dma2 semaphore(%run_scoped3A_182 : memref<!tpu.dma_semaphore, #tpu.memory_space<semaphore_mem>>) src(%dma_wait3A_206 : memref<64x32xf32, #tpu.memory_space<vmem>>) dst(%dma_wait3A_202 : memref<64x32xf32, #tpu.memory_space<vmem_shared>>)
      tpu.yield
    }) : () -> ()
    %run_scoped3A_48 = arith.constant 0 : i32
    "tpu.region"() ({
      %run_scoped3A_182 = tpu.sem_alloc : memref<!tpu.dma_semaphore, #tpu.memory_space<semaphore_mem>>
      %dma_start3A_183 = arith.constant 0 : i32
      %dma_start3A_184 = arith.constant 0 : i32
      %dma_start3A_185 = tpu.memref_slice %arg14[%run_scoped3A_48, %dma_start3A_183, %dma_start3A_184] : memref<2x96x16xf32, #tpu.memory_space<vmem>> -> memref<1x64x16xf32, #tpu.memory_space<vmem>>
      %dma_start3A_186 = tpu.memref_squeeze %dma_start3A_185 : memref<1x64x16xf32, #tpu.memory_space<vmem>> -> memref<64x16xf32, #tpu.memory_space<vmem>>
      %dma_start3A_187 = arith.constant 0 : i32
      %dma_start3A_188 = tpu.memref_slice %arg9[%add3A_46, %dma_start3A_187] : memref<10240x16xf32, #tpu.memory_space<vmem_shared>> -> memref<64x16xf32, #tpu.memory_space<vmem_shared>>
      %dma_start3A_189 = arith.constant 0 : i32
      %dma_start3A_190 = tpu.memref_slice %arg9[%add3A_46, %dma_start3A_189] : memref<10240x16xf32, #tpu.memory_space<vmem_shared>> -> memref<64x16xf32, #tpu.memory_space<vmem_shared>>
      %dma_start3A_191 = arith.constant 0 : i32
      %dma_start3A_192 = arith.constant 0 : i32
      %dma_start3A_193 = tpu.memref_slice %arg14[%run_scoped3A_48, %dma_start3A_191, %dma_start3A_192] : memref<2x96x16xf32, #tpu.memory_space<vmem>> -> memref<1x64x16xf32, #tpu.memory_space<vmem>>
      %dma_start3A_194 = tpu.memref_squeeze %dma_start3A_193 : memref<1x64x16xf32, #tpu.memory_space<vmem>> -> memref<64x16xf32, #tpu.memory_space<vmem>>
      tpu.enqueue_dma source(%dma_start3A_194 : memref<64x16xf32, #tpu.memory_space<vmem>>) target(%dma_start3A_190 : memref<64x16xf32, #tpu.memory_space<vmem_shared>>) target_semaphore(%run_scoped3A_182 : memref<!tpu.dma_semaphore, #tpu.memory_space<semaphore_mem>>)
      %dma_wait3A_195 = arith.constant 0 : i32
      %dma_wait3A_196 = arith.constant 0 : i32
      %dma_wait3A_197 = tpu.memref_slice %arg14[%run_scoped3A_48, %dma_wait3A_195, %dma_wait3A_196] : memref<2x96x16xf32, #tpu.memory_space<vmem>> -> memref<1x64x16xf32, #tpu.memory_space<vmem>>
      %dma_wait3A_198 = tpu.memref_squeeze %dma_wait3A_197 : memref<1x64x16xf32, #tpu.memory_space<vmem>> -> memref<64x16xf32, #tpu.memory_space<vmem>>
      %dma_wait3A_199 = arith.constant 0 : i32
      %dma_wait3A_200 = tpu.memref_slice %arg9[%add3A_46, %dma_wait3A_199] : memref<10240x16xf32, #tpu.memory_space<vmem_shared>> -> memref<64x16xf32, #tpu.memory_space<vmem_shared>>
      %dma_wait3A_201 = arith.constant 0 : i32
      %dma_wait3A_202 = tpu.memref_slice %arg9[%add3A_46, %dma_wait3A_201] : memref<10240x16xf32, #tpu.memory_space<vmem_shared>> -> memref<64x16xf32, #tpu.memory_space<vmem_shared>>
      %dma_wait3A_203 = arith.constant 0 : i32
      %dma_wait3A_204 = arith.constant 0 : i32
      %dma_wait3A_205 = tpu.memref_slice %arg14[%run_scoped3A_48, %dma_wait3A_203, %dma_wait3A_204] : memref<2x96x16xf32, #tpu.memory_space<vmem>> -> memref<1x64x16xf32, #tpu.memory_space<vmem>>
      %dma_wait3A_206 = tpu.memref_squeeze %dma_wait3A_205 : memref<1x64x16xf32, #tpu.memory_space<vmem>> -> memref<64x16xf32, #tpu.memory_space<vmem>>
      tpu.wait_dma2 semaphore(%run_scoped3A_182 : memref<!tpu.dma_semaphore, #tpu.memory_space<semaphore_mem>>) src(%dma_wait3A_206 : memref<64x16xf32, #tpu.memory_space<vmem>>) dst(%dma_wait3A_202 : memref<64x16xf32, #tpu.memory_space<vmem_shared>>)
      tpu.yield
    }) : () -> ()
    %mul3A_49 = arith.constant 640 : i32
    %mul3A_50 = arith.muli %arg1, %mul3A_49 : i32
    %add3A_51 = arith.constant 448 : i32
    %add3A_52 = arith.addi %mul3A_50, %add3A_51 : i32
    %run_scoped3A_53 = arith.constant 0 : i32
    "tpu.region"() ({
      %run_scoped3A_182 = tpu.sem_alloc : memref<!tpu.dma_semaphore, #tpu.memory_space<semaphore_mem>>
      %dma_start3A_183 = arith.constant 0 : i32
      %dma_start3A_184 = arith.constant 0 : i32
      %dma_start3A_185 = tpu.memref_slice %arg11[%run_scoped3A_53, %dma_start3A_183, %dma_start3A_184] : memref<2x96x32xf32, #tpu.memory_space<vmem>> -> memref<1x64x32xf32, #tpu.memory_space<vmem>>
      %dma_start3A_186 = tpu.memref_squeeze %dma_start3A_185 : memref<1x64x32xf32, #tpu.memory_space<vmem>> -> memref<64x32xf32, #tpu.memory_space<vmem>>
      %dma_start3A_187 = arith.constant 0 : i32
      %dma_start3A_188 = tpu.memref_slice %arg8[%add3A_52, %dma_start3A_187] : memref<10240x32xf32, #tpu.memory_space<vmem_shared>> -> memref<64x32xf32, #tpu.memory_space<vmem_shared>>
      %dma_start3A_189 = arith.constant 0 : i32
      %dma_start3A_190 = tpu.memref_slice %arg8[%add3A_52, %dma_start3A_189] : memref<10240x32xf32, #tpu.memory_space<vmem_shared>> -> memref<64x32xf32, #tpu.memory_space<vmem_shared>>
      %dma_start3A_191 = arith.constant 0 : i32
      %dma_start3A_192 = arith.constant 0 : i32
      %dma_start3A_193 = tpu.memref_slice %arg11[%run_scoped3A_53, %dma_start3A_191, %dma_start3A_192] : memref<2x96x32xf32, #tpu.memory_space<vmem>> -> memref<1x64x32xf32, #tpu.memory_space<vmem>>
      %dma_start3A_194 = tpu.memref_squeeze %dma_start3A_193 : memref<1x64x32xf32, #tpu.memory_space<vmem>> -> memref<64x32xf32, #tpu.memory_space<vmem>>
      tpu.enqueue_dma source(%dma_start3A_194 : memref<64x32xf32, #tpu.memory_space<vmem>>) target(%dma_start3A_190 : memref<64x32xf32, #tpu.memory_space<vmem_shared>>) target_semaphore(%run_scoped3A_182 : memref<!tpu.dma_semaphore, #tpu.memory_space<semaphore_mem>>)
      %dma_wait3A_195 = arith.constant 0 : i32
      %dma_wait3A_196 = arith.constant 0 : i32
      %dma_wait3A_197 = tpu.memref_slice %arg11[%run_scoped3A_53, %dma_wait3A_195, %dma_wait3A_196] : memref<2x96x32xf32, #tpu.memory_space<vmem>> -> memref<1x64x32xf32, #tpu.memory_space<vmem>>
      %dma_wait3A_198 = tpu.memref_squeeze %dma_wait3A_197 : memref<1x64x32xf32, #tpu.memory_space<vmem>> -> memref<64x32xf32, #tpu.memory_space<vmem>>
      %dma_wait3A_199 = arith.constant 0 : i32
      %dma_wait3A_200 = tpu.memref_slice %arg8[%add3A_52, %dma_wait3A_199] : memref<10240x32xf32, #tpu.memory_space<vmem_shared>> -> memref<64x32xf32, #tpu.memory_space<vmem_shared>>
      %dma_wait3A_201 = arith.constant 0 : i32
      %dma_wait3A_202 = tpu.memref_slice %arg8[%add3A_52, %dma_wait3A_201] : memref<10240x32xf32, #tpu.memory_space<vmem_shared>> -> memref<64x32xf32, #tpu.memory_space<vmem_shared>>
      %dma_wait3A_203 = arith.constant 0 : i32
      %dma_wait3A_204 = arith.constant 0 : i32
      %dma_wait3A_205 = tpu.memref_slice %arg11[%run_scoped3A_53, %dma_wait3A_203, %dma_wait3A_204] : memref<2x96x32xf32, #tpu.memory_space<vmem>> -> memref<1x64x32xf32, #tpu.memory_space<vmem>>
      %dma_wait3A_206 = tpu.memref_squeeze %dma_wait3A_205 : memref<1x64x32xf32, #tpu.memory_space<vmem>> -> memref<64x32xf32, #tpu.memory_space<vmem>>
      tpu.wait_dma2 semaphore(%run_scoped3A_182 : memref<!tpu.dma_semaphore, #tpu.memory_space<semaphore_mem>>) src(%dma_wait3A_206 : memref<64x32xf32, #tpu.memory_space<vmem>>) dst(%dma_wait3A_202 : memref<64x32xf32, #tpu.memory_space<vmem_shared>>)
      tpu.yield
    }) : () -> ()
    %run_scoped3A_54 = arith.constant 0 : i32
    "tpu.region"() ({
      %run_scoped3A_182 = tpu.sem_alloc : memref<!tpu.dma_semaphore, #tpu.memory_space<semaphore_mem>>
      %dma_start3A_183 = arith.constant 0 : i32
      %dma_start3A_184 = arith.constant 0 : i32
      %dma_start3A_185 = tpu.memref_slice %arg14[%run_scoped3A_54, %dma_start3A_183, %dma_start3A_184] : memref<2x96x16xf32, #tpu.memory_space<vmem>> -> memref<1x64x16xf32, #tpu.memory_space<vmem>>
      %dma_start3A_186 = tpu.memref_squeeze %dma_start3A_185 : memref<1x64x16xf32, #tpu.memory_space<vmem>> -> memref<64x16xf32, #tpu.memory_space<vmem>>
      %dma_start3A_187 = arith.constant 0 : i32
      %dma_start3A_188 = tpu.memref_slice %arg9[%add3A_52, %dma_start3A_187] : memref<10240x16xf32, #tpu.memory_space<vmem_shared>> -> memref<64x16xf32, #tpu.memory_space<vmem_shared>>
      %dma_start3A_189 = arith.constant 0 : i32
      %dma_start3A_190 = tpu.memref_slice %arg9[%add3A_52, %dma_start3A_189] : memref<10240x16xf32, #tpu.memory_space<vmem_shared>> -> memref<64x16xf32, #tpu.memory_space<vmem_shared>>
      %dma_start3A_191 = arith.constant 0 : i32
      %dma_start3A_192 = arith.constant 0 : i32
      %dma_start3A_193 = tpu.memref_slice %arg14[%run_scoped3A_54, %dma_start3A_191, %dma_start3A_192] : memref<2x96x16xf32, #tpu.memory_space<vmem>> -> memref<1x64x16xf32, #tpu.memory_space<vmem>>
      %dma_start3A_194 = tpu.memref_squeeze %dma_start3A_193 : memref<1x64x16xf32, #tpu.memory_space<vmem>> -> memref<64x16xf32, #tpu.memory_space<vmem>>
      tpu.enqueue_dma source(%dma_start3A_194 : memref<64x16xf32, #tpu.memory_space<vmem>>) target(%dma_start3A_190 : memref<64x16xf32, #tpu.memory_space<vmem_shared>>) target_semaphore(%run_scoped3A_182 : memref<!tpu.dma_semaphore, #tpu.memory_space<semaphore_mem>>)
      %dma_wait3A_195 = arith.constant 0 : i32
      %dma_wait3A_196 = arith.constant 0 : i32
      %dma_wait3A_197 = tpu.memref_slice %arg14[%run_scoped3A_54, %dma_wait3A_195, %dma_wait3A_196] : memref<2x96x16xf32, #tpu.memory_space<vmem>> -> memref<1x64x16xf32, #tpu.memory_space<vmem>>
      %dma_wait3A_198 = tpu.memref_squeeze %dma_wait3A_197 : memref<1x64x16xf32, #tpu.memory_space<vmem>> -> memref<64x16xf32, #tpu.memory_space<vmem>>
      %dma_wait3A_199 = arith.constant 0 : i32
      %dma_wait3A_200 = tpu.memref_slice %arg9[%add3A_52, %dma_wait3A_199] : memref<10240x16xf32, #tpu.memory_space<vmem_shared>> -> memref<64x16xf32, #tpu.memory_space<vmem_shared>>
      %dma_wait3A_201 = arith.constant 0 : i32
      %dma_wait3A_202 = tpu.memref_slice %arg9[%add3A_52, %dma_wait3A_201] : memref<10240x16xf32, #tpu.memory_space<vmem_shared>> -> memref<64x16xf32, #tpu.memory_space<vmem_shared>>
      %dma_wait3A_203 = arith.constant 0 : i32
      %dma_wait3A_204 = arith.constant 0 : i32
      %dma_wait3A_205 = tpu.memref_slice %arg14[%run_scoped3A_54, %dma_wait3A_203, %dma_wait3A_204] : memref<2x96x16xf32, #tpu.memory_space<vmem>> -> memref<1x64x16xf32, #tpu.memory_space<vmem>>
      %dma_wait3A_206 = tpu.memref_squeeze %dma_wait3A_205 : memref<1x64x16xf32, #tpu.memory_space<vmem>> -> memref<64x16xf32, #tpu.memory_space<vmem>>
      tpu.wait_dma2 semaphore(%run_scoped3A_182 : memref<!tpu.dma_semaphore, #tpu.memory_space<semaphore_mem>>) src(%dma_wait3A_206 : memref<64x16xf32, #tpu.memory_space<vmem>>) dst(%dma_wait3A_202 : memref<64x16xf32, #tpu.memory_space<vmem_shared>>)
      tpu.yield
    }) : () -> ()
    %mul3A_55 = arith.constant 640 : i32
    %mul3A_56 = arith.muli %arg1, %mul3A_55 : i32
    %add3A_57 = arith.constant 512 : i32
    %add3A_58 = arith.addi %mul3A_56, %add3A_57 : i32
    %run_scoped3A_59 = arith.constant 0 : i32
    "tpu.region"() ({
      %run_scoped3A_182 = tpu.sem_alloc : memref<!tpu.dma_semaphore, #tpu.memory_space<semaphore_mem>>
      %dma_start3A_183 = arith.constant 0 : i32
      %dma_start3A_184 = arith.constant 0 : i32
      %dma_start3A_185 = tpu.memref_slice %arg11[%run_scoped3A_59, %dma_start3A_183, %dma_start3A_184] : memref<2x96x32xf32, #tpu.memory_space<vmem>> -> memref<1x64x32xf32, #tpu.memory_space<vmem>>
      %dma_start3A_186 = tpu.memref_squeeze %dma_start3A_185 : memref<1x64x32xf32, #tpu.memory_space<vmem>> -> memref<64x32xf32, #tpu.memory_space<vmem>>
      %dma_start3A_187 = arith.constant 0 : i32
      %dma_start3A_188 = tpu.memref_slice %arg8[%add3A_58, %dma_start3A_187] : memref<10240x32xf32, #tpu.memory_space<vmem_shared>> -> memref<64x32xf32, #tpu.memory_space<vmem_shared>>
      %dma_start3A_189 = arith.constant 0 : i32
      %dma_start3A_190 = tpu.memref_slice %arg8[%add3A_58, %dma_start3A_189] : memref<10240x32xf32, #tpu.memory_space<vmem_shared>> -> memref<64x32xf32, #tpu.memory_space<vmem_shared>>
      %dma_start3A_191 = arith.constant 0 : i32
      %dma_start3A_192 = arith.constant 0 : i32
      %dma_start3A_193 = tpu.memref_slice %arg11[%run_scoped3A_59, %dma_start3A_191, %dma_start3A_192] : memref<2x96x32xf32, #tpu.memory_space<vmem>> -> memref<1x64x32xf32, #tpu.memory_space<vmem>>
      %dma_start3A_194 = tpu.memref_squeeze %dma_start3A_193 : memref<1x64x32xf32, #tpu.memory_space<vmem>> -> memref<64x32xf32, #tpu.memory_space<vmem>>
      tpu.enqueue_dma source(%dma_start3A_194 : memref<64x32xf32, #tpu.memory_space<vmem>>) target(%dma_start3A_190 : memref<64x32xf32, #tpu.memory_space<vmem_shared>>) target_semaphore(%run_scoped3A_182 : memref<!tpu.dma_semaphore, #tpu.memory_space<semaphore_mem>>)
      %dma_wait3A_195 = arith.constant 0 : i32
      %dma_wait3A_196 = arith.constant 0 : i32
      %dma_wait3A_197 = tpu.memref_slice %arg11[%run_scoped3A_59, %dma_wait3A_195, %dma_wait3A_196] : memref<2x96x32xf32, #tpu.memory_space<vmem>> -> memref<1x64x32xf32, #tpu.memory_space<vmem>>
      %dma_wait3A_198 = tpu.memref_squeeze %dma_wait3A_197 : memref<1x64x32xf32, #tpu.memory_space<vmem>> -> memref<64x32xf32, #tpu.memory_space<vmem>>
      %dma_wait3A_199 = arith.constant 0 : i32
      %dma_wait3A_200 = tpu.memref_slice %arg8[%add3A_58, %dma_wait3A_199] : memref<10240x32xf32, #tpu.memory_space<vmem_shared>> -> memref<64x32xf32, #tpu.memory_space<vmem_shared>>
      %dma_wait3A_201 = arith.constant 0 : i32
      %dma_wait3A_202 = tpu.memref_slice %arg8[%add3A_58, %dma_wait3A_201] : memref<10240x32xf32, #tpu.memory_space<vmem_shared>> -> memref<64x32xf32, #tpu.memory_space<vmem_shared>>
      %dma_wait3A_203 = arith.constant 0 : i32
      %dma_wait3A_204 = arith.constant 0 : i32
      %dma_wait3A_205 = tpu.memref_slice %arg11[%run_scoped3A_59, %dma_wait3A_203, %dma_wait3A_204] : memref<2x96x32xf32, #tpu.memory_space<vmem>> -> memref<1x64x32xf32, #tpu.memory_space<vmem>>
      %dma_wait3A_206 = tpu.memref_squeeze %dma_wait3A_205 : memref<1x64x32xf32, #tpu.memory_space<vmem>> -> memref<64x32xf32, #tpu.memory_space<vmem>>
      tpu.wait_dma2 semaphore(%run_scoped3A_182 : memref<!tpu.dma_semaphore, #tpu.memory_space<semaphore_mem>>) src(%dma_wait3A_206 : memref<64x32xf32, #tpu.memory_space<vmem>>) dst(%dma_wait3A_202 : memref<64x32xf32, #tpu.memory_space<vmem_shared>>)
      tpu.yield
    }) : () -> ()
    %run_scoped3A_60 = arith.constant 0 : i32
    "tpu.region"() ({
      %run_scoped3A_182 = tpu.sem_alloc : memref<!tpu.dma_semaphore, #tpu.memory_space<semaphore_mem>>
      %dma_start3A_183 = arith.constant 0 : i32
      %dma_start3A_184 = arith.constant 0 : i32
      %dma_start3A_185 = tpu.memref_slice %arg14[%run_scoped3A_60, %dma_start3A_183, %dma_start3A_184] : memref<2x96x16xf32, #tpu.memory_space<vmem>> -> memref<1x64x16xf32, #tpu.memory_space<vmem>>
      %dma_start3A_186 = tpu.memref_squeeze %dma_start3A_185 : memref<1x64x16xf32, #tpu.memory_space<vmem>> -> memref<64x16xf32, #tpu.memory_space<vmem>>
      %dma_start3A_187 = arith.constant 0 : i32
      %dma_start3A_188 = tpu.memref_slice %arg9[%add3A_58, %dma_start3A_187] : memref<10240x16xf32, #tpu.memory_space<vmem_shared>> -> memref<64x16xf32, #tpu.memory_space<vmem_shared>>
      %dma_start3A_189 = arith.constant 0 : i32
      %dma_start3A_190 = tpu.memref_slice %arg9[%add3A_58, %dma_start3A_189] : memref<10240x16xf32, #tpu.memory_space<vmem_shared>> -> memref<64x16xf32, #tpu.memory_space<vmem_shared>>
      %dma_start3A_191 = arith.constant 0 : i32
      %dma_start3A_192 = arith.constant 0 : i32
      %dma_start3A_193 = tpu.memref_slice %arg14[%run_scoped3A_60, %dma_start3A_191, %dma_start3A_192] : memref<2x96x16xf32, #tpu.memory_space<vmem>> -> memref<1x64x16xf32, #tpu.memory_space<vmem>>
      %dma_start3A_194 = tpu.memref_squeeze %dma_start3A_193 : memref<1x64x16xf32, #tpu.memory_space<vmem>> -> memref<64x16xf32, #tpu.memory_space<vmem>>
      tpu.enqueue_dma source(%dma_start3A_194 : memref<64x16xf32, #tpu.memory_space<vmem>>) target(%dma_start3A_190 : memref<64x16xf32, #tpu.memory_space<vmem_shared>>) target_semaphore(%run_scoped3A_182 : memref<!tpu.dma_semaphore, #tpu.memory_space<semaphore_mem>>)
      %dma_wait3A_195 = arith.constant 0 : i32
      %dma_wait3A_196 = arith.constant 0 : i32
      %dma_wait3A_197 = tpu.memref_slice %arg14[%run_scoped3A_60, %dma_wait3A_195, %dma_wait3A_196] : memref<2x96x16xf32, #tpu.memory_space<vmem>> -> memref<1x64x16xf32, #tpu.memory_space<vmem>>
      %dma_wait3A_198 = tpu.memref_squeeze %dma_wait3A_197 : memref<1x64x16xf32, #tpu.memory_space<vmem>> -> memref<64x16xf32, #tpu.memory_space<vmem>>
      %dma_wait3A_199 = arith.constant 0 : i32
      %dma_wait3A_200 = tpu.memref_slice %arg9[%add3A_58, %dma_wait3A_199] : memref<10240x16xf32, #tpu.memory_space<vmem_shared>> -> memref<64x16xf32, #tpu.memory_space<vmem_shared>>
      %dma_wait3A_201 = arith.constant 0 : i32
      %dma_wait3A_202 = tpu.memref_slice %arg9[%add3A_58, %dma_wait3A_201] : memref<10240x16xf32, #tpu.memory_space<vmem_shared>> -> memref<64x16xf32, #tpu.memory_space<vmem_shared>>
      %dma_wait3A_203 = arith.constant 0 : i32
      %dma_wait3A_204 = arith.constant 0 : i32
      %dma_wait3A_205 = tpu.memref_slice %arg14[%run_scoped3A_60, %dma_wait3A_203, %dma_wait3A_204] : memref<2x96x16xf32, #tpu.memory_space<vmem>> -> memref<1x64x16xf32, #tpu.memory_space<vmem>>
      %dma_wait3A_206 = tpu.memref_squeeze %dma_wait3A_205 : memref<1x64x16xf32, #tpu.memory_space<vmem>> -> memref<64x16xf32, #tpu.memory_space<vmem>>
      tpu.wait_dma2 semaphore(%run_scoped3A_182 : memref<!tpu.dma_semaphore, #tpu.memory_space<semaphore_mem>>) src(%dma_wait3A_206 : memref<64x16xf32, #tpu.memory_space<vmem>>) dst(%dma_wait3A_202 : memref<64x16xf32, #tpu.memory_space<vmem_shared>>)
      tpu.yield
    }) : () -> ()
    %mul3A_61 = arith.constant 640 : i32
    %mul3A_62 = arith.muli %arg1, %mul3A_61 : i32
    %add3A_63 = arith.constant 576 : i32
    %add3A_64 = arith.addi %mul3A_62, %add3A_63 : i32
    %run_scoped3A_65 = arith.constant 0 : i32
    "tpu.region"() ({
      %run_scoped3A_182 = tpu.sem_alloc : memref<!tpu.dma_semaphore, #tpu.memory_space<semaphore_mem>>
      %dma_start3A_183 = arith.constant 0 : i32
      %dma_start3A_184 = arith.constant 0 : i32
      %dma_start3A_185 = tpu.memref_slice %arg11[%run_scoped3A_65, %dma_start3A_183, %dma_start3A_184] : memref<2x96x32xf32, #tpu.memory_space<vmem>> -> memref<1x64x32xf32, #tpu.memory_space<vmem>>
      %dma_start3A_186 = tpu.memref_squeeze %dma_start3A_185 : memref<1x64x32xf32, #tpu.memory_space<vmem>> -> memref<64x32xf32, #tpu.memory_space<vmem>>
      %dma_start3A_187 = arith.constant 0 : i32
      %dma_start3A_188 = tpu.memref_slice %arg8[%add3A_64, %dma_start3A_187] : memref<10240x32xf32, #tpu.memory_space<vmem_shared>> -> memref<64x32xf32, #tpu.memory_space<vmem_shared>>
      %dma_start3A_189 = arith.constant 0 : i32
      %dma_start3A_190 = tpu.memref_slice %arg8[%add3A_64, %dma_start3A_189] : memref<10240x32xf32, #tpu.memory_space<vmem_shared>> -> memref<64x32xf32, #tpu.memory_space<vmem_shared>>
      %dma_start3A_191 = arith.constant 0 : i32
      %dma_start3A_192 = arith.constant 0 : i32
      %dma_start3A_193 = tpu.memref_slice %arg11[%run_scoped3A_65, %dma_start3A_191, %dma_start3A_192] : memref<2x96x32xf32, #tpu.memory_space<vmem>> -> memref<1x64x32xf32, #tpu.memory_space<vmem>>
      %dma_start3A_194 = tpu.memref_squeeze %dma_start3A_193 : memref<1x64x32xf32, #tpu.memory_space<vmem>> -> memref<64x32xf32, #tpu.memory_space<vmem>>
      tpu.enqueue_dma source(%dma_start3A_194 : memref<64x32xf32, #tpu.memory_space<vmem>>) target(%dma_start3A_190 : memref<64x32xf32, #tpu.memory_space<vmem_shared>>) target_semaphore(%run_scoped3A_182 : memref<!tpu.dma_semaphore, #tpu.memory_space<semaphore_mem>>)
      %dma_wait3A_195 = arith.constant 0 : i32
      %dma_wait3A_196 = arith.constant 0 : i32
      %dma_wait3A_197 = tpu.memref_slice %arg11[%run_scoped3A_65, %dma_wait3A_195, %dma_wait3A_196] : memref<2x96x32xf32, #tpu.memory_space<vmem>> -> memref<1x64x32xf32, #tpu.memory_space<vmem>>
      %dma_wait3A_198 = tpu.memref_squeeze %dma_wait3A_197 : memref<1x64x32xf32, #tpu.memory_space<vmem>> -> memref<64x32xf32, #tpu.memory_space<vmem>>
      %dma_wait3A_199 = arith.constant 0 : i32
      %dma_wait3A_200 = tpu.memref_slice %arg8[%add3A_64, %dma_wait3A_199] : memref<10240x32xf32, #tpu.memory_space<vmem_shared>> -> memref<64x32xf32, #tpu.memory_space<vmem_shared>>
      %dma_wait3A_201 = arith.constant 0 : i32
      %dma_wait3A_202 = tpu.memref_slice %arg8[%add3A_64, %dma_wait3A_201] : memref<10240x32xf32, #tpu.memory_space<vmem_shared>> -> memref<64x32xf32, #tpu.memory_space<vmem_shared>>
      %dma_wait3A_203 = arith.constant 0 : i32
      %dma_wait3A_204 = arith.constant 0 : i32
      %dma_wait3A_205 = tpu.memref_slice %arg11[%run_scoped3A_65, %dma_wait3A_203, %dma_wait3A_204] : memref<2x96x32xf32, #tpu.memory_space<vmem>> -> memref<1x64x32xf32, #tpu.memory_space<vmem>>
      %dma_wait3A_206 = tpu.memref_squeeze %dma_wait3A_205 : memref<1x64x32xf32, #tpu.memory_space<vmem>> -> memref<64x32xf32, #tpu.memory_space<vmem>>
      tpu.wait_dma2 semaphore(%run_scoped3A_182 : memref<!tpu.dma_semaphore, #tpu.memory_space<semaphore_mem>>) src(%dma_wait3A_206 : memref<64x32xf32, #tpu.memory_space<vmem>>) dst(%dma_wait3A_202 : memref<64x32xf32, #tpu.memory_space<vmem_shared>>)
      tpu.yield
    }) : () -> ()
    %run_scoped3A_66 = arith.constant 0 : i32
    "tpu.region"() ({
      %run_scoped3A_182 = tpu.sem_alloc : memref<!tpu.dma_semaphore, #tpu.memory_space<semaphore_mem>>
      %dma_start3A_183 = arith.constant 0 : i32
      %dma_start3A_184 = arith.constant 0 : i32
      %dma_start3A_185 = tpu.memref_slice %arg14[%run_scoped3A_66, %dma_start3A_183, %dma_start3A_184] : memref<2x96x16xf32, #tpu.memory_space<vmem>> -> memref<1x64x16xf32, #tpu.memory_space<vmem>>
      %dma_start3A_186 = tpu.memref_squeeze %dma_start3A_185 : memref<1x64x16xf32, #tpu.memory_space<vmem>> -> memref<64x16xf32, #tpu.memory_space<vmem>>
      %dma_start3A_187 = arith.constant 0 : i32
      %dma_start3A_188 = tpu.memref_slice %arg9[%add3A_64, %dma_start3A_187] : memref<10240x16xf32, #tpu.memory_space<vmem_shared>> -> memref<64x16xf32, #tpu.memory_space<vmem_shared>>
      %dma_start3A_189 = arith.constant 0 : i32
      %dma_start3A_190 = tpu.memref_slice %arg9[%add3A_64, %dma_start3A_189] : memref<10240x16xf32, #tpu.memory_space<vmem_shared>> -> memref<64x16xf32, #tpu.memory_space<vmem_shared>>
      %dma_start3A_191 = arith.constant 0 : i32
      %dma_start3A_192 = arith.constant 0 : i32
      %dma_start3A_193 = tpu.memref_slice %arg14[%run_scoped3A_66, %dma_start3A_191, %dma_start3A_192] : memref<2x96x16xf32, #tpu.memory_space<vmem>> -> memref<1x64x16xf32, #tpu.memory_space<vmem>>
      %dma_start3A_194 = tpu.memref_squeeze %dma_start3A_193 : memref<1x64x16xf32, #tpu.memory_space<vmem>> -> memref<64x16xf32, #tpu.memory_space<vmem>>
      tpu.enqueue_dma source(%dma_start3A_194 : memref<64x16xf32, #tpu.memory_space<vmem>>) target(%dma_start3A_190 : memref<64x16xf32, #tpu.memory_space<vmem_shared>>) target_semaphore(%run_scoped3A_182 : memref<!tpu.dma_semaphore, #tpu.memory_space<semaphore_mem>>)
      %dma_wait3A_195 = arith.constant 0 : i32
      %dma_wait3A_196 = arith.constant 0 : i32
      %dma_wait3A_197 = tpu.memref_slice %arg14[%run_scoped3A_66, %dma_wait3A_195, %dma_wait3A_196] : memref<2x96x16xf32, #tpu.memory_space<vmem>> -> memref<1x64x16xf32, #tpu.memory_space<vmem>>
      %dma_wait3A_198 = tpu.memref_squeeze %dma_wait3A_197 : memref<1x64x16xf32, #tpu.memory_space<vmem>> -> memref<64x16xf32, #tpu.memory_space<vmem>>
      %dma_wait3A_199 = arith.constant 0 : i32
      %dma_wait3A_200 = tpu.memref_slice %arg9[%add3A_64, %dma_wait3A_199] : memref<10240x16xf32, #tpu.memory_space<vmem_shared>> -> memref<64x16xf32, #tpu.memory_space<vmem_shared>>
      %dma_wait3A_201 = arith.constant 0 : i32
      %dma_wait3A_202 = tpu.memref_slice %arg9[%add3A_64, %dma_wait3A_201] : memref<10240x16xf32, #tpu.memory_space<vmem_shared>> -> memref<64x16xf32, #tpu.memory_space<vmem_shared>>
      %dma_wait3A_203 = arith.constant 0 : i32
      %dma_wait3A_204 = arith.constant 0 : i32
      %dma_wait3A_205 = tpu.memref_slice %arg14[%run_scoped3A_66, %dma_wait3A_203, %dma_wait3A_204] : memref<2x96x16xf32, #tpu.memory_space<vmem>> -> memref<1x64x16xf32, #tpu.memory_space<vmem>>
      %dma_wait3A_206 = tpu.memref_squeeze %dma_wait3A_205 : memref<1x64x16xf32, #tpu.memory_space<vmem>> -> memref<64x16xf32, #tpu.memory_space<vmem>>
      tpu.wait_dma2 semaphore(%run_scoped3A_182 : memref<!tpu.dma_semaphore, #tpu.memory_space<semaphore_mem>>) src(%dma_wait3A_206 : memref<64x16xf32, #tpu.memory_space<vmem>>) dst(%dma_wait3A_202 : memref<64x16xf32, #tpu.memory_space<vmem_shared>>)
      tpu.yield
    }) : () -> ()
    %barrier3A = arith.constant 0 : index
    tpu.barrier barrier_id(%barrier3A)
    %run_scoped3A_67 = arith.constant 0 : i32
    %run_scoped3A_68 = arith.constant 0 : i32
    %run_scoped3A_69 = arith.constant 0 : i32
    "tpu.region"() ({
      %run_scoped3A_182 = tpu.sem_alloc : memref<!tpu.dma_semaphore, #tpu.memory_space<semaphore_mem>>
      %dma_start3A_183 = arith.constant 0 : i32
      %dma_start3A_184 = tpu.memref_slice %arg10[%run_scoped3A_68, %run_scoped3A_69, %dma_start3A_183] : memref<3x2x96xi32, #tpu.memory_space<vmem>> -> memref<1x1x96xi32, #tpu.memory_space<vmem>>
      %dma_start3A_185 = tpu.memref_squeeze %dma_start3A_184 : memref<1x1x96xi32, #tpu.memory_space<vmem>> -> memref<96xi32, #tpu.memory_space<vmem>>
      %dma_start3A_186 = arith.constant 0 : i32
      %dma_start3A_187 = tpu.memref_slice %arg4[%add3A, %run_scoped3A_67, %dma_start3A_186] : memref<32x108x96xi32, #tpu.memory_space<hbm>> -> memref<1x1x96xi32, #tpu.memory_space<hbm>>
      %dma_start3A_188 = tpu.memref_squeeze %dma_start3A_187 : memref<1x1x96xi32, #tpu.memory_space<hbm>> -> memref<96xi32, #tpu.memory_space<hbm>>
      %dma_start3A_189 = arith.constant 0 : i32
      %dma_start3A_190 = tpu.memref_slice %arg10[%run_scoped3A_68, %run_scoped3A_69, %dma_start3A_189] : memref<3x2x96xi32, #tpu.memory_space<vmem>> -> memref<1x1x96xi32, #tpu.memory_space<vmem>>
      %dma_start3A_191 = tpu.memref_squeeze %dma_start3A_190 : memref<1x1x96xi32, #tpu.memory_space<vmem>> -> memref<96xi32, #tpu.memory_space<vmem>>
      %dma_start3A_192 = arith.constant 0 : i32
      %dma_start3A_193 = tpu.memref_slice %arg4[%add3A, %run_scoped3A_67, %dma_start3A_192] : memref<32x108x96xi32, #tpu.memory_space<hbm>> -> memref<1x1x96xi32, #tpu.memory_space<hbm>>
      %dma_start3A_194 = tpu.memref_squeeze %dma_start3A_193 : memref<1x1x96xi32, #tpu.memory_space<hbm>> -> memref<96xi32, #tpu.memory_space<hbm>>
      tpu.enqueue_dma source(%dma_start3A_194 : memref<96xi32, #tpu.memory_space<hbm>>) target(%dma_start3A_191 : memref<96xi32, #tpu.memory_space<vmem>>) target_semaphore(%run_scoped3A_182 : memref<!tpu.dma_semaphore, #tpu.memory_space<semaphore_mem>>)
      %dma_wait3A_195 = arith.constant 0 : i32
      %dma_wait3A_196 = tpu.memref_slice %arg10[%run_scoped3A_68, %run_scoped3A_69, %dma_wait3A_195] : memref<3x2x96xi32, #tpu.memory_space<vmem>> -> memref<1x1x96xi32, #tpu.memory_space<vmem>>
      %dma_wait3A_197 = tpu.memref_squeeze %dma_wait3A_196 : memref<1x1x96xi32, #tpu.memory_space<vmem>> -> memref<96xi32, #tpu.memory_space<vmem>>
      %dma_wait3A_198 = arith.constant 0 : i32
      %dma_wait3A_199 = tpu.memref_slice %arg4[%add3A, %run_scoped3A_67, %dma_wait3A_198] : memref<32x108x96xi32, #tpu.memory_space<hbm>> -> memref<1x1x96xi32, #tpu.memory_space<hbm>>
      %dma_wait3A_200 = tpu.memref_squeeze %dma_wait3A_199 : memref<1x1x96xi32, #tpu.memory_space<hbm>> -> memref<96xi32, #tpu.memory_space<hbm>>
      %dma_wait3A_201 = arith.constant 0 : i32
      %dma_wait3A_202 = tpu.memref_slice %arg10[%run_scoped3A_68, %run_scoped3A_69, %dma_wait3A_201] : memref<3x2x96xi32, #tpu.memory_space<vmem>> -> memref<1x1x96xi32, #tpu.memory_space<vmem>>
      %dma_wait3A_203 = tpu.memref_squeeze %dma_wait3A_202 : memref<1x1x96xi32, #tpu.memory_space<vmem>> -> memref<96xi32, #tpu.memory_space<vmem>>
      %dma_wait3A_204 = arith.constant 0 : i32
      %dma_wait3A_205 = tpu.memref_slice %arg4[%add3A, %run_scoped3A_67, %dma_wait3A_204] : memref<32x108x96xi32, #tpu.memory_space<hbm>> -> memref<1x1x96xi32, #tpu.memory_space<hbm>>
      %dma_wait3A_206 = tpu.memref_squeeze %dma_wait3A_205 : memref<1x1x96xi32, #tpu.memory_space<hbm>> -> memref<96xi32, #tpu.memory_space<hbm>>
      tpu.wait_dma2 semaphore(%run_scoped3A_182 : memref<!tpu.dma_semaphore, #tpu.memory_space<semaphore_mem>>) src(%dma_wait3A_206 : memref<96xi32, #tpu.memory_space<hbm>>) dst(%dma_wait3A_203 : memref<96xi32, #tpu.memory_space<vmem>>)
      tpu.yield
    }) : () -> ()
    %run_scoped3A_70 = arith.constant 0 : i32
    %run_scoped3A_71 = arith.constant 0 : i32
    %run_scoped3A_72 = arith.constant 1 : i32
    "tpu.region"() ({
      %run_scoped3A_182 = tpu.sem_alloc : memref<!tpu.dma_semaphore, #tpu.memory_space<semaphore_mem>>
      %dma_start3A_183 = arith.constant 0 : i32
      %dma_start3A_184 = tpu.memref_slice %arg10[%run_scoped3A_71, %run_scoped3A_72, %dma_start3A_183] : memref<3x2x96xi32, #tpu.memory_space<vmem>> -> memref<1x1x96xi32, #tpu.memory_space<vmem>>
      %dma_start3A_185 = tpu.memref_squeeze %dma_start3A_184 : memref<1x1x96xi32, #tpu.memory_space<vmem>> -> memref<96xi32, #tpu.memory_space<vmem>>
      %dma_start3A_186 = arith.constant 0 : i32
      %dma_start3A_187 = tpu.memref_slice %arg5[%add3A, %run_scoped3A_70, %dma_start3A_186] : memref<32x108x96xi32, #tpu.memory_space<hbm>> -> memref<1x1x96xi32, #tpu.memory_space<hbm>>
      %dma_start3A_188 = tpu.memref_squeeze %dma_start3A_187 : memref<1x1x96xi32, #tpu.memory_space<hbm>> -> memref<96xi32, #tpu.memory_space<hbm>>
      %dma_start3A_189 = arith.constant 0 : i32
      %dma_start3A_190 = tpu.memref_slice %arg10[%run_scoped3A_71, %run_scoped3A_72, %dma_start3A_189] : memref<3x2x96xi32, #tpu.memory_space<vmem>> -> memref<1x1x96xi32, #tpu.memory_space<vmem>>
      %dma_start3A_191 = tpu.memref_squeeze %dma_start3A_190 : memref<1x1x96xi32, #tpu.memory_space<vmem>> -> memref<96xi32, #tpu.memory_space<vmem>>
      %dma_start3A_192 = arith.constant 0 : i32
      %dma_start3A_193 = tpu.memref_slice %arg5[%add3A, %run_scoped3A_70, %dma_start3A_192] : memref<32x108x96xi32, #tpu.memory_space<hbm>> -> memref<1x1x96xi32, #tpu.memory_space<hbm>>
      %dma_start3A_194 = tpu.memref_squeeze %dma_start3A_193 : memref<1x1x96xi32, #tpu.memory_space<hbm>> -> memref<96xi32, #tpu.memory_space<hbm>>
      tpu.enqueue_dma source(%dma_start3A_194 : memref<96xi32, #tpu.memory_space<hbm>>) target(%dma_start3A_191 : memref<96xi32, #tpu.memory_space<vmem>>) target_semaphore(%run_scoped3A_182 : memref<!tpu.dma_semaphore, #tpu.memory_space<semaphore_mem>>)
      %dma_wait3A_195 = arith.constant 0 : i32
      %dma_wait3A_196 = tpu.memref_slice %arg10[%run_scoped3A_71, %run_scoped3A_72, %dma_wait3A_195] : memref<3x2x96xi32, #tpu.memory_space<vmem>> -> memref<1x1x96xi32, #tpu.memory_space<vmem>>
      %dma_wait3A_197 = tpu.memref_squeeze %dma_wait3A_196 : memref<1x1x96xi32, #tpu.memory_space<vmem>> -> memref<96xi32, #tpu.memory_space<vmem>>
      %dma_wait3A_198 = arith.constant 0 : i32
      %dma_wait3A_199 = tpu.memref_slice %arg5[%add3A, %run_scoped3A_70, %dma_wait3A_198] : memref<32x108x96xi32, #tpu.memory_space<hbm>> -> memref<1x1x96xi32, #tpu.memory_space<hbm>>
      %dma_wait3A_200 = tpu.memref_squeeze %dma_wait3A_199 : memref<1x1x96xi32, #tpu.memory_space<hbm>> -> memref<96xi32, #tpu.memory_space<hbm>>
      %dma_wait3A_201 = arith.constant 0 : i32
      %dma_wait3A_202 = tpu.memref_slice %arg10[%run_scoped3A_71, %run_scoped3A_72, %dma_wait3A_201] : memref<3x2x96xi32, #tpu.memory_space<vmem>> -> memref<1x1x96xi32, #tpu.memory_space<vmem>>
      %dma_wait3A_203 = tpu.memref_squeeze %dma_wait3A_202 : memref<1x1x96xi32, #tpu.memory_space<vmem>> -> memref<96xi32, #tpu.memory_space<vmem>>
      %dma_wait3A_204 = arith.constant 0 : i32
      %dma_wait3A_205 = tpu.memref_slice %arg5[%add3A, %run_scoped3A_70, %dma_wait3A_204] : memref<32x108x96xi32, #tpu.memory_space<hbm>> -> memref<1x1x96xi32, #tpu.memory_space<hbm>>
      %dma_wait3A_206 = tpu.memref_squeeze %dma_wait3A_205 : memref<1x1x96xi32, #tpu.memory_space<hbm>> -> memref<96xi32, #tpu.memory_space<hbm>>
      tpu.wait_dma2 semaphore(%run_scoped3A_182 : memref<!tpu.dma_semaphore, #tpu.memory_space<semaphore_mem>>) src(%dma_wait3A_206 : memref<96xi32, #tpu.memory_space<hbm>>) dst(%dma_wait3A_203 : memref<96xi32, #tpu.memory_space<vmem>>)
      tpu.yield
    }) : () -> ()
    %dma_start3A = arith.constant 1 : i32
    %dma_start3A_73 = arith.constant 1 : i32
    %dma_start3A_74 = arith.constant 0 : i32
    %dma_start3A_75 = arith.constant 0 : i32
    %dma_start3A_76 = tpu.memref_slice %arg10[%dma_start3A_73, %dma_start3A_74, %dma_start3A_75] : memref<3x2x96xi32, #tpu.memory_space<vmem>> -> memref<1x1x96xi32, #tpu.memory_space<vmem>>
    %dma_start3A_77 = tpu.memref_squeeze %dma_start3A_76 : memref<1x1x96xi32, #tpu.memory_space<vmem>> -> memref<96xi32, #tpu.memory_space<vmem>>
    %dma_start3A_78 = arith.constant 0 : i32
    %dma_start3A_79 = tpu.memref_slice %arg4[%add3A, %dma_start3A, %dma_start3A_78] : memref<32x108x96xi32, #tpu.memory_space<hbm>> -> memref<1x1x96xi32, #tpu.memory_space<hbm>>
    %dma_start3A_80 = tpu.memref_squeeze %dma_start3A_79 : memref<1x1x96xi32, #tpu.memory_space<hbm>> -> memref<96xi32, #tpu.memory_space<hbm>>
    %dma_start3A_81 = arith.constant 0 : i32
    %dma_start3A_82 = tpu.memref_slice %arg10[%dma_start3A_73, %dma_start3A_74, %dma_start3A_81] : memref<3x2x96xi32, #tpu.memory_space<vmem>> -> memref<1x1x96xi32, #tpu.memory_space<vmem>>
    %dma_start3A_83 = tpu.memref_squeeze %dma_start3A_82 : memref<1x1x96xi32, #tpu.memory_space<vmem>> -> memref<96xi32, #tpu.memory_space<vmem>>
    %dma_start3A_84 = arith.constant 0 : i32
    %dma_start3A_85 = tpu.memref_slice %arg4[%add3A, %dma_start3A, %dma_start3A_84] : memref<32x108x96xi32, #tpu.memory_space<hbm>> -> memref<1x1x96xi32, #tpu.memory_space<hbm>>
    %dma_start3A_86 = tpu.memref_squeeze %dma_start3A_85 : memref<1x1x96xi32, #tpu.memory_space<hbm>> -> memref<96xi32, #tpu.memory_space<hbm>>
    tpu.enqueue_dma source(%dma_start3A_86 : memref<96xi32, #tpu.memory_space<hbm>>) target(%dma_start3A_83 : memref<96xi32, #tpu.memory_space<vmem>>) target_semaphore(%arg17 : memref<!tpu.dma_semaphore, #tpu.memory_space<semaphore_mem>>)
    %dma_start3A_87 = arith.constant 1 : i32
    %dma_start3A_88 = arith.constant 1 : i32
    %dma_start3A_89 = arith.constant 1 : i32
    %dma_start3A_90 = arith.constant 0 : i32
    %dma_start3A_91 = tpu.memref_slice %arg10[%dma_start3A_88, %dma_start3A_89, %dma_start3A_90] : memref<3x2x96xi32, #tpu.memory_space<vmem>> -> memref<1x1x96xi32, #tpu.memory_space<vmem>>
    %dma_start3A_92 = tpu.memref_squeeze %dma_start3A_91 : memref<1x1x96xi32, #tpu.memory_space<vmem>> -> memref<96xi32, #tpu.memory_space<vmem>>
    %dma_start3A_93 = arith.constant 0 : i32
    %dma_start3A_94 = tpu.memref_slice %arg5[%add3A, %dma_start3A_87, %dma_start3A_93] : memref<32x108x96xi32, #tpu.memory_space<hbm>> -> memref<1x1x96xi32, #tpu.memory_space<hbm>>
    %dma_start3A_95 = tpu.memref_squeeze %dma_start3A_94 : memref<1x1x96xi32, #tpu.memory_space<hbm>> -> memref<96xi32, #tpu.memory_space<hbm>>
    %dma_start3A_96 = arith.constant 0 : i32
    %dma_start3A_97 = tpu.memref_slice %arg10[%dma_start3A_88, %dma_start3A_89, %dma_start3A_96] : memref<3x2x96xi32, #tpu.memory_space<vmem>> -> memref<1x1x96xi32, #tpu.memory_space<vmem>>
    %dma_start3A_98 = tpu.memref_squeeze %dma_start3A_97 : memref<1x1x96xi32, #tpu.memory_space<vmem>> -> memref<96xi32, #tpu.memory_space<vmem>>
    %dma_start3A_99 = arith.constant 0 : i32
    %dma_start3A_100 = tpu.memref_slice %arg5[%add3A, %dma_start3A_87, %dma_start3A_99] : memref<32x108x96xi32, #tpu.memory_space<hbm>> -> memref<1x1x96xi32, #tpu.memory_space<hbm>>
    %dma_start3A_101 = tpu.memref_squeeze %dma_start3A_100 : memref<1x1x96xi32, #tpu.memory_space<hbm>> -> memref<96xi32, #tpu.memory_space<hbm>>
    tpu.enqueue_dma source(%dma_start3A_101 : memref<96xi32, #tpu.memory_space<hbm>>) target(%dma_start3A_98 : memref<96xi32, #tpu.memory_space<vmem>>) target_semaphore(%arg17 : memref<!tpu.dma_semaphore, #tpu.memory_space<semaphore_mem>>)
    %dma_start3A_102 = arith.constant 0 : i32
    %dma_start3A_103 = arith.constant 0 : i32
    %dma_start3A_104 = arith.constant 0 : i32
    %dma_start3A_105 = arith.constant 0 : i32
    %dma_start3A_106 = arith.constant 0 : i32
    %dma_start3A_107 = tpu.memref_slice %arg11[%dma_start3A_104, %dma_start3A_105, %dma_start3A_106] : memref<2x96x32xf32, #tpu.memory_space<vmem>> -> memref<1x96x32xf32, #tpu.memory_space<vmem>>
    %dma_start3A_108 = tpu.memref_squeeze %dma_start3A_107 : memref<1x96x32xf32, #tpu.memory_space<vmem>> -> memref<96x32xf32, #tpu.memory_space<vmem>>
    %dma_start3A_109 = arith.constant 0 : i32
    %dma_start3A_110 = tpu.memref_slice %arg10[%dma_start3A_102, %dma_start3A_103, %dma_start3A_109] : memref<3x2x96xi32, #tpu.memory_space<vmem>> -> memref<1x1x96xi32, #tpu.memory_space<vmem>>
    %dma_start3A_111 = tpu.memref_squeeze %dma_start3A_110 : memref<1x1x96xi32, #tpu.memory_space<vmem>> -> memref<96xi32, #tpu.memory_space<vmem>>
    %dma_start3A_112 = arith.constant 0 : i32
    %dma_start3A_113 = arith.constant 0 : i32
    %dma_start3A_114 = tpu.memref_slice %arg2[%dma_start3A_112, %dma_start3A_113] : memref<10240x32xf32, #tpu.memory_space<hbm>> -> memref<10240x32xf32, #tpu.memory_space<hbm>>
    tpu.enqueue_indirect_dma source(%dma_start3A_114 : memref<10240x32xf32, #tpu.memory_space<hbm>>) target(%dma_start3A_108 : memref<96x32xf32, #tpu.memory_space<vmem>>) offsets(%dma_start3A_111 : memref<96xi32, #tpu.memory_space<vmem>>) semaphore(%arg15 : memref<!tpu.dma_semaphore, #tpu.memory_space<semaphore_mem>>)
    %dma_start3A_115 = arith.constant 0 : i32
    %dma_start3A_116 = arith.constant 0 : i32
    %dma_start3A_117 = arith.constant 0 : i32
    %dma_start3A_118 = arith.constant 0 : i32
    %dma_start3A_119 = arith.constant 0 : i32
    %dma_start3A_120 = tpu.memref_slice %arg12[%dma_start3A_117, %dma_start3A_118, %dma_start3A_119] : memref<2x96x16xf32, #tpu.memory_space<vmem>> -> memref<1x96x16xf32, #tpu.memory_space<vmem>>
    %dma_start3A_121 = tpu.memref_squeeze %dma_start3A_120 : memref<1x96x16xf32, #tpu.memory_space<vmem>> -> memref<96x16xf32, #tpu.memory_space<vmem>>
    %dma_start3A_122 = arith.constant 0 : i32
    %dma_start3A_123 = tpu.memref_slice %arg10[%dma_start3A_115, %dma_start3A_116, %dma_start3A_122] : memref<3x2x96xi32, #tpu.memory_space<vmem>> -> memref<1x1x96xi32, #tpu.memory_space<vmem>>
    %dma_start3A_124 = tpu.memref_squeeze %dma_start3A_123 : memref<1x1x96xi32, #tpu.memory_space<vmem>> -> memref<96xi32, #tpu.memory_space<vmem>>
    %dma_start3A_125 = arith.constant 0 : i32
    %dma_start3A_126 = arith.constant 0 : i32
    %dma_start3A_127 = tpu.memref_slice %arg3[%dma_start3A_125, %dma_start3A_126] : memref<10240x16xf32, #tpu.memory_space<hbm>> -> memref<10240x16xf32, #tpu.memory_space<hbm>>
    tpu.enqueue_indirect_dma source(%dma_start3A_127 : memref<10240x16xf32, #tpu.memory_space<hbm>>) target(%dma_start3A_121 : memref<96x16xf32, #tpu.memory_space<vmem>>) offsets(%dma_start3A_124 : memref<96xi32, #tpu.memory_space<vmem>>) semaphore(%arg15 : memref<!tpu.dma_semaphore, #tpu.memory_space<semaphore_mem>>)
    %dma_start3A_128 = arith.constant 0 : i32
    %dma_start3A_129 = arith.constant 1 : i32
    %dma_start3A_130 = arith.constant 0 : i32
    %dma_start3A_131 = arith.constant 0 : i32
    %dma_start3A_132 = arith.constant 0 : i32
    %dma_start3A_133 = tpu.memref_slice %arg13[%dma_start3A_130, %dma_start3A_131, %dma_start3A_132] : memref<2x96x16xf32, #tpu.memory_space<vmem>> -> memref<1x96x16xf32, #tpu.memory_space<vmem>>
    %dma_start3A_134 = tpu.memref_squeeze %dma_start3A_133 : memref<1x96x16xf32, #tpu.memory_space<vmem>> -> memref<96x16xf32, #tpu.memory_space<vmem>>
    %dma_start3A_135 = arith.constant 0 : i32
    %dma_start3A_136 = tpu.memref_slice %arg10[%dma_start3A_128, %dma_start3A_129, %dma_start3A_135] : memref<3x2x96xi32, #tpu.memory_space<vmem>> -> memref<1x1x96xi32, #tpu.memory_space<vmem>>
    %dma_start3A_137 = tpu.memref_squeeze %dma_start3A_136 : memref<1x1x96xi32, #tpu.memory_space<vmem>> -> memref<96xi32, #tpu.memory_space<vmem>>
    %dma_start3A_138 = arith.constant 0 : i32
    %dma_start3A_139 = arith.constant 0 : i32
    %dma_start3A_140 = tpu.memref_slice %arg3[%dma_start3A_138, %dma_start3A_139] : memref<10240x16xf32, #tpu.memory_space<hbm>> -> memref<10240x16xf32, #tpu.memory_space<hbm>>
    tpu.enqueue_indirect_dma source(%dma_start3A_140 : memref<10240x16xf32, #tpu.memory_space<hbm>>) target(%dma_start3A_134 : memref<96x16xf32, #tpu.memory_space<vmem>>) offsets(%dma_start3A_137 : memref<96xi32, #tpu.memory_space<vmem>>) semaphore(%arg15 : memref<!tpu.dma_semaphore, #tpu.memory_space<semaphore_mem>>)
    %scan3A_141 = arith.constant 0 : i32
    %scan3A_142 = arith.constant 0 : i32
    %scan3A_143 = arith.constant 108 : i32
    %scan3A_144 = arith.addi %scan3A_142, %scan3A_143 : i32
    %scan3A_145 = arith.constant 1 : i32
    %scan3A_146 = scf.for %scan3A_182 = %scan3A_142 to %scan3A_144 step %scan3A_145 iter_args(%scan3A_183 = %scan3A_141) -> (i32)  : i32 {
      %rem3A_184 = arith.constant 2 : i32
      %rem3A_185 = arith.remsi %scan3A_182, %rem3A_184 : i32
      %dma_wait3A_186 = arith.constant 0 : i32
      %dma_wait3A_187 = arith.constant 0 : i32
      %dma_wait3A_188 = arith.constant 0 : i32
      %dma_wait3A_189 = arith.constant 0 : i32
      %dma_wait3A_190 = tpu.memref_slice %arg11[%rem3A_185, %dma_wait3A_188, %dma_wait3A_189] : memref<2x96x32xf32, #tpu.memory_space<vmem>> -> memref<1x96x32xf32, #tpu.memory_space<vmem>>
      %dma_wait3A_191 = tpu.memref_squeeze %dma_wait3A_190 : memref<1x96x32xf32, #tpu.memory_space<vmem>> -> memref<96x32xf32, #tpu.memory_space<vmem>>
      %dma_wait3A_192 = arith.constant 0 : i32
      %dma_wait3A_193 = tpu.memref_slice %arg10[%dma_wait3A_186, %dma_wait3A_187, %dma_wait3A_192] : memref<3x2x96xi32, #tpu.memory_space<vmem>> -> memref<1x1x96xi32, #tpu.memory_space<vmem>>
      %dma_wait3A_194 = tpu.memref_squeeze %dma_wait3A_193 : memref<1x1x96xi32, #tpu.memory_space<vmem>> -> memref<96xi32, #tpu.memory_space<vmem>>
      %dma_wait3A_195 = arith.constant 0 : i32
      %dma_wait3A_196 = arith.constant 0 : i32
      %dma_wait3A_197 = tpu.memref_slice %arg2[%dma_wait3A_195, %dma_wait3A_196] : memref<10240x32xf32, #tpu.memory_space<hbm>> -> memref<10240x32xf32, #tpu.memory_space<hbm>>
      tpu.wait_indirect_dma semaphore(%arg15 : memref<!tpu.dma_semaphore, #tpu.memory_space<semaphore_mem>>) src(%dma_wait3A_197 : memref<10240x32xf32, #tpu.memory_space<hbm>>) dst(%dma_wait3A_191 : memref<96x32xf32, #tpu.memory_space<vmem>>)
      %dma_wait3A_198 = arith.constant 0 : i32
      %dma_wait3A_199 = arith.constant 0 : i32
      %dma_wait3A_200 = arith.constant 0 : i32
      %dma_wait3A_201 = arith.constant 0 : i32
      %dma_wait3A_202 = tpu.memref_slice %arg12[%rem3A_185, %dma_wait3A_200, %dma_wait3A_201] : memref<2x96x16xf32, #tpu.memory_space<vmem>> -> memref<1x96x16xf32, #tpu.memory_space<vmem>>
      %dma_wait3A_203 = tpu.memref_squeeze %dma_wait3A_202 : memref<1x96x16xf32, #tpu.memory_space<vmem>> -> memref<96x16xf32, #tpu.memory_space<vmem>>
      %dma_wait3A_204 = arith.constant 0 : i32
      %dma_wait3A_205 = tpu.memref_slice %arg10[%dma_wait3A_198, %dma_wait3A_199, %dma_wait3A_204] : memref<3x2x96xi32, #tpu.memory_space<vmem>> -> memref<1x1x96xi32, #tpu.memory_space<vmem>>
      %dma_wait3A_206 = tpu.memref_squeeze %dma_wait3A_205 : memref<1x1x96xi32, #tpu.memory_space<vmem>> -> memref<96xi32, #tpu.memory_space<vmem>>
      %dma_wait3A_207 = arith.constant 0 : i32
      %dma_wait3A_208 = arith.constant 0 : i32
      %dma_wait3A_209 = tpu.memref_slice %arg3[%dma_wait3A_207, %dma_wait3A_208] : memref<10240x16xf32, #tpu.memory_space<hbm>> -> memref<10240x16xf32, #tpu.memory_space<hbm>>
      tpu.wait_indirect_dma semaphore(%arg15 : memref<!tpu.dma_semaphore, #tpu.memory_space<semaphore_mem>>) src(%dma_wait3A_209 : memref<10240x16xf32, #tpu.memory_space<hbm>>) dst(%dma_wait3A_203 : memref<96x16xf32, #tpu.memory_space<vmem>>)
      %dma_wait3A_210 = arith.constant 0 : i32
      %dma_wait3A_211 = arith.constant 1 : i32
      %dma_wait3A_212 = arith.constant 0 : i32
      %dma_wait3A_213 = arith.constant 0 : i32
      %dma_wait3A_214 = tpu.memref_slice %arg13[%rem3A_185, %dma_wait3A_212, %dma_wait3A_213] : memref<2x96x16xf32, #tpu.memory_space<vmem>> -> memref<1x96x16xf32, #tpu.memory_space<vmem>>
      %dma_wait3A_215 = tpu.memref_squeeze %dma_wait3A_214 : memref<1x96x16xf32, #tpu.memory_space<vmem>> -> memref<96x16xf32, #tpu.memory_space<vmem>>
      %dma_wait3A_216 = arith.constant 0 : i32
      %dma_wait3A_217 = tpu.memref_slice %arg10[%dma_wait3A_210, %dma_wait3A_211, %dma_wait3A_216] : memref<3x2x96xi32, #tpu.memory_space<vmem>> -> memref<1x1x96xi32, #tpu.memory_space<vmem>>
      %dma_wait3A_218 = tpu.memref_squeeze %dma_wait3A_217 : memref<1x1x96xi32, #tpu.memory_space<vmem>> -> memref<96xi32, #tpu.memory_space<vmem>>
      %dma_wait3A_219 = arith.constant 0 : i32
      %dma_wait3A_220 = arith.constant 0 : i32
      %dma_wait3A_221 = tpu.memref_slice %arg3[%dma_wait3A_219, %dma_wait3A_220] : memref<10240x16xf32, #tpu.memory_space<hbm>> -> memref<10240x16xf32, #tpu.memory_space<hbm>>
      tpu.wait_indirect_dma semaphore(%arg15 : memref<!tpu.dma_semaphore, #tpu.memory_space<semaphore_mem>>) src(%dma_wait3A_221 : memref<10240x16xf32, #tpu.memory_space<hbm>>) dst(%dma_wait3A_215 : memref<96x16xf32, #tpu.memory_space<vmem>>)
      %ge3A = arith.constant 1 : i32
      %ge3A_222 = arith.cmpi sge, %scan3A_182, %ge3A : i32
      %convert_element_type3A = arith.extui %ge3A_222 : i1 to i32
      %cond3A = arith.constant 0 : i32
      %cond3A_223 = arith.cmpi ne, %convert_element_type3A, %cond3A : i32
      scf.if %cond3A_223 {
        %sub3A = arith.constant 1 : i32
        %sub3A_276 = arith.subi %sub3A, %rem3A_185 : i32
        %dma_wait3A_277 = arith.constant 0 : i32
        %dma_wait3A_278 = arith.constant 1 : i32
        %dma_wait3A_279 = arith.constant 0 : i32
        %dma_wait3A_280 = arith.constant 0 : i32
        %dma_wait3A_281 = tpu.memref_slice %arg11[%sub3A_276, %dma_wait3A_279, %dma_wait3A_280] : memref<2x96x32xf32, #tpu.memory_space<vmem>> -> memref<1x96x32xf32, #tpu.memory_space<vmem>>
        %dma_wait3A_282 = tpu.memref_squeeze %dma_wait3A_281 : memref<1x96x32xf32, #tpu.memory_space<vmem>> -> memref<96x32xf32, #tpu.memory_space<vmem>>
        %dma_wait3A_283 = arith.constant 0 : i32
        %dma_wait3A_284 = tpu.memref_slice %arg10[%dma_wait3A_277, %dma_wait3A_278, %dma_wait3A_283] : memref<3x2x96xi32, #tpu.memory_space<vmem>> -> memref<1x1x96xi32, #tpu.memory_space<vmem>>
        %dma_wait3A_285 = tpu.memref_squeeze %dma_wait3A_284 : memref<1x1x96xi32, #tpu.memory_space<vmem>> -> memref<96xi32, #tpu.memory_space<vmem>>
        %dma_wait3A_286 = arith.constant 0 : i32
        %dma_wait3A_287 = arith.constant 0 : i32
        %dma_wait3A_288 = tpu.memref_slice %arg8[%dma_wait3A_286, %dma_wait3A_287] : memref<10240x32xf32, #tpu.memory_space<vmem_shared>> -> memref<10240x32xf32, #tpu.memory_space<vmem_shared>>
        tpu.wait_indirect_dma semaphore(%arg16 : memref<!tpu.dma_semaphore, #tpu.memory_space<semaphore_mem>>) src(%dma_wait3A_282 : memref<96x32xf32, #tpu.memory_space<vmem>>) dst(%dma_wait3A_288 : memref<10240x32xf32, #tpu.memory_space<vmem_shared>>)
        %dma_wait3A_289 = arith.constant 0 : i32
        %dma_wait3A_290 = arith.constant 1 : i32
        %dma_wait3A_291 = arith.constant 0 : i32
        %dma_wait3A_292 = arith.constant 0 : i32
        %dma_wait3A_293 = tpu.memref_slice %arg14[%sub3A_276, %dma_wait3A_291, %dma_wait3A_292] : memref<2x96x16xf32, #tpu.memory_space<vmem>> -> memref<1x96x16xf32, #tpu.memory_space<vmem>>
        %dma_wait3A_294 = tpu.memref_squeeze %dma_wait3A_293 : memref<1x96x16xf32, #tpu.memory_space<vmem>> -> memref<96x16xf32, #tpu.memory_space<vmem>>
        %dma_wait3A_295 = arith.constant 0 : i32
        %dma_wait3A_296 = tpu.memref_slice %arg10[%dma_wait3A_289, %dma_wait3A_290, %dma_wait3A_295] : memref<3x2x96xi32, #tpu.memory_space<vmem>> -> memref<1x1x96xi32, #tpu.memory_space<vmem>>
        %dma_wait3A_297 = tpu.memref_squeeze %dma_wait3A_296 : memref<1x1x96xi32, #tpu.memory_space<vmem>> -> memref<96xi32, #tpu.memory_space<vmem>>
        %dma_wait3A_298 = arith.constant 0 : i32
        %dma_wait3A_299 = arith.constant 0 : i32
        %dma_wait3A_300 = tpu.memref_slice %arg9[%dma_wait3A_298, %dma_wait3A_299] : memref<10240x16xf32, #tpu.memory_space<vmem_shared>> -> memref<10240x16xf32, #tpu.memory_space<vmem_shared>>
        tpu.wait_indirect_dma semaphore(%arg16 : memref<!tpu.dma_semaphore, #tpu.memory_space<semaphore_mem>>) src(%dma_wait3A_294 : memref<96x16xf32, #tpu.memory_space<vmem>>) dst(%dma_wait3A_300 : memref<10240x16xf32, #tpu.memory_space<vmem_shared>>)
      } else {
      }
      %add3A_224 = arith.constant 1 : i32
      %add3A_225 = arith.addi %scan3A_182, %add3A_224 : i32
      %lt3A = arith.constant 108 : i32
      %lt3A_226 = arith.cmpi slt, %add3A_225, %lt3A : i32
      %convert_element_type3A_227 = arith.extui %lt3A_226 : i1 to i32
      %cond3A_228 = arith.constant 0 : i32
      %cond3A_229 = arith.cmpi ne, %convert_element_type3A_227, %cond3A_228 : i32
      scf.if %cond3A_229 {
        %add3A_276 = arith.constant 1 : i32
        %add3A_277 = arith.addi %scan3A_182, %add3A_276 : i32
        %rem3A_278 = arith.constant 3 : i32
        %rem3A_279 = arith.remsi %add3A_277, %rem3A_278 : i32
        %dma_wait3A_280 = arith.constant 0 : i32
        %dma_wait3A_281 = arith.constant 0 : i32
        %dma_wait3A_282 = arith.constant 0 : i32
        %dma_wait3A_283 = tpu.memref_slice %arg10[%rem3A_279, %dma_wait3A_281, %dma_wait3A_282] : memref<3x2x96xi32, #tpu.memory_space<vmem>> -> memref<1x1x96xi32, #tpu.memory_space<vmem>>
        %dma_wait3A_284 = tpu.memref_squeeze %dma_wait3A_283 : memref<1x1x96xi32, #tpu.memory_space<vmem>> -> memref<96xi32, #tpu.memory_space<vmem>>
        %dma_wait3A_285 = arith.constant 0 : i32
        %dma_wait3A_286 = tpu.memref_slice %arg4[%add3A, %dma_wait3A_280, %dma_wait3A_285] : memref<32x108x96xi32, #tpu.memory_space<hbm>> -> memref<1x1x96xi32, #tpu.memory_space<hbm>>
        %dma_wait3A_287 = tpu.memref_squeeze %dma_wait3A_286 : memref<1x1x96xi32, #tpu.memory_space<hbm>> -> memref<96xi32, #tpu.memory_space<hbm>>
        %dma_wait3A_288 = arith.constant 0 : i32
        %dma_wait3A_289 = tpu.memref_slice %arg10[%rem3A_279, %dma_wait3A_281, %dma_wait3A_288] : memref<3x2x96xi32, #tpu.memory_space<vmem>> -> memref<1x1x96xi32, #tpu.memory_space<vmem>>
        %dma_wait3A_290 = tpu.memref_squeeze %dma_wait3A_289 : memref<1x1x96xi32, #tpu.memory_space<vmem>> -> memref<96xi32, #tpu.memory_space<vmem>>
        %dma_wait3A_291 = arith.constant 0 : i32
        %dma_wait3A_292 = tpu.memref_slice %arg4[%add3A, %dma_wait3A_280, %dma_wait3A_291] : memref<32x108x96xi32, #tpu.memory_space<hbm>> -> memref<1x1x96xi32, #tpu.memory_space<hbm>>
        %dma_wait3A_293 = tpu.memref_squeeze %dma_wait3A_292 : memref<1x1x96xi32, #tpu.memory_space<hbm>> -> memref<96xi32, #tpu.memory_space<hbm>>
        tpu.wait_dma2 semaphore(%arg17 : memref<!tpu.dma_semaphore, #tpu.memory_space<semaphore_mem>>) src(%dma_wait3A_293 : memref<96xi32, #tpu.memory_space<hbm>>) dst(%dma_wait3A_290 : memref<96xi32, #tpu.memory_space<vmem>>)
        %dma_wait3A_294 = arith.constant 0 : i32
        %dma_wait3A_295 = arith.constant 1 : i32
        %dma_wait3A_296 = arith.constant 0 : i32
        %dma_wait3A_297 = tpu.memref_slice %arg10[%rem3A_279, %dma_wait3A_295, %dma_wait3A_296] : memref<3x2x96xi32, #tpu.memory_space<vmem>> -> memref<1x1x96xi32, #tpu.memory_space<vmem>>
        %dma_wait3A_298 = tpu.memref_squeeze %dma_wait3A_297 : memref<1x1x96xi32, #tpu.memory_space<vmem>> -> memref<96xi32, #tpu.memory_space<vmem>>
        %dma_wait3A_299 = arith.constant 0 : i32
        %dma_wait3A_300 = tpu.memref_slice %arg4[%add3A, %dma_wait3A_294, %dma_wait3A_299] : memref<32x108x96xi32, #tpu.memory_space<hbm>> -> memref<1x1x96xi32, #tpu.memory_space<hbm>>
        %dma_wait3A_301 = tpu.memref_squeeze %dma_wait3A_300 : memref<1x1x96xi32, #tpu.memory_space<hbm>> -> memref<96xi32, #tpu.memory_space<hbm>>
        %dma_wait3A_302 = arith.constant 0 : i32
        %dma_wait3A_303 = tpu.memref_slice %arg10[%rem3A_279, %dma_wait3A_295, %dma_wait3A_302] : memref<3x2x96xi32, #tpu.memory_space<vmem>> -> memref<1x1x96xi32, #tpu.memory_space<vmem>>
        %dma_wait3A_304 = tpu.memref_squeeze %dma_wait3A_303 : memref<1x1x96xi32, #tpu.memory_space<vmem>> -> memref<96xi32, #tpu.memory_space<vmem>>
        %dma_wait3A_305 = arith.constant 0 : i32
        %dma_wait3A_306 = tpu.memref_slice %arg4[%add3A, %dma_wait3A_294, %dma_wait3A_305] : memref<32x108x96xi32, #tpu.memory_space<hbm>> -> memref<1x1x96xi32, #tpu.memory_space<hbm>>
        %dma_wait3A_307 = tpu.memref_squeeze %dma_wait3A_306 : memref<1x1x96xi32, #tpu.memory_space<hbm>> -> memref<96xi32, #tpu.memory_space<hbm>>
        tpu.wait_dma2 semaphore(%arg17 : memref<!tpu.dma_semaphore, #tpu.memory_space<semaphore_mem>>) src(%dma_wait3A_307 : memref<96xi32, #tpu.memory_space<hbm>>) dst(%dma_wait3A_304 : memref<96xi32, #tpu.memory_space<vmem>>)
        %add3A_308 = arith.constant 1 : i32
        %add3A_309 = arith.addi %scan3A_182, %add3A_308 : i32
        %rem3A_310 = arith.constant 3 : i32
        %rem3A_311 = arith.remsi %add3A_309, %rem3A_310 : i32
        %sub3A = arith.constant 1 : i32
        %sub3A_312 = arith.subi %sub3A, %rem3A_185 : i32
        %dma_start3A_313 = arith.constant 0 : i32
        %dma_start3A_314 = arith.constant 0 : i32
        %dma_start3A_315 = arith.constant 0 : i32
        %dma_start3A_316 = tpu.memref_slice %arg11[%sub3A_312, %dma_start3A_314, %dma_start3A_315] : memref<2x96x32xf32, #tpu.memory_space<vmem>> -> memref<1x96x32xf32, #tpu.memory_space<vmem>>
        %dma_start3A_317 = tpu.memref_squeeze %dma_start3A_316 : memref<1x96x32xf32, #tpu.memory_space<vmem>> -> memref<96x32xf32, #tpu.memory_space<vmem>>
        %dma_start3A_318 = arith.constant 0 : i32
        %dma_start3A_319 = tpu.memref_slice %arg10[%rem3A_311, %dma_start3A_313, %dma_start3A_318] : memref<3x2x96xi32, #tpu.memory_space<vmem>> -> memref<1x1x96xi32, #tpu.memory_space<vmem>>
        %dma_start3A_320 = tpu.memref_squeeze %dma_start3A_319 : memref<1x1x96xi32, #tpu.memory_space<vmem>> -> memref<96xi32, #tpu.memory_space<vmem>>
        %dma_start3A_321 = arith.constant 0 : i32
        %dma_start3A_322 = arith.constant 0 : i32
        %dma_start3A_323 = tpu.memref_slice %arg2[%dma_start3A_321, %dma_start3A_322] : memref<10240x32xf32, #tpu.memory_space<hbm>> -> memref<10240x32xf32, #tpu.memory_space<hbm>>
        tpu.enqueue_indirect_dma source(%dma_start3A_323 : memref<10240x32xf32, #tpu.memory_space<hbm>>) target(%dma_start3A_317 : memref<96x32xf32, #tpu.memory_space<vmem>>) offsets(%dma_start3A_320 : memref<96xi32, #tpu.memory_space<vmem>>) semaphore(%arg15 : memref<!tpu.dma_semaphore, #tpu.memory_space<semaphore_mem>>)
        %dma_start3A_324 = arith.constant 0 : i32
        %dma_start3A_325 = arith.constant 0 : i32
        %dma_start3A_326 = arith.constant 0 : i32
        %dma_start3A_327 = tpu.memref_slice %arg12[%sub3A_312, %dma_start3A_325, %dma_start3A_326] : memref<2x96x16xf32, #tpu.memory_space<vmem>> -> memref<1x96x16xf32, #tpu.memory_space<vmem>>
        %dma_start3A_328 = tpu.memref_squeeze %dma_start3A_327 : memref<1x96x16xf32, #tpu.memory_space<vmem>> -> memref<96x16xf32, #tpu.memory_space<vmem>>
        %dma_start3A_329 = arith.constant 0 : i32
        %dma_start3A_330 = tpu.memref_slice %arg10[%rem3A_311, %dma_start3A_324, %dma_start3A_329] : memref<3x2x96xi32, #tpu.memory_space<vmem>> -> memref<1x1x96xi32, #tpu.memory_space<vmem>>
        %dma_start3A_331 = tpu.memref_squeeze %dma_start3A_330 : memref<1x1x96xi32, #tpu.memory_space<vmem>> -> memref<96xi32, #tpu.memory_space<vmem>>
        %dma_start3A_332 = arith.constant 0 : i32
        %dma_start3A_333 = arith.constant 0 : i32
        %dma_start3A_334 = tpu.memref_slice %arg3[%dma_start3A_332, %dma_start3A_333] : memref<10240x16xf32, #tpu.memory_space<hbm>> -> memref<10240x16xf32, #tpu.memory_space<hbm>>
        tpu.enqueue_indirect_dma source(%dma_start3A_334 : memref<10240x16xf32, #tpu.memory_space<hbm>>) target(%dma_start3A_328 : memref<96x16xf32, #tpu.memory_space<vmem>>) offsets(%dma_start3A_331 : memref<96xi32, #tpu.memory_space<vmem>>) semaphore(%arg15 : memref<!tpu.dma_semaphore, #tpu.memory_space<semaphore_mem>>)
        %dma_start3A_335 = arith.constant 1 : i32
        %dma_start3A_336 = arith.constant 0 : i32
        %dma_start3A_337 = arith.constant 0 : i32
        %dma_start3A_338 = tpu.memref_slice %arg13[%sub3A_312, %dma_start3A_336, %dma_start3A_337] : memref<2x96x16xf32, #tpu.memory_space<vmem>> -> memref<1x96x16xf32, #tpu.memory_space<vmem>>
        %dma_start3A_339 = tpu.memref_squeeze %dma_start3A_338 : memref<1x96x16xf32, #tpu.memory_space<vmem>> -> memref<96x16xf32, #tpu.memory_space<vmem>>
        %dma_start3A_340 = arith.constant 0 : i32
        %dma_start3A_341 = tpu.memref_slice %arg10[%rem3A_311, %dma_start3A_335, %dma_start3A_340] : memref<3x2x96xi32, #tpu.memory_space<vmem>> -> memref<1x1x96xi32, #tpu.memory_space<vmem>>
        %dma_start3A_342 = tpu.memref_squeeze %dma_start3A_341 : memref<1x1x96xi32, #tpu.memory_space<vmem>> -> memref<96xi32, #tpu.memory_space<vmem>>
        %dma_start3A_343 = arith.constant 0 : i32
        %dma_start3A_344 = arith.constant 0 : i32
        %dma_start3A_345 = tpu.memref_slice %arg3[%dma_start3A_343, %dma_start3A_344] : memref<10240x16xf32, #tpu.memory_space<hbm>> -> memref<10240x16xf32, #tpu.memory_space<hbm>>
        tpu.enqueue_indirect_dma source(%dma_start3A_345 : memref<10240x16xf32, #tpu.memory_space<hbm>>) target(%dma_start3A_339 : memref<96x16xf32, #tpu.memory_space<vmem>>) offsets(%dma_start3A_342 : memref<96xi32, #tpu.memory_space<vmem>>) semaphore(%arg15 : memref<!tpu.dma_semaphore, #tpu.memory_space<semaphore_mem>>)
      } else {
      }
      %add3A_230 = arith.constant 2 : i32
      %add3A_231 = arith.addi %scan3A_182, %add3A_230 : i32
      %lt3A_232 = arith.constant 108 : i32
      %lt3A_233 = arith.cmpi slt, %add3A_231, %lt3A_232 : i32
      %convert_element_type3A_234 = arith.extui %lt3A_233 : i1 to i32
      %cond3A_235 = arith.constant 0 : i32
      %cond3A_236 = arith.cmpi ne, %convert_element_type3A_234, %cond3A_235 : i32
      scf.if %cond3A_236 {
        %add3A_276 = arith.constant 2 : i32
        %add3A_277 = arith.addi %scan3A_182, %add3A_276 : i32
        %add3A_278 = arith.constant 2 : i32
        %add3A_279 = arith.addi %scan3A_182, %add3A_278 : i32
        %rem3A_280 = arith.constant 3 : i32
        %rem3A_281 = arith.remsi %add3A_279, %rem3A_280 : i32
        %dma_start3A_282 = arith.constant 0 : i32
        %dma_start3A_283 = arith.constant 0 : i32
        %dma_start3A_284 = tpu.memref_slice %arg10[%rem3A_281, %dma_start3A_282, %dma_start3A_283] : memref<3x2x96xi32, #tpu.memory_space<vmem>> -> memref<1x1x96xi32, #tpu.memory_space<vmem>>
        %dma_start3A_285 = tpu.memref_squeeze %dma_start3A_284 : memref<1x1x96xi32, #tpu.memory_space<vmem>> -> memref<96xi32, #tpu.memory_space<vmem>>
        %dma_start3A_286 = arith.constant 0 : i32
        %dma_start3A_287 = tpu.memref_slice %arg4[%add3A, %add3A_277, %dma_start3A_286] : memref<32x108x96xi32, #tpu.memory_space<hbm>> -> memref<1x1x96xi32, #tpu.memory_space<hbm>>
        %dma_start3A_288 = tpu.memref_squeeze %dma_start3A_287 : memref<1x1x96xi32, #tpu.memory_space<hbm>> -> memref<96xi32, #tpu.memory_space<hbm>>
        %dma_start3A_289 = arith.constant 0 : i32
        %dma_start3A_290 = tpu.memref_slice %arg10[%rem3A_281, %dma_start3A_282, %dma_start3A_289] : memref<3x2x96xi32, #tpu.memory_space<vmem>> -> memref<1x1x96xi32, #tpu.memory_space<vmem>>
        %dma_start3A_291 = tpu.memref_squeeze %dma_start3A_290 : memref<1x1x96xi32, #tpu.memory_space<vmem>> -> memref<96xi32, #tpu.memory_space<vmem>>
        %dma_start3A_292 = arith.constant 0 : i32
        %dma_start3A_293 = tpu.memref_slice %arg4[%add3A, %add3A_277, %dma_start3A_292] : memref<32x108x96xi32, #tpu.memory_space<hbm>> -> memref<1x1x96xi32, #tpu.memory_space<hbm>>
        %dma_start3A_294 = tpu.memref_squeeze %dma_start3A_293 : memref<1x1x96xi32, #tpu.memory_space<hbm>> -> memref<96xi32, #tpu.memory_space<hbm>>
        tpu.enqueue_dma source(%dma_start3A_294 : memref<96xi32, #tpu.memory_space<hbm>>) target(%dma_start3A_291 : memref<96xi32, #tpu.memory_space<vmem>>) target_semaphore(%arg17 : memref<!tpu.dma_semaphore, #tpu.memory_space<semaphore_mem>>)
        %dma_start3A_295 = arith.constant 1 : i32
        %dma_start3A_296 = arith.constant 0 : i32
        %dma_start3A_297 = tpu.memref_slice %arg10[%rem3A_281, %dma_start3A_295, %dma_start3A_296] : memref<3x2x96xi32, #tpu.memory_space<vmem>> -> memref<1x1x96xi32, #tpu.memory_space<vmem>>
        %dma_start3A_298 = tpu.memref_squeeze %dma_start3A_297 : memref<1x1x96xi32, #tpu.memory_space<vmem>> -> memref<96xi32, #tpu.memory_space<vmem>>
        %dma_start3A_299 = arith.constant 0 : i32
        %dma_start3A_300 = tpu.memref_slice %arg5[%add3A, %add3A_277, %dma_start3A_299] : memref<32x108x96xi32, #tpu.memory_space<hbm>> -> memref<1x1x96xi32, #tpu.memory_space<hbm>>
        %dma_start3A_301 = tpu.memref_squeeze %dma_start3A_300 : memref<1x1x96xi32, #tpu.memory_space<hbm>> -> memref<96xi32, #tpu.memory_space<hbm>>
        %dma_start3A_302 = arith.constant 0 : i32
        %dma_start3A_303 = tpu.memref_slice %arg10[%rem3A_281, %dma_start3A_295, %dma_start3A_302] : memref<3x2x96xi32, #tpu.memory_space<vmem>> -> memref<1x1x96xi32, #tpu.memory_space<vmem>>
        %dma_start3A_304 = tpu.memref_squeeze %dma_start3A_303 : memref<1x1x96xi32, #tpu.memory_space<vmem>> -> memref<96xi32, #tpu.memory_space<vmem>>
        %dma_start3A_305 = arith.constant 0 : i32
        %dma_start3A_306 = tpu.memref_slice %arg5[%add3A, %add3A_277, %dma_start3A_305] : memref<32x108x96xi32, #tpu.memory_space<hbm>> -> memref<1x1x96xi32, #tpu.memory_space<hbm>>
        %dma_start3A_307 = tpu.memref_squeeze %dma_start3A_306 : memref<1x1x96xi32, #tpu.memory_space<hbm>> -> memref<96xi32, #tpu.memory_space<hbm>>
        tpu.enqueue_dma source(%dma_start3A_307 : memref<96xi32, #tpu.memory_space<hbm>>) target(%dma_start3A_304 : memref<96xi32, #tpu.memory_space<vmem>>) target_semaphore(%arg17 : memref<!tpu.dma_semaphore, #tpu.memory_space<semaphore_mem>>)
      } else {
      }
      %scan3A_237 = arith.constant 0 : i32
      %scan3A_238 = arith.constant 0 : i32
      %scan3A_239 = arith.constant 6 : i32
      %scan3A_240 = arith.addi %scan3A_238, %scan3A_239 : i32
      %scan3A_241 = arith.constant 1 : i32
      %scan3A_242 = scf.for %scan3A_276 = %scan3A_238 to %scan3A_240 step %scan3A_241 iter_args(%scan3A_277 = %scan3A_237) -> (i32)  : i32 {
        %mul3A_278 = arith.constant 16 : i32
        %mul3A_279 = arith.muli %scan3A_276, %mul3A_278 : i32
        %add3A_280 = vector.broadcast %mul3A_279 : i32 to vector<16xi32>
        %add3A_281 = arith.addi %add3A_280, %iota3A : vector<16xi32>
        %broadcast_in_dim3A_282 = arith.constant 0 : i32
        %broadcast_in_dim3A_283 = vector.broadcast %broadcast_in_dim3A_282 : i32 to vector<16xi32>
        %broadcast_in_dim3A_284 = arith.constant 1 : i32
        %broadcast_in_dim3A_285 = vector.broadcast %broadcast_in_dim3A_284 : i32 to vector<16xi32>
        %gather3A = arith.constant 0 : i32
        %gather3A_286 = arith.constant 0 : i32
        %gather3A_287 = tpu.memref_slice %arg12[%rem3A_185, %gather3A, %gather3A_286] : memref<2x96x16xf32, #tpu.memory_space<vmem>> -> memref<1x96x16xf32, #tpu.memory_space<vmem>>
        %gather3A_288 = tpu.memref_squeeze %gather3A_287 : memref<1x96x16xf32, #tpu.memory_space<vmem>> -> memref<96x16xf32, #tpu.memory_space<vmem>>
        %gather3A_289 = tpu.vector_load_idx %gather3A_288[%add3A_281, %broadcast_in_dim3A_283] : memref<96x16xf32, #tpu.memory_space<vmem>>[vector<16xi32>, vector<16xi32>], vector<16xf32>,
        %gather3A_290 = arith.constant 0 : i32
        %gather3A_291 = arith.constant 0 : i32
        %gather3A_292 = tpu.memref_slice %arg13[%rem3A_185, %gather3A_290, %gather3A_291] : memref<2x96x16xf32, #tpu.memory_space<vmem>> -> memref<1x96x16xf32, #tpu.memory_space<vmem>>
        %gather3A_293 = tpu.memref_squeeze %gather3A_292 : memref<1x96x16xf32, #tpu.memory_space<vmem>> -> memref<96x16xf32, #tpu.memory_space<vmem>>
        %gather3A_294 = tpu.vector_load_idx %gather3A_293[%add3A_281, %broadcast_in_dim3A_285] : memref<96x16xf32, #tpu.memory_space<vmem>>[vector<16xi32>, vector<16xi32>], vector<16xf32>,
        %add3A_295 = arith.addf %gather3A_289, %gather3A_294 : vector<16xf32>
        %lt3A_296 = arith.constant 0.000000e+00 : f32
        %lt3A_297 = vector.broadcast %lt3A_296 : f32 to vector<16xf32>
        %lt3A_298 = arith.cmpf olt, %add3A_295, %lt3A_297 : vector<16xf32>
        %mul3A_299 = arith.constant 2.000000e-01 : f32
        %mul3A_300 = vector.broadcast %mul3A_299 : f32 to vector<16xf32>
        %mul3A_301 = arith.mulf %add3A_295, %mul3A_300 : vector<16xf32>
        %select_n3A = arith.select %lt3A_298, %mul3A_301, %add3A_295 : vector<16xi1>, vector<16xf32>
        %exp3A = math.exp %select_n3A : vector<16xf32>
        %scatter3A = arith.constant 0 : i32
        %scatter3A_302 = arith.constant 0 : i32
        %scatter3A_303 = tpu.memref_slice %arg14[%rem3A_185, %scatter3A, %scatter3A_302] : memref<2x96x16xf32, #tpu.memory_space<vmem>> -> memref<1x96x16xf32, #tpu.memory_space<vmem>>
        %scatter3A_304 = tpu.memref_squeeze %scatter3A_303 : memref<1x96x16xf32, #tpu.memory_space<vmem>> -> memref<96x16xf32, #tpu.memory_space<vmem>>
        tpu.vector_store_idx %scatter3A_304[%add3A_281, %broadcast_in_dim3A_283], %exp3A : memref<96x16xf32, #tpu.memory_space<vmem>>[vector<16xi32>, vector<16xi32>], vector<16xf32>,
        %scan3A_305 = arith.constant 0 : i32
        scf.yield %scan3A_305 : i32
      }
      %scan3A_243 = arith.constant 6 : i32
      %scan3A_244 = arith.constant 0 : i32
      %scan3A_245 = arith.constant 0 : i32
      %scan3A_246 = arith.constant 96 : i32
      %scan3A_247 = arith.addi %scan3A_245, %scan3A_246 : i32
      %scan3A_248 = arith.constant 1 : i32
      %scan3A_249 = scf.for %scan3A_276 = %scan3A_245 to %scan3A_247 step %scan3A_248 iter_args(%scan3A_277 = %scan3A_244) -> (i32)  : i32 {
        %get3A = arith.constant 0 : i32
        %get3A_278 = arith.constant 0 : i32
        %get3A_279 = tpu.memref_slice %arg14[%rem3A_185, %get3A, %get3A_278] : memref<2x96x16xf32, #tpu.memory_space<vmem>> -> memref<1x96x16xf32, #tpu.memory_space<vmem>>
        %get3A_280 = tpu.memref_squeeze %get3A_279 : memref<1x96x16xf32, #tpu.memory_space<vmem>> -> memref<96x16xf32, #tpu.memory_space<vmem>>
        %get3A_281 = arith.index_cast %scan3A_276 : i32 to index
        %get3A_282 = arith.constant 0 : index
        %get3A_283 = tpu.vector_load %get3A_280[%get3A_281, %get3A_282] {strides = array<i32>} : memref<96x16xf32, #tpu.memory_space<vmem>>, vector<16xf32>,
        %slice3A = vector.extract_strided_slice %get3A_283 {offsets = [0], sizes = [1], strides = [1]} : vector<16xf32> to vector<1xf32>
        %squeeze3A = vector.extract %slice3A[0] : f32 from vector<1xf32>
        %get3A_284 = arith.constant 0 : i32
        %get3A_285 = arith.constant 0 : i32
        %get3A_286 = tpu.memref_slice %arg11[%rem3A_185, %get3A_284, %get3A_285] : memref<2x96x32xf32, #tpu.memory_space<vmem>> -> memref<1x96x32xf32, #tpu.memory_space<vmem>>
        %get3A_287 = tpu.memref_squeeze %get3A_286 : memref<1x96x32xf32, #tpu.memory_space<vmem>> -> memref<96x32xf32, #tpu.memory_space<vmem>>
        %get3A_288 = arith.index_cast %scan3A_276 : i32 to index
        %get3A_289 = arith.constant 0 : index
        %get3A_290 = tpu.vector_load %get3A_287[%get3A_288, %get3A_289] {strides = array<i32>} : memref<96x32xf32, #tpu.memory_space<vmem>>, vector<16xf32>,
        %mul3A_291 = vector.broadcast %squeeze3A : f32 to vector<16xf32>
        %mul3A_292 = arith.mulf %get3A_290, %mul3A_291 : vector<16xf32>
        %swap3A = arith.constant 0 : i32
        %swap3A_293 = arith.constant 0 : i32
        %swap3A_294 = tpu.memref_slice %arg11[%rem3A_185, %swap3A, %swap3A_293] : memref<2x96x32xf32, #tpu.memory_space<vmem>> -> memref<1x96x32xf32, #tpu.memory_space<vmem>>
        %swap3A_295 = tpu.memref_squeeze %swap3A_294 : memref<1x96x32xf32, #tpu.memory_space<vmem>> -> memref<96x32xf32, #tpu.memory_space<vmem>>
        %swap3A_296 = arith.index_cast %scan3A_276 : i32 to index
        %swap3A_297 = arith.constant 0 : index
        %swap3A_298 = tpu.vector_load %swap3A_295[%swap3A_296, %swap3A_297] {strides = array<i32>} : memref<96x32xf32, #tpu.memory_space<vmem>>, vector<16xf32>,
        tpu.vector_store %swap3A_295[%swap3A_296, %swap3A_297], %mul3A_292 {strides = array<i32>} : memref<96x32xf32, #tpu.memory_space<vmem>>, vector<16xf32>,
        %get3A_299 = arith.constant 0 : i32
        %get3A_300 = arith.constant 0 : i32
        %get3A_301 = tpu.memref_slice %arg11[%rem3A_185, %get3A_299, %get3A_300] : memref<2x96x32xf32, #tpu.memory_space<vmem>> -> memref<1x96x32xf32, #tpu.memory_space<vmem>>
        %get3A_302 = tpu.memref_squeeze %get3A_301 : memref<1x96x32xf32, #tpu.memory_space<vmem>> -> memref<96x32xf32, #tpu.memory_space<vmem>>
        %get3A_303 = arith.index_cast %scan3A_276 : i32 to index
        %get3A_304 = arith.constant 16 : index
        %get3A_305 = tpu.vector_load %get3A_302[%get3A_303, %get3A_304] {strides = array<i32>} : memref<96x32xf32, #tpu.memory_space<vmem>>, vector<16xf32>,
        %mul3A_306 = vector.broadcast %squeeze3A : f32 to vector<16xf32>
        %mul3A_307 = arith.mulf %get3A_305, %mul3A_306 : vector<16xf32>
        %swap3A_308 = arith.constant 0 : i32
        %swap3A_309 = arith.constant 0 : i32
        %swap3A_310 = tpu.memref_slice %arg11[%rem3A_185, %swap3A_308, %swap3A_309] : memref<2x96x32xf32, #tpu.memory_space<vmem>> -> memref<1x96x32xf32, #tpu.memory_space<vmem>>
        %swap3A_311 = tpu.memref_squeeze %swap3A_310 : memref<1x96x32xf32, #tpu.memory_space<vmem>> -> memref<96x32xf32, #tpu.memory_space<vmem>>
        %swap3A_312 = arith.index_cast %scan3A_276 : i32 to index
        %swap3A_313 = arith.constant 16 : index
        %swap3A_314 = tpu.vector_load %swap3A_311[%swap3A_312, %swap3A_313] {strides = array<i32>} : memref<96x32xf32, #tpu.memory_space<vmem>>, vector<16xf32>,
        tpu.vector_store %swap3A_311[%swap3A_312, %swap3A_313], %mul3A_307 {strides = array<i32>} : memref<96x32xf32, #tpu.memory_space<vmem>>, vector<16xf32>,
        %scan3A_315 = arith.constant 0 : i32
        scf.yield %scan3A_315 : i32
      }
      %scan3A_250 = arith.constant 96 : i32
      %rem3A_251 = arith.constant 3 : i32
      %rem3A_252 = arith.remsi %scan3A_182, %rem3A_251 : i32
      %dma_start3A_253 = arith.constant 1 : i32
      %dma_start3A_254 = arith.constant 0 : i32
      %dma_start3A_255 = arith.constant 0 : i32
      %dma_start3A_256 = tpu.memref_slice %arg11[%rem3A_185, %dma_start3A_254, %dma_start3A_255] : memref<2x96x32xf32, #tpu.memory_space<vmem>> -> memref<1x96x32xf32, #tpu.memory_space<vmem>>
      %dma_start3A_257 = tpu.memref_squeeze %dma_start3A_256 : memref<1x96x32xf32, #tpu.memory_space<vmem>> -> memref<96x32xf32, #tpu.memory_space<vmem>>
      %dma_start3A_258 = arith.constant 0 : i32
      %dma_start3A_259 = tpu.memref_slice %arg10[%rem3A_252, %dma_start3A_253, %dma_start3A_258] : memref<3x2x96xi32, #tpu.memory_space<vmem>> -> memref<1x1x96xi32, #tpu.memory_space<vmem>>
      %dma_start3A_260 = tpu.memref_squeeze %dma_start3A_259 : memref<1x1x96xi32, #tpu.memory_space<vmem>> -> memref<96xi32, #tpu.memory_space<vmem>>
      %dma_start3A_261 = arith.constant 0 : i32
      %dma_start3A_262 = arith.constant 0 : i32
      %dma_start3A_263 = tpu.memref_slice %arg8[%dma_start3A_261, %dma_start3A_262] : memref<10240x32xf32, #tpu.memory_space<vmem_shared>> -> memref<10240x32xf32, #tpu.memory_space<vmem_shared>>
      tpu.enqueue_indirect_dma source(%dma_start3A_257 : memref<96x32xf32, #tpu.memory_space<vmem>>) target(%dma_start3A_263 : memref<10240x32xf32, #tpu.memory_space<vmem_shared>>) offsets(%dma_start3A_260 : memref<96xi32, #tpu.memory_space<vmem>>) semaphore(%arg16 : memref<!tpu.dma_semaphore, #tpu.memory_space<semaphore_mem>>) {add = true}
      %dma_start3A_264 = arith.constant 1 : i32
      %dma_start3A_265 = arith.constant 0 : i32
      %dma_start3A_266 = arith.constant 0 : i32
      %dma_start3A_267 = tpu.memref_slice %arg14[%rem3A_185, %dma_start3A_265, %dma_start3A_266] : memref<2x96x16xf32, #tpu.memory_space<vmem>> -> memref<1x96x16xf32, #tpu.memory_space<vmem>>
      %dma_start3A_268 = tpu.memref_squeeze %dma_start3A_267 : memref<1x96x16xf32, #tpu.memory_space<vmem>> -> memref<96x16xf32, #tpu.memory_space<vmem>>
      %dma_start3A_269 = arith.constant 0 : i32
      %dma_start3A_270 = tpu.memref_slice %arg10[%rem3A_252, %dma_start3A_264, %dma_start3A_269] : memref<3x2x96xi32, #tpu.memory_space<vmem>> -> memref<1x1x96xi32, #tpu.memory_space<vmem>>
      %dma_start3A_271 = tpu.memref_squeeze %dma_start3A_270 : memref<1x1x96xi32, #tpu.memory_space<vmem>> -> memref<96xi32, #tpu.memory_space<vmem>>
      %dma_start3A_272 = arith.constant 0 : i32
      %dma_start3A_273 = arith.constant 0 : i32
      %dma_start3A_274 = tpu.memref_slice %arg9[%dma_start3A_272, %dma_start3A_273] : memref<10240x16xf32, #tpu.memory_space<vmem_shared>> -> memref<10240x16xf32, #tpu.memory_space<vmem_shared>>
      tpu.enqueue_indirect_dma source(%dma_start3A_268 : memref<96x16xf32, #tpu.memory_space<vmem>>) target(%dma_start3A_274 : memref<10240x16xf32, #tpu.memory_space<vmem_shared>>) offsets(%dma_start3A_271 : memref<96xi32, #tpu.memory_space<vmem>>) semaphore(%arg16 : memref<!tpu.dma_semaphore, #tpu.memory_space<semaphore_mem>>) {add = true}
      %scan3A_275 = arith.constant 0 : i32
      scf.yield %scan3A_275 : i32
    }
    %scan3A_147 = arith.constant 108 : i32
    %rem3A = arith.constant 107 : i32
    %rem3A_148 = arith.constant 2 : i32
    %rem3A_149 = arith.remsi %rem3A, %rem3A_148 : i32
    %dma_wait3A = arith.constant 0 : i32
    %dma_wait3A_150 = arith.constant 1 : i32
    %dma_wait3A_151 = arith.constant 0 : i32
    %dma_wait3A_152 = arith.constant 0 : i32
    %dma_wait3A_153 = tpu.memref_slice %arg11[%rem3A_149, %dma_wait3A_151, %dma_wait3A_152] : memref<2x96x32xf32, #tpu.memory_space<vmem>> -> memref<1x96x32xf32, #tpu.memory_space<vmem>>
    %dma_wait3A_154 = tpu.memref_squeeze %dma_wait3A_153 : memref<1x96x32xf32, #tpu.memory_space<vmem>> -> memref<96x32xf32, #tpu.memory_space<vmem>>
    %dma_wait3A_155 = arith.constant 0 : i32
    %dma_wait3A_156 = tpu.memref_slice %arg10[%dma_wait3A, %dma_wait3A_150, %dma_wait3A_155] : memref<3x2x96xi32, #tpu.memory_space<vmem>> -> memref<1x1x96xi32, #tpu.memory_space<vmem>>
    %dma_wait3A_157 = tpu.memref_squeeze %dma_wait3A_156 : memref<1x1x96xi32, #tpu.memory_space<vmem>> -> memref<96xi32, #tpu.memory_space<vmem>>
    %dma_wait3A_158 = arith.constant 0 : i32
    %dma_wait3A_159 = arith.constant 0 : i32
    %dma_wait3A_160 = tpu.memref_slice %arg8[%dma_wait3A_158, %dma_wait3A_159] : memref<10240x32xf32, #tpu.memory_space<vmem_shared>> -> memref<10240x32xf32, #tpu.memory_space<vmem_shared>>
    tpu.wait_indirect_dma semaphore(%arg16 : memref<!tpu.dma_semaphore, #tpu.memory_space<semaphore_mem>>) src(%dma_wait3A_154 : memref<96x32xf32, #tpu.memory_space<vmem>>) dst(%dma_wait3A_160 : memref<10240x32xf32, #tpu.memory_space<vmem_shared>>)
    %dma_wait3A_161 = arith.constant 0 : i32
    %dma_wait3A_162 = arith.constant 1 : i32
    %dma_wait3A_163 = arith.constant 0 : i32
    %dma_wait3A_164 = arith.constant 0 : i32
    %dma_wait3A_165 = tpu.memref_slice %arg14[%rem3A_149, %dma_wait3A_163, %dma_wait3A_164] : memref<2x96x16xf32, #tpu.memory_space<vmem>> -> memref<1x96x16xf32, #tpu.memory_space<vmem>>
    %dma_wait3A_166 = tpu.memref_squeeze %dma_wait3A_165 : memref<1x96x16xf32, #tpu.memory_space<vmem>> -> memref<96x16xf32, #tpu.memory_space<vmem>>
    %dma_wait3A_167 = arith.constant 0 : i32
    %dma_wait3A_168 = tpu.memref_slice %arg10[%dma_wait3A_161, %dma_wait3A_162, %dma_wait3A_167] : memref<3x2x96xi32, #tpu.memory_space<vmem>> -> memref<1x1x96xi32, #tpu.memory_space<vmem>>
    %dma_wait3A_169 = tpu.memref_squeeze %dma_wait3A_168 : memref<1x1x96xi32, #tpu.memory_space<vmem>> -> memref<96xi32, #tpu.memory_space<vmem>>
    %dma_wait3A_170 = arith.constant 0 : i32
    %dma_wait3A_171 = arith.constant 0 : i32
    %dma_wait3A_172 = tpu.memref_slice %arg9[%dma_wait3A_170, %dma_wait3A_171] : memref<10240x16xf32, #tpu.memory_space<vmem_shared>> -> memref<10240x16xf32, #tpu.memory_space<vmem_shared>>
    tpu.wait_indirect_dma semaphore(%arg16 : memref<!tpu.dma_semaphore, #tpu.memory_space<semaphore_mem>>) src(%dma_wait3A_166 : memref<96x16xf32, #tpu.memory_space<vmem>>) dst(%dma_wait3A_172 : memref<10240x16xf32, #tpu.memory_space<vmem_shared>>)
    %barrier3A_173 = arith.constant 0 : index
    tpu.barrier barrier_id(%barrier3A_173)
    %mul3A_174 = arith.constant 640 : i32
    %mul3A_175 = arith.muli %arg1, %mul3A_174 : i32
    %mul3A_176 = arith.constant 640 : i32
    %mul3A_177 = arith.muli %arg1, %mul3A_176 : i32
    "tpu.region"() ({
      %run_scoped3A_182 = tpu.sem_alloc : memref<!tpu.dma_semaphore, #tpu.memory_space<semaphore_mem>>
      %dma_start3A_183 = arith.constant 0 : i32
      %dma_start3A_184 = tpu.memref_slice %arg6[%arg0, %mul3A_177, %dma_start3A_183] : memref<2x10240x32xf32, #tpu.memory_space<hbm>> -> memref<1x640x32xf32, #tpu.memory_space<hbm>>
      %dma_start3A_185 = tpu.memref_squeeze %dma_start3A_184 : memref<1x640x32xf32, #tpu.memory_space<hbm>> -> memref<640x32xf32, #tpu.memory_space<hbm>>
      %dma_start3A_186 = arith.constant 0 : i32
      %dma_start3A_187 = tpu.memref_slice %arg8[%mul3A_175, %dma_start3A_186] : memref<10240x32xf32, #tpu.memory_space<vmem_shared>> -> memref<640x32xf32, #tpu.memory_space<vmem_shared>>
      tpu.enqueue_dma source(%dma_start3A_187 : memref<640x32xf32, #tpu.memory_space<vmem_shared>>) target(%dma_start3A_185 : memref<640x32xf32, #tpu.memory_space<hbm>>) target_semaphore(%run_scoped3A_182 : memref<!tpu.dma_semaphore, #tpu.memory_space<semaphore_mem>>)
      %dma_wait3A_188 = arith.constant 0 : i32
      %dma_wait3A_189 = tpu.memref_slice %arg6[%arg0, %mul3A_177, %dma_wait3A_188] : memref<2x10240x32xf32, #tpu.memory_space<hbm>> -> memref<1x640x32xf32, #tpu.memory_space<hbm>>
      %dma_wait3A_190 = tpu.memref_squeeze %dma_wait3A_189 : memref<1x640x32xf32, #tpu.memory_space<hbm>> -> memref<640x32xf32, #tpu.memory_space<hbm>>
      %dma_wait3A_191 = arith.constant 0 : i32
      %dma_wait3A_192 = tpu.memref_slice %arg8[%mul3A_175, %dma_wait3A_191] : memref<10240x32xf32, #tpu.memory_space<vmem_shared>> -> memref<640x32xf32, #tpu.memory_space<vmem_shared>>
      tpu.wait_dma2 semaphore(%run_scoped3A_182 : memref<!tpu.dma_semaphore, #tpu.memory_space<semaphore_mem>>) src(%dma_wait3A_192 : memref<640x32xf32, #tpu.memory_space<vmem_shared>>) dst(%dma_wait3A_190 : memref<640x32xf32, #tpu.memory_space<hbm>>)
      tpu.yield
    }) : () -> ()
    %mul3A_178 = arith.constant 640 : i32
    %mul3A_179 = arith.muli %arg1, %mul3A_178 : i32
    %mul3A_180 = arith.constant 640 : i32
    %mul3A_181 = arith.muli %arg1, %mul3A_180 : i32
    "tpu.region"() ({
      %run_scoped3A_182 = tpu.sem_alloc : memref<!tpu.dma_semaphore, #tpu.memory_space<semaphore_mem>>
      %dma_start3A_183 = arith.constant 0 : i32
      %dma_start3A_184 = tpu.memref_slice %arg7[%arg0, %mul3A_181, %dma_start3A_183] : memref<2x10240x16xf32, #tpu.memory_space<hbm>> -> memref<1x640x16xf32, #tpu.memory_space<hbm>>
      %dma_start3A_185 = tpu.memref_squeeze %dma_start3A_184 : memref<1x640x16xf32, #tpu.memory_space<hbm>> -> memref<640x16xf32, #tpu.memory_space<hbm>>
      %dma_start3A_186 = arith.constant 0 : i32
      %dma_start3A_187 = tpu.memref_slice %arg9[%mul3A_179, %dma_start3A_186] : memref<10240x16xf32, #tpu.memory_space<vmem_shared>> -> memref<640x16xf32, #tpu.memory_space<vmem_shared>>
      tpu.enqueue_dma source(%dma_start3A_187 : memref<640x16xf32, #tpu.memory_space<vmem_shared>>) target(%dma_start3A_185 : memref<640x16xf32, #tpu.memory_space<hbm>>) target_semaphore(%run_scoped3A_182 : memref<!tpu.dma_semaphore, #tpu.memory_space<semaphore_mem>>)
      %dma_wait3A_188 = arith.constant 0 : i32
      %dma_wait3A_189 = tpu.memref_slice %arg7[%arg0, %mul3A_181, %dma_wait3A_188] : memref<2x10240x16xf32, #tpu.memory_space<hbm>> -> memref<1x640x16xf32, #tpu.memory_space<hbm>>
      %dma_wait3A_190 = tpu.memref_squeeze %dma_wait3A_189 : memref<1x640x16xf32, #tpu.memory_space<hbm>> -> memref<640x16xf32, #tpu.memory_space<hbm>>
      %dma_wait3A_191 = arith.constant 0 : i32
      %dma_wait3A_192 = tpu.memref_slice %arg9[%mul3A_179, %dma_wait3A_191] : memref<10240x16xf32, #tpu.memory_space<vmem_shared>> -> memref<640x16xf32, #tpu.memory_space<vmem_shared>>
      tpu.wait_dma2 semaphore(%run_scoped3A_182 : memref<!tpu.dma_semaphore, #tpu.memory_space<semaphore_mem>>) src(%dma_wait3A_192 : memref<640x16xf32, #tpu.memory_space<vmem_shared>>) dst(%dma_wait3A_190 : memref<640x16xf32, #tpu.memory_space<hbm>>)
      tpu.yield
    }) : () -> ()
    return
  }
}

#map = affine_map<(d0, d1) -> (0, 0)>
#map1 = affine_map<(d0, d1) -> (0, 0, 0)>
module attributes {stable_mosaic.version = 14 : i64} {
  func.func @kfn(%arg0: i32, %arg1: i32, %arg2: memref<10240x128xf32, #tpu.memory_space<hbm>>, %arg3: memref<10240x16xf32, #tpu.memory_space<hbm>>, %arg4: memref<32x108x96xi32, #tpu.memory_space<hbm>>, %arg5: memref<32x108x96xi32, #tpu.memory_space<hbm>>, %arg6: memref<2x10240x128xf32, #tpu.memory_space<hbm>>, %arg7: memref<2x10240x16xf32, #tpu.memory_space<hbm>>, %arg8: memref<10240x128xf32, #tpu.memory_space<vmem_shared>>, %arg9: memref<10240x16xf32, #tpu.memory_space<vmem_shared>>, %arg10: memref<3x2x96xi32, #tpu.memory_space<vmem>>, %arg11: memref<2x96x128xf32, #tpu.memory_space<vmem>>, %arg12: memref<2x96x16xf32, #tpu.memory_space<vmem>>, %arg13: memref<2x96x16xf32, #tpu.memory_space<vmem>>, %arg14: memref<2x96x16xf32, #tpu.memory_space<vmem>>, %arg15: memref<!tpu.dma_semaphore, #tpu.memory_space<semaphore_mem>>, %arg16: memref<!tpu.dma_semaphore, #tpu.memory_space<semaphore_mem>>, %arg17: memref<!tpu.dma_semaphore, #tpu.memory_space<semaphore_mem>>) attributes {dimension_semantics = [#tpu.dimension_semantics<core_parallel>, #tpu.dimension_semantics<subcore_parallel>], iteration_bounds = array<i64: 2, 16>, scalar_prefetch = 0 : i64, scratch_operands = 10 : i64, tpu.core_type = #tpu.core_type<sc_vector_subcore>, window_params = [{transform_indices = #map}, {transform_indices = #map}, {transform_indices = #map1}, {transform_indices = #map1}, {transform_indices = #map1}, {transform_indices = #map1}]} {
    %mul3A = arith.constant 2 : i32
    %mul3A_0 = arith.muli %arg1, %mul3A : i32
    %add3A = arith.addi %mul3A_0, %arg0 : i32
    %broadcast_in_dim3A = arith.constant 0.000000e+00 : f32
    %broadcast_in_dim3A_1 = vector.broadcast %broadcast_in_dim3A : f32 to vector<16xf32>
    %iota3A = tpu.iota {dimensions = array<i32: 0>} : vector<16xi32>
    %scan3A = arith.constant 0 : i32
    %scan3A_2 = arith.constant 0 : i32
    %scan3A_3 = arith.constant 96 : i32
    %scan3A_4 = arith.addi %scan3A_2, %scan3A_3 : i32
    %scan3A_5 = arith.constant 1 : i32
    %scan3A_6 = scf.for %scan3A_182 = %scan3A_2 to %scan3A_4 step %scan3A_5 iter_args(%scan3A_183 = %scan3A) -> (i32)  : i32 {
      %swap3A = arith.constant 0 : i32
      %swap3A_184 = arith.index_cast %swap3A : i32 to index
      %swap3A_185 = arith.index_cast %scan3A_182 : i32 to index
      %swap3A_186 = arith.constant 0 : index
      %swap3A_187 = tpu.vector_load %arg11[%swap3A_184, %swap3A_185, %swap3A_186] {strides = array<i32>} : memref<2x96x128xf32, #tpu.memory_space<vmem>>, vector<16xf32>,
      tpu.vector_store %arg11[%swap3A_184, %swap3A_185, %swap3A_186], %broadcast_in_dim3A_1 {strides = array<i32>} : memref<2x96x128xf32, #tpu.memory_space<vmem>>, vector<16xf32>,
      %swap3A_188 = arith.constant 0 : i32
      %swap3A_189 = arith.index_cast %swap3A_188 : i32 to index
      %swap3A_190 = arith.index_cast %scan3A_182 : i32 to index
      %swap3A_191 = arith.constant 16 : index
      %swap3A_192 = tpu.vector_load %arg11[%swap3A_189, %swap3A_190, %swap3A_191] {strides = array<i32>} : memref<2x96x128xf32, #tpu.memory_space<vmem>>, vector<16xf32>,
      tpu.vector_store %arg11[%swap3A_189, %swap3A_190, %swap3A_191], %broadcast_in_dim3A_1 {strides = array<i32>} : memref<2x96x128xf32, #tpu.memory_space<vmem>>, vector<16xf32>,
      %swap3A_193 = arith.constant 0 : i32
      %swap3A_194 = arith.index_cast %swap3A_193 : i32 to index
      %swap3A_195 = arith.index_cast %scan3A_182 : i32 to index
      %swap3A_196 = arith.constant 32 : index
      %swap3A_197 = tpu.vector_load %arg11[%swap3A_194, %swap3A_195, %swap3A_196] {strides = array<i32>} : memref<2x96x128xf32, #tpu.memory_space<vmem>>, vector<16xf32>,
      tpu.vector_store %arg11[%swap3A_194, %swap3A_195, %swap3A_196], %broadcast_in_dim3A_1 {strides = array<i32>} : memref<2x96x128xf32, #tpu.memory_space<vmem>>, vector<16xf32>,
      %swap3A_198 = arith.constant 0 : i32
      %swap3A_199 = arith.index_cast %swap3A_198 : i32 to index
      %swap3A_200 = arith.index_cast %scan3A_182 : i32 to index
      %swap3A_201 = arith.constant 48 : index
      %swap3A_202 = tpu.vector_load %arg11[%swap3A_199, %swap3A_200, %swap3A_201] {strides = array<i32>} : memref<2x96x128xf32, #tpu.memory_space<vmem>>, vector<16xf32>,
      tpu.vector_store %arg11[%swap3A_199, %swap3A_200, %swap3A_201], %broadcast_in_dim3A_1 {strides = array<i32>} : memref<2x96x128xf32, #tpu.memory_space<vmem>>, vector<16xf32>,
      %swap3A_203 = arith.constant 0 : i32
      %swap3A_204 = arith.index_cast %swap3A_203 : i32 to index
      %swap3A_205 = arith.index_cast %scan3A_182 : i32 to index
      %swap3A_206 = arith.constant 64 : index
      %swap3A_207 = tpu.vector_load %arg11[%swap3A_204, %swap3A_205, %swap3A_206] {strides = array<i32>} : memref<2x96x128xf32, #tpu.memory_space<vmem>>, vector<16xf32>,
      tpu.vector_store %arg11[%swap3A_204, %swap3A_205, %swap3A_206], %broadcast_in_dim3A_1 {strides = array<i32>} : memref<2x96x128xf32, #tpu.memory_space<vmem>>, vector<16xf32>,
      %swap3A_208 = arith.constant 0 : i32
      %swap3A_209 = arith.index_cast %swap3A_208 : i32 to index
      %swap3A_210 = arith.index_cast %scan3A_182 : i32 to index
      %swap3A_211 = arith.constant 80 : index
      %swap3A_212 = tpu.vector_load %arg11[%swap3A_209, %swap3A_210, %swap3A_211] {strides = array<i32>} : memref<2x96x128xf32, #tpu.memory_space<vmem>>, vector<16xf32>,
      tpu.vector_store %arg11[%swap3A_209, %swap3A_210, %swap3A_211], %broadcast_in_dim3A_1 {strides = array<i32>} : memref<2x96x128xf32, #tpu.memory_space<vmem>>, vector<16xf32>,
      %swap3A_213 = arith.constant 0 : i32
      %swap3A_214 = arith.index_cast %swap3A_213 : i32 to index
      %swap3A_215 = arith.index_cast %scan3A_182 : i32 to index
      %swap3A_216 = arith.constant 96 : index
      %swap3A_217 = tpu.vector_load %arg11[%swap3A_214, %swap3A_215, %swap3A_216] {strides = array<i32>} : memref<2x96x128xf32, #tpu.memory_space<vmem>>, vector<16xf32>,
      tpu.vector_store %arg11[%swap3A_214, %swap3A_215, %swap3A_216], %broadcast_in_dim3A_1 {strides = array<i32>} : memref<2x96x128xf32, #tpu.memory_space<vmem>>, vector<16xf32>,
      %swap3A_218 = arith.constant 0 : i32
      %swap3A_219 = arith.index_cast %swap3A_218 : i32 to index
      %swap3A_220 = arith.index_cast %scan3A_182 : i32 to index
      %swap3A_221 = arith.constant 112 : index
      %swap3A_222 = tpu.vector_load %arg11[%swap3A_219, %swap3A_220, %swap3A_221] {strides = array<i32>} : memref<2x96x128xf32, #tpu.memory_space<vmem>>, vector<16xf32>,
      tpu.vector_store %arg11[%swap3A_219, %swap3A_220, %swap3A_221], %broadcast_in_dim3A_1 {strides = array<i32>} : memref<2x96x128xf32, #tpu.memory_space<vmem>>, vector<16xf32>,
      %swap3A_223 = arith.constant 0 : i32
      %swap3A_224 = arith.index_cast %swap3A_223 : i32 to index
      %swap3A_225 = arith.index_cast %scan3A_182 : i32 to index
      %swap3A_226 = arith.constant 0 : index
      %swap3A_227 = tpu.vector_load %arg14[%swap3A_224, %swap3A_225, %swap3A_226] {strides = array<i32>} : memref<2x96x16xf32, #tpu.memory_space<vmem>>, vector<16xf32>,
      tpu.vector_store %arg14[%swap3A_224, %swap3A_225, %swap3A_226], %broadcast_in_dim3A_1 {strides = array<i32>} : memref<2x96x16xf32, #tpu.memory_space<vmem>>, vector<16xf32>,
      %swap3A_228 = arith.constant 1 : i32
      %swap3A_229 = arith.index_cast %swap3A_228 : i32 to index
      %swap3A_230 = arith.index_cast %scan3A_182 : i32 to index
      %swap3A_231 = arith.constant 0 : index
      %swap3A_232 = tpu.vector_load %arg14[%swap3A_229, %swap3A_230, %swap3A_231] {strides = array<i32>} : memref<2x96x16xf32, #tpu.memory_space<vmem>>, vector<16xf32>,
      tpu.vector_store %arg14[%swap3A_229, %swap3A_230, %swap3A_231], %broadcast_in_dim3A_1 {strides = array<i32>} : memref<2x96x16xf32, #tpu.memory_space<vmem>>, vector<16xf32>,
      %scan3A_233 = arith.constant 0 : i32
      scf.yield %scan3A_233 : i32
    }
    %scan3A_7 = arith.constant 96 : i32
    %mul3A_8 = arith.constant 640 : i32
    %mul3A_9 = arith.muli %arg1, %mul3A_8 : i32
    %add3A_10 = arith.constant 0 : i32
    %add3A_11 = arith.addi %mul3A_9, %add3A_10 : i32
    %run_scoped3A = arith.constant 0 : i32
    "tpu.region"() ({
      %run_scoped3A_182 = tpu.sem_alloc : memref<!tpu.dma_semaphore, #tpu.memory_space<semaphore_mem>>
      %dma_start3A_183 = arith.constant 0 : i32
      %dma_start3A_184 = arith.constant 0 : i32
      %dma_start3A_185 = tpu.memref_slice %arg11[%run_scoped3A, %dma_start3A_183, %dma_start3A_184] : memref<2x96x128xf32, #tpu.memory_space<vmem>> -> memref<1x64x128xf32, #tpu.memory_space<vmem>>
      %dma_start3A_186 = tpu.memref_squeeze %dma_start3A_185 : memref<1x64x128xf32, #tpu.memory_space<vmem>> -> memref<64x128xf32, #tpu.memory_space<vmem>>
      %dma_start3A_187 = arith.constant 0 : i32
      %dma_start3A_188 = tpu.memref_slice %arg8[%add3A_11, %dma_start3A_187] : memref<10240x128xf32, #tpu.memory_space<vmem_shared>> -> memref<64x128xf32, #tpu.memory_space<vmem_shared>>
      %dma_start3A_189 = arith.constant 0 : i32
      %dma_start3A_190 = tpu.memref_slice %arg8[%add3A_11, %dma_start3A_189] : memref<10240x128xf32, #tpu.memory_space<vmem_shared>> -> memref<64x128xf32, #tpu.memory_space<vmem_shared>>
      %dma_start3A_191 = arith.constant 0 : i32
      %dma_start3A_192 = arith.constant 0 : i32
      %dma_start3A_193 = tpu.memref_slice %arg11[%run_scoped3A, %dma_start3A_191, %dma_start3A_192] : memref<2x96x128xf32, #tpu.memory_space<vmem>> -> memref<1x64x128xf32, #tpu.memory_space<vmem>>
      %dma_start3A_194 = tpu.memref_squeeze %dma_start3A_193 : memref<1x64x128xf32, #tpu.memory_space<vmem>> -> memref<64x128xf32, #tpu.memory_space<vmem>>
      tpu.enqueue_dma source(%dma_start3A_194 : memref<64x128xf32, #tpu.memory_space<vmem>>) target(%dma_start3A_190 : memref<64x128xf32, #tpu.memory_space<vmem_shared>>) target_semaphore(%run_scoped3A_182 : memref<!tpu.dma_semaphore, #tpu.memory_space<semaphore_mem>>)
      %dma_wait3A_195 = arith.constant 0 : i32
      %dma_wait3A_196 = arith.constant 0 : i32
      %dma_wait3A_197 = tpu.memref_slice %arg11[%run_scoped3A, %dma_wait3A_195, %dma_wait3A_196] : memref<2x96x128xf32, #tpu.memory_space<vmem>> -> memref<1x64x128xf32, #tpu.memory_space<vmem>>
      %dma_wait3A_198 = tpu.memref_squeeze %dma_wait3A_197 : memref<1x64x128xf32, #tpu.memory_space<vmem>> -> memref<64x128xf32, #tpu.memory_space<vmem>>
      %dma_wait3A_199 = arith.constant 0 : i32
      %dma_wait3A_200 = tpu.memref_slice %arg8[%add3A_11, %dma_wait3A_199] : memref<10240x128xf32, #tpu.memory_space<vmem_shared>> -> memref<64x128xf32, #tpu.memory_space<vmem_shared>>
      %dma_wait3A_201 = arith.constant 0 : i32
      %dma_wait3A_202 = tpu.memref_slice %arg8[%add3A_11, %dma_wait3A_201] : memref<10240x128xf32, #tpu.memory_space<vmem_shared>> -> memref<64x128xf32, #tpu.memory_space<vmem_shared>>
      %dma_wait3A_203 = arith.constant 0 : i32
      %dma_wait3A_204 = arith.constant 0 : i32
      %dma_wait3A_205 = tpu.memref_slice %arg11[%run_scoped3A, %dma_wait3A_203, %dma_wait3A_204] : memref<2x96x128xf32, #tpu.memory_space<vmem>> -> memref<1x64x128xf32, #tpu.memory_space<vmem>>
      %dma_wait3A_206 = tpu.memref_squeeze %dma_wait3A_205 : memref<1x64x128xf32, #tpu.memory_space<vmem>> -> memref<64x128xf32, #tpu.memory_space<vmem>>
      tpu.wait_dma2 semaphore(%run_scoped3A_182 : memref<!tpu.dma_semaphore, #tpu.memory_space<semaphore_mem>>) src(%dma_wait3A_206 : memref<64x128xf32, #tpu.memory_space<vmem>>) dst(%dma_wait3A_202 : memref<64x128xf32, #tpu.memory_space<vmem_shared>>)
      tpu.yield
    }) : () -> ()
    %run_scoped3A_12 = arith.constant 0 : i32
    "tpu.region"() ({
      %run_scoped3A_182 = tpu.sem_alloc : memref<!tpu.dma_semaphore, #tpu.memory_space<semaphore_mem>>
      %dma_start3A_183 = arith.constant 0 : i32
      %dma_start3A_184 = arith.constant 0 : i32
      %dma_start3A_185 = tpu.memref_slice %arg14[%run_scoped3A_12, %dma_start3A_183, %dma_start3A_184] : memref<2x96x16xf32, #tpu.memory_space<vmem>> -> memref<1x64x16xf32, #tpu.memory_space<vmem>>
      %dma_start3A_186 = tpu.memref_squeeze %dma_start3A_185 : memref<1x64x16xf32, #tpu.memory_space<vmem>> -> memref<64x16xf32, #tpu.memory_space<vmem>>
      %dma_start3A_187 = arith.constant 0 : i32
      %dma_start3A_188 = tpu.memref_slice %arg9[%add3A_11, %dma_start3A_187] : memref<10240x16xf32, #tpu.memory_space<vmem_shared>> -> memref<64x16xf32, #tpu.memory_space<vmem_shared>>
      %dma_start3A_189 = arith.constant 0 : i32
      %dma_start3A_190 = tpu.memref_slice %arg9[%add3A_11, %dma_start3A_189] : memref<10240x16xf32, #tpu.memory_space<vmem_shared>> -> memref<64x16xf32, #tpu.memory_space<vmem_shared>>
      %dma_start3A_191 = arith.constant 0 : i32
      %dma_start3A_192 = arith.constant 0 : i32
      %dma_start3A_193 = tpu.memref_slice %arg14[%run_scoped3A_12, %dma_start3A_191, %dma_start3A_192] : memref<2x96x16xf32, #tpu.memory_space<vmem>> -> memref<1x64x16xf32, #tpu.memory_space<vmem>>
      %dma_start3A_194 = tpu.memref_squeeze %dma_start3A_193 : memref<1x64x16xf32, #tpu.memory_space<vmem>> -> memref<64x16xf32, #tpu.memory_space<vmem>>
      tpu.enqueue_dma source(%dma_start3A_194 : memref<64x16xf32, #tpu.memory_space<vmem>>) target(%dma_start3A_190 : memref<64x16xf32, #tpu.memory_space<vmem_shared>>) target_semaphore(%run_scoped3A_182 : memref<!tpu.dma_semaphore, #tpu.memory_space<semaphore_mem>>)
      %dma_wait3A_195 = arith.constant 0 : i32
      %dma_wait3A_196 = arith.constant 0 : i32
      %dma_wait3A_197 = tpu.memref_slice %arg14[%run_scoped3A_12, %dma_wait3A_195, %dma_wait3A_196] : memref<2x96x16xf32, #tpu.memory_space<vmem>> -> memref<1x64x16xf32, #tpu.memory_space<vmem>>
      %dma_wait3A_198 = tpu.memref_squeeze %dma_wait3A_197 : memref<1x64x16xf32, #tpu.memory_space<vmem>> -> memref<64x16xf32, #tpu.memory_space<vmem>>
      %dma_wait3A_199 = arith.constant 0 : i32
      %dma_wait3A_200 = tpu.memref_slice %arg9[%add3A_11, %dma_wait3A_199] : memref<10240x16xf32, #tpu.memory_space<vmem_shared>> -> memref<64x16xf32, #tpu.memory_space<vmem_shared>>
      %dma_wait3A_201 = arith.constant 0 : i32
      %dma_wait3A_202 = tpu.memref_slice %arg9[%add3A_11, %dma_wait3A_201] : memref<10240x16xf32, #tpu.memory_space<vmem_shared>> -> memref<64x16xf32, #tpu.memory_space<vmem_shared>>
      %dma_wait3A_203 = arith.constant 0 : i32
      %dma_wait3A_204 = arith.constant 0 : i32
      %dma_wait3A_205 = tpu.memref_slice %arg14[%run_scoped3A_12, %dma_wait3A_203, %dma_wait3A_204] : memref<2x96x16xf32, #tpu.memory_space<vmem>> -> memref<1x64x16xf32, #tpu.memory_space<vmem>>
      %dma_wait3A_206 = tpu.memref_squeeze %dma_wait3A_205 : memref<1x64x16xf32, #tpu.memory_space<vmem>> -> memref<64x16xf32, #tpu.memory_space<vmem>>
      tpu.wait_dma2 semaphore(%run_scoped3A_182 : memref<!tpu.dma_semaphore, #tpu.memory_space<semaphore_mem>>) src(%dma_wait3A_206 : memref<64x16xf32, #tpu.memory_space<vmem>>) dst(%dma_wait3A_202 : memref<64x16xf32, #tpu.memory_space<vmem_shared>>)
      tpu.yield
    }) : () -> ()
    %mul3A_13 = arith.constant 640 : i32
    %mul3A_14 = arith.muli %arg1, %mul3A_13 : i32
    %add3A_15 = arith.constant 64 : i32
    %add3A_16 = arith.addi %mul3A_14, %add3A_15 : i32
    %run_scoped3A_17 = arith.constant 0 : i32
    "tpu.region"() ({
      %run_scoped3A_182 = tpu.sem_alloc : memref<!tpu.dma_semaphore, #tpu.memory_space<semaphore_mem>>
      %dma_start3A_183 = arith.constant 0 : i32
      %dma_start3A_184 = arith.constant 0 : i32
      %dma_start3A_185 = tpu.memref_slice %arg11[%run_scoped3A_17, %dma_start3A_183, %dma_start3A_184] : memref<2x96x128xf32, #tpu.memory_space<vmem>> -> memref<1x64x128xf32, #tpu.memory_space<vmem>>
      %dma_start3A_186 = tpu.memref_squeeze %dma_start3A_185 : memref<1x64x128xf32, #tpu.memory_space<vmem>> -> memref<64x128xf32, #tpu.memory_space<vmem>>
      %dma_start3A_187 = arith.constant 0 : i32
      %dma_start3A_188 = tpu.memref_slice %arg8[%add3A_16, %dma_start3A_187] : memref<10240x128xf32, #tpu.memory_space<vmem_shared>> -> memref<64x128xf32, #tpu.memory_space<vmem_shared>>
      %dma_start3A_189 = arith.constant 0 : i32
      %dma_start3A_190 = tpu.memref_slice %arg8[%add3A_16, %dma_start3A_189] : memref<10240x128xf32, #tpu.memory_space<vmem_shared>> -> memref<64x128xf32, #tpu.memory_space<vmem_shared>>
      %dma_start3A_191 = arith.constant 0 : i32
      %dma_start3A_192 = arith.constant 0 : i32
      %dma_start3A_193 = tpu.memref_slice %arg11[%run_scoped3A_17, %dma_start3A_191, %dma_start3A_192] : memref<2x96x128xf32, #tpu.memory_space<vmem>> -> memref<1x64x128xf32, #tpu.memory_space<vmem>>
      %dma_start3A_194 = tpu.memref_squeeze %dma_start3A_193 : memref<1x64x128xf32, #tpu.memory_space<vmem>> -> memref<64x128xf32, #tpu.memory_space<vmem>>
      tpu.enqueue_dma source(%dma_start3A_194 : memref<64x128xf32, #tpu.memory_space<vmem>>) target(%dma_start3A_190 : memref<64x128xf32, #tpu.memory_space<vmem_shared>>) target_semaphore(%run_scoped3A_182 : memref<!tpu.dma_semaphore, #tpu.memory_space<semaphore_mem>>)
      %dma_wait3A_195 = arith.constant 0 : i32
      %dma_wait3A_196 = arith.constant 0 : i32
      %dma_wait3A_197 = tpu.memref_slice %arg11[%run_scoped3A_17, %dma_wait3A_195, %dma_wait3A_196] : memref<2x96x128xf32, #tpu.memory_space<vmem>> -> memref<1x64x128xf32, #tpu.memory_space<vmem>>
      %dma_wait3A_198 = tpu.memref_squeeze %dma_wait3A_197 : memref<1x64x128xf32, #tpu.memory_space<vmem>> -> memref<64x128xf32, #tpu.memory_space<vmem>>
      %dma_wait3A_199 = arith.constant 0 : i32
      %dma_wait3A_200 = tpu.memref_slice %arg8[%add3A_16, %dma_wait3A_199] : memref<10240x128xf32, #tpu.memory_space<vmem_shared>> -> memref<64x128xf32, #tpu.memory_space<vmem_shared>>
      %dma_wait3A_201 = arith.constant 0 : i32
      %dma_wait3A_202 = tpu.memref_slice %arg8[%add3A_16, %dma_wait3A_201] : memref<10240x128xf32, #tpu.memory_space<vmem_shared>> -> memref<64x128xf32, #tpu.memory_space<vmem_shared>>
      %dma_wait3A_203 = arith.constant 0 : i32
      %dma_wait3A_204 = arith.constant 0 : i32
      %dma_wait3A_205 = tpu.memref_slice %arg11[%run_scoped3A_17, %dma_wait3A_203, %dma_wait3A_204] : memref<2x96x128xf32, #tpu.memory_space<vmem>> -> memref<1x64x128xf32, #tpu.memory_space<vmem>>
      %dma_wait3A_206 = tpu.memref_squeeze %dma_wait3A_205 : memref<1x64x128xf32, #tpu.memory_space<vmem>> -> memref<64x128xf32, #tpu.memory_space<vmem>>
      tpu.wait_dma2 semaphore(%run_scoped3A_182 : memref<!tpu.dma_semaphore, #tpu.memory_space<semaphore_mem>>) src(%dma_wait3A_206 : memref<64x128xf32, #tpu.memory_space<vmem>>) dst(%dma_wait3A_202 : memref<64x128xf32, #tpu.memory_space<vmem_shared>>)
      tpu.yield
    }) : () -> ()
    %run_scoped3A_18 = arith.constant 0 : i32
    "tpu.region"() ({
      %run_scoped3A_182 = tpu.sem_alloc : memref<!tpu.dma_semaphore, #tpu.memory_space<semaphore_mem>>
      %dma_start3A_183 = arith.constant 0 : i32
      %dma_start3A_184 = arith.constant 0 : i32
      %dma_start3A_185 = tpu.memref_slice %arg14[%run_scoped3A_18, %dma_start3A_183, %dma_start3A_184] : memref<2x96x16xf32, #tpu.memory_space<vmem>> -> memref<1x64x16xf32, #tpu.memory_space<vmem>>
      %dma_start3A_186 = tpu.memref_squeeze %dma_start3A_185 : memref<1x64x16xf32, #tpu.memory_space<vmem>> -> memref<64x16xf32, #tpu.memory_space<vmem>>
      %dma_start3A_187 = arith.constant 0 : i32
      %dma_start3A_188 = tpu.memref_slice %arg9[%add3A_16, %dma_start3A_187] : memref<10240x16xf32, #tpu.memory_space<vmem_shared>> -> memref<64x16xf32, #tpu.memory_space<vmem_shared>>
      %dma_start3A_189 = arith.constant 0 : i32
      %dma_start3A_190 = tpu.memref_slice %arg9[%add3A_16, %dma_start3A_189] : memref<10240x16xf32, #tpu.memory_space<vmem_shared>> -> memref<64x16xf32, #tpu.memory_space<vmem_shared>>
      %dma_start3A_191 = arith.constant 0 : i32
      %dma_start3A_192 = arith.constant 0 : i32
      %dma_start3A_193 = tpu.memref_slice %arg14[%run_scoped3A_18, %dma_start3A_191, %dma_start3A_192] : memref<2x96x16xf32, #tpu.memory_space<vmem>> -> memref<1x64x16xf32, #tpu.memory_space<vmem>>
      %dma_start3A_194 = tpu.memref_squeeze %dma_start3A_193 : memref<1x64x16xf32, #tpu.memory_space<vmem>> -> memref<64x16xf32, #tpu.memory_space<vmem>>
      tpu.enqueue_dma source(%dma_start3A_194 : memref<64x16xf32, #tpu.memory_space<vmem>>) target(%dma_start3A_190 : memref<64x16xf32, #tpu.memory_space<vmem_shared>>) target_semaphore(%run_scoped3A_182 : memref<!tpu.dma_semaphore, #tpu.memory_space<semaphore_mem>>)
      %dma_wait3A_195 = arith.constant 0 : i32
      %dma_wait3A_196 = arith.constant 0 : i32
      %dma_wait3A_197 = tpu.memref_slice %arg14[%run_scoped3A_18, %dma_wait3A_195, %dma_wait3A_196] : memref<2x96x16xf32, #tpu.memory_space<vmem>> -> memref<1x64x16xf32, #tpu.memory_space<vmem>>
      %dma_wait3A_198 = tpu.memref_squeeze %dma_wait3A_197 : memref<1x64x16xf32, #tpu.memory_space<vmem>> -> memref<64x16xf32, #tpu.memory_space<vmem>>
      %dma_wait3A_199 = arith.constant 0 : i32
      %dma_wait3A_200 = tpu.memref_slice %arg9[%add3A_16, %dma_wait3A_199] : memref<10240x16xf32, #tpu.memory_space<vmem_shared>> -> memref<64x16xf32, #tpu.memory_space<vmem_shared>>
      %dma_wait3A_201 = arith.constant 0 : i32
      %dma_wait3A_202 = tpu.memref_slice %arg9[%add3A_16, %dma_wait3A_201] : memref<10240x16xf32, #tpu.memory_space<vmem_shared>> -> memref<64x16xf32, #tpu.memory_space<vmem_shared>>
      %dma_wait3A_203 = arith.constant 0 : i32
      %dma_wait3A_204 = arith.constant 0 : i32
      %dma_wait3A_205 = tpu.memref_slice %arg14[%run_scoped3A_18, %dma_wait3A_203, %dma_wait3A_204] : memref<2x96x16xf32, #tpu.memory_space<vmem>> -> memref<1x64x16xf32, #tpu.memory_space<vmem>>
      %dma_wait3A_206 = tpu.memref_squeeze %dma_wait3A_205 : memref<1x64x16xf32, #tpu.memory_space<vmem>> -> memref<64x16xf32, #tpu.memory_space<vmem>>
      tpu.wait_dma2 semaphore(%run_scoped3A_182 : memref<!tpu.dma_semaphore, #tpu.memory_space<semaphore_mem>>) src(%dma_wait3A_206 : memref<64x16xf32, #tpu.memory_space<vmem>>) dst(%dma_wait3A_202 : memref<64x16xf32, #tpu.memory_space<vmem_shared>>)
      tpu.yield
    }) : () -> ()
    %mul3A_19 = arith.constant 640 : i32
    %mul3A_20 = arith.muli %arg1, %mul3A_19 : i32
    %add3A_21 = arith.constant 128 : i32
    %add3A_22 = arith.addi %mul3A_20, %add3A_21 : i32
    %run_scoped3A_23 = arith.constant 0 : i32
    "tpu.region"() ({
      %run_scoped3A_182 = tpu.sem_alloc : memref<!tpu.dma_semaphore, #tpu.memory_space<semaphore_mem>>
      %dma_start3A_183 = arith.constant 0 : i32
      %dma_start3A_184 = arith.constant 0 : i32
      %dma_start3A_185 = tpu.memref_slice %arg11[%run_scoped3A_23, %dma_start3A_183, %dma_start3A_184] : memref<2x96x128xf32, #tpu.memory_space<vmem>> -> memref<1x64x128xf32, #tpu.memory_space<vmem>>
      %dma_start3A_186 = tpu.memref_squeeze %dma_start3A_185 : memref<1x64x128xf32, #tpu.memory_space<vmem>> -> memref<64x128xf32, #tpu.memory_space<vmem>>
      %dma_start3A_187 = arith.constant 0 : i32
      %dma_start3A_188 = tpu.memref_slice %arg8[%add3A_22, %dma_start3A_187] : memref<10240x128xf32, #tpu.memory_space<vmem_shared>> -> memref<64x128xf32, #tpu.memory_space<vmem_shared>>
      %dma_start3A_189 = arith.constant 0 : i32
      %dma_start3A_190 = tpu.memref_slice %arg8[%add3A_22, %dma_start3A_189] : memref<10240x128xf32, #tpu.memory_space<vmem_shared>> -> memref<64x128xf32, #tpu.memory_space<vmem_shared>>
      %dma_start3A_191 = arith.constant 0 : i32
      %dma_start3A_192 = arith.constant 0 : i32
      %dma_start3A_193 = tpu.memref_slice %arg11[%run_scoped3A_23, %dma_start3A_191, %dma_start3A_192] : memref<2x96x128xf32, #tpu.memory_space<vmem>> -> memref<1x64x128xf32, #tpu.memory_space<vmem>>
      %dma_start3A_194 = tpu.memref_squeeze %dma_start3A_193 : memref<1x64x128xf32, #tpu.memory_space<vmem>> -> memref<64x128xf32, #tpu.memory_space<vmem>>
      tpu.enqueue_dma source(%dma_start3A_194 : memref<64x128xf32, #tpu.memory_space<vmem>>) target(%dma_start3A_190 : memref<64x128xf32, #tpu.memory_space<vmem_shared>>) target_semaphore(%run_scoped3A_182 : memref<!tpu.dma_semaphore, #tpu.memory_space<semaphore_mem>>)
      %dma_wait3A_195 = arith.constant 0 : i32
      %dma_wait3A_196 = arith.constant 0 : i32
      %dma_wait3A_197 = tpu.memref_slice %arg11[%run_scoped3A_23, %dma_wait3A_195, %dma_wait3A_196] : memref<2x96x128xf32, #tpu.memory_space<vmem>> -> memref<1x64x128xf32, #tpu.memory_space<vmem>>
      %dma_wait3A_198 = tpu.memref_squeeze %dma_wait3A_197 : memref<1x64x128xf32, #tpu.memory_space<vmem>> -> memref<64x128xf32, #tpu.memory_space<vmem>>
      %dma_wait3A_199 = arith.constant 0 : i32
      %dma_wait3A_200 = tpu.memref_slice %arg8[%add3A_22, %dma_wait3A_199] : memref<10240x128xf32, #tpu.memory_space<vmem_shared>> -> memref<64x128xf32, #tpu.memory_space<vmem_shared>>
      %dma_wait3A_201 = arith.constant 0 : i32
      %dma_wait3A_202 = tpu.memref_slice %arg8[%add3A_22, %dma_wait3A_201] : memref<10240x128xf32, #tpu.memory_space<vmem_shared>> -> memref<64x128xf32, #tpu.memory_space<vmem_shared>>
      %dma_wait3A_203 = arith.constant 0 : i32
      %dma_wait3A_204 = arith.constant 0 : i32
      %dma_wait3A_205 = tpu.memref_slice %arg11[%run_scoped3A_23, %dma_wait3A_203, %dma_wait3A_204] : memref<2x96x128xf32, #tpu.memory_space<vmem>> -> memref<1x64x128xf32, #tpu.memory_space<vmem>>
      %dma_wait3A_206 = tpu.memref_squeeze %dma_wait3A_205 : memref<1x64x128xf32, #tpu.memory_space<vmem>> -> memref<64x128xf32, #tpu.memory_space<vmem>>
      tpu.wait_dma2 semaphore(%run_scoped3A_182 : memref<!tpu.dma_semaphore, #tpu.memory_space<semaphore_mem>>) src(%dma_wait3A_206 : memref<64x128xf32, #tpu.memory_space<vmem>>) dst(%dma_wait3A_202 : memref<64x128xf32, #tpu.memory_space<vmem_shared>>)
      tpu.yield
    }) : () -> ()
    %run_scoped3A_24 = arith.constant 0 : i32
    "tpu.region"() ({
      %run_scoped3A_182 = tpu.sem_alloc : memref<!tpu.dma_semaphore, #tpu.memory_space<semaphore_mem>>
      %dma_start3A_183 = arith.constant 0 : i32
      %dma_start3A_184 = arith.constant 0 : i32
      %dma_start3A_185 = tpu.memref_slice %arg14[%run_scoped3A_24, %dma_start3A_183, %dma_start3A_184] : memref<2x96x16xf32, #tpu.memory_space<vmem>> -> memref<1x64x16xf32, #tpu.memory_space<vmem>>
      %dma_start3A_186 = tpu.memref_squeeze %dma_start3A_185 : memref<1x64x16xf32, #tpu.memory_space<vmem>> -> memref<64x16xf32, #tpu.memory_space<vmem>>
      %dma_start3A_187 = arith.constant 0 : i32
      %dma_start3A_188 = tpu.memref_slice %arg9[%add3A_22, %dma_start3A_187] : memref<10240x16xf32, #tpu.memory_space<vmem_shared>> -> memref<64x16xf32, #tpu.memory_space<vmem_shared>>
      %dma_start3A_189 = arith.constant 0 : i32
      %dma_start3A_190 = tpu.memref_slice %arg9[%add3A_22, %dma_start3A_189] : memref<10240x16xf32, #tpu.memory_space<vmem_shared>> -> memref<64x16xf32, #tpu.memory_space<vmem_shared>>
      %dma_start3A_191 = arith.constant 0 : i32
      %dma_start3A_192 = arith.constant 0 : i32
      %dma_start3A_193 = tpu.memref_slice %arg14[%run_scoped3A_24, %dma_start3A_191, %dma_start3A_192] : memref<2x96x16xf32, #tpu.memory_space<vmem>> -> memref<1x64x16xf32, #tpu.memory_space<vmem>>
      %dma_start3A_194 = tpu.memref_squeeze %dma_start3A_193 : memref<1x64x16xf32, #tpu.memory_space<vmem>> -> memref<64x16xf32, #tpu.memory_space<vmem>>
      tpu.enqueue_dma source(%dma_start3A_194 : memref<64x16xf32, #tpu.memory_space<vmem>>) target(%dma_start3A_190 : memref<64x16xf32, #tpu.memory_space<vmem_shared>>) target_semaphore(%run_scoped3A_182 : memref<!tpu.dma_semaphore, #tpu.memory_space<semaphore_mem>>)
      %dma_wait3A_195 = arith.constant 0 : i32
      %dma_wait3A_196 = arith.constant 0 : i32
      %dma_wait3A_197 = tpu.memref_slice %arg14[%run_scoped3A_24, %dma_wait3A_195, %dma_wait3A_196] : memref<2x96x16xf32, #tpu.memory_space<vmem>> -> memref<1x64x16xf32, #tpu.memory_space<vmem>>
      %dma_wait3A_198 = tpu.memref_squeeze %dma_wait3A_197 : memref<1x64x16xf32, #tpu.memory_space<vmem>> -> memref<64x16xf32, #tpu.memory_space<vmem>>
      %dma_wait3A_199 = arith.constant 0 : i32
      %dma_wait3A_200 = tpu.memref_slice %arg9[%add3A_22, %dma_wait3A_199] : memref<10240x16xf32, #tpu.memory_space<vmem_shared>> -> memref<64x16xf32, #tpu.memory_space<vmem_shared>>
      %dma_wait3A_201 = arith.constant 0 : i32
      %dma_wait3A_202 = tpu.memref_slice %arg9[%add3A_22, %dma_wait3A_201] : memref<10240x16xf32, #tpu.memory_space<vmem_shared>> -> memref<64x16xf32, #tpu.memory_space<vmem_shared>>
      %dma_wait3A_203 = arith.constant 0 : i32
      %dma_wait3A_204 = arith.constant 0 : i32
      %dma_wait3A_205 = tpu.memref_slice %arg14[%run_scoped3A_24, %dma_wait3A_203, %dma_wait3A_204] : memref<2x96x16xf32, #tpu.memory_space<vmem>> -> memref<1x64x16xf32, #tpu.memory_space<vmem>>
      %dma_wait3A_206 = tpu.memref_squeeze %dma_wait3A_205 : memref<1x64x16xf32, #tpu.memory_space<vmem>> -> memref<64x16xf32, #tpu.memory_space<vmem>>
      tpu.wait_dma2 semaphore(%run_scoped3A_182 : memref<!tpu.dma_semaphore, #tpu.memory_space<semaphore_mem>>) src(%dma_wait3A_206 : memref<64x16xf32, #tpu.memory_space<vmem>>) dst(%dma_wait3A_202 : memref<64x16xf32, #tpu.memory_space<vmem_shared>>)
      tpu.yield
    }) : () -> ()
    %mul3A_25 = arith.constant 640 : i32
    %mul3A_26 = arith.muli %arg1, %mul3A_25 : i32
    %add3A_27 = arith.constant 192 : i32
    %add3A_28 = arith.addi %mul3A_26, %add3A_27 : i32
    %run_scoped3A_29 = arith.constant 0 : i32
    "tpu.region"() ({
      %run_scoped3A_182 = tpu.sem_alloc : memref<!tpu.dma_semaphore, #tpu.memory_space<semaphore_mem>>
      %dma_start3A_183 = arith.constant 0 : i32
      %dma_start3A_184 = arith.constant 0 : i32
      %dma_start3A_185 = tpu.memref_slice %arg11[%run_scoped3A_29, %dma_start3A_183, %dma_start3A_184] : memref<2x96x128xf32, #tpu.memory_space<vmem>> -> memref<1x64x128xf32, #tpu.memory_space<vmem>>
      %dma_start3A_186 = tpu.memref_squeeze %dma_start3A_185 : memref<1x64x128xf32, #tpu.memory_space<vmem>> -> memref<64x128xf32, #tpu.memory_space<vmem>>
      %dma_start3A_187 = arith.constant 0 : i32
      %dma_start3A_188 = tpu.memref_slice %arg8[%add3A_28, %dma_start3A_187] : memref<10240x128xf32, #tpu.memory_space<vmem_shared>> -> memref<64x128xf32, #tpu.memory_space<vmem_shared>>
      %dma_start3A_189 = arith.constant 0 : i32
      %dma_start3A_190 = tpu.memref_slice %arg8[%add3A_28, %dma_start3A_189] : memref<10240x128xf32, #tpu.memory_space<vmem_shared>> -> memref<64x128xf32, #tpu.memory_space<vmem_shared>>
      %dma_start3A_191 = arith.constant 0 : i32
      %dma_start3A_192 = arith.constant 0 : i32
      %dma_start3A_193 = tpu.memref_slice %arg11[%run_scoped3A_29, %dma_start3A_191, %dma_start3A_192] : memref<2x96x128xf32, #tpu.memory_space<vmem>> -> memref<1x64x128xf32, #tpu.memory_space<vmem>>
      %dma_start3A_194 = tpu.memref_squeeze %dma_start3A_193 : memref<1x64x128xf32, #tpu.memory_space<vmem>> -> memref<64x128xf32, #tpu.memory_space<vmem>>
      tpu.enqueue_dma source(%dma_start3A_194 : memref<64x128xf32, #tpu.memory_space<vmem>>) target(%dma_start3A_190 : memref<64x128xf32, #tpu.memory_space<vmem_shared>>) target_semaphore(%run_scoped3A_182 : memref<!tpu.dma_semaphore, #tpu.memory_space<semaphore_mem>>)
      %dma_wait3A_195 = arith.constant 0 : i32
      %dma_wait3A_196 = arith.constant 0 : i32
      %dma_wait3A_197 = tpu.memref_slice %arg11[%run_scoped3A_29, %dma_wait3A_195, %dma_wait3A_196] : memref<2x96x128xf32, #tpu.memory_space<vmem>> -> memref<1x64x128xf32, #tpu.memory_space<vmem>>
      %dma_wait3A_198 = tpu.memref_squeeze %dma_wait3A_197 : memref<1x64x128xf32, #tpu.memory_space<vmem>> -> memref<64x128xf32, #tpu.memory_space<vmem>>
      %dma_wait3A_199 = arith.constant 0 : i32
      %dma_wait3A_200 = tpu.memref_slice %arg8[%add3A_28, %dma_wait3A_199] : memref<10240x128xf32, #tpu.memory_space<vmem_shared>> -> memref<64x128xf32, #tpu.memory_space<vmem_shared>>
      %dma_wait3A_201 = arith.constant 0 : i32
      %dma_wait3A_202 = tpu.memref_slice %arg8[%add3A_28, %dma_wait3A_201] : memref<10240x128xf32, #tpu.memory_space<vmem_shared>> -> memref<64x128xf32, #tpu.memory_space<vmem_shared>>
      %dma_wait3A_203 = arith.constant 0 : i32
      %dma_wait3A_204 = arith.constant 0 : i32
      %dma_wait3A_205 = tpu.memref_slice %arg11[%run_scoped3A_29, %dma_wait3A_203, %dma_wait3A_204] : memref<2x96x128xf32, #tpu.memory_space<vmem>> -> memref<1x64x128xf32, #tpu.memory_space<vmem>>
      %dma_wait3A_206 = tpu.memref_squeeze %dma_wait3A_205 : memref<1x64x128xf32, #tpu.memory_space<vmem>> -> memref<64x128xf32, #tpu.memory_space<vmem>>
      tpu.wait_dma2 semaphore(%run_scoped3A_182 : memref<!tpu.dma_semaphore, #tpu.memory_space<semaphore_mem>>) src(%dma_wait3A_206 : memref<64x128xf32, #tpu.memory_space<vmem>>) dst(%dma_wait3A_202 : memref<64x128xf32, #tpu.memory_space<vmem_shared>>)
      tpu.yield
    }) : () -> ()
    %run_scoped3A_30 = arith.constant 0 : i32
    "tpu.region"() ({
      %run_scoped3A_182 = tpu.sem_alloc : memref<!tpu.dma_semaphore, #tpu.memory_space<semaphore_mem>>
      %dma_start3A_183 = arith.constant 0 : i32
      %dma_start3A_184 = arith.constant 0 : i32
      %dma_start3A_185 = tpu.memref_slice %arg14[%run_scoped3A_30, %dma_start3A_183, %dma_start3A_184] : memref<2x96x16xf32, #tpu.memory_space<vmem>> -> memref<1x64x16xf32, #tpu.memory_space<vmem>>
      %dma_start3A_186 = tpu.memref_squeeze %dma_start3A_185 : memref<1x64x16xf32, #tpu.memory_space<vmem>> -> memref<64x16xf32, #tpu.memory_space<vmem>>
      %dma_start3A_187 = arith.constant 0 : i32
      %dma_start3A_188 = tpu.memref_slice %arg9[%add3A_28, %dma_start3A_187] : memref<10240x16xf32, #tpu.memory_space<vmem_shared>> -> memref<64x16xf32, #tpu.memory_space<vmem_shared>>
      %dma_start3A_189 = arith.constant 0 : i32
      %dma_start3A_190 = tpu.memref_slice %arg9[%add3A_28, %dma_start3A_189] : memref<10240x16xf32, #tpu.memory_space<vmem_shared>> -> memref<64x16xf32, #tpu.memory_space<vmem_shared>>
      %dma_start3A_191 = arith.constant 0 : i32
      %dma_start3A_192 = arith.constant 0 : i32
      %dma_start3A_193 = tpu.memref_slice %arg14[%run_scoped3A_30, %dma_start3A_191, %dma_start3A_192] : memref<2x96x16xf32, #tpu.memory_space<vmem>> -> memref<1x64x16xf32, #tpu.memory_space<vmem>>
      %dma_start3A_194 = tpu.memref_squeeze %dma_start3A_193 : memref<1x64x16xf32, #tpu.memory_space<vmem>> -> memref<64x16xf32, #tpu.memory_space<vmem>>
      tpu.enqueue_dma source(%dma_start3A_194 : memref<64x16xf32, #tpu.memory_space<vmem>>) target(%dma_start3A_190 : memref<64x16xf32, #tpu.memory_space<vmem_shared>>) target_semaphore(%run_scoped3A_182 : memref<!tpu.dma_semaphore, #tpu.memory_space<semaphore_mem>>)
      %dma_wait3A_195 = arith.constant 0 : i32
      %dma_wait3A_196 = arith.constant 0 : i32
      %dma_wait3A_197 = tpu.memref_slice %arg14[%run_scoped3A_30, %dma_wait3A_195, %dma_wait3A_196] : memref<2x96x16xf32, #tpu.memory_space<vmem>> -> memref<1x64x16xf32, #tpu.memory_space<vmem>>
      %dma_wait3A_198 = tpu.memref_squeeze %dma_wait3A_197 : memref<1x64x16xf32, #tpu.memory_space<vmem>> -> memref<64x16xf32, #tpu.memory_space<vmem>>
      %dma_wait3A_199 = arith.constant 0 : i32
      %dma_wait3A_200 = tpu.memref_slice %arg9[%add3A_28, %dma_wait3A_199] : memref<10240x16xf32, #tpu.memory_space<vmem_shared>> -> memref<64x16xf32, #tpu.memory_space<vmem_shared>>
      %dma_wait3A_201 = arith.constant 0 : i32
      %dma_wait3A_202 = tpu.memref_slice %arg9[%add3A_28, %dma_wait3A_201] : memref<10240x16xf32, #tpu.memory_space<vmem_shared>> -> memref<64x16xf32, #tpu.memory_space<vmem_shared>>
      %dma_wait3A_203 = arith.constant 0 : i32
      %dma_wait3A_204 = arith.constant 0 : i32
      %dma_wait3A_205 = tpu.memref_slice %arg14[%run_scoped3A_30, %dma_wait3A_203, %dma_wait3A_204] : memref<2x96x16xf32, #tpu.memory_space<vmem>> -> memref<1x64x16xf32, #tpu.memory_space<vmem>>
      %dma_wait3A_206 = tpu.memref_squeeze %dma_wait3A_205 : memref<1x64x16xf32, #tpu.memory_space<vmem>> -> memref<64x16xf32, #tpu.memory_space<vmem>>
      tpu.wait_dma2 semaphore(%run_scoped3A_182 : memref<!tpu.dma_semaphore, #tpu.memory_space<semaphore_mem>>) src(%dma_wait3A_206 : memref<64x16xf32, #tpu.memory_space<vmem>>) dst(%dma_wait3A_202 : memref<64x16xf32, #tpu.memory_space<vmem_shared>>)
      tpu.yield
    }) : () -> ()
    %mul3A_31 = arith.constant 640 : i32
    %mul3A_32 = arith.muli %arg1, %mul3A_31 : i32
    %add3A_33 = arith.constant 256 : i32
    %add3A_34 = arith.addi %mul3A_32, %add3A_33 : i32
    %run_scoped3A_35 = arith.constant 0 : i32
    "tpu.region"() ({
      %run_scoped3A_182 = tpu.sem_alloc : memref<!tpu.dma_semaphore, #tpu.memory_space<semaphore_mem>>
      %dma_start3A_183 = arith.constant 0 : i32
      %dma_start3A_184 = arith.constant 0 : i32
      %dma_start3A_185 = tpu.memref_slice %arg11[%run_scoped3A_35, %dma_start3A_183, %dma_start3A_184] : memref<2x96x128xf32, #tpu.memory_space<vmem>> -> memref<1x64x128xf32, #tpu.memory_space<vmem>>
      %dma_start3A_186 = tpu.memref_squeeze %dma_start3A_185 : memref<1x64x128xf32, #tpu.memory_space<vmem>> -> memref<64x128xf32, #tpu.memory_space<vmem>>
      %dma_start3A_187 = arith.constant 0 : i32
      %dma_start3A_188 = tpu.memref_slice %arg8[%add3A_34, %dma_start3A_187] : memref<10240x128xf32, #tpu.memory_space<vmem_shared>> -> memref<64x128xf32, #tpu.memory_space<vmem_shared>>
      %dma_start3A_189 = arith.constant 0 : i32
      %dma_start3A_190 = tpu.memref_slice %arg8[%add3A_34, %dma_start3A_189] : memref<10240x128xf32, #tpu.memory_space<vmem_shared>> -> memref<64x128xf32, #tpu.memory_space<vmem_shared>>
      %dma_start3A_191 = arith.constant 0 : i32
      %dma_start3A_192 = arith.constant 0 : i32
      %dma_start3A_193 = tpu.memref_slice %arg11[%run_scoped3A_35, %dma_start3A_191, %dma_start3A_192] : memref<2x96x128xf32, #tpu.memory_space<vmem>> -> memref<1x64x128xf32, #tpu.memory_space<vmem>>
      %dma_start3A_194 = tpu.memref_squeeze %dma_start3A_193 : memref<1x64x128xf32, #tpu.memory_space<vmem>> -> memref<64x128xf32, #tpu.memory_space<vmem>>
      tpu.enqueue_dma source(%dma_start3A_194 : memref<64x128xf32, #tpu.memory_space<vmem>>) target(%dma_start3A_190 : memref<64x128xf32, #tpu.memory_space<vmem_shared>>) target_semaphore(%run_scoped3A_182 : memref<!tpu.dma_semaphore, #tpu.memory_space<semaphore_mem>>)
      %dma_wait3A_195 = arith.constant 0 : i32
      %dma_wait3A_196 = arith.constant 0 : i32
      %dma_wait3A_197 = tpu.memref_slice %arg11[%run_scoped3A_35, %dma_wait3A_195, %dma_wait3A_196] : memref<2x96x128xf32, #tpu.memory_space<vmem>> -> memref<1x64x128xf32, #tpu.memory_space<vmem>>
      %dma_wait3A_198 = tpu.memref_squeeze %dma_wait3A_197 : memref<1x64x128xf32, #tpu.memory_space<vmem>> -> memref<64x128xf32, #tpu.memory_space<vmem>>
      %dma_wait3A_199 = arith.constant 0 : i32
      %dma_wait3A_200 = tpu.memref_slice %arg8[%add3A_34, %dma_wait3A_199] : memref<10240x128xf32, #tpu.memory_space<vmem_shared>> -> memref<64x128xf32, #tpu.memory_space<vmem_shared>>
      %dma_wait3A_201 = arith.constant 0 : i32
      %dma_wait3A_202 = tpu.memref_slice %arg8[%add3A_34, %dma_wait3A_201] : memref<10240x128xf32, #tpu.memory_space<vmem_shared>> -> memref<64x128xf32, #tpu.memory_space<vmem_shared>>
      %dma_wait3A_203 = arith.constant 0 : i32
      %dma_wait3A_204 = arith.constant 0 : i32
      %dma_wait3A_205 = tpu.memref_slice %arg11[%run_scoped3A_35, %dma_wait3A_203, %dma_wait3A_204] : memref<2x96x128xf32, #tpu.memory_space<vmem>> -> memref<1x64x128xf32, #tpu.memory_space<vmem>>
      %dma_wait3A_206 = tpu.memref_squeeze %dma_wait3A_205 : memref<1x64x128xf32, #tpu.memory_space<vmem>> -> memref<64x128xf32, #tpu.memory_space<vmem>>
      tpu.wait_dma2 semaphore(%run_scoped3A_182 : memref<!tpu.dma_semaphore, #tpu.memory_space<semaphore_mem>>) src(%dma_wait3A_206 : memref<64x128xf32, #tpu.memory_space<vmem>>) dst(%dma_wait3A_202 : memref<64x128xf32, #tpu.memory_space<vmem_shared>>)
      tpu.yield
    }) : () -> ()
    %run_scoped3A_36 = arith.constant 0 : i32
    "tpu.region"() ({
      %run_scoped3A_182 = tpu.sem_alloc : memref<!tpu.dma_semaphore, #tpu.memory_space<semaphore_mem>>
      %dma_start3A_183 = arith.constant 0 : i32
      %dma_start3A_184 = arith.constant 0 : i32
      %dma_start3A_185 = tpu.memref_slice %arg14[%run_scoped3A_36, %dma_start3A_183, %dma_start3A_184] : memref<2x96x16xf32, #tpu.memory_space<vmem>> -> memref<1x64x16xf32, #tpu.memory_space<vmem>>
      %dma_start3A_186 = tpu.memref_squeeze %dma_start3A_185 : memref<1x64x16xf32, #tpu.memory_space<vmem>> -> memref<64x16xf32, #tpu.memory_space<vmem>>
      %dma_start3A_187 = arith.constant 0 : i32
      %dma_start3A_188 = tpu.memref_slice %arg9[%add3A_34, %dma_start3A_187] : memref<10240x16xf32, #tpu.memory_space<vmem_shared>> -> memref<64x16xf32, #tpu.memory_space<vmem_shared>>
      %dma_start3A_189 = arith.constant 0 : i32
      %dma_start3A_190 = tpu.memref_slice %arg9[%add3A_34, %dma_start3A_189] : memref<10240x16xf32, #tpu.memory_space<vmem_shared>> -> memref<64x16xf32, #tpu.memory_space<vmem_shared>>
      %dma_start3A_191 = arith.constant 0 : i32
      %dma_start3A_192 = arith.constant 0 : i32
      %dma_start3A_193 = tpu.memref_slice %arg14[%run_scoped3A_36, %dma_start3A_191, %dma_start3A_192] : memref<2x96x16xf32, #tpu.memory_space<vmem>> -> memref<1x64x16xf32, #tpu.memory_space<vmem>>
      %dma_start3A_194 = tpu.memref_squeeze %dma_start3A_193 : memref<1x64x16xf32, #tpu.memory_space<vmem>> -> memref<64x16xf32, #tpu.memory_space<vmem>>
      tpu.enqueue_dma source(%dma_start3A_194 : memref<64x16xf32, #tpu.memory_space<vmem>>) target(%dma_start3A_190 : memref<64x16xf32, #tpu.memory_space<vmem_shared>>) target_semaphore(%run_scoped3A_182 : memref<!tpu.dma_semaphore, #tpu.memory_space<semaphore_mem>>)
      %dma_wait3A_195 = arith.constant 0 : i32
      %dma_wait3A_196 = arith.constant 0 : i32
      %dma_wait3A_197 = tpu.memref_slice %arg14[%run_scoped3A_36, %dma_wait3A_195, %dma_wait3A_196] : memref<2x96x16xf32, #tpu.memory_space<vmem>> -> memref<1x64x16xf32, #tpu.memory_space<vmem>>
      %dma_wait3A_198 = tpu.memref_squeeze %dma_wait3A_197 : memref<1x64x16xf32, #tpu.memory_space<vmem>> -> memref<64x16xf32, #tpu.memory_space<vmem>>
      %dma_wait3A_199 = arith.constant 0 : i32
      %dma_wait3A_200 = tpu.memref_slice %arg9[%add3A_34, %dma_wait3A_199] : memref<10240x16xf32, #tpu.memory_space<vmem_shared>> -> memref<64x16xf32, #tpu.memory_space<vmem_shared>>
      %dma_wait3A_201 = arith.constant 0 : i32
      %dma_wait3A_202 = tpu.memref_slice %arg9[%add3A_34, %dma_wait3A_201] : memref<10240x16xf32, #tpu.memory_space<vmem_shared>> -> memref<64x16xf32, #tpu.memory_space<vmem_shared>>
      %dma_wait3A_203 = arith.constant 0 : i32
      %dma_wait3A_204 = arith.constant 0 : i32
      %dma_wait3A_205 = tpu.memref_slice %arg14[%run_scoped3A_36, %dma_wait3A_203, %dma_wait3A_204] : memref<2x96x16xf32, #tpu.memory_space<vmem>> -> memref<1x64x16xf32, #tpu.memory_space<vmem>>
      %dma_wait3A_206 = tpu.memref_squeeze %dma_wait3A_205 : memref<1x64x16xf32, #tpu.memory_space<vmem>> -> memref<64x16xf32, #tpu.memory_space<vmem>>
      tpu.wait_dma2 semaphore(%run_scoped3A_182 : memref<!tpu.dma_semaphore, #tpu.memory_space<semaphore_mem>>) src(%dma_wait3A_206 : memref<64x16xf32, #tpu.memory_space<vmem>>) dst(%dma_wait3A_202 : memref<64x16xf32, #tpu.memory_space<vmem_shared>>)
      tpu.yield
    }) : () -> ()
    %mul3A_37 = arith.constant 640 : i32
    %mul3A_38 = arith.muli %arg1, %mul3A_37 : i32
    %add3A_39 = arith.constant 320 : i32
    %add3A_40 = arith.addi %mul3A_38, %add3A_39 : i32
    %run_scoped3A_41 = arith.constant 0 : i32
    "tpu.region"() ({
      %run_scoped3A_182 = tpu.sem_alloc : memref<!tpu.dma_semaphore, #tpu.memory_space<semaphore_mem>>
      %dma_start3A_183 = arith.constant 0 : i32
      %dma_start3A_184 = arith.constant 0 : i32
      %dma_start3A_185 = tpu.memref_slice %arg11[%run_scoped3A_41, %dma_start3A_183, %dma_start3A_184] : memref<2x96x128xf32, #tpu.memory_space<vmem>> -> memref<1x64x128xf32, #tpu.memory_space<vmem>>
      %dma_start3A_186 = tpu.memref_squeeze %dma_start3A_185 : memref<1x64x128xf32, #tpu.memory_space<vmem>> -> memref<64x128xf32, #tpu.memory_space<vmem>>
      %dma_start3A_187 = arith.constant 0 : i32
      %dma_start3A_188 = tpu.memref_slice %arg8[%add3A_40, %dma_start3A_187] : memref<10240x128xf32, #tpu.memory_space<vmem_shared>> -> memref<64x128xf32, #tpu.memory_space<vmem_shared>>
      %dma_start3A_189 = arith.constant 0 : i32
      %dma_start3A_190 = tpu.memref_slice %arg8[%add3A_40, %dma_start3A_189] : memref<10240x128xf32, #tpu.memory_space<vmem_shared>> -> memref<64x128xf32, #tpu.memory_space<vmem_shared>>
      %dma_start3A_191 = arith.constant 0 : i32
      %dma_start3A_192 = arith.constant 0 : i32
      %dma_start3A_193 = tpu.memref_slice %arg11[%run_scoped3A_41, %dma_start3A_191, %dma_start3A_192] : memref<2x96x128xf32, #tpu.memory_space<vmem>> -> memref<1x64x128xf32, #tpu.memory_space<vmem>>
      %dma_start3A_194 = tpu.memref_squeeze %dma_start3A_193 : memref<1x64x128xf32, #tpu.memory_space<vmem>> -> memref<64x128xf32, #tpu.memory_space<vmem>>
      tpu.enqueue_dma source(%dma_start3A_194 : memref<64x128xf32, #tpu.memory_space<vmem>>) target(%dma_start3A_190 : memref<64x128xf32, #tpu.memory_space<vmem_shared>>) target_semaphore(%run_scoped3A_182 : memref<!tpu.dma_semaphore, #tpu.memory_space<semaphore_mem>>)
      %dma_wait3A_195 = arith.constant 0 : i32
      %dma_wait3A_196 = arith.constant 0 : i32
      %dma_wait3A_197 = tpu.memref_slice %arg11[%run_scoped3A_41, %dma_wait3A_195, %dma_wait3A_196] : memref<2x96x128xf32, #tpu.memory_space<vmem>> -> memref<1x64x128xf32, #tpu.memory_space<vmem>>
      %dma_wait3A_198 = tpu.memref_squeeze %dma_wait3A_197 : memref<1x64x128xf32, #tpu.memory_space<vmem>> -> memref<64x128xf32, #tpu.memory_space<vmem>>
      %dma_wait3A_199 = arith.constant 0 : i32
      %dma_wait3A_200 = tpu.memref_slice %arg8[%add3A_40, %dma_wait3A_199] : memref<10240x128xf32, #tpu.memory_space<vmem_shared>> -> memref<64x128xf32, #tpu.memory_space<vmem_shared>>
      %dma_wait3A_201 = arith.constant 0 : i32
      %dma_wait3A_202 = tpu.memref_slice %arg8[%add3A_40, %dma_wait3A_201] : memref<10240x128xf32, #tpu.memory_space<vmem_shared>> -> memref<64x128xf32, #tpu.memory_space<vmem_shared>>
      %dma_wait3A_203 = arith.constant 0 : i32
      %dma_wait3A_204 = arith.constant 0 : i32
      %dma_wait3A_205 = tpu.memref_slice %arg11[%run_scoped3A_41, %dma_wait3A_203, %dma_wait3A_204] : memref<2x96x128xf32, #tpu.memory_space<vmem>> -> memref<1x64x128xf32, #tpu.memory_space<vmem>>
      %dma_wait3A_206 = tpu.memref_squeeze %dma_wait3A_205 : memref<1x64x128xf32, #tpu.memory_space<vmem>> -> memref<64x128xf32, #tpu.memory_space<vmem>>
      tpu.wait_dma2 semaphore(%run_scoped3A_182 : memref<!tpu.dma_semaphore, #tpu.memory_space<semaphore_mem>>) src(%dma_wait3A_206 : memref<64x128xf32, #tpu.memory_space<vmem>>) dst(%dma_wait3A_202 : memref<64x128xf32, #tpu.memory_space<vmem_shared>>)
      tpu.yield
    }) : () -> ()
    %run_scoped3A_42 = arith.constant 0 : i32
    "tpu.region"() ({
      %run_scoped3A_182 = tpu.sem_alloc : memref<!tpu.dma_semaphore, #tpu.memory_space<semaphore_mem>>
      %dma_start3A_183 = arith.constant 0 : i32
      %dma_start3A_184 = arith.constant 0 : i32
      %dma_start3A_185 = tpu.memref_slice %arg14[%run_scoped3A_42, %dma_start3A_183, %dma_start3A_184] : memref<2x96x16xf32, #tpu.memory_space<vmem>> -> memref<1x64x16xf32, #tpu.memory_space<vmem>>
      %dma_start3A_186 = tpu.memref_squeeze %dma_start3A_185 : memref<1x64x16xf32, #tpu.memory_space<vmem>> -> memref<64x16xf32, #tpu.memory_space<vmem>>
      %dma_start3A_187 = arith.constant 0 : i32
      %dma_start3A_188 = tpu.memref_slice %arg9[%add3A_40, %dma_start3A_187] : memref<10240x16xf32, #tpu.memory_space<vmem_shared>> -> memref<64x16xf32, #tpu.memory_space<vmem_shared>>
      %dma_start3A_189 = arith.constant 0 : i32
      %dma_start3A_190 = tpu.memref_slice %arg9[%add3A_40, %dma_start3A_189] : memref<10240x16xf32, #tpu.memory_space<vmem_shared>> -> memref<64x16xf32, #tpu.memory_space<vmem_shared>>
      %dma_start3A_191 = arith.constant 0 : i32
      %dma_start3A_192 = arith.constant 0 : i32
      %dma_start3A_193 = tpu.memref_slice %arg14[%run_scoped3A_42, %dma_start3A_191, %dma_start3A_192] : memref<2x96x16xf32, #tpu.memory_space<vmem>> -> memref<1x64x16xf32, #tpu.memory_space<vmem>>
      %dma_start3A_194 = tpu.memref_squeeze %dma_start3A_193 : memref<1x64x16xf32, #tpu.memory_space<vmem>> -> memref<64x16xf32, #tpu.memory_space<vmem>>
      tpu.enqueue_dma source(%dma_start3A_194 : memref<64x16xf32, #tpu.memory_space<vmem>>) target(%dma_start3A_190 : memref<64x16xf32, #tpu.memory_space<vmem_shared>>) target_semaphore(%run_scoped3A_182 : memref<!tpu.dma_semaphore, #tpu.memory_space<semaphore_mem>>)
      %dma_wait3A_195 = arith.constant 0 : i32
      %dma_wait3A_196 = arith.constant 0 : i32
      %dma_wait3A_197 = tpu.memref_slice %arg14[%run_scoped3A_42, %dma_wait3A_195, %dma_wait3A_196] : memref<2x96x16xf32, #tpu.memory_space<vmem>> -> memref<1x64x16xf32, #tpu.memory_space<vmem>>
      %dma_wait3A_198 = tpu.memref_squeeze %dma_wait3A_197 : memref<1x64x16xf32, #tpu.memory_space<vmem>> -> memref<64x16xf32, #tpu.memory_space<vmem>>
      %dma_wait3A_199 = arith.constant 0 : i32
      %dma_wait3A_200 = tpu.memref_slice %arg9[%add3A_40, %dma_wait3A_199] : memref<10240x16xf32, #tpu.memory_space<vmem_shared>> -> memref<64x16xf32, #tpu.memory_space<vmem_shared>>
      %dma_wait3A_201 = arith.constant 0 : i32
      %dma_wait3A_202 = tpu.memref_slice %arg9[%add3A_40, %dma_wait3A_201] : memref<10240x16xf32, #tpu.memory_space<vmem_shared>> -> memref<64x16xf32, #tpu.memory_space<vmem_shared>>
      %dma_wait3A_203 = arith.constant 0 : i32
      %dma_wait3A_204 = arith.constant 0 : i32
      %dma_wait3A_205 = tpu.memref_slice %arg14[%run_scoped3A_42, %dma_wait3A_203, %dma_wait3A_204] : memref<2x96x16xf32, #tpu.memory_space<vmem>> -> memref<1x64x16xf32, #tpu.memory_space<vmem>>
      %dma_wait3A_206 = tpu.memref_squeeze %dma_wait3A_205 : memref<1x64x16xf32, #tpu.memory_space<vmem>> -> memref<64x16xf32, #tpu.memory_space<vmem>>
      tpu.wait_dma2 semaphore(%run_scoped3A_182 : memref<!tpu.dma_semaphore, #tpu.memory_space<semaphore_mem>>) src(%dma_wait3A_206 : memref<64x16xf32, #tpu.memory_space<vmem>>) dst(%dma_wait3A_202 : memref<64x16xf32, #tpu.memory_space<vmem_shared>>)
      tpu.yield
    }) : () -> ()
    %mul3A_43 = arith.constant 640 : i32
    %mul3A_44 = arith.muli %arg1, %mul3A_43 : i32
    %add3A_45 = arith.constant 384 : i32
    %add3A_46 = arith.addi %mul3A_44, %add3A_45 : i32
    %run_scoped3A_47 = arith.constant 0 : i32
    "tpu.region"() ({
      %run_scoped3A_182 = tpu.sem_alloc : memref<!tpu.dma_semaphore, #tpu.memory_space<semaphore_mem>>
      %dma_start3A_183 = arith.constant 0 : i32
      %dma_start3A_184 = arith.constant 0 : i32
      %dma_start3A_185 = tpu.memref_slice %arg11[%run_scoped3A_47, %dma_start3A_183, %dma_start3A_184] : memref<2x96x128xf32, #tpu.memory_space<vmem>> -> memref<1x64x128xf32, #tpu.memory_space<vmem>>
      %dma_start3A_186 = tpu.memref_squeeze %dma_start3A_185 : memref<1x64x128xf32, #tpu.memory_space<vmem>> -> memref<64x128xf32, #tpu.memory_space<vmem>>
      %dma_start3A_187 = arith.constant 0 : i32
      %dma_start3A_188 = tpu.memref_slice %arg8[%add3A_46, %dma_start3A_187] : memref<10240x128xf32, #tpu.memory_space<vmem_shared>> -> memref<64x128xf32, #tpu.memory_space<vmem_shared>>
      %dma_start3A_189 = arith.constant 0 : i32
      %dma_start3A_190 = tpu.memref_slice %arg8[%add3A_46, %dma_start3A_189] : memref<10240x128xf32, #tpu.memory_space<vmem_shared>> -> memref<64x128xf32, #tpu.memory_space<vmem_shared>>
      %dma_start3A_191 = arith.constant 0 : i32
      %dma_start3A_192 = arith.constant 0 : i32
      %dma_start3A_193 = tpu.memref_slice %arg11[%run_scoped3A_47, %dma_start3A_191, %dma_start3A_192] : memref<2x96x128xf32, #tpu.memory_space<vmem>> -> memref<1x64x128xf32, #tpu.memory_space<vmem>>
      %dma_start3A_194 = tpu.memref_squeeze %dma_start3A_193 : memref<1x64x128xf32, #tpu.memory_space<vmem>> -> memref<64x128xf32, #tpu.memory_space<vmem>>
      tpu.enqueue_dma source(%dma_start3A_194 : memref<64x128xf32, #tpu.memory_space<vmem>>) target(%dma_start3A_190 : memref<64x128xf32, #tpu.memory_space<vmem_shared>>) target_semaphore(%run_scoped3A_182 : memref<!tpu.dma_semaphore, #tpu.memory_space<semaphore_mem>>)
      %dma_wait3A_195 = arith.constant 0 : i32
      %dma_wait3A_196 = arith.constant 0 : i32
      %dma_wait3A_197 = tpu.memref_slice %arg11[%run_scoped3A_47, %dma_wait3A_195, %dma_wait3A_196] : memref<2x96x128xf32, #tpu.memory_space<vmem>> -> memref<1x64x128xf32, #tpu.memory_space<vmem>>
      %dma_wait3A_198 = tpu.memref_squeeze %dma_wait3A_197 : memref<1x64x128xf32, #tpu.memory_space<vmem>> -> memref<64x128xf32, #tpu.memory_space<vmem>>
      %dma_wait3A_199 = arith.constant 0 : i32
      %dma_wait3A_200 = tpu.memref_slice %arg8[%add3A_46, %dma_wait3A_199] : memref<10240x128xf32, #tpu.memory_space<vmem_shared>> -> memref<64x128xf32, #tpu.memory_space<vmem_shared>>
      %dma_wait3A_201 = arith.constant 0 : i32
      %dma_wait3A_202 = tpu.memref_slice %arg8[%add3A_46, %dma_wait3A_201] : memref<10240x128xf32, #tpu.memory_space<vmem_shared>> -> memref<64x128xf32, #tpu.memory_space<vmem_shared>>
      %dma_wait3A_203 = arith.constant 0 : i32
      %dma_wait3A_204 = arith.constant 0 : i32
      %dma_wait3A_205 = tpu.memref_slice %arg11[%run_scoped3A_47, %dma_wait3A_203, %dma_wait3A_204] : memref<2x96x128xf32, #tpu.memory_space<vmem>> -> memref<1x64x128xf32, #tpu.memory_space<vmem>>
      %dma_wait3A_206 = tpu.memref_squeeze %dma_wait3A_205 : memref<1x64x128xf32, #tpu.memory_space<vmem>> -> memref<64x128xf32, #tpu.memory_space<vmem>>
      tpu.wait_dma2 semaphore(%run_scoped3A_182 : memref<!tpu.dma_semaphore, #tpu.memory_space<semaphore_mem>>) src(%dma_wait3A_206 : memref<64x128xf32, #tpu.memory_space<vmem>>) dst(%dma_wait3A_202 : memref<64x128xf32, #tpu.memory_space<vmem_shared>>)
      tpu.yield
    }) : () -> ()
    %run_scoped3A_48 = arith.constant 0 : i32
    "tpu.region"() ({
      %run_scoped3A_182 = tpu.sem_alloc : memref<!tpu.dma_semaphore, #tpu.memory_space<semaphore_mem>>
      %dma_start3A_183 = arith.constant 0 : i32
      %dma_start3A_184 = arith.constant 0 : i32
      %dma_start3A_185 = tpu.memref_slice %arg14[%run_scoped3A_48, %dma_start3A_183, %dma_start3A_184] : memref<2x96x16xf32, #tpu.memory_space<vmem>> -> memref<1x64x16xf32, #tpu.memory_space<vmem>>
      %dma_start3A_186 = tpu.memref_squeeze %dma_start3A_185 : memref<1x64x16xf32, #tpu.memory_space<vmem>> -> memref<64x16xf32, #tpu.memory_space<vmem>>
      %dma_start3A_187 = arith.constant 0 : i32
      %dma_start3A_188 = tpu.memref_slice %arg9[%add3A_46, %dma_start3A_187] : memref<10240x16xf32, #tpu.memory_space<vmem_shared>> -> memref<64x16xf32, #tpu.memory_space<vmem_shared>>
      %dma_start3A_189 = arith.constant 0 : i32
      %dma_start3A_190 = tpu.memref_slice %arg9[%add3A_46, %dma_start3A_189] : memref<10240x16xf32, #tpu.memory_space<vmem_shared>> -> memref<64x16xf32, #tpu.memory_space<vmem_shared>>
      %dma_start3A_191 = arith.constant 0 : i32
      %dma_start3A_192 = arith.constant 0 : i32
      %dma_start3A_193 = tpu.memref_slice %arg14[%run_scoped3A_48, %dma_start3A_191, %dma_start3A_192] : memref<2x96x16xf32, #tpu.memory_space<vmem>> -> memref<1x64x16xf32, #tpu.memory_space<vmem>>
      %dma_start3A_194 = tpu.memref_squeeze %dma_start3A_193 : memref<1x64x16xf32, #tpu.memory_space<vmem>> -> memref<64x16xf32, #tpu.memory_space<vmem>>
      tpu.enqueue_dma source(%dma_start3A_194 : memref<64x16xf32, #tpu.memory_space<vmem>>) target(%dma_start3A_190 : memref<64x16xf32, #tpu.memory_space<vmem_shared>>) target_semaphore(%run_scoped3A_182 : memref<!tpu.dma_semaphore, #tpu.memory_space<semaphore_mem>>)
      %dma_wait3A_195 = arith.constant 0 : i32
      %dma_wait3A_196 = arith.constant 0 : i32
      %dma_wait3A_197 = tpu.memref_slice %arg14[%run_scoped3A_48, %dma_wait3A_195, %dma_wait3A_196] : memref<2x96x16xf32, #tpu.memory_space<vmem>> -> memref<1x64x16xf32, #tpu.memory_space<vmem>>
      %dma_wait3A_198 = tpu.memref_squeeze %dma_wait3A_197 : memref<1x64x16xf32, #tpu.memory_space<vmem>> -> memref<64x16xf32, #tpu.memory_space<vmem>>
      %dma_wait3A_199 = arith.constant 0 : i32
      %dma_wait3A_200 = tpu.memref_slice %arg9[%add3A_46, %dma_wait3A_199] : memref<10240x16xf32, #tpu.memory_space<vmem_shared>> -> memref<64x16xf32, #tpu.memory_space<vmem_shared>>
      %dma_wait3A_201 = arith.constant 0 : i32
      %dma_wait3A_202 = tpu.memref_slice %arg9[%add3A_46, %dma_wait3A_201] : memref<10240x16xf32, #tpu.memory_space<vmem_shared>> -> memref<64x16xf32, #tpu.memory_space<vmem_shared>>
      %dma_wait3A_203 = arith.constant 0 : i32
      %dma_wait3A_204 = arith.constant 0 : i32
      %dma_wait3A_205 = tpu.memref_slice %arg14[%run_scoped3A_48, %dma_wait3A_203, %dma_wait3A_204] : memref<2x96x16xf32, #tpu.memory_space<vmem>> -> memref<1x64x16xf32, #tpu.memory_space<vmem>>
      %dma_wait3A_206 = tpu.memref_squeeze %dma_wait3A_205 : memref<1x64x16xf32, #tpu.memory_space<vmem>> -> memref<64x16xf32, #tpu.memory_space<vmem>>
      tpu.wait_dma2 semaphore(%run_scoped3A_182 : memref<!tpu.dma_semaphore, #tpu.memory_space<semaphore_mem>>) src(%dma_wait3A_206 : memref<64x16xf32, #tpu.memory_space<vmem>>) dst(%dma_wait3A_202 : memref<64x16xf32, #tpu.memory_space<vmem_shared>>)
      tpu.yield
    }) : () -> ()
    %mul3A_49 = arith.constant 640 : i32
    %mul3A_50 = arith.muli %arg1, %mul3A_49 : i32
    %add3A_51 = arith.constant 448 : i32
    %add3A_52 = arith.addi %mul3A_50, %add3A_51 : i32
    %run_scoped3A_53 = arith.constant 0 : i32
    "tpu.region"() ({
      %run_scoped3A_182 = tpu.sem_alloc : memref<!tpu.dma_semaphore, #tpu.memory_space<semaphore_mem>>
      %dma_start3A_183 = arith.constant 0 : i32
      %dma_start3A_184 = arith.constant 0 : i32
      %dma_start3A_185 = tpu.memref_slice %arg11[%run_scoped3A_53, %dma_start3A_183, %dma_start3A_184] : memref<2x96x128xf32, #tpu.memory_space<vmem>> -> memref<1x64x128xf32, #tpu.memory_space<vmem>>
      %dma_start3A_186 = tpu.memref_squeeze %dma_start3A_185 : memref<1x64x128xf32, #tpu.memory_space<vmem>> -> memref<64x128xf32, #tpu.memory_space<vmem>>
      %dma_start3A_187 = arith.constant 0 : i32
      %dma_start3A_188 = tpu.memref_slice %arg8[%add3A_52, %dma_start3A_187] : memref<10240x128xf32, #tpu.memory_space<vmem_shared>> -> memref<64x128xf32, #tpu.memory_space<vmem_shared>>
      %dma_start3A_189 = arith.constant 0 : i32
      %dma_start3A_190 = tpu.memref_slice %arg8[%add3A_52, %dma_start3A_189] : memref<10240x128xf32, #tpu.memory_space<vmem_shared>> -> memref<64x128xf32, #tpu.memory_space<vmem_shared>>
      %dma_start3A_191 = arith.constant 0 : i32
      %dma_start3A_192 = arith.constant 0 : i32
      %dma_start3A_193 = tpu.memref_slice %arg11[%run_scoped3A_53, %dma_start3A_191, %dma_start3A_192] : memref<2x96x128xf32, #tpu.memory_space<vmem>> -> memref<1x64x128xf32, #tpu.memory_space<vmem>>
      %dma_start3A_194 = tpu.memref_squeeze %dma_start3A_193 : memref<1x64x128xf32, #tpu.memory_space<vmem>> -> memref<64x128xf32, #tpu.memory_space<vmem>>
      tpu.enqueue_dma source(%dma_start3A_194 : memref<64x128xf32, #tpu.memory_space<vmem>>) target(%dma_start3A_190 : memref<64x128xf32, #tpu.memory_space<vmem_shared>>) target_semaphore(%run_scoped3A_182 : memref<!tpu.dma_semaphore, #tpu.memory_space<semaphore_mem>>)
      %dma_wait3A_195 = arith.constant 0 : i32
      %dma_wait3A_196 = arith.constant 0 : i32
      %dma_wait3A_197 = tpu.memref_slice %arg11[%run_scoped3A_53, %dma_wait3A_195, %dma_wait3A_196] : memref<2x96x128xf32, #tpu.memory_space<vmem>> -> memref<1x64x128xf32, #tpu.memory_space<vmem>>
      %dma_wait3A_198 = tpu.memref_squeeze %dma_wait3A_197 : memref<1x64x128xf32, #tpu.memory_space<vmem>> -> memref<64x128xf32, #tpu.memory_space<vmem>>
      %dma_wait3A_199 = arith.constant 0 : i32
      %dma_wait3A_200 = tpu.memref_slice %arg8[%add3A_52, %dma_wait3A_199] : memref<10240x128xf32, #tpu.memory_space<vmem_shared>> -> memref<64x128xf32, #tpu.memory_space<vmem_shared>>
      %dma_wait3A_201 = arith.constant 0 : i32
      %dma_wait3A_202 = tpu.memref_slice %arg8[%add3A_52, %dma_wait3A_201] : memref<10240x128xf32, #tpu.memory_space<vmem_shared>> -> memref<64x128xf32, #tpu.memory_space<vmem_shared>>
      %dma_wait3A_203 = arith.constant 0 : i32
      %dma_wait3A_204 = arith.constant 0 : i32
      %dma_wait3A_205 = tpu.memref_slice %arg11[%run_scoped3A_53, %dma_wait3A_203, %dma_wait3A_204] : memref<2x96x128xf32, #tpu.memory_space<vmem>> -> memref<1x64x128xf32, #tpu.memory_space<vmem>>
      %dma_wait3A_206 = tpu.memref_squeeze %dma_wait3A_205 : memref<1x64x128xf32, #tpu.memory_space<vmem>> -> memref<64x128xf32, #tpu.memory_space<vmem>>
      tpu.wait_dma2 semaphore(%run_scoped3A_182 : memref<!tpu.dma_semaphore, #tpu.memory_space<semaphore_mem>>) src(%dma_wait3A_206 : memref<64x128xf32, #tpu.memory_space<vmem>>) dst(%dma_wait3A_202 : memref<64x128xf32, #tpu.memory_space<vmem_shared>>)
      tpu.yield
    }) : () -> ()
    %run_scoped3A_54 = arith.constant 0 : i32
    "tpu.region"() ({
      %run_scoped3A_182 = tpu.sem_alloc : memref<!tpu.dma_semaphore, #tpu.memory_space<semaphore_mem>>
      %dma_start3A_183 = arith.constant 0 : i32
      %dma_start3A_184 = arith.constant 0 : i32
      %dma_start3A_185 = tpu.memref_slice %arg14[%run_scoped3A_54, %dma_start3A_183, %dma_start3A_184] : memref<2x96x16xf32, #tpu.memory_space<vmem>> -> memref<1x64x16xf32, #tpu.memory_space<vmem>>
      %dma_start3A_186 = tpu.memref_squeeze %dma_start3A_185 : memref<1x64x16xf32, #tpu.memory_space<vmem>> -> memref<64x16xf32, #tpu.memory_space<vmem>>
      %dma_start3A_187 = arith.constant 0 : i32
      %dma_start3A_188 = tpu.memref_slice %arg9[%add3A_52, %dma_start3A_187] : memref<10240x16xf32, #tpu.memory_space<vmem_shared>> -> memref<64x16xf32, #tpu.memory_space<vmem_shared>>
      %dma_start3A_189 = arith.constant 0 : i32
      %dma_start3A_190 = tpu.memref_slice %arg9[%add3A_52, %dma_start3A_189] : memref<10240x16xf32, #tpu.memory_space<vmem_shared>> -> memref<64x16xf32, #tpu.memory_space<vmem_shared>>
      %dma_start3A_191 = arith.constant 0 : i32
      %dma_start3A_192 = arith.constant 0 : i32
      %dma_start3A_193 = tpu.memref_slice %arg14[%run_scoped3A_54, %dma_start3A_191, %dma_start3A_192] : memref<2x96x16xf32, #tpu.memory_space<vmem>> -> memref<1x64x16xf32, #tpu.memory_space<vmem>>
      %dma_start3A_194 = tpu.memref_squeeze %dma_start3A_193 : memref<1x64x16xf32, #tpu.memory_space<vmem>> -> memref<64x16xf32, #tpu.memory_space<vmem>>
      tpu.enqueue_dma source(%dma_start3A_194 : memref<64x16xf32, #tpu.memory_space<vmem>>) target(%dma_start3A_190 : memref<64x16xf32, #tpu.memory_space<vmem_shared>>) target_semaphore(%run_scoped3A_182 : memref<!tpu.dma_semaphore, #tpu.memory_space<semaphore_mem>>)
      %dma_wait3A_195 = arith.constant 0 : i32
      %dma_wait3A_196 = arith.constant 0 : i32
      %dma_wait3A_197 = tpu.memref_slice %arg14[%run_scoped3A_54, %dma_wait3A_195, %dma_wait3A_196] : memref<2x96x16xf32, #tpu.memory_space<vmem>> -> memref<1x64x16xf32, #tpu.memory_space<vmem>>
      %dma_wait3A_198 = tpu.memref_squeeze %dma_wait3A_197 : memref<1x64x16xf32, #tpu.memory_space<vmem>> -> memref<64x16xf32, #tpu.memory_space<vmem>>
      %dma_wait3A_199 = arith.constant 0 : i32
      %dma_wait3A_200 = tpu.memref_slice %arg9[%add3A_52, %dma_wait3A_199] : memref<10240x16xf32, #tpu.memory_space<vmem_shared>> -> memref<64x16xf32, #tpu.memory_space<vmem_shared>>
      %dma_wait3A_201 = arith.constant 0 : i32
      %dma_wait3A_202 = tpu.memref_slice %arg9[%add3A_52, %dma_wait3A_201] : memref<10240x16xf32, #tpu.memory_space<vmem_shared>> -> memref<64x16xf32, #tpu.memory_space<vmem_shared>>
      %dma_wait3A_203 = arith.constant 0 : i32
      %dma_wait3A_204 = arith.constant 0 : i32
      %dma_wait3A_205 = tpu.memref_slice %arg14[%run_scoped3A_54, %dma_wait3A_203, %dma_wait3A_204] : memref<2x96x16xf32, #tpu.memory_space<vmem>> -> memref<1x64x16xf32, #tpu.memory_space<vmem>>
      %dma_wait3A_206 = tpu.memref_squeeze %dma_wait3A_205 : memref<1x64x16xf32, #tpu.memory_space<vmem>> -> memref<64x16xf32, #tpu.memory_space<vmem>>
      tpu.wait_dma2 semaphore(%run_scoped3A_182 : memref<!tpu.dma_semaphore, #tpu.memory_space<semaphore_mem>>) src(%dma_wait3A_206 : memref<64x16xf32, #tpu.memory_space<vmem>>) dst(%dma_wait3A_202 : memref<64x16xf32, #tpu.memory_space<vmem_shared>>)
      tpu.yield
    }) : () -> ()
    %mul3A_55 = arith.constant 640 : i32
    %mul3A_56 = arith.muli %arg1, %mul3A_55 : i32
    %add3A_57 = arith.constant 512 : i32
    %add3A_58 = arith.addi %mul3A_56, %add3A_57 : i32
    %run_scoped3A_59 = arith.constant 0 : i32
    "tpu.region"() ({
      %run_scoped3A_182 = tpu.sem_alloc : memref<!tpu.dma_semaphore, #tpu.memory_space<semaphore_mem>>
      %dma_start3A_183 = arith.constant 0 : i32
      %dma_start3A_184 = arith.constant 0 : i32
      %dma_start3A_185 = tpu.memref_slice %arg11[%run_scoped3A_59, %dma_start3A_183, %dma_start3A_184] : memref<2x96x128xf32, #tpu.memory_space<vmem>> -> memref<1x64x128xf32, #tpu.memory_space<vmem>>
      %dma_start3A_186 = tpu.memref_squeeze %dma_start3A_185 : memref<1x64x128xf32, #tpu.memory_space<vmem>> -> memref<64x128xf32, #tpu.memory_space<vmem>>
      %dma_start3A_187 = arith.constant 0 : i32
      %dma_start3A_188 = tpu.memref_slice %arg8[%add3A_58, %dma_start3A_187] : memref<10240x128xf32, #tpu.memory_space<vmem_shared>> -> memref<64x128xf32, #tpu.memory_space<vmem_shared>>
      %dma_start3A_189 = arith.constant 0 : i32
      %dma_start3A_190 = tpu.memref_slice %arg8[%add3A_58, %dma_start3A_189] : memref<10240x128xf32, #tpu.memory_space<vmem_shared>> -> memref<64x128xf32, #tpu.memory_space<vmem_shared>>
      %dma_start3A_191 = arith.constant 0 : i32
      %dma_start3A_192 = arith.constant 0 : i32
      %dma_start3A_193 = tpu.memref_slice %arg11[%run_scoped3A_59, %dma_start3A_191, %dma_start3A_192] : memref<2x96x128xf32, #tpu.memory_space<vmem>> -> memref<1x64x128xf32, #tpu.memory_space<vmem>>
      %dma_start3A_194 = tpu.memref_squeeze %dma_start3A_193 : memref<1x64x128xf32, #tpu.memory_space<vmem>> -> memref<64x128xf32, #tpu.memory_space<vmem>>
      tpu.enqueue_dma source(%dma_start3A_194 : memref<64x128xf32, #tpu.memory_space<vmem>>) target(%dma_start3A_190 : memref<64x128xf32, #tpu.memory_space<vmem_shared>>) target_semaphore(%run_scoped3A_182 : memref<!tpu.dma_semaphore, #tpu.memory_space<semaphore_mem>>)
      %dma_wait3A_195 = arith.constant 0 : i32
      %dma_wait3A_196 = arith.constant 0 : i32
      %dma_wait3A_197 = tpu.memref_slice %arg11[%run_scoped3A_59, %dma_wait3A_195, %dma_wait3A_196] : memref<2x96x128xf32, #tpu.memory_space<vmem>> -> memref<1x64x128xf32, #tpu.memory_space<vmem>>
      %dma_wait3A_198 = tpu.memref_squeeze %dma_wait3A_197 : memref<1x64x128xf32, #tpu.memory_space<vmem>> -> memref<64x128xf32, #tpu.memory_space<vmem>>
      %dma_wait3A_199 = arith.constant 0 : i32
      %dma_wait3A_200 = tpu.memref_slice %arg8[%add3A_58, %dma_wait3A_199] : memref<10240x128xf32, #tpu.memory_space<vmem_shared>> -> memref<64x128xf32, #tpu.memory_space<vmem_shared>>
      %dma_wait3A_201 = arith.constant 0 : i32
      %dma_wait3A_202 = tpu.memref_slice %arg8[%add3A_58, %dma_wait3A_201] : memref<10240x128xf32, #tpu.memory_space<vmem_shared>> -> memref<64x128xf32, #tpu.memory_space<vmem_shared>>
      %dma_wait3A_203 = arith.constant 0 : i32
      %dma_wait3A_204 = arith.constant 0 : i32
      %dma_wait3A_205 = tpu.memref_slice %arg11[%run_scoped3A_59, %dma_wait3A_203, %dma_wait3A_204] : memref<2x96x128xf32, #tpu.memory_space<vmem>> -> memref<1x64x128xf32, #tpu.memory_space<vmem>>
      %dma_wait3A_206 = tpu.memref_squeeze %dma_wait3A_205 : memref<1x64x128xf32, #tpu.memory_space<vmem>> -> memref<64x128xf32, #tpu.memory_space<vmem>>
      tpu.wait_dma2 semaphore(%run_scoped3A_182 : memref<!tpu.dma_semaphore, #tpu.memory_space<semaphore_mem>>) src(%dma_wait3A_206 : memref<64x128xf32, #tpu.memory_space<vmem>>) dst(%dma_wait3A_202 : memref<64x128xf32, #tpu.memory_space<vmem_shared>>)
      tpu.yield
    }) : () -> ()
    %run_scoped3A_60 = arith.constant 0 : i32
    "tpu.region"() ({
      %run_scoped3A_182 = tpu.sem_alloc : memref<!tpu.dma_semaphore, #tpu.memory_space<semaphore_mem>>
      %dma_start3A_183 = arith.constant 0 : i32
      %dma_start3A_184 = arith.constant 0 : i32
      %dma_start3A_185 = tpu.memref_slice %arg14[%run_scoped3A_60, %dma_start3A_183, %dma_start3A_184] : memref<2x96x16xf32, #tpu.memory_space<vmem>> -> memref<1x64x16xf32, #tpu.memory_space<vmem>>
      %dma_start3A_186 = tpu.memref_squeeze %dma_start3A_185 : memref<1x64x16xf32, #tpu.memory_space<vmem>> -> memref<64x16xf32, #tpu.memory_space<vmem>>
      %dma_start3A_187 = arith.constant 0 : i32
      %dma_start3A_188 = tpu.memref_slice %arg9[%add3A_58, %dma_start3A_187] : memref<10240x16xf32, #tpu.memory_space<vmem_shared>> -> memref<64x16xf32, #tpu.memory_space<vmem_shared>>
      %dma_start3A_189 = arith.constant 0 : i32
      %dma_start3A_190 = tpu.memref_slice %arg9[%add3A_58, %dma_start3A_189] : memref<10240x16xf32, #tpu.memory_space<vmem_shared>> -> memref<64x16xf32, #tpu.memory_space<vmem_shared>>
      %dma_start3A_191 = arith.constant 0 : i32
      %dma_start3A_192 = arith.constant 0 : i32
      %dma_start3A_193 = tpu.memref_slice %arg14[%run_scoped3A_60, %dma_start3A_191, %dma_start3A_192] : memref<2x96x16xf32, #tpu.memory_space<vmem>> -> memref<1x64x16xf32, #tpu.memory_space<vmem>>
      %dma_start3A_194 = tpu.memref_squeeze %dma_start3A_193 : memref<1x64x16xf32, #tpu.memory_space<vmem>> -> memref<64x16xf32, #tpu.memory_space<vmem>>
      tpu.enqueue_dma source(%dma_start3A_194 : memref<64x16xf32, #tpu.memory_space<vmem>>) target(%dma_start3A_190 : memref<64x16xf32, #tpu.memory_space<vmem_shared>>) target_semaphore(%run_scoped3A_182 : memref<!tpu.dma_semaphore, #tpu.memory_space<semaphore_mem>>)
      %dma_wait3A_195 = arith.constant 0 : i32
      %dma_wait3A_196 = arith.constant 0 : i32
      %dma_wait3A_197 = tpu.memref_slice %arg14[%run_scoped3A_60, %dma_wait3A_195, %dma_wait3A_196] : memref<2x96x16xf32, #tpu.memory_space<vmem>> -> memref<1x64x16xf32, #tpu.memory_space<vmem>>
      %dma_wait3A_198 = tpu.memref_squeeze %dma_wait3A_197 : memref<1x64x16xf32, #tpu.memory_space<vmem>> -> memref<64x16xf32, #tpu.memory_space<vmem>>
      %dma_wait3A_199 = arith.constant 0 : i32
      %dma_wait3A_200 = tpu.memref_slice %arg9[%add3A_58, %dma_wait3A_199] : memref<10240x16xf32, #tpu.memory_space<vmem_shared>> -> memref<64x16xf32, #tpu.memory_space<vmem_shared>>
      %dma_wait3A_201 = arith.constant 0 : i32
      %dma_wait3A_202 = tpu.memref_slice %arg9[%add3A_58, %dma_wait3A_201] : memref<10240x16xf32, #tpu.memory_space<vmem_shared>> -> memref<64x16xf32, #tpu.memory_space<vmem_shared>>
      %dma_wait3A_203 = arith.constant 0 : i32
      %dma_wait3A_204 = arith.constant 0 : i32
      %dma_wait3A_205 = tpu.memref_slice %arg14[%run_scoped3A_60, %dma_wait3A_203, %dma_wait3A_204] : memref<2x96x16xf32, #tpu.memory_space<vmem>> -> memref<1x64x16xf32, #tpu.memory_space<vmem>>
      %dma_wait3A_206 = tpu.memref_squeeze %dma_wait3A_205 : memref<1x64x16xf32, #tpu.memory_space<vmem>> -> memref<64x16xf32, #tpu.memory_space<vmem>>
      tpu.wait_dma2 semaphore(%run_scoped3A_182 : memref<!tpu.dma_semaphore, #tpu.memory_space<semaphore_mem>>) src(%dma_wait3A_206 : memref<64x16xf32, #tpu.memory_space<vmem>>) dst(%dma_wait3A_202 : memref<64x16xf32, #tpu.memory_space<vmem_shared>>)
      tpu.yield
    }) : () -> ()
    %mul3A_61 = arith.constant 640 : i32
    %mul3A_62 = arith.muli %arg1, %mul3A_61 : i32
    %add3A_63 = arith.constant 576 : i32
    %add3A_64 = arith.addi %mul3A_62, %add3A_63 : i32
    %run_scoped3A_65 = arith.constant 0 : i32
    "tpu.region"() ({
      %run_scoped3A_182 = tpu.sem_alloc : memref<!tpu.dma_semaphore, #tpu.memory_space<semaphore_mem>>
      %dma_start3A_183 = arith.constant 0 : i32
      %dma_start3A_184 = arith.constant 0 : i32
      %dma_start3A_185 = tpu.memref_slice %arg11[%run_scoped3A_65, %dma_start3A_183, %dma_start3A_184] : memref<2x96x128xf32, #tpu.memory_space<vmem>> -> memref<1x64x128xf32, #tpu.memory_space<vmem>>
      %dma_start3A_186 = tpu.memref_squeeze %dma_start3A_185 : memref<1x64x128xf32, #tpu.memory_space<vmem>> -> memref<64x128xf32, #tpu.memory_space<vmem>>
      %dma_start3A_187 = arith.constant 0 : i32
      %dma_start3A_188 = tpu.memref_slice %arg8[%add3A_64, %dma_start3A_187] : memref<10240x128xf32, #tpu.memory_space<vmem_shared>> -> memref<64x128xf32, #tpu.memory_space<vmem_shared>>
      %dma_start3A_189 = arith.constant 0 : i32
      %dma_start3A_190 = tpu.memref_slice %arg8[%add3A_64, %dma_start3A_189] : memref<10240x128xf32, #tpu.memory_space<vmem_shared>> -> memref<64x128xf32, #tpu.memory_space<vmem_shared>>
      %dma_start3A_191 = arith.constant 0 : i32
      %dma_start3A_192 = arith.constant 0 : i32
      %dma_start3A_193 = tpu.memref_slice %arg11[%run_scoped3A_65, %dma_start3A_191, %dma_start3A_192] : memref<2x96x128xf32, #tpu.memory_space<vmem>> -> memref<1x64x128xf32, #tpu.memory_space<vmem>>
      %dma_start3A_194 = tpu.memref_squeeze %dma_start3A_193 : memref<1x64x128xf32, #tpu.memory_space<vmem>> -> memref<64x128xf32, #tpu.memory_space<vmem>>
      tpu.enqueue_dma source(%dma_start3A_194 : memref<64x128xf32, #tpu.memory_space<vmem>>) target(%dma_start3A_190 : memref<64x128xf32, #tpu.memory_space<vmem_shared>>) target_semaphore(%run_scoped3A_182 : memref<!tpu.dma_semaphore, #tpu.memory_space<semaphore_mem>>)
      %dma_wait3A_195 = arith.constant 0 : i32
      %dma_wait3A_196 = arith.constant 0 : i32
      %dma_wait3A_197 = tpu.memref_slice %arg11[%run_scoped3A_65, %dma_wait3A_195, %dma_wait3A_196] : memref<2x96x128xf32, #tpu.memory_space<vmem>> -> memref<1x64x128xf32, #tpu.memory_space<vmem>>
      %dma_wait3A_198 = tpu.memref_squeeze %dma_wait3A_197 : memref<1x64x128xf32, #tpu.memory_space<vmem>> -> memref<64x128xf32, #tpu.memory_space<vmem>>
      %dma_wait3A_199 = arith.constant 0 : i32
      %dma_wait3A_200 = tpu.memref_slice %arg8[%add3A_64, %dma_wait3A_199] : memref<10240x128xf32, #tpu.memory_space<vmem_shared>> -> memref<64x128xf32, #tpu.memory_space<vmem_shared>>
      %dma_wait3A_201 = arith.constant 0 : i32
      %dma_wait3A_202 = tpu.memref_slice %arg8[%add3A_64, %dma_wait3A_201] : memref<10240x128xf32, #tpu.memory_space<vmem_shared>> -> memref<64x128xf32, #tpu.memory_space<vmem_shared>>
      %dma_wait3A_203 = arith.constant 0 : i32
      %dma_wait3A_204 = arith.constant 0 : i32
      %dma_wait3A_205 = tpu.memref_slice %arg11[%run_scoped3A_65, %dma_wait3A_203, %dma_wait3A_204] : memref<2x96x128xf32, #tpu.memory_space<vmem>> -> memref<1x64x128xf32, #tpu.memory_space<vmem>>
      %dma_wait3A_206 = tpu.memref_squeeze %dma_wait3A_205 : memref<1x64x128xf32, #tpu.memory_space<vmem>> -> memref<64x128xf32, #tpu.memory_space<vmem>>
      tpu.wait_dma2 semaphore(%run_scoped3A_182 : memref<!tpu.dma_semaphore, #tpu.memory_space<semaphore_mem>>) src(%dma_wait3A_206 : memref<64x128xf32, #tpu.memory_space<vmem>>) dst(%dma_wait3A_202 : memref<64x128xf32, #tpu.memory_space<vmem_shared>>)
      tpu.yield
    }) : () -> ()
    %run_scoped3A_66 = arith.constant 0 : i32
    "tpu.region"() ({
      %run_scoped3A_182 = tpu.sem_alloc : memref<!tpu.dma_semaphore, #tpu.memory_space<semaphore_mem>>
      %dma_start3A_183 = arith.constant 0 : i32
      %dma_start3A_184 = arith.constant 0 : i32
      %dma_start3A_185 = tpu.memref_slice %arg14[%run_scoped3A_66, %dma_start3A_183, %dma_start3A_184] : memref<2x96x16xf32, #tpu.memory_space<vmem>> -> memref<1x64x16xf32, #tpu.memory_space<vmem>>
      %dma_start3A_186 = tpu.memref_squeeze %dma_start3A_185 : memref<1x64x16xf32, #tpu.memory_space<vmem>> -> memref<64x16xf32, #tpu.memory_space<vmem>>
      %dma_start3A_187 = arith.constant 0 : i32
      %dma_start3A_188 = tpu.memref_slice %arg9[%add3A_64, %dma_start3A_187] : memref<10240x16xf32, #tpu.memory_space<vmem_shared>> -> memref<64x16xf32, #tpu.memory_space<vmem_shared>>
      %dma_start3A_189 = arith.constant 0 : i32
      %dma_start3A_190 = tpu.memref_slice %arg9[%add3A_64, %dma_start3A_189] : memref<10240x16xf32, #tpu.memory_space<vmem_shared>> -> memref<64x16xf32, #tpu.memory_space<vmem_shared>>
      %dma_start3A_191 = arith.constant 0 : i32
      %dma_start3A_192 = arith.constant 0 : i32
      %dma_start3A_193 = tpu.memref_slice %arg14[%run_scoped3A_66, %dma_start3A_191, %dma_start3A_192] : memref<2x96x16xf32, #tpu.memory_space<vmem>> -> memref<1x64x16xf32, #tpu.memory_space<vmem>>
      %dma_start3A_194 = tpu.memref_squeeze %dma_start3A_193 : memref<1x64x16xf32, #tpu.memory_space<vmem>> -> memref<64x16xf32, #tpu.memory_space<vmem>>
      tpu.enqueue_dma source(%dma_start3A_194 : memref<64x16xf32, #tpu.memory_space<vmem>>) target(%dma_start3A_190 : memref<64x16xf32, #tpu.memory_space<vmem_shared>>) target_semaphore(%run_scoped3A_182 : memref<!tpu.dma_semaphore, #tpu.memory_space<semaphore_mem>>)
      %dma_wait3A_195 = arith.constant 0 : i32
      %dma_wait3A_196 = arith.constant 0 : i32
      %dma_wait3A_197 = tpu.memref_slice %arg14[%run_scoped3A_66, %dma_wait3A_195, %dma_wait3A_196] : memref<2x96x16xf32, #tpu.memory_space<vmem>> -> memref<1x64x16xf32, #tpu.memory_space<vmem>>
      %dma_wait3A_198 = tpu.memref_squeeze %dma_wait3A_197 : memref<1x64x16xf32, #tpu.memory_space<vmem>> -> memref<64x16xf32, #tpu.memory_space<vmem>>
      %dma_wait3A_199 = arith.constant 0 : i32
      %dma_wait3A_200 = tpu.memref_slice %arg9[%add3A_64, %dma_wait3A_199] : memref<10240x16xf32, #tpu.memory_space<vmem_shared>> -> memref<64x16xf32, #tpu.memory_space<vmem_shared>>
      %dma_wait3A_201 = arith.constant 0 : i32
      %dma_wait3A_202 = tpu.memref_slice %arg9[%add3A_64, %dma_wait3A_201] : memref<10240x16xf32, #tpu.memory_space<vmem_shared>> -> memref<64x16xf32, #tpu.memory_space<vmem_shared>>
      %dma_wait3A_203 = arith.constant 0 : i32
      %dma_wait3A_204 = arith.constant 0 : i32
      %dma_wait3A_205 = tpu.memref_slice %arg14[%run_scoped3A_66, %dma_wait3A_203, %dma_wait3A_204] : memref<2x96x16xf32, #tpu.memory_space<vmem>> -> memref<1x64x16xf32, #tpu.memory_space<vmem>>
      %dma_wait3A_206 = tpu.memref_squeeze %dma_wait3A_205 : memref<1x64x16xf32, #tpu.memory_space<vmem>> -> memref<64x16xf32, #tpu.memory_space<vmem>>
      tpu.wait_dma2 semaphore(%run_scoped3A_182 : memref<!tpu.dma_semaphore, #tpu.memory_space<semaphore_mem>>) src(%dma_wait3A_206 : memref<64x16xf32, #tpu.memory_space<vmem>>) dst(%dma_wait3A_202 : memref<64x16xf32, #tpu.memory_space<vmem_shared>>)
      tpu.yield
    }) : () -> ()
    %barrier3A = arith.constant 0 : index
    tpu.barrier barrier_id(%barrier3A)
    %run_scoped3A_67 = arith.constant 0 : i32
    %run_scoped3A_68 = arith.constant 0 : i32
    %run_scoped3A_69 = arith.constant 0 : i32
    "tpu.region"() ({
      %run_scoped3A_182 = tpu.sem_alloc : memref<!tpu.dma_semaphore, #tpu.memory_space<semaphore_mem>>
      %dma_start3A_183 = arith.constant 0 : i32
      %dma_start3A_184 = tpu.memref_slice %arg10[%run_scoped3A_68, %run_scoped3A_69, %dma_start3A_183] : memref<3x2x96xi32, #tpu.memory_space<vmem>> -> memref<1x1x96xi32, #tpu.memory_space<vmem>>
      %dma_start3A_185 = tpu.memref_squeeze %dma_start3A_184 : memref<1x1x96xi32, #tpu.memory_space<vmem>> -> memref<96xi32, #tpu.memory_space<vmem>>
      %dma_start3A_186 = arith.constant 0 : i32
      %dma_start3A_187 = tpu.memref_slice %arg4[%add3A, %run_scoped3A_67, %dma_start3A_186] : memref<32x108x96xi32, #tpu.memory_space<hbm>> -> memref<1x1x96xi32, #tpu.memory_space<hbm>>
      %dma_start3A_188 = tpu.memref_squeeze %dma_start3A_187 : memref<1x1x96xi32, #tpu.memory_space<hbm>> -> memref<96xi32, #tpu.memory_space<hbm>>
      %dma_start3A_189 = arith.constant 0 : i32
      %dma_start3A_190 = tpu.memref_slice %arg10[%run_scoped3A_68, %run_scoped3A_69, %dma_start3A_189] : memref<3x2x96xi32, #tpu.memory_space<vmem>> -> memref<1x1x96xi32, #tpu.memory_space<vmem>>
      %dma_start3A_191 = tpu.memref_squeeze %dma_start3A_190 : memref<1x1x96xi32, #tpu.memory_space<vmem>> -> memref<96xi32, #tpu.memory_space<vmem>>
      %dma_start3A_192 = arith.constant 0 : i32
      %dma_start3A_193 = tpu.memref_slice %arg4[%add3A, %run_scoped3A_67, %dma_start3A_192] : memref<32x108x96xi32, #tpu.memory_space<hbm>> -> memref<1x1x96xi32, #tpu.memory_space<hbm>>
      %dma_start3A_194 = tpu.memref_squeeze %dma_start3A_193 : memref<1x1x96xi32, #tpu.memory_space<hbm>> -> memref<96xi32, #tpu.memory_space<hbm>>
      tpu.enqueue_dma source(%dma_start3A_194 : memref<96xi32, #tpu.memory_space<hbm>>) target(%dma_start3A_191 : memref<96xi32, #tpu.memory_space<vmem>>) target_semaphore(%run_scoped3A_182 : memref<!tpu.dma_semaphore, #tpu.memory_space<semaphore_mem>>)
      %dma_wait3A_195 = arith.constant 0 : i32
      %dma_wait3A_196 = tpu.memref_slice %arg10[%run_scoped3A_68, %run_scoped3A_69, %dma_wait3A_195] : memref<3x2x96xi32, #tpu.memory_space<vmem>> -> memref<1x1x96xi32, #tpu.memory_space<vmem>>
      %dma_wait3A_197 = tpu.memref_squeeze %dma_wait3A_196 : memref<1x1x96xi32, #tpu.memory_space<vmem>> -> memref<96xi32, #tpu.memory_space<vmem>>
      %dma_wait3A_198 = arith.constant 0 : i32
      %dma_wait3A_199 = tpu.memref_slice %arg4[%add3A, %run_scoped3A_67, %dma_wait3A_198] : memref<32x108x96xi32, #tpu.memory_space<hbm>> -> memref<1x1x96xi32, #tpu.memory_space<hbm>>
      %dma_wait3A_200 = tpu.memref_squeeze %dma_wait3A_199 : memref<1x1x96xi32, #tpu.memory_space<hbm>> -> memref<96xi32, #tpu.memory_space<hbm>>
      %dma_wait3A_201 = arith.constant 0 : i32
      %dma_wait3A_202 = tpu.memref_slice %arg10[%run_scoped3A_68, %run_scoped3A_69, %dma_wait3A_201] : memref<3x2x96xi32, #tpu.memory_space<vmem>> -> memref<1x1x96xi32, #tpu.memory_space<vmem>>
      %dma_wait3A_203 = tpu.memref_squeeze %dma_wait3A_202 : memref<1x1x96xi32, #tpu.memory_space<vmem>> -> memref<96xi32, #tpu.memory_space<vmem>>
      %dma_wait3A_204 = arith.constant 0 : i32
      %dma_wait3A_205 = tpu.memref_slice %arg4[%add3A, %run_scoped3A_67, %dma_wait3A_204] : memref<32x108x96xi32, #tpu.memory_space<hbm>> -> memref<1x1x96xi32, #tpu.memory_space<hbm>>
      %dma_wait3A_206 = tpu.memref_squeeze %dma_wait3A_205 : memref<1x1x96xi32, #tpu.memory_space<hbm>> -> memref<96xi32, #tpu.memory_space<hbm>>
      tpu.wait_dma2 semaphore(%run_scoped3A_182 : memref<!tpu.dma_semaphore, #tpu.memory_space<semaphore_mem>>) src(%dma_wait3A_206 : memref<96xi32, #tpu.memory_space<hbm>>) dst(%dma_wait3A_203 : memref<96xi32, #tpu.memory_space<vmem>>)
      tpu.yield
    }) : () -> ()
    %run_scoped3A_70 = arith.constant 0 : i32
    %run_scoped3A_71 = arith.constant 0 : i32
    %run_scoped3A_72 = arith.constant 1 : i32
    "tpu.region"() ({
      %run_scoped3A_182 = tpu.sem_alloc : memref<!tpu.dma_semaphore, #tpu.memory_space<semaphore_mem>>
      %dma_start3A_183 = arith.constant 0 : i32
      %dma_start3A_184 = tpu.memref_slice %arg10[%run_scoped3A_71, %run_scoped3A_72, %dma_start3A_183] : memref<3x2x96xi32, #tpu.memory_space<vmem>> -> memref<1x1x96xi32, #tpu.memory_space<vmem>>
      %dma_start3A_185 = tpu.memref_squeeze %dma_start3A_184 : memref<1x1x96xi32, #tpu.memory_space<vmem>> -> memref<96xi32, #tpu.memory_space<vmem>>
      %dma_start3A_186 = arith.constant 0 : i32
      %dma_start3A_187 = tpu.memref_slice %arg5[%add3A, %run_scoped3A_70, %dma_start3A_186] : memref<32x108x96xi32, #tpu.memory_space<hbm>> -> memref<1x1x96xi32, #tpu.memory_space<hbm>>
      %dma_start3A_188 = tpu.memref_squeeze %dma_start3A_187 : memref<1x1x96xi32, #tpu.memory_space<hbm>> -> memref<96xi32, #tpu.memory_space<hbm>>
      %dma_start3A_189 = arith.constant 0 : i32
      %dma_start3A_190 = tpu.memref_slice %arg10[%run_scoped3A_71, %run_scoped3A_72, %dma_start3A_189] : memref<3x2x96xi32, #tpu.memory_space<vmem>> -> memref<1x1x96xi32, #tpu.memory_space<vmem>>
      %dma_start3A_191 = tpu.memref_squeeze %dma_start3A_190 : memref<1x1x96xi32, #tpu.memory_space<vmem>> -> memref<96xi32, #tpu.memory_space<vmem>>
      %dma_start3A_192 = arith.constant 0 : i32
      %dma_start3A_193 = tpu.memref_slice %arg5[%add3A, %run_scoped3A_70, %dma_start3A_192] : memref<32x108x96xi32, #tpu.memory_space<hbm>> -> memref<1x1x96xi32, #tpu.memory_space<hbm>>
      %dma_start3A_194 = tpu.memref_squeeze %dma_start3A_193 : memref<1x1x96xi32, #tpu.memory_space<hbm>> -> memref<96xi32, #tpu.memory_space<hbm>>
      tpu.enqueue_dma source(%dma_start3A_194 : memref<96xi32, #tpu.memory_space<hbm>>) target(%dma_start3A_191 : memref<96xi32, #tpu.memory_space<vmem>>) target_semaphore(%run_scoped3A_182 : memref<!tpu.dma_semaphore, #tpu.memory_space<semaphore_mem>>)
      %dma_wait3A_195 = arith.constant 0 : i32
      %dma_wait3A_196 = tpu.memref_slice %arg10[%run_scoped3A_71, %run_scoped3A_72, %dma_wait3A_195] : memref<3x2x96xi32, #tpu.memory_space<vmem>> -> memref<1x1x96xi32, #tpu.memory_space<vmem>>
      %dma_wait3A_197 = tpu.memref_squeeze %dma_wait3A_196 : memref<1x1x96xi32, #tpu.memory_space<vmem>> -> memref<96xi32, #tpu.memory_space<vmem>>
      %dma_wait3A_198 = arith.constant 0 : i32
      %dma_wait3A_199 = tpu.memref_slice %arg5[%add3A, %run_scoped3A_70, %dma_wait3A_198] : memref<32x108x96xi32, #tpu.memory_space<hbm>> -> memref<1x1x96xi32, #tpu.memory_space<hbm>>
      %dma_wait3A_200 = tpu.memref_squeeze %dma_wait3A_199 : memref<1x1x96xi32, #tpu.memory_space<hbm>> -> memref<96xi32, #tpu.memory_space<hbm>>
      %dma_wait3A_201 = arith.constant 0 : i32
      %dma_wait3A_202 = tpu.memref_slice %arg10[%run_scoped3A_71, %run_scoped3A_72, %dma_wait3A_201] : memref<3x2x96xi32, #tpu.memory_space<vmem>> -> memref<1x1x96xi32, #tpu.memory_space<vmem>>
      %dma_wait3A_203 = tpu.memref_squeeze %dma_wait3A_202 : memref<1x1x96xi32, #tpu.memory_space<vmem>> -> memref<96xi32, #tpu.memory_space<vmem>>
      %dma_wait3A_204 = arith.constant 0 : i32
      %dma_wait3A_205 = tpu.memref_slice %arg5[%add3A, %run_scoped3A_70, %dma_wait3A_204] : memref<32x108x96xi32, #tpu.memory_space<hbm>> -> memref<1x1x96xi32, #tpu.memory_space<hbm>>
      %dma_wait3A_206 = tpu.memref_squeeze %dma_wait3A_205 : memref<1x1x96xi32, #tpu.memory_space<hbm>> -> memref<96xi32, #tpu.memory_space<hbm>>
      tpu.wait_dma2 semaphore(%run_scoped3A_182 : memref<!tpu.dma_semaphore, #tpu.memory_space<semaphore_mem>>) src(%dma_wait3A_206 : memref<96xi32, #tpu.memory_space<hbm>>) dst(%dma_wait3A_203 : memref<96xi32, #tpu.memory_space<vmem>>)
      tpu.yield
    }) : () -> ()
    %dma_start3A = arith.constant 1 : i32
    %dma_start3A_73 = arith.constant 1 : i32
    %dma_start3A_74 = arith.constant 0 : i32
    %dma_start3A_75 = arith.constant 0 : i32
    %dma_start3A_76 = tpu.memref_slice %arg10[%dma_start3A_73, %dma_start3A_74, %dma_start3A_75] : memref<3x2x96xi32, #tpu.memory_space<vmem>> -> memref<1x1x96xi32, #tpu.memory_space<vmem>>
    %dma_start3A_77 = tpu.memref_squeeze %dma_start3A_76 : memref<1x1x96xi32, #tpu.memory_space<vmem>> -> memref<96xi32, #tpu.memory_space<vmem>>
    %dma_start3A_78 = arith.constant 0 : i32
    %dma_start3A_79 = tpu.memref_slice %arg4[%add3A, %dma_start3A, %dma_start3A_78] : memref<32x108x96xi32, #tpu.memory_space<hbm>> -> memref<1x1x96xi32, #tpu.memory_space<hbm>>
    %dma_start3A_80 = tpu.memref_squeeze %dma_start3A_79 : memref<1x1x96xi32, #tpu.memory_space<hbm>> -> memref<96xi32, #tpu.memory_space<hbm>>
    %dma_start3A_81 = arith.constant 0 : i32
    %dma_start3A_82 = tpu.memref_slice %arg10[%dma_start3A_73, %dma_start3A_74, %dma_start3A_81] : memref<3x2x96xi32, #tpu.memory_space<vmem>> -> memref<1x1x96xi32, #tpu.memory_space<vmem>>
    %dma_start3A_83 = tpu.memref_squeeze %dma_start3A_82 : memref<1x1x96xi32, #tpu.memory_space<vmem>> -> memref<96xi32, #tpu.memory_space<vmem>>
    %dma_start3A_84 = arith.constant 0 : i32
    %dma_start3A_85 = tpu.memref_slice %arg4[%add3A, %dma_start3A, %dma_start3A_84] : memref<32x108x96xi32, #tpu.memory_space<hbm>> -> memref<1x1x96xi32, #tpu.memory_space<hbm>>
    %dma_start3A_86 = tpu.memref_squeeze %dma_start3A_85 : memref<1x1x96xi32, #tpu.memory_space<hbm>> -> memref<96xi32, #tpu.memory_space<hbm>>
    tpu.enqueue_dma source(%dma_start3A_86 : memref<96xi32, #tpu.memory_space<hbm>>) target(%dma_start3A_83 : memref<96xi32, #tpu.memory_space<vmem>>) target_semaphore(%arg17 : memref<!tpu.dma_semaphore, #tpu.memory_space<semaphore_mem>>)
    %dma_start3A_87 = arith.constant 1 : i32
    %dma_start3A_88 = arith.constant 1 : i32
    %dma_start3A_89 = arith.constant 1 : i32
    %dma_start3A_90 = arith.constant 0 : i32
    %dma_start3A_91 = tpu.memref_slice %arg10[%dma_start3A_88, %dma_start3A_89, %dma_start3A_90] : memref<3x2x96xi32, #tpu.memory_space<vmem>> -> memref<1x1x96xi32, #tpu.memory_space<vmem>>
    %dma_start3A_92 = tpu.memref_squeeze %dma_start3A_91 : memref<1x1x96xi32, #tpu.memory_space<vmem>> -> memref<96xi32, #tpu.memory_space<vmem>>
    %dma_start3A_93 = arith.constant 0 : i32
    %dma_start3A_94 = tpu.memref_slice %arg5[%add3A, %dma_start3A_87, %dma_start3A_93] : memref<32x108x96xi32, #tpu.memory_space<hbm>> -> memref<1x1x96xi32, #tpu.memory_space<hbm>>
    %dma_start3A_95 = tpu.memref_squeeze %dma_start3A_94 : memref<1x1x96xi32, #tpu.memory_space<hbm>> -> memref<96xi32, #tpu.memory_space<hbm>>
    %dma_start3A_96 = arith.constant 0 : i32
    %dma_start3A_97 = tpu.memref_slice %arg10[%dma_start3A_88, %dma_start3A_89, %dma_start3A_96] : memref<3x2x96xi32, #tpu.memory_space<vmem>> -> memref<1x1x96xi32, #tpu.memory_space<vmem>>
    %dma_start3A_98 = tpu.memref_squeeze %dma_start3A_97 : memref<1x1x96xi32, #tpu.memory_space<vmem>> -> memref<96xi32, #tpu.memory_space<vmem>>
    %dma_start3A_99 = arith.constant 0 : i32
    %dma_start3A_100 = tpu.memref_slice %arg5[%add3A, %dma_start3A_87, %dma_start3A_99] : memref<32x108x96xi32, #tpu.memory_space<hbm>> -> memref<1x1x96xi32, #tpu.memory_space<hbm>>
    %dma_start3A_101 = tpu.memref_squeeze %dma_start3A_100 : memref<1x1x96xi32, #tpu.memory_space<hbm>> -> memref<96xi32, #tpu.memory_space<hbm>>
    tpu.enqueue_dma source(%dma_start3A_101 : memref<96xi32, #tpu.memory_space<hbm>>) target(%dma_start3A_98 : memref<96xi32, #tpu.memory_space<vmem>>) target_semaphore(%arg17 : memref<!tpu.dma_semaphore, #tpu.memory_space<semaphore_mem>>)
    %dma_start3A_102 = arith.constant 0 : i32
    %dma_start3A_103 = arith.constant 0 : i32
    %dma_start3A_104 = arith.constant 0 : i32
    %dma_start3A_105 = arith.constant 0 : i32
    %dma_start3A_106 = arith.constant 0 : i32
    %dma_start3A_107 = tpu.memref_slice %arg11[%dma_start3A_104, %dma_start3A_105, %dma_start3A_106] : memref<2x96x128xf32, #tpu.memory_space<vmem>> -> memref<1x96x128xf32, #tpu.memory_space<vmem>>
    %dma_start3A_108 = tpu.memref_squeeze %dma_start3A_107 : memref<1x96x128xf32, #tpu.memory_space<vmem>> -> memref<96x128xf32, #tpu.memory_space<vmem>>
    %dma_start3A_109 = arith.constant 0 : i32
    %dma_start3A_110 = tpu.memref_slice %arg10[%dma_start3A_102, %dma_start3A_103, %dma_start3A_109] : memref<3x2x96xi32, #tpu.memory_space<vmem>> -> memref<1x1x96xi32, #tpu.memory_space<vmem>>
    %dma_start3A_111 = tpu.memref_squeeze %dma_start3A_110 : memref<1x1x96xi32, #tpu.memory_space<vmem>> -> memref<96xi32, #tpu.memory_space<vmem>>
    %dma_start3A_112 = arith.constant 0 : i32
    %dma_start3A_113 = arith.constant 0 : i32
    %dma_start3A_114 = tpu.memref_slice %arg2[%dma_start3A_112, %dma_start3A_113] : memref<10240x128xf32, #tpu.memory_space<hbm>> -> memref<10240x128xf32, #tpu.memory_space<hbm>>
    tpu.enqueue_indirect_dma source(%dma_start3A_114 : memref<10240x128xf32, #tpu.memory_space<hbm>>) target(%dma_start3A_108 : memref<96x128xf32, #tpu.memory_space<vmem>>) offsets(%dma_start3A_111 : memref<96xi32, #tpu.memory_space<vmem>>) semaphore(%arg15 : memref<!tpu.dma_semaphore, #tpu.memory_space<semaphore_mem>>)
    %dma_start3A_115 = arith.constant 0 : i32
    %dma_start3A_116 = arith.constant 0 : i32
    %dma_start3A_117 = arith.constant 0 : i32
    %dma_start3A_118 = arith.constant 0 : i32
    %dma_start3A_119 = arith.constant 0 : i32
    %dma_start3A_120 = tpu.memref_slice %arg12[%dma_start3A_117, %dma_start3A_118, %dma_start3A_119] : memref<2x96x16xf32, #tpu.memory_space<vmem>> -> memref<1x96x16xf32, #tpu.memory_space<vmem>>
    %dma_start3A_121 = tpu.memref_squeeze %dma_start3A_120 : memref<1x96x16xf32, #tpu.memory_space<vmem>> -> memref<96x16xf32, #tpu.memory_space<vmem>>
    %dma_start3A_122 = arith.constant 0 : i32
    %dma_start3A_123 = tpu.memref_slice %arg10[%dma_start3A_115, %dma_start3A_116, %dma_start3A_122] : memref<3x2x96xi32, #tpu.memory_space<vmem>> -> memref<1x1x96xi32, #tpu.memory_space<vmem>>
    %dma_start3A_124 = tpu.memref_squeeze %dma_start3A_123 : memref<1x1x96xi32, #tpu.memory_space<vmem>> -> memref<96xi32, #tpu.memory_space<vmem>>
    %dma_start3A_125 = arith.constant 0 : i32
    %dma_start3A_126 = arith.constant 0 : i32
    %dma_start3A_127 = tpu.memref_slice %arg3[%dma_start3A_125, %dma_start3A_126] : memref<10240x16xf32, #tpu.memory_space<hbm>> -> memref<10240x16xf32, #tpu.memory_space<hbm>>
    tpu.enqueue_indirect_dma source(%dma_start3A_127 : memref<10240x16xf32, #tpu.memory_space<hbm>>) target(%dma_start3A_121 : memref<96x16xf32, #tpu.memory_space<vmem>>) offsets(%dma_start3A_124 : memref<96xi32, #tpu.memory_space<vmem>>) semaphore(%arg15 : memref<!tpu.dma_semaphore, #tpu.memory_space<semaphore_mem>>)
    %dma_start3A_128 = arith.constant 0 : i32
    %dma_start3A_129 = arith.constant 1 : i32
    %dma_start3A_130 = arith.constant 0 : i32
    %dma_start3A_131 = arith.constant 0 : i32
    %dma_start3A_132 = arith.constant 0 : i32
    %dma_start3A_133 = tpu.memref_slice %arg13[%dma_start3A_130, %dma_start3A_131, %dma_start3A_132] : memref<2x96x16xf32, #tpu.memory_space<vmem>> -> memref<1x96x16xf32, #tpu.memory_space<vmem>>
    %dma_start3A_134 = tpu.memref_squeeze %dma_start3A_133 : memref<1x96x16xf32, #tpu.memory_space<vmem>> -> memref<96x16xf32, #tpu.memory_space<vmem>>
    %dma_start3A_135 = arith.constant 0 : i32
    %dma_start3A_136 = tpu.memref_slice %arg10[%dma_start3A_128, %dma_start3A_129, %dma_start3A_135] : memref<3x2x96xi32, #tpu.memory_space<vmem>> -> memref<1x1x96xi32, #tpu.memory_space<vmem>>
    %dma_start3A_137 = tpu.memref_squeeze %dma_start3A_136 : memref<1x1x96xi32, #tpu.memory_space<vmem>> -> memref<96xi32, #tpu.memory_space<vmem>>
    %dma_start3A_138 = arith.constant 0 : i32
    %dma_start3A_139 = arith.constant 0 : i32
    %dma_start3A_140 = tpu.memref_slice %arg3[%dma_start3A_138, %dma_start3A_139] : memref<10240x16xf32, #tpu.memory_space<hbm>> -> memref<10240x16xf32, #tpu.memory_space<hbm>>
    tpu.enqueue_indirect_dma source(%dma_start3A_140 : memref<10240x16xf32, #tpu.memory_space<hbm>>) target(%dma_start3A_134 : memref<96x16xf32, #tpu.memory_space<vmem>>) offsets(%dma_start3A_137 : memref<96xi32, #tpu.memory_space<vmem>>) semaphore(%arg15 : memref<!tpu.dma_semaphore, #tpu.memory_space<semaphore_mem>>)
    %scan3A_141 = arith.constant 0 : i32
    %scan3A_142 = arith.constant 0 : i32
    %scan3A_143 = arith.constant 108 : i32
    %scan3A_144 = arith.addi %scan3A_142, %scan3A_143 : i32
    %scan3A_145 = arith.constant 1 : i32
    %scan3A_146 = scf.for %scan3A_182 = %scan3A_142 to %scan3A_144 step %scan3A_145 iter_args(%scan3A_183 = %scan3A_141) -> (i32)  : i32 {
      %rem3A_184 = arith.constant 2 : i32
      %rem3A_185 = arith.remsi %scan3A_182, %rem3A_184 : i32
      %dma_wait3A_186 = arith.constant 0 : i32
      %dma_wait3A_187 = arith.constant 0 : i32
      %dma_wait3A_188 = arith.constant 0 : i32
      %dma_wait3A_189 = arith.constant 0 : i32
      %dma_wait3A_190 = tpu.memref_slice %arg11[%rem3A_185, %dma_wait3A_188, %dma_wait3A_189] : memref<2x96x128xf32, #tpu.memory_space<vmem>> -> memref<1x96x128xf32, #tpu.memory_space<vmem>>
      %dma_wait3A_191 = tpu.memref_squeeze %dma_wait3A_190 : memref<1x96x128xf32, #tpu.memory_space<vmem>> -> memref<96x128xf32, #tpu.memory_space<vmem>>
      %dma_wait3A_192 = arith.constant 0 : i32
      %dma_wait3A_193 = tpu.memref_slice %arg10[%dma_wait3A_186, %dma_wait3A_187, %dma_wait3A_192] : memref<3x2x96xi32, #tpu.memory_space<vmem>> -> memref<1x1x96xi32, #tpu.memory_space<vmem>>
      %dma_wait3A_194 = tpu.memref_squeeze %dma_wait3A_193 : memref<1x1x96xi32, #tpu.memory_space<vmem>> -> memref<96xi32, #tpu.memory_space<vmem>>
      %dma_wait3A_195 = arith.constant 0 : i32
      %dma_wait3A_196 = arith.constant 0 : i32
      %dma_wait3A_197 = tpu.memref_slice %arg2[%dma_wait3A_195, %dma_wait3A_196] : memref<10240x128xf32, #tpu.memory_space<hbm>> -> memref<10240x128xf32, #tpu.memory_space<hbm>>
      tpu.wait_indirect_dma semaphore(%arg15 : memref<!tpu.dma_semaphore, #tpu.memory_space<semaphore_mem>>) src(%dma_wait3A_197 : memref<10240x128xf32, #tpu.memory_space<hbm>>) dst(%dma_wait3A_191 : memref<96x128xf32, #tpu.memory_space<vmem>>)
      %dma_wait3A_198 = arith.constant 0 : i32
      %dma_wait3A_199 = arith.constant 0 : i32
      %dma_wait3A_200 = arith.constant 0 : i32
      %dma_wait3A_201 = arith.constant 0 : i32
      %dma_wait3A_202 = tpu.memref_slice %arg12[%rem3A_185, %dma_wait3A_200, %dma_wait3A_201] : memref<2x96x16xf32, #tpu.memory_space<vmem>> -> memref<1x96x16xf32, #tpu.memory_space<vmem>>
      %dma_wait3A_203 = tpu.memref_squeeze %dma_wait3A_202 : memref<1x96x16xf32, #tpu.memory_space<vmem>> -> memref<96x16xf32, #tpu.memory_space<vmem>>
      %dma_wait3A_204 = arith.constant 0 : i32
      %dma_wait3A_205 = tpu.memref_slice %arg10[%dma_wait3A_198, %dma_wait3A_199, %dma_wait3A_204] : memref<3x2x96xi32, #tpu.memory_space<vmem>> -> memref<1x1x96xi32, #tpu.memory_space<vmem>>
      %dma_wait3A_206 = tpu.memref_squeeze %dma_wait3A_205 : memref<1x1x96xi32, #tpu.memory_space<vmem>> -> memref<96xi32, #tpu.memory_space<vmem>>
      %dma_wait3A_207 = arith.constant 0 : i32
      %dma_wait3A_208 = arith.constant 0 : i32
      %dma_wait3A_209 = tpu.memref_slice %arg3[%dma_wait3A_207, %dma_wait3A_208] : memref<10240x16xf32, #tpu.memory_space<hbm>> -> memref<10240x16xf32, #tpu.memory_space<hbm>>
      tpu.wait_indirect_dma semaphore(%arg15 : memref<!tpu.dma_semaphore, #tpu.memory_space<semaphore_mem>>) src(%dma_wait3A_209 : memref<10240x16xf32, #tpu.memory_space<hbm>>) dst(%dma_wait3A_203 : memref<96x16xf32, #tpu.memory_space<vmem>>)
      %dma_wait3A_210 = arith.constant 0 : i32
      %dma_wait3A_211 = arith.constant 1 : i32
      %dma_wait3A_212 = arith.constant 0 : i32
      %dma_wait3A_213 = arith.constant 0 : i32
      %dma_wait3A_214 = tpu.memref_slice %arg13[%rem3A_185, %dma_wait3A_212, %dma_wait3A_213] : memref<2x96x16xf32, #tpu.memory_space<vmem>> -> memref<1x96x16xf32, #tpu.memory_space<vmem>>
      %dma_wait3A_215 = tpu.memref_squeeze %dma_wait3A_214 : memref<1x96x16xf32, #tpu.memory_space<vmem>> -> memref<96x16xf32, #tpu.memory_space<vmem>>
      %dma_wait3A_216 = arith.constant 0 : i32
      %dma_wait3A_217 = tpu.memref_slice %arg10[%dma_wait3A_210, %dma_wait3A_211, %dma_wait3A_216] : memref<3x2x96xi32, #tpu.memory_space<vmem>> -> memref<1x1x96xi32, #tpu.memory_space<vmem>>
      %dma_wait3A_218 = tpu.memref_squeeze %dma_wait3A_217 : memref<1x1x96xi32, #tpu.memory_space<vmem>> -> memref<96xi32, #tpu.memory_space<vmem>>
      %dma_wait3A_219 = arith.constant 0 : i32
      %dma_wait3A_220 = arith.constant 0 : i32
      %dma_wait3A_221 = tpu.memref_slice %arg3[%dma_wait3A_219, %dma_wait3A_220] : memref<10240x16xf32, #tpu.memory_space<hbm>> -> memref<10240x16xf32, #tpu.memory_space<hbm>>
      tpu.wait_indirect_dma semaphore(%arg15 : memref<!tpu.dma_semaphore, #tpu.memory_space<semaphore_mem>>) src(%dma_wait3A_221 : memref<10240x16xf32, #tpu.memory_space<hbm>>) dst(%dma_wait3A_215 : memref<96x16xf32, #tpu.memory_space<vmem>>)
      %ge3A = arith.constant 1 : i32
      %ge3A_222 = arith.cmpi sge, %scan3A_182, %ge3A : i32
      %convert_element_type3A = arith.extui %ge3A_222 : i1 to i32
      %cond3A = arith.constant 0 : i32
      %cond3A_223 = arith.cmpi ne, %convert_element_type3A, %cond3A : i32
      scf.if %cond3A_223 {
        %sub3A = arith.constant 1 : i32
        %sub3A_276 = arith.subi %sub3A, %rem3A_185 : i32
        %dma_wait3A_277 = arith.constant 0 : i32
        %dma_wait3A_278 = arith.constant 1 : i32
        %dma_wait3A_279 = arith.constant 0 : i32
        %dma_wait3A_280 = arith.constant 0 : i32
        %dma_wait3A_281 = tpu.memref_slice %arg11[%sub3A_276, %dma_wait3A_279, %dma_wait3A_280] : memref<2x96x128xf32, #tpu.memory_space<vmem>> -> memref<1x96x128xf32, #tpu.memory_space<vmem>>
        %dma_wait3A_282 = tpu.memref_squeeze %dma_wait3A_281 : memref<1x96x128xf32, #tpu.memory_space<vmem>> -> memref<96x128xf32, #tpu.memory_space<vmem>>
        %dma_wait3A_283 = arith.constant 0 : i32
        %dma_wait3A_284 = tpu.memref_slice %arg10[%dma_wait3A_277, %dma_wait3A_278, %dma_wait3A_283] : memref<3x2x96xi32, #tpu.memory_space<vmem>> -> memref<1x1x96xi32, #tpu.memory_space<vmem>>
        %dma_wait3A_285 = tpu.memref_squeeze %dma_wait3A_284 : memref<1x1x96xi32, #tpu.memory_space<vmem>> -> memref<96xi32, #tpu.memory_space<vmem>>
        %dma_wait3A_286 = arith.constant 0 : i32
        %dma_wait3A_287 = arith.constant 0 : i32
        %dma_wait3A_288 = tpu.memref_slice %arg8[%dma_wait3A_286, %dma_wait3A_287] : memref<10240x128xf32, #tpu.memory_space<vmem_shared>> -> memref<10240x128xf32, #tpu.memory_space<vmem_shared>>
        tpu.wait_indirect_dma semaphore(%arg16 : memref<!tpu.dma_semaphore, #tpu.memory_space<semaphore_mem>>) src(%dma_wait3A_282 : memref<96x128xf32, #tpu.memory_space<vmem>>) dst(%dma_wait3A_288 : memref<10240x128xf32, #tpu.memory_space<vmem_shared>>)
        %dma_wait3A_289 = arith.constant 0 : i32
        %dma_wait3A_290 = arith.constant 1 : i32
        %dma_wait3A_291 = arith.constant 0 : i32
        %dma_wait3A_292 = arith.constant 0 : i32
        %dma_wait3A_293 = tpu.memref_slice %arg14[%sub3A_276, %dma_wait3A_291, %dma_wait3A_292] : memref<2x96x16xf32, #tpu.memory_space<vmem>> -> memref<1x96x16xf32, #tpu.memory_space<vmem>>
        %dma_wait3A_294 = tpu.memref_squeeze %dma_wait3A_293 : memref<1x96x16xf32, #tpu.memory_space<vmem>> -> memref<96x16xf32, #tpu.memory_space<vmem>>
        %dma_wait3A_295 = arith.constant 0 : i32
        %dma_wait3A_296 = tpu.memref_slice %arg10[%dma_wait3A_289, %dma_wait3A_290, %dma_wait3A_295] : memref<3x2x96xi32, #tpu.memory_space<vmem>> -> memref<1x1x96xi32, #tpu.memory_space<vmem>>
        %dma_wait3A_297 = tpu.memref_squeeze %dma_wait3A_296 : memref<1x1x96xi32, #tpu.memory_space<vmem>> -> memref<96xi32, #tpu.memory_space<vmem>>
        %dma_wait3A_298 = arith.constant 0 : i32
        %dma_wait3A_299 = arith.constant 0 : i32
        %dma_wait3A_300 = tpu.memref_slice %arg9[%dma_wait3A_298, %dma_wait3A_299] : memref<10240x16xf32, #tpu.memory_space<vmem_shared>> -> memref<10240x16xf32, #tpu.memory_space<vmem_shared>>
        tpu.wait_indirect_dma semaphore(%arg16 : memref<!tpu.dma_semaphore, #tpu.memory_space<semaphore_mem>>) src(%dma_wait3A_294 : memref<96x16xf32, #tpu.memory_space<vmem>>) dst(%dma_wait3A_300 : memref<10240x16xf32, #tpu.memory_space<vmem_shared>>)
      } else {
      }
      %add3A_224 = arith.constant 1 : i32
      %add3A_225 = arith.addi %scan3A_182, %add3A_224 : i32
      %lt3A = arith.constant 108 : i32
      %lt3A_226 = arith.cmpi slt, %add3A_225, %lt3A : i32
      %convert_element_type3A_227 = arith.extui %lt3A_226 : i1 to i32
      %cond3A_228 = arith.constant 0 : i32
      %cond3A_229 = arith.cmpi ne, %convert_element_type3A_227, %cond3A_228 : i32
      scf.if %cond3A_229 {
        %add3A_276 = arith.constant 1 : i32
        %add3A_277 = arith.addi %scan3A_182, %add3A_276 : i32
        %rem3A_278 = arith.constant 3 : i32
        %rem3A_279 = arith.remsi %add3A_277, %rem3A_278 : i32
        %dma_wait3A_280 = arith.constant 0 : i32
        %dma_wait3A_281 = arith.constant 0 : i32
        %dma_wait3A_282 = arith.constant 0 : i32
        %dma_wait3A_283 = tpu.memref_slice %arg10[%rem3A_279, %dma_wait3A_281, %dma_wait3A_282] : memref<3x2x96xi32, #tpu.memory_space<vmem>> -> memref<1x1x96xi32, #tpu.memory_space<vmem>>
        %dma_wait3A_284 = tpu.memref_squeeze %dma_wait3A_283 : memref<1x1x96xi32, #tpu.memory_space<vmem>> -> memref<96xi32, #tpu.memory_space<vmem>>
        %dma_wait3A_285 = arith.constant 0 : i32
        %dma_wait3A_286 = tpu.memref_slice %arg4[%add3A, %dma_wait3A_280, %dma_wait3A_285] : memref<32x108x96xi32, #tpu.memory_space<hbm>> -> memref<1x1x96xi32, #tpu.memory_space<hbm>>
        %dma_wait3A_287 = tpu.memref_squeeze %dma_wait3A_286 : memref<1x1x96xi32, #tpu.memory_space<hbm>> -> memref<96xi32, #tpu.memory_space<hbm>>
        %dma_wait3A_288 = arith.constant 0 : i32
        %dma_wait3A_289 = tpu.memref_slice %arg10[%rem3A_279, %dma_wait3A_281, %dma_wait3A_288] : memref<3x2x96xi32, #tpu.memory_space<vmem>> -> memref<1x1x96xi32, #tpu.memory_space<vmem>>
        %dma_wait3A_290 = tpu.memref_squeeze %dma_wait3A_289 : memref<1x1x96xi32, #tpu.memory_space<vmem>> -> memref<96xi32, #tpu.memory_space<vmem>>
        %dma_wait3A_291 = arith.constant 0 : i32
        %dma_wait3A_292 = tpu.memref_slice %arg4[%add3A, %dma_wait3A_280, %dma_wait3A_291] : memref<32x108x96xi32, #tpu.memory_space<hbm>> -> memref<1x1x96xi32, #tpu.memory_space<hbm>>
        %dma_wait3A_293 = tpu.memref_squeeze %dma_wait3A_292 : memref<1x1x96xi32, #tpu.memory_space<hbm>> -> memref<96xi32, #tpu.memory_space<hbm>>
        tpu.wait_dma2 semaphore(%arg17 : memref<!tpu.dma_semaphore, #tpu.memory_space<semaphore_mem>>) src(%dma_wait3A_293 : memref<96xi32, #tpu.memory_space<hbm>>) dst(%dma_wait3A_290 : memref<96xi32, #tpu.memory_space<vmem>>)
        %dma_wait3A_294 = arith.constant 0 : i32
        %dma_wait3A_295 = arith.constant 1 : i32
        %dma_wait3A_296 = arith.constant 0 : i32
        %dma_wait3A_297 = tpu.memref_slice %arg10[%rem3A_279, %dma_wait3A_295, %dma_wait3A_296] : memref<3x2x96xi32, #tpu.memory_space<vmem>> -> memref<1x1x96xi32, #tpu.memory_space<vmem>>
        %dma_wait3A_298 = tpu.memref_squeeze %dma_wait3A_297 : memref<1x1x96xi32, #tpu.memory_space<vmem>> -> memref<96xi32, #tpu.memory_space<vmem>>
        %dma_wait3A_299 = arith.constant 0 : i32
        %dma_wait3A_300 = tpu.memref_slice %arg4[%add3A, %dma_wait3A_294, %dma_wait3A_299] : memref<32x108x96xi32, #tpu.memory_space<hbm>> -> memref<1x1x96xi32, #tpu.memory_space<hbm>>
        %dma_wait3A_301 = tpu.memref_squeeze %dma_wait3A_300 : memref<1x1x96xi32, #tpu.memory_space<hbm>> -> memref<96xi32, #tpu.memory_space<hbm>>
        %dma_wait3A_302 = arith.constant 0 : i32
        %dma_wait3A_303 = tpu.memref_slice %arg10[%rem3A_279, %dma_wait3A_295, %dma_wait3A_302] : memref<3x2x96xi32, #tpu.memory_space<vmem>> -> memref<1x1x96xi32, #tpu.memory_space<vmem>>
        %dma_wait3A_304 = tpu.memref_squeeze %dma_wait3A_303 : memref<1x1x96xi32, #tpu.memory_space<vmem>> -> memref<96xi32, #tpu.memory_space<vmem>>
        %dma_wait3A_305 = arith.constant 0 : i32
        %dma_wait3A_306 = tpu.memref_slice %arg4[%add3A, %dma_wait3A_294, %dma_wait3A_305] : memref<32x108x96xi32, #tpu.memory_space<hbm>> -> memref<1x1x96xi32, #tpu.memory_space<hbm>>
        %dma_wait3A_307 = tpu.memref_squeeze %dma_wait3A_306 : memref<1x1x96xi32, #tpu.memory_space<hbm>> -> memref<96xi32, #tpu.memory_space<hbm>>
        tpu.wait_dma2 semaphore(%arg17 : memref<!tpu.dma_semaphore, #tpu.memory_space<semaphore_mem>>) src(%dma_wait3A_307 : memref<96xi32, #tpu.memory_space<hbm>>) dst(%dma_wait3A_304 : memref<96xi32, #tpu.memory_space<vmem>>)
        %add3A_308 = arith.constant 1 : i32
        %add3A_309 = arith.addi %scan3A_182, %add3A_308 : i32
        %rem3A_310 = arith.constant 3 : i32
        %rem3A_311 = arith.remsi %add3A_309, %rem3A_310 : i32
        %sub3A = arith.constant 1 : i32
        %sub3A_312 = arith.subi %sub3A, %rem3A_185 : i32
        %dma_start3A_313 = arith.constant 0 : i32
        %dma_start3A_314 = arith.constant 0 : i32
        %dma_start3A_315 = arith.constant 0 : i32
        %dma_start3A_316 = tpu.memref_slice %arg11[%sub3A_312, %dma_start3A_314, %dma_start3A_315] : memref<2x96x128xf32, #tpu.memory_space<vmem>> -> memref<1x96x128xf32, #tpu.memory_space<vmem>>
        %dma_start3A_317 = tpu.memref_squeeze %dma_start3A_316 : memref<1x96x128xf32, #tpu.memory_space<vmem>> -> memref<96x128xf32, #tpu.memory_space<vmem>>
        %dma_start3A_318 = arith.constant 0 : i32
        %dma_start3A_319 = tpu.memref_slice %arg10[%rem3A_311, %dma_start3A_313, %dma_start3A_318] : memref<3x2x96xi32, #tpu.memory_space<vmem>> -> memref<1x1x96xi32, #tpu.memory_space<vmem>>
        %dma_start3A_320 = tpu.memref_squeeze %dma_start3A_319 : memref<1x1x96xi32, #tpu.memory_space<vmem>> -> memref<96xi32, #tpu.memory_space<vmem>>
        %dma_start3A_321 = arith.constant 0 : i32
        %dma_start3A_322 = arith.constant 0 : i32
        %dma_start3A_323 = tpu.memref_slice %arg2[%dma_start3A_321, %dma_start3A_322] : memref<10240x128xf32, #tpu.memory_space<hbm>> -> memref<10240x128xf32, #tpu.memory_space<hbm>>
        tpu.enqueue_indirect_dma source(%dma_start3A_323 : memref<10240x128xf32, #tpu.memory_space<hbm>>) target(%dma_start3A_317 : memref<96x128xf32, #tpu.memory_space<vmem>>) offsets(%dma_start3A_320 : memref<96xi32, #tpu.memory_space<vmem>>) semaphore(%arg15 : memref<!tpu.dma_semaphore, #tpu.memory_space<semaphore_mem>>)
        %dma_start3A_324 = arith.constant 0 : i32
        %dma_start3A_325 = arith.constant 0 : i32
        %dma_start3A_326 = arith.constant 0 : i32
        %dma_start3A_327 = tpu.memref_slice %arg12[%sub3A_312, %dma_start3A_325, %dma_start3A_326] : memref<2x96x16xf32, #tpu.memory_space<vmem>> -> memref<1x96x16xf32, #tpu.memory_space<vmem>>
        %dma_start3A_328 = tpu.memref_squeeze %dma_start3A_327 : memref<1x96x16xf32, #tpu.memory_space<vmem>> -> memref<96x16xf32, #tpu.memory_space<vmem>>
        %dma_start3A_329 = arith.constant 0 : i32
        %dma_start3A_330 = tpu.memref_slice %arg10[%rem3A_311, %dma_start3A_324, %dma_start3A_329] : memref<3x2x96xi32, #tpu.memory_space<vmem>> -> memref<1x1x96xi32, #tpu.memory_space<vmem>>
        %dma_start3A_331 = tpu.memref_squeeze %dma_start3A_330 : memref<1x1x96xi32, #tpu.memory_space<vmem>> -> memref<96xi32, #tpu.memory_space<vmem>>
        %dma_start3A_332 = arith.constant 0 : i32
        %dma_start3A_333 = arith.constant 0 : i32
        %dma_start3A_334 = tpu.memref_slice %arg3[%dma_start3A_332, %dma_start3A_333] : memref<10240x16xf32, #tpu.memory_space<hbm>> -> memref<10240x16xf32, #tpu.memory_space<hbm>>
        tpu.enqueue_indirect_dma source(%dma_start3A_334 : memref<10240x16xf32, #tpu.memory_space<hbm>>) target(%dma_start3A_328 : memref<96x16xf32, #tpu.memory_space<vmem>>) offsets(%dma_start3A_331 : memref<96xi32, #tpu.memory_space<vmem>>) semaphore(%arg15 : memref<!tpu.dma_semaphore, #tpu.memory_space<semaphore_mem>>)
        %dma_start3A_335 = arith.constant 1 : i32
        %dma_start3A_336 = arith.constant 0 : i32
        %dma_start3A_337 = arith.constant 0 : i32
        %dma_start3A_338 = tpu.memref_slice %arg13[%sub3A_312, %dma_start3A_336, %dma_start3A_337] : memref<2x96x16xf32, #tpu.memory_space<vmem>> -> memref<1x96x16xf32, #tpu.memory_space<vmem>>
        %dma_start3A_339 = tpu.memref_squeeze %dma_start3A_338 : memref<1x96x16xf32, #tpu.memory_space<vmem>> -> memref<96x16xf32, #tpu.memory_space<vmem>>
        %dma_start3A_340 = arith.constant 0 : i32
        %dma_start3A_341 = tpu.memref_slice %arg10[%rem3A_311, %dma_start3A_335, %dma_start3A_340] : memref<3x2x96xi32, #tpu.memory_space<vmem>> -> memref<1x1x96xi32, #tpu.memory_space<vmem>>
        %dma_start3A_342 = tpu.memref_squeeze %dma_start3A_341 : memref<1x1x96xi32, #tpu.memory_space<vmem>> -> memref<96xi32, #tpu.memory_space<vmem>>
        %dma_start3A_343 = arith.constant 0 : i32
        %dma_start3A_344 = arith.constant 0 : i32
        %dma_start3A_345 = tpu.memref_slice %arg3[%dma_start3A_343, %dma_start3A_344] : memref<10240x16xf32, #tpu.memory_space<hbm>> -> memref<10240x16xf32, #tpu.memory_space<hbm>>
        tpu.enqueue_indirect_dma source(%dma_start3A_345 : memref<10240x16xf32, #tpu.memory_space<hbm>>) target(%dma_start3A_339 : memref<96x16xf32, #tpu.memory_space<vmem>>) offsets(%dma_start3A_342 : memref<96xi32, #tpu.memory_space<vmem>>) semaphore(%arg15 : memref<!tpu.dma_semaphore, #tpu.memory_space<semaphore_mem>>)
      } else {
      }
      %add3A_230 = arith.constant 2 : i32
      %add3A_231 = arith.addi %scan3A_182, %add3A_230 : i32
      %lt3A_232 = arith.constant 108 : i32
      %lt3A_233 = arith.cmpi slt, %add3A_231, %lt3A_232 : i32
      %convert_element_type3A_234 = arith.extui %lt3A_233 : i1 to i32
      %cond3A_235 = arith.constant 0 : i32
      %cond3A_236 = arith.cmpi ne, %convert_element_type3A_234, %cond3A_235 : i32
      scf.if %cond3A_236 {
        %add3A_276 = arith.constant 2 : i32
        %add3A_277 = arith.addi %scan3A_182, %add3A_276 : i32
        %add3A_278 = arith.constant 2 : i32
        %add3A_279 = arith.addi %scan3A_182, %add3A_278 : i32
        %rem3A_280 = arith.constant 3 : i32
        %rem3A_281 = arith.remsi %add3A_279, %rem3A_280 : i32
        %dma_start3A_282 = arith.constant 0 : i32
        %dma_start3A_283 = arith.constant 0 : i32
        %dma_start3A_284 = tpu.memref_slice %arg10[%rem3A_281, %dma_start3A_282, %dma_start3A_283] : memref<3x2x96xi32, #tpu.memory_space<vmem>> -> memref<1x1x96xi32, #tpu.memory_space<vmem>>
        %dma_start3A_285 = tpu.memref_squeeze %dma_start3A_284 : memref<1x1x96xi32, #tpu.memory_space<vmem>> -> memref<96xi32, #tpu.memory_space<vmem>>
        %dma_start3A_286 = arith.constant 0 : i32
        %dma_start3A_287 = tpu.memref_slice %arg4[%add3A, %add3A_277, %dma_start3A_286] : memref<32x108x96xi32, #tpu.memory_space<hbm>> -> memref<1x1x96xi32, #tpu.memory_space<hbm>>
        %dma_start3A_288 = tpu.memref_squeeze %dma_start3A_287 : memref<1x1x96xi32, #tpu.memory_space<hbm>> -> memref<96xi32, #tpu.memory_space<hbm>>
        %dma_start3A_289 = arith.constant 0 : i32
        %dma_start3A_290 = tpu.memref_slice %arg10[%rem3A_281, %dma_start3A_282, %dma_start3A_289] : memref<3x2x96xi32, #tpu.memory_space<vmem>> -> memref<1x1x96xi32, #tpu.memory_space<vmem>>
        %dma_start3A_291 = tpu.memref_squeeze %dma_start3A_290 : memref<1x1x96xi32, #tpu.memory_space<vmem>> -> memref<96xi32, #tpu.memory_space<vmem>>
        %dma_start3A_292 = arith.constant 0 : i32
        %dma_start3A_293 = tpu.memref_slice %arg4[%add3A, %add3A_277, %dma_start3A_292] : memref<32x108x96xi32, #tpu.memory_space<hbm>> -> memref<1x1x96xi32, #tpu.memory_space<hbm>>
        %dma_start3A_294 = tpu.memref_squeeze %dma_start3A_293 : memref<1x1x96xi32, #tpu.memory_space<hbm>> -> memref<96xi32, #tpu.memory_space<hbm>>
        tpu.enqueue_dma source(%dma_start3A_294 : memref<96xi32, #tpu.memory_space<hbm>>) target(%dma_start3A_291 : memref<96xi32, #tpu.memory_space<vmem>>) target_semaphore(%arg17 : memref<!tpu.dma_semaphore, #tpu.memory_space<semaphore_mem>>)
        %dma_start3A_295 = arith.constant 1 : i32
        %dma_start3A_296 = arith.constant 0 : i32
        %dma_start3A_297 = tpu.memref_slice %arg10[%rem3A_281, %dma_start3A_295, %dma_start3A_296] : memref<3x2x96xi32, #tpu.memory_space<vmem>> -> memref<1x1x96xi32, #tpu.memory_space<vmem>>
        %dma_start3A_298 = tpu.memref_squeeze %dma_start3A_297 : memref<1x1x96xi32, #tpu.memory_space<vmem>> -> memref<96xi32, #tpu.memory_space<vmem>>
        %dma_start3A_299 = arith.constant 0 : i32
        %dma_start3A_300 = tpu.memref_slice %arg5[%add3A, %add3A_277, %dma_start3A_299] : memref<32x108x96xi32, #tpu.memory_space<hbm>> -> memref<1x1x96xi32, #tpu.memory_space<hbm>>
        %dma_start3A_301 = tpu.memref_squeeze %dma_start3A_300 : memref<1x1x96xi32, #tpu.memory_space<hbm>> -> memref<96xi32, #tpu.memory_space<hbm>>
        %dma_start3A_302 = arith.constant 0 : i32
        %dma_start3A_303 = tpu.memref_slice %arg10[%rem3A_281, %dma_start3A_295, %dma_start3A_302] : memref<3x2x96xi32, #tpu.memory_space<vmem>> -> memref<1x1x96xi32, #tpu.memory_space<vmem>>
        %dma_start3A_304 = tpu.memref_squeeze %dma_start3A_303 : memref<1x1x96xi32, #tpu.memory_space<vmem>> -> memref<96xi32, #tpu.memory_space<vmem>>
        %dma_start3A_305 = arith.constant 0 : i32
        %dma_start3A_306 = tpu.memref_slice %arg5[%add3A, %add3A_277, %dma_start3A_305] : memref<32x108x96xi32, #tpu.memory_space<hbm>> -> memref<1x1x96xi32, #tpu.memory_space<hbm>>
        %dma_start3A_307 = tpu.memref_squeeze %dma_start3A_306 : memref<1x1x96xi32, #tpu.memory_space<hbm>> -> memref<96xi32, #tpu.memory_space<hbm>>
        tpu.enqueue_dma source(%dma_start3A_307 : memref<96xi32, #tpu.memory_space<hbm>>) target(%dma_start3A_304 : memref<96xi32, #tpu.memory_space<vmem>>) target_semaphore(%arg17 : memref<!tpu.dma_semaphore, #tpu.memory_space<semaphore_mem>>)
      } else {
      }
      %scan3A_237 = arith.constant 0 : i32
      %scan3A_238 = arith.constant 0 : i32
      %scan3A_239 = arith.constant 6 : i32
      %scan3A_240 = arith.addi %scan3A_238, %scan3A_239 : i32
      %scan3A_241 = arith.constant 1 : i32
      %scan3A_242 = scf.for %scan3A_276 = %scan3A_238 to %scan3A_240 step %scan3A_241 iter_args(%scan3A_277 = %scan3A_237) -> (i32)  : i32 {
        %mul3A_278 = arith.constant 16 : i32
        %mul3A_279 = arith.muli %scan3A_276, %mul3A_278 : i32
        %add3A_280 = vector.broadcast %mul3A_279 : i32 to vector<16xi32>
        %add3A_281 = arith.addi %add3A_280, %iota3A : vector<16xi32>
        %broadcast_in_dim3A_282 = arith.constant 0 : i32
        %broadcast_in_dim3A_283 = vector.broadcast %broadcast_in_dim3A_282 : i32 to vector<16xi32>
        %broadcast_in_dim3A_284 = arith.constant 8 : i32
        %broadcast_in_dim3A_285 = vector.broadcast %broadcast_in_dim3A_284 : i32 to vector<16xi32>
        %gather3A = arith.constant 0 : i32
        %gather3A_286 = arith.constant 0 : i32
        %gather3A_287 = tpu.memref_slice %arg12[%rem3A_185, %gather3A, %gather3A_286] : memref<2x96x16xf32, #tpu.memory_space<vmem>> -> memref<1x96x16xf32, #tpu.memory_space<vmem>>
        %gather3A_288 = tpu.memref_squeeze %gather3A_287 : memref<1x96x16xf32, #tpu.memory_space<vmem>> -> memref<96x16xf32, #tpu.memory_space<vmem>>
        %gather3A_289 = tpu.vector_load_idx %gather3A_288[%add3A_281, %broadcast_in_dim3A_283] : memref<96x16xf32, #tpu.memory_space<vmem>>[vector<16xi32>, vector<16xi32>], vector<16xf32>,
        %gather3A_290 = arith.constant 0 : i32
        %gather3A_291 = arith.constant 0 : i32
        %gather3A_292 = tpu.memref_slice %arg13[%rem3A_185, %gather3A_290, %gather3A_291] : memref<2x96x16xf32, #tpu.memory_space<vmem>> -> memref<1x96x16xf32, #tpu.memory_space<vmem>>
        %gather3A_293 = tpu.memref_squeeze %gather3A_292 : memref<1x96x16xf32, #tpu.memory_space<vmem>> -> memref<96x16xf32, #tpu.memory_space<vmem>>
        %gather3A_294 = tpu.vector_load_idx %gather3A_293[%add3A_281, %broadcast_in_dim3A_285] : memref<96x16xf32, #tpu.memory_space<vmem>>[vector<16xi32>, vector<16xi32>], vector<16xf32>,
        %add3A_295 = arith.addf %gather3A_289, %gather3A_294 : vector<16xf32>
        %lt3A_296 = arith.constant 0.000000e+00 : f32
        %lt3A_297 = vector.broadcast %lt3A_296 : f32 to vector<16xf32>
        %lt3A_298 = arith.cmpf olt, %add3A_295, %lt3A_297 : vector<16xf32>
        %mul3A_299 = arith.constant 2.000000e-01 : f32
        %mul3A_300 = vector.broadcast %mul3A_299 : f32 to vector<16xf32>
        %mul3A_301 = arith.mulf %add3A_295, %mul3A_300 : vector<16xf32>
        %select_n3A = arith.select %lt3A_298, %mul3A_301, %add3A_295 : vector<16xi1>, vector<16xf32>
        %exp3A = math.exp %select_n3A : vector<16xf32>
        %scatter3A = arith.constant 0 : i32
        %scatter3A_302 = arith.constant 0 : i32
        %scatter3A_303 = tpu.memref_slice %arg14[%rem3A_185, %scatter3A, %scatter3A_302] : memref<2x96x16xf32, #tpu.memory_space<vmem>> -> memref<1x96x16xf32, #tpu.memory_space<vmem>>
        %scatter3A_304 = tpu.memref_squeeze %scatter3A_303 : memref<1x96x16xf32, #tpu.memory_space<vmem>> -> memref<96x16xf32, #tpu.memory_space<vmem>>
        tpu.vector_store_idx %scatter3A_304[%add3A_281, %broadcast_in_dim3A_283], %exp3A : memref<96x16xf32, #tpu.memory_space<vmem>>[vector<16xi32>, vector<16xi32>], vector<16xf32>,
        %broadcast_in_dim3A_305 = arith.constant 1 : i32
        %broadcast_in_dim3A_306 = vector.broadcast %broadcast_in_dim3A_305 : i32 to vector<16xi32>
        %broadcast_in_dim3A_307 = arith.constant 9 : i32
        %broadcast_in_dim3A_308 = vector.broadcast %broadcast_in_dim3A_307 : i32 to vector<16xi32>
        %gather3A_309 = arith.constant 0 : i32
        %gather3A_310 = arith.constant 0 : i32
        %gather3A_311 = tpu.memref_slice %arg12[%rem3A_185, %gather3A_309, %gather3A_310] : memref<2x96x16xf32, #tpu.memory_space<vmem>> -> memref<1x96x16xf32, #tpu.memory_space<vmem>>
        %gather3A_312 = tpu.memref_squeeze %gather3A_311 : memref<1x96x16xf32, #tpu.memory_space<vmem>> -> memref<96x16xf32, #tpu.memory_space<vmem>>
        %gather3A_313 = tpu.vector_load_idx %gather3A_312[%add3A_281, %broadcast_in_dim3A_306] : memref<96x16xf32, #tpu.memory_space<vmem>>[vector<16xi32>, vector<16xi32>], vector<16xf32>,
        %gather3A_314 = arith.constant 0 : i32
        %gather3A_315 = arith.constant 0 : i32
        %gather3A_316 = tpu.memref_slice %arg13[%rem3A_185, %gather3A_314, %gather3A_315] : memref<2x96x16xf32, #tpu.memory_space<vmem>> -> memref<1x96x16xf32, #tpu.memory_space<vmem>>
        %gather3A_317 = tpu.memref_squeeze %gather3A_316 : memref<1x96x16xf32, #tpu.memory_space<vmem>> -> memref<96x16xf32, #tpu.memory_space<vmem>>
        %gather3A_318 = tpu.vector_load_idx %gather3A_317[%add3A_281, %broadcast_in_dim3A_308] : memref<96x16xf32, #tpu.memory_space<vmem>>[vector<16xi32>, vector<16xi32>], vector<16xf32>,
        %add3A_319 = arith.addf %gather3A_313, %gather3A_318 : vector<16xf32>
        %lt3A_320 = arith.constant 0.000000e+00 : f32
        %lt3A_321 = vector.broadcast %lt3A_320 : f32 to vector<16xf32>
        %lt3A_322 = arith.cmpf olt, %add3A_319, %lt3A_321 : vector<16xf32>
        %mul3A_323 = arith.constant 2.000000e-01 : f32
        %mul3A_324 = vector.broadcast %mul3A_323 : f32 to vector<16xf32>
        %mul3A_325 = arith.mulf %add3A_319, %mul3A_324 : vector<16xf32>
        %select_n3A_326 = arith.select %lt3A_322, %mul3A_325, %add3A_319 : vector<16xi1>, vector<16xf32>
        %exp3A_327 = math.exp %select_n3A_326 : vector<16xf32>
        %scatter3A_328 = arith.constant 0 : i32
        %scatter3A_329 = arith.constant 0 : i32
        %scatter3A_330 = tpu.memref_slice %arg14[%rem3A_185, %scatter3A_328, %scatter3A_329] : memref<2x96x16xf32, #tpu.memory_space<vmem>> -> memref<1x96x16xf32, #tpu.memory_space<vmem>>
        %scatter3A_331 = tpu.memref_squeeze %scatter3A_330 : memref<1x96x16xf32, #tpu.memory_space<vmem>> -> memref<96x16xf32, #tpu.memory_space<vmem>>
        tpu.vector_store_idx %scatter3A_331[%add3A_281, %broadcast_in_dim3A_306], %exp3A_327 : memref<96x16xf32, #tpu.memory_space<vmem>>[vector<16xi32>, vector<16xi32>], vector<16xf32>,
        %broadcast_in_dim3A_332 = arith.constant 2 : i32
        %broadcast_in_dim3A_333 = vector.broadcast %broadcast_in_dim3A_332 : i32 to vector<16xi32>
        %broadcast_in_dim3A_334 = arith.constant 10 : i32
        %broadcast_in_dim3A_335 = vector.broadcast %broadcast_in_dim3A_334 : i32 to vector<16xi32>
        %gather3A_336 = arith.constant 0 : i32
        %gather3A_337 = arith.constant 0 : i32
        %gather3A_338 = tpu.memref_slice %arg12[%rem3A_185, %gather3A_336, %gather3A_337] : memref<2x96x16xf32, #tpu.memory_space<vmem>> -> memref<1x96x16xf32, #tpu.memory_space<vmem>>
        %gather3A_339 = tpu.memref_squeeze %gather3A_338 : memref<1x96x16xf32, #tpu.memory_space<vmem>> -> memref<96x16xf32, #tpu.memory_space<vmem>>
        %gather3A_340 = tpu.vector_load_idx %gather3A_339[%add3A_281, %broadcast_in_dim3A_333] : memref<96x16xf32, #tpu.memory_space<vmem>>[vector<16xi32>, vector<16xi32>], vector<16xf32>,
        %gather3A_341 = arith.constant 0 : i32
        %gather3A_342 = arith.constant 0 : i32
        %gather3A_343 = tpu.memref_slice %arg13[%rem3A_185, %gather3A_341, %gather3A_342] : memref<2x96x16xf32, #tpu.memory_space<vmem>> -> memref<1x96x16xf32, #tpu.memory_space<vmem>>
        %gather3A_344 = tpu.memref_squeeze %gather3A_343 : memref<1x96x16xf32, #tpu.memory_space<vmem>> -> memref<96x16xf32, #tpu.memory_space<vmem>>
        %gather3A_345 = tpu.vector_load_idx %gather3A_344[%add3A_281, %broadcast_in_dim3A_335] : memref<96x16xf32, #tpu.memory_space<vmem>>[vector<16xi32>, vector<16xi32>], vector<16xf32>,
        %add3A_346 = arith.addf %gather3A_340, %gather3A_345 : vector<16xf32>
        %lt3A_347 = arith.constant 0.000000e+00 : f32
        %lt3A_348 = vector.broadcast %lt3A_347 : f32 to vector<16xf32>
        %lt3A_349 = arith.cmpf olt, %add3A_346, %lt3A_348 : vector<16xf32>
        %mul3A_350 = arith.constant 2.000000e-01 : f32
        %mul3A_351 = vector.broadcast %mul3A_350 : f32 to vector<16xf32>
        %mul3A_352 = arith.mulf %add3A_346, %mul3A_351 : vector<16xf32>
        %select_n3A_353 = arith.select %lt3A_349, %mul3A_352, %add3A_346 : vector<16xi1>, vector<16xf32>
        %exp3A_354 = math.exp %select_n3A_353 : vector<16xf32>
        %scatter3A_355 = arith.constant 0 : i32
        %scatter3A_356 = arith.constant 0 : i32
        %scatter3A_357 = tpu.memref_slice %arg14[%rem3A_185, %scatter3A_355, %scatter3A_356] : memref<2x96x16xf32, #tpu.memory_space<vmem>> -> memref<1x96x16xf32, #tpu.memory_space<vmem>>
        %scatter3A_358 = tpu.memref_squeeze %scatter3A_357 : memref<1x96x16xf32, #tpu.memory_space<vmem>> -> memref<96x16xf32, #tpu.memory_space<vmem>>
        tpu.vector_store_idx %scatter3A_358[%add3A_281, %broadcast_in_dim3A_333], %exp3A_354 : memref<96x16xf32, #tpu.memory_space<vmem>>[vector<16xi32>, vector<16xi32>], vector<16xf32>,
        %broadcast_in_dim3A_359 = arith.constant 3 : i32
        %broadcast_in_dim3A_360 = vector.broadcast %broadcast_in_dim3A_359 : i32 to vector<16xi32>
        %broadcast_in_dim3A_361 = arith.constant 11 : i32
        %broadcast_in_dim3A_362 = vector.broadcast %broadcast_in_dim3A_361 : i32 to vector<16xi32>
        %gather3A_363 = arith.constant 0 : i32
        %gather3A_364 = arith.constant 0 : i32
        %gather3A_365 = tpu.memref_slice %arg12[%rem3A_185, %gather3A_363, %gather3A_364] : memref<2x96x16xf32, #tpu.memory_space<vmem>> -> memref<1x96x16xf32, #tpu.memory_space<vmem>>
        %gather3A_366 = tpu.memref_squeeze %gather3A_365 : memref<1x96x16xf32, #tpu.memory_space<vmem>> -> memref<96x16xf32, #tpu.memory_space<vmem>>
        %gather3A_367 = tpu.vector_load_idx %gather3A_366[%add3A_281, %broadcast_in_dim3A_360] : memref<96x16xf32, #tpu.memory_space<vmem>>[vector<16xi32>, vector<16xi32>], vector<16xf32>,
        %gather3A_368 = arith.constant 0 : i32
        %gather3A_369 = arith.constant 0 : i32
        %gather3A_370 = tpu.memref_slice %arg13[%rem3A_185, %gather3A_368, %gather3A_369] : memref<2x96x16xf32, #tpu.memory_space<vmem>> -> memref<1x96x16xf32, #tpu.memory_space<vmem>>
        %gather3A_371 = tpu.memref_squeeze %gather3A_370 : memref<1x96x16xf32, #tpu.memory_space<vmem>> -> memref<96x16xf32, #tpu.memory_space<vmem>>
        %gather3A_372 = tpu.vector_load_idx %gather3A_371[%add3A_281, %broadcast_in_dim3A_362] : memref<96x16xf32, #tpu.memory_space<vmem>>[vector<16xi32>, vector<16xi32>], vector<16xf32>,
        %add3A_373 = arith.addf %gather3A_367, %gather3A_372 : vector<16xf32>
        %lt3A_374 = arith.constant 0.000000e+00 : f32
        %lt3A_375 = vector.broadcast %lt3A_374 : f32 to vector<16xf32>
        %lt3A_376 = arith.cmpf olt, %add3A_373, %lt3A_375 : vector<16xf32>
        %mul3A_377 = arith.constant 2.000000e-01 : f32
        %mul3A_378 = vector.broadcast %mul3A_377 : f32 to vector<16xf32>
        %mul3A_379 = arith.mulf %add3A_373, %mul3A_378 : vector<16xf32>
        %select_n3A_380 = arith.select %lt3A_376, %mul3A_379, %add3A_373 : vector<16xi1>, vector<16xf32>
        %exp3A_381 = math.exp %select_n3A_380 : vector<16xf32>
        %scatter3A_382 = arith.constant 0 : i32
        %scatter3A_383 = arith.constant 0 : i32
        %scatter3A_384 = tpu.memref_slice %arg14[%rem3A_185, %scatter3A_382, %scatter3A_383] : memref<2x96x16xf32, #tpu.memory_space<vmem>> -> memref<1x96x16xf32, #tpu.memory_space<vmem>>
        %scatter3A_385 = tpu.memref_squeeze %scatter3A_384 : memref<1x96x16xf32, #tpu.memory_space<vmem>> -> memref<96x16xf32, #tpu.memory_space<vmem>>
        tpu.vector_store_idx %scatter3A_385[%add3A_281, %broadcast_in_dim3A_360], %exp3A_381 : memref<96x16xf32, #tpu.memory_space<vmem>>[vector<16xi32>, vector<16xi32>], vector<16xf32>,
        %broadcast_in_dim3A_386 = arith.constant 4 : i32
        %broadcast_in_dim3A_387 = vector.broadcast %broadcast_in_dim3A_386 : i32 to vector<16xi32>
        %broadcast_in_dim3A_388 = arith.constant 12 : i32
        %broadcast_in_dim3A_389 = vector.broadcast %broadcast_in_dim3A_388 : i32 to vector<16xi32>
        %gather3A_390 = arith.constant 0 : i32
        %gather3A_391 = arith.constant 0 : i32
        %gather3A_392 = tpu.memref_slice %arg12[%rem3A_185, %gather3A_390, %gather3A_391] : memref<2x96x16xf32, #tpu.memory_space<vmem>> -> memref<1x96x16xf32, #tpu.memory_space<vmem>>
        %gather3A_393 = tpu.memref_squeeze %gather3A_392 : memref<1x96x16xf32, #tpu.memory_space<vmem>> -> memref<96x16xf32, #tpu.memory_space<vmem>>
        %gather3A_394 = tpu.vector_load_idx %gather3A_393[%add3A_281, %broadcast_in_dim3A_387] : memref<96x16xf32, #tpu.memory_space<vmem>>[vector<16xi32>, vector<16xi32>], vector<16xf32>,
        %gather3A_395 = arith.constant 0 : i32
        %gather3A_396 = arith.constant 0 : i32
        %gather3A_397 = tpu.memref_slice %arg13[%rem3A_185, %gather3A_395, %gather3A_396] : memref<2x96x16xf32, #tpu.memory_space<vmem>> -> memref<1x96x16xf32, #tpu.memory_space<vmem>>
        %gather3A_398 = tpu.memref_squeeze %gather3A_397 : memref<1x96x16xf32, #tpu.memory_space<vmem>> -> memref<96x16xf32, #tpu.memory_space<vmem>>
        %gather3A_399 = tpu.vector_load_idx %gather3A_398[%add3A_281, %broadcast_in_dim3A_389] : memref<96x16xf32, #tpu.memory_space<vmem>>[vector<16xi32>, vector<16xi32>], vector<16xf32>,
        %add3A_400 = arith.addf %gather3A_394, %gather3A_399 : vector<16xf32>
        %lt3A_401 = arith.constant 0.000000e+00 : f32
        %lt3A_402 = vector.broadcast %lt3A_401 : f32 to vector<16xf32>
        %lt3A_403 = arith.cmpf olt, %add3A_400, %lt3A_402 : vector<16xf32>
        %mul3A_404 = arith.constant 2.000000e-01 : f32
        %mul3A_405 = vector.broadcast %mul3A_404 : f32 to vector<16xf32>
        %mul3A_406 = arith.mulf %add3A_400, %mul3A_405 : vector<16xf32>
        %select_n3A_407 = arith.select %lt3A_403, %mul3A_406, %add3A_400 : vector<16xi1>, vector<16xf32>
        %exp3A_408 = math.exp %select_n3A_407 : vector<16xf32>
        %scatter3A_409 = arith.constant 0 : i32
        %scatter3A_410 = arith.constant 0 : i32
        %scatter3A_411 = tpu.memref_slice %arg14[%rem3A_185, %scatter3A_409, %scatter3A_410] : memref<2x96x16xf32, #tpu.memory_space<vmem>> -> memref<1x96x16xf32, #tpu.memory_space<vmem>>
        %scatter3A_412 = tpu.memref_squeeze %scatter3A_411 : memref<1x96x16xf32, #tpu.memory_space<vmem>> -> memref<96x16xf32, #tpu.memory_space<vmem>>
        tpu.vector_store_idx %scatter3A_412[%add3A_281, %broadcast_in_dim3A_387], %exp3A_408 : memref<96x16xf32, #tpu.memory_space<vmem>>[vector<16xi32>, vector<16xi32>], vector<16xf32>,
        %broadcast_in_dim3A_413 = arith.constant 5 : i32
        %broadcast_in_dim3A_414 = vector.broadcast %broadcast_in_dim3A_413 : i32 to vector<16xi32>
        %broadcast_in_dim3A_415 = arith.constant 13 : i32
        %broadcast_in_dim3A_416 = vector.broadcast %broadcast_in_dim3A_415 : i32 to vector<16xi32>
        %gather3A_417 = arith.constant 0 : i32
        %gather3A_418 = arith.constant 0 : i32
        %gather3A_419 = tpu.memref_slice %arg12[%rem3A_185, %gather3A_417, %gather3A_418] : memref<2x96x16xf32, #tpu.memory_space<vmem>> -> memref<1x96x16xf32, #tpu.memory_space<vmem>>
        %gather3A_420 = tpu.memref_squeeze %gather3A_419 : memref<1x96x16xf32, #tpu.memory_space<vmem>> -> memref<96x16xf32, #tpu.memory_space<vmem>>
        %gather3A_421 = tpu.vector_load_idx %gather3A_420[%add3A_281, %broadcast_in_dim3A_414] : memref<96x16xf32, #tpu.memory_space<vmem>>[vector<16xi32>, vector<16xi32>], vector<16xf32>,
        %gather3A_422 = arith.constant 0 : i32
        %gather3A_423 = arith.constant 0 : i32
        %gather3A_424 = tpu.memref_slice %arg13[%rem3A_185, %gather3A_422, %gather3A_423] : memref<2x96x16xf32, #tpu.memory_space<vmem>> -> memref<1x96x16xf32, #tpu.memory_space<vmem>>
        %gather3A_425 = tpu.memref_squeeze %gather3A_424 : memref<1x96x16xf32, #tpu.memory_space<vmem>> -> memref<96x16xf32, #tpu.memory_space<vmem>>
        %gather3A_426 = tpu.vector_load_idx %gather3A_425[%add3A_281, %broadcast_in_dim3A_416] : memref<96x16xf32, #tpu.memory_space<vmem>>[vector<16xi32>, vector<16xi32>], vector<16xf32>,
        %add3A_427 = arith.addf %gather3A_421, %gather3A_426 : vector<16xf32>
        %lt3A_428 = arith.constant 0.000000e+00 : f32
        %lt3A_429 = vector.broadcast %lt3A_428 : f32 to vector<16xf32>
        %lt3A_430 = arith.cmpf olt, %add3A_427, %lt3A_429 : vector<16xf32>
        %mul3A_431 = arith.constant 2.000000e-01 : f32
        %mul3A_432 = vector.broadcast %mul3A_431 : f32 to vector<16xf32>
        %mul3A_433 = arith.mulf %add3A_427, %mul3A_432 : vector<16xf32>
        %select_n3A_434 = arith.select %lt3A_430, %mul3A_433, %add3A_427 : vector<16xi1>, vector<16xf32>
        %exp3A_435 = math.exp %select_n3A_434 : vector<16xf32>
        %scatter3A_436 = arith.constant 0 : i32
        %scatter3A_437 = arith.constant 0 : i32
        %scatter3A_438 = tpu.memref_slice %arg14[%rem3A_185, %scatter3A_436, %scatter3A_437] : memref<2x96x16xf32, #tpu.memory_space<vmem>> -> memref<1x96x16xf32, #tpu.memory_space<vmem>>
        %scatter3A_439 = tpu.memref_squeeze %scatter3A_438 : memref<1x96x16xf32, #tpu.memory_space<vmem>> -> memref<96x16xf32, #tpu.memory_space<vmem>>
        tpu.vector_store_idx %scatter3A_439[%add3A_281, %broadcast_in_dim3A_414], %exp3A_435 : memref<96x16xf32, #tpu.memory_space<vmem>>[vector<16xi32>, vector<16xi32>], vector<16xf32>,
        %broadcast_in_dim3A_440 = arith.constant 6 : i32
        %broadcast_in_dim3A_441 = vector.broadcast %broadcast_in_dim3A_440 : i32 to vector<16xi32>
        %broadcast_in_dim3A_442 = arith.constant 14 : i32
        %broadcast_in_dim3A_443 = vector.broadcast %broadcast_in_dim3A_442 : i32 to vector<16xi32>
        %gather3A_444 = arith.constant 0 : i32
        %gather3A_445 = arith.constant 0 : i32
        %gather3A_446 = tpu.memref_slice %arg12[%rem3A_185, %gather3A_444, %gather3A_445] : memref<2x96x16xf32, #tpu.memory_space<vmem>> -> memref<1x96x16xf32, #tpu.memory_space<vmem>>
        %gather3A_447 = tpu.memref_squeeze %gather3A_446 : memref<1x96x16xf32, #tpu.memory_space<vmem>> -> memref<96x16xf32, #tpu.memory_space<vmem>>
        %gather3A_448 = tpu.vector_load_idx %gather3A_447[%add3A_281, %broadcast_in_dim3A_441] : memref<96x16xf32, #tpu.memory_space<vmem>>[vector<16xi32>, vector<16xi32>], vector<16xf32>,
        %gather3A_449 = arith.constant 0 : i32
        %gather3A_450 = arith.constant 0 : i32
        %gather3A_451 = tpu.memref_slice %arg13[%rem3A_185, %gather3A_449, %gather3A_450] : memref<2x96x16xf32, #tpu.memory_space<vmem>> -> memref<1x96x16xf32, #tpu.memory_space<vmem>>
        %gather3A_452 = tpu.memref_squeeze %gather3A_451 : memref<1x96x16xf32, #tpu.memory_space<vmem>> -> memref<96x16xf32, #tpu.memory_space<vmem>>
        %gather3A_453 = tpu.vector_load_idx %gather3A_452[%add3A_281, %broadcast_in_dim3A_443] : memref<96x16xf32, #tpu.memory_space<vmem>>[vector<16xi32>, vector<16xi32>], vector<16xf32>,
        %add3A_454 = arith.addf %gather3A_448, %gather3A_453 : vector<16xf32>
        %lt3A_455 = arith.constant 0.000000e+00 : f32
        %lt3A_456 = vector.broadcast %lt3A_455 : f32 to vector<16xf32>
        %lt3A_457 = arith.cmpf olt, %add3A_454, %lt3A_456 : vector<16xf32>
        %mul3A_458 = arith.constant 2.000000e-01 : f32
        %mul3A_459 = vector.broadcast %mul3A_458 : f32 to vector<16xf32>
        %mul3A_460 = arith.mulf %add3A_454, %mul3A_459 : vector<16xf32>
        %select_n3A_461 = arith.select %lt3A_457, %mul3A_460, %add3A_454 : vector<16xi1>, vector<16xf32>
        %exp3A_462 = math.exp %select_n3A_461 : vector<16xf32>
        %scatter3A_463 = arith.constant 0 : i32
        %scatter3A_464 = arith.constant 0 : i32
        %scatter3A_465 = tpu.memref_slice %arg14[%rem3A_185, %scatter3A_463, %scatter3A_464] : memref<2x96x16xf32, #tpu.memory_space<vmem>> -> memref<1x96x16xf32, #tpu.memory_space<vmem>>
        %scatter3A_466 = tpu.memref_squeeze %scatter3A_465 : memref<1x96x16xf32, #tpu.memory_space<vmem>> -> memref<96x16xf32, #tpu.memory_space<vmem>>
        tpu.vector_store_idx %scatter3A_466[%add3A_281, %broadcast_in_dim3A_441], %exp3A_462 : memref<96x16xf32, #tpu.memory_space<vmem>>[vector<16xi32>, vector<16xi32>], vector<16xf32>,
        %broadcast_in_dim3A_467 = arith.constant 7 : i32
        %broadcast_in_dim3A_468 = vector.broadcast %broadcast_in_dim3A_467 : i32 to vector<16xi32>
        %broadcast_in_dim3A_469 = arith.constant 15 : i32
        %broadcast_in_dim3A_470 = vector.broadcast %broadcast_in_dim3A_469 : i32 to vector<16xi32>
        %gather3A_471 = arith.constant 0 : i32
        %gather3A_472 = arith.constant 0 : i32
        %gather3A_473 = tpu.memref_slice %arg12[%rem3A_185, %gather3A_471, %gather3A_472] : memref<2x96x16xf32, #tpu.memory_space<vmem>> -> memref<1x96x16xf32, #tpu.memory_space<vmem>>
        %gather3A_474 = tpu.memref_squeeze %gather3A_473 : memref<1x96x16xf32, #tpu.memory_space<vmem>> -> memref<96x16xf32, #tpu.memory_space<vmem>>
        %gather3A_475 = tpu.vector_load_idx %gather3A_474[%add3A_281, %broadcast_in_dim3A_468] : memref<96x16xf32, #tpu.memory_space<vmem>>[vector<16xi32>, vector<16xi32>], vector<16xf32>,
        %gather3A_476 = arith.constant 0 : i32
        %gather3A_477 = arith.constant 0 : i32
        %gather3A_478 = tpu.memref_slice %arg13[%rem3A_185, %gather3A_476, %gather3A_477] : memref<2x96x16xf32, #tpu.memory_space<vmem>> -> memref<1x96x16xf32, #tpu.memory_space<vmem>>
        %gather3A_479 = tpu.memref_squeeze %gather3A_478 : memref<1x96x16xf32, #tpu.memory_space<vmem>> -> memref<96x16xf32, #tpu.memory_space<vmem>>
        %gather3A_480 = tpu.vector_load_idx %gather3A_479[%add3A_281, %broadcast_in_dim3A_470] : memref<96x16xf32, #tpu.memory_space<vmem>>[vector<16xi32>, vector<16xi32>], vector<16xf32>,
        %add3A_481 = arith.addf %gather3A_475, %gather3A_480 : vector<16xf32>
        %lt3A_482 = arith.constant 0.000000e+00 : f32
        %lt3A_483 = vector.broadcast %lt3A_482 : f32 to vector<16xf32>
        %lt3A_484 = arith.cmpf olt, %add3A_481, %lt3A_483 : vector<16xf32>
        %mul3A_485 = arith.constant 2.000000e-01 : f32
        %mul3A_486 = vector.broadcast %mul3A_485 : f32 to vector<16xf32>
        %mul3A_487 = arith.mulf %add3A_481, %mul3A_486 : vector<16xf32>
        %select_n3A_488 = arith.select %lt3A_484, %mul3A_487, %add3A_481 : vector<16xi1>, vector<16xf32>
        %exp3A_489 = math.exp %select_n3A_488 : vector<16xf32>
        %scatter3A_490 = arith.constant 0 : i32
        %scatter3A_491 = arith.constant 0 : i32
        %scatter3A_492 = tpu.memref_slice %arg14[%rem3A_185, %scatter3A_490, %scatter3A_491] : memref<2x96x16xf32, #tpu.memory_space<vmem>> -> memref<1x96x16xf32, #tpu.memory_space<vmem>>
        %scatter3A_493 = tpu.memref_squeeze %scatter3A_492 : memref<1x96x16xf32, #tpu.memory_space<vmem>> -> memref<96x16xf32, #tpu.memory_space<vmem>>
        tpu.vector_store_idx %scatter3A_493[%add3A_281, %broadcast_in_dim3A_468], %exp3A_489 : memref<96x16xf32, #tpu.memory_space<vmem>>[vector<16xi32>, vector<16xi32>], vector<16xf32>,
        %scan3A_494 = arith.constant 0 : i32
        scf.yield %scan3A_494 : i32
      }
      %scan3A_243 = arith.constant 6 : i32
      %scan3A_244 = arith.constant 0 : i32
      %scan3A_245 = arith.constant 0 : i32
      %scan3A_246 = arith.constant 96 : i32
      %scan3A_247 = arith.addi %scan3A_245, %scan3A_246 : i32
      %scan3A_248 = arith.constant 1 : i32
      %scan3A_249 = scf.for %scan3A_276 = %scan3A_245 to %scan3A_247 step %scan3A_248 iter_args(%scan3A_277 = %scan3A_244) -> (i32)  : i32 {
        %get3A = arith.constant 0 : i32
        %get3A_278 = arith.constant 0 : i32
        %get3A_279 = tpu.memref_slice %arg14[%rem3A_185, %get3A, %get3A_278] : memref<2x96x16xf32, #tpu.memory_space<vmem>> -> memref<1x96x16xf32, #tpu.memory_space<vmem>>
        %get3A_280 = tpu.memref_squeeze %get3A_279 : memref<1x96x16xf32, #tpu.memory_space<vmem>> -> memref<96x16xf32, #tpu.memory_space<vmem>>
        %get3A_281 = arith.index_cast %scan3A_276 : i32 to index
        %get3A_282 = arith.constant 0 : index
        %get3A_283 = tpu.vector_load %get3A_280[%get3A_281, %get3A_282] {strides = array<i32>} : memref<96x16xf32, #tpu.memory_space<vmem>>, vector<16xf32>,
        %slice3A = vector.extract_strided_slice %get3A_283 {offsets = [0], sizes = [1], strides = [1]} : vector<16xf32> to vector<1xf32>
        %squeeze3A = vector.extract %slice3A[0] : f32 from vector<1xf32>
        %get3A_284 = arith.constant 0 : i32
        %get3A_285 = arith.constant 0 : i32
        %get3A_286 = tpu.memref_slice %arg11[%rem3A_185, %get3A_284, %get3A_285] : memref<2x96x128xf32, #tpu.memory_space<vmem>> -> memref<1x96x128xf32, #tpu.memory_space<vmem>>
        %get3A_287 = tpu.memref_squeeze %get3A_286 : memref<1x96x128xf32, #tpu.memory_space<vmem>> -> memref<96x128xf32, #tpu.memory_space<vmem>>
        %get3A_288 = arith.index_cast %scan3A_276 : i32 to index
        %get3A_289 = arith.constant 0 : index
        %get3A_290 = tpu.vector_load %get3A_287[%get3A_288, %get3A_289] {strides = array<i32>} : memref<96x128xf32, #tpu.memory_space<vmem>>, vector<16xf32>,
        %mul3A_291 = vector.broadcast %squeeze3A : f32 to vector<16xf32>
        %mul3A_292 = arith.mulf %get3A_290, %mul3A_291 : vector<16xf32>
        %swap3A = arith.constant 0 : i32
        %swap3A_293 = arith.constant 0 : i32
        %swap3A_294 = tpu.memref_slice %arg11[%rem3A_185, %swap3A, %swap3A_293] : memref<2x96x128xf32, #tpu.memory_space<vmem>> -> memref<1x96x128xf32, #tpu.memory_space<vmem>>
        %swap3A_295 = tpu.memref_squeeze %swap3A_294 : memref<1x96x128xf32, #tpu.memory_space<vmem>> -> memref<96x128xf32, #tpu.memory_space<vmem>>
        %swap3A_296 = arith.index_cast %scan3A_276 : i32 to index
        %swap3A_297 = arith.constant 0 : index
        %swap3A_298 = tpu.vector_load %swap3A_295[%swap3A_296, %swap3A_297] {strides = array<i32>} : memref<96x128xf32, #tpu.memory_space<vmem>>, vector<16xf32>,
        tpu.vector_store %swap3A_295[%swap3A_296, %swap3A_297], %mul3A_292 {strides = array<i32>} : memref<96x128xf32, #tpu.memory_space<vmem>>, vector<16xf32>,
        %slice3A_299 = vector.extract_strided_slice %get3A_283 {offsets = [1], sizes = [1], strides = [1]} : vector<16xf32> to vector<1xf32>
        %squeeze3A_300 = vector.extract %slice3A_299[0] : f32 from vector<1xf32>
        %get3A_301 = arith.constant 0 : i32
        %get3A_302 = arith.constant 0 : i32
        %get3A_303 = tpu.memref_slice %arg11[%rem3A_185, %get3A_301, %get3A_302] : memref<2x96x128xf32, #tpu.memory_space<vmem>> -> memref<1x96x128xf32, #tpu.memory_space<vmem>>
        %get3A_304 = tpu.memref_squeeze %get3A_303 : memref<1x96x128xf32, #tpu.memory_space<vmem>> -> memref<96x128xf32, #tpu.memory_space<vmem>>
        %get3A_305 = arith.index_cast %scan3A_276 : i32 to index
        %get3A_306 = arith.constant 16 : index
        %get3A_307 = tpu.vector_load %get3A_304[%get3A_305, %get3A_306] {strides = array<i32>} : memref<96x128xf32, #tpu.memory_space<vmem>>, vector<16xf32>,
        %mul3A_308 = vector.broadcast %squeeze3A_300 : f32 to vector<16xf32>
        %mul3A_309 = arith.mulf %get3A_307, %mul3A_308 : vector<16xf32>
        %swap3A_310 = arith.constant 0 : i32
        %swap3A_311 = arith.constant 0 : i32
        %swap3A_312 = tpu.memref_slice %arg11[%rem3A_185, %swap3A_310, %swap3A_311] : memref<2x96x128xf32, #tpu.memory_space<vmem>> -> memref<1x96x128xf32, #tpu.memory_space<vmem>>
        %swap3A_313 = tpu.memref_squeeze %swap3A_312 : memref<1x96x128xf32, #tpu.memory_space<vmem>> -> memref<96x128xf32, #tpu.memory_space<vmem>>
        %swap3A_314 = arith.index_cast %scan3A_276 : i32 to index
        %swap3A_315 = arith.constant 16 : index
        %swap3A_316 = tpu.vector_load %swap3A_313[%swap3A_314, %swap3A_315] {strides = array<i32>} : memref<96x128xf32, #tpu.memory_space<vmem>>, vector<16xf32>,
        tpu.vector_store %swap3A_313[%swap3A_314, %swap3A_315], %mul3A_309 {strides = array<i32>} : memref<96x128xf32, #tpu.memory_space<vmem>>, vector<16xf32>,
        %slice3A_317 = vector.extract_strided_slice %get3A_283 {offsets = [2], sizes = [1], strides = [1]} : vector<16xf32> to vector<1xf32>
        %squeeze3A_318 = vector.extract %slice3A_317[0] : f32 from vector<1xf32>
        %get3A_319 = arith.constant 0 : i32
        %get3A_320 = arith.constant 0 : i32
        %get3A_321 = tpu.memref_slice %arg11[%rem3A_185, %get3A_319, %get3A_320] : memref<2x96x128xf32, #tpu.memory_space<vmem>> -> memref<1x96x128xf32, #tpu.memory_space<vmem>>
        %get3A_322 = tpu.memref_squeeze %get3A_321 : memref<1x96x128xf32, #tpu.memory_space<vmem>> -> memref<96x128xf32, #tpu.memory_space<vmem>>
        %get3A_323 = arith.index_cast %scan3A_276 : i32 to index
        %get3A_324 = arith.constant 32 : index
        %get3A_325 = tpu.vector_load %get3A_322[%get3A_323, %get3A_324] {strides = array<i32>} : memref<96x128xf32, #tpu.memory_space<vmem>>, vector<16xf32>,
        %mul3A_326 = vector.broadcast %squeeze3A_318 : f32 to vector<16xf32>
        %mul3A_327 = arith.mulf %get3A_325, %mul3A_326 : vector<16xf32>
        %swap3A_328 = arith.constant 0 : i32
        %swap3A_329 = arith.constant 0 : i32
        %swap3A_330 = tpu.memref_slice %arg11[%rem3A_185, %swap3A_328, %swap3A_329] : memref<2x96x128xf32, #tpu.memory_space<vmem>> -> memref<1x96x128xf32, #tpu.memory_space<vmem>>
        %swap3A_331 = tpu.memref_squeeze %swap3A_330 : memref<1x96x128xf32, #tpu.memory_space<vmem>> -> memref<96x128xf32, #tpu.memory_space<vmem>>
        %swap3A_332 = arith.index_cast %scan3A_276 : i32 to index
        %swap3A_333 = arith.constant 32 : index
        %swap3A_334 = tpu.vector_load %swap3A_331[%swap3A_332, %swap3A_333] {strides = array<i32>} : memref<96x128xf32, #tpu.memory_space<vmem>>, vector<16xf32>,
        tpu.vector_store %swap3A_331[%swap3A_332, %swap3A_333], %mul3A_327 {strides = array<i32>} : memref<96x128xf32, #tpu.memory_space<vmem>>, vector<16xf32>,
        %slice3A_335 = vector.extract_strided_slice %get3A_283 {offsets = [3], sizes = [1], strides = [1]} : vector<16xf32> to vector<1xf32>
        %squeeze3A_336 = vector.extract %slice3A_335[0] : f32 from vector<1xf32>
        %get3A_337 = arith.constant 0 : i32
        %get3A_338 = arith.constant 0 : i32
        %get3A_339 = tpu.memref_slice %arg11[%rem3A_185, %get3A_337, %get3A_338] : memref<2x96x128xf32, #tpu.memory_space<vmem>> -> memref<1x96x128xf32, #tpu.memory_space<vmem>>
        %get3A_340 = tpu.memref_squeeze %get3A_339 : memref<1x96x128xf32, #tpu.memory_space<vmem>> -> memref<96x128xf32, #tpu.memory_space<vmem>>
        %get3A_341 = arith.index_cast %scan3A_276 : i32 to index
        %get3A_342 = arith.constant 48 : index
        %get3A_343 = tpu.vector_load %get3A_340[%get3A_341, %get3A_342] {strides = array<i32>} : memref<96x128xf32, #tpu.memory_space<vmem>>, vector<16xf32>,
        %mul3A_344 = vector.broadcast %squeeze3A_336 : f32 to vector<16xf32>
        %mul3A_345 = arith.mulf %get3A_343, %mul3A_344 : vector<16xf32>
        %swap3A_346 = arith.constant 0 : i32
        %swap3A_347 = arith.constant 0 : i32
        %swap3A_348 = tpu.memref_slice %arg11[%rem3A_185, %swap3A_346, %swap3A_347] : memref<2x96x128xf32, #tpu.memory_space<vmem>> -> memref<1x96x128xf32, #tpu.memory_space<vmem>>
        %swap3A_349 = tpu.memref_squeeze %swap3A_348 : memref<1x96x128xf32, #tpu.memory_space<vmem>> -> memref<96x128xf32, #tpu.memory_space<vmem>>
        %swap3A_350 = arith.index_cast %scan3A_276 : i32 to index
        %swap3A_351 = arith.constant 48 : index
        %swap3A_352 = tpu.vector_load %swap3A_349[%swap3A_350, %swap3A_351] {strides = array<i32>} : memref<96x128xf32, #tpu.memory_space<vmem>>, vector<16xf32>,
        tpu.vector_store %swap3A_349[%swap3A_350, %swap3A_351], %mul3A_345 {strides = array<i32>} : memref<96x128xf32, #tpu.memory_space<vmem>>, vector<16xf32>,
        %slice3A_353 = vector.extract_strided_slice %get3A_283 {offsets = [4], sizes = [1], strides = [1]} : vector<16xf32> to vector<1xf32>
        %squeeze3A_354 = vector.extract %slice3A_353[0] : f32 from vector<1xf32>
        %get3A_355 = arith.constant 0 : i32
        %get3A_356 = arith.constant 0 : i32
        %get3A_357 = tpu.memref_slice %arg11[%rem3A_185, %get3A_355, %get3A_356] : memref<2x96x128xf32, #tpu.memory_space<vmem>> -> memref<1x96x128xf32, #tpu.memory_space<vmem>>
        %get3A_358 = tpu.memref_squeeze %get3A_357 : memref<1x96x128xf32, #tpu.memory_space<vmem>> -> memref<96x128xf32, #tpu.memory_space<vmem>>
        %get3A_359 = arith.index_cast %scan3A_276 : i32 to index
        %get3A_360 = arith.constant 64 : index
        %get3A_361 = tpu.vector_load %get3A_358[%get3A_359, %get3A_360] {strides = array<i32>} : memref<96x128xf32, #tpu.memory_space<vmem>>, vector<16xf32>,
        %mul3A_362 = vector.broadcast %squeeze3A_354 : f32 to vector<16xf32>
        %mul3A_363 = arith.mulf %get3A_361, %mul3A_362 : vector<16xf32>
        %swap3A_364 = arith.constant 0 : i32
        %swap3A_365 = arith.constant 0 : i32
        %swap3A_366 = tpu.memref_slice %arg11[%rem3A_185, %swap3A_364, %swap3A_365] : memref<2x96x128xf32, #tpu.memory_space<vmem>> -> memref<1x96x128xf32, #tpu.memory_space<vmem>>
        %swap3A_367 = tpu.memref_squeeze %swap3A_366 : memref<1x96x128xf32, #tpu.memory_space<vmem>> -> memref<96x128xf32, #tpu.memory_space<vmem>>
        %swap3A_368 = arith.index_cast %scan3A_276 : i32 to index
        %swap3A_369 = arith.constant 64 : index
        %swap3A_370 = tpu.vector_load %swap3A_367[%swap3A_368, %swap3A_369] {strides = array<i32>} : memref<96x128xf32, #tpu.memory_space<vmem>>, vector<16xf32>,
        tpu.vector_store %swap3A_367[%swap3A_368, %swap3A_369], %mul3A_363 {strides = array<i32>} : memref<96x128xf32, #tpu.memory_space<vmem>>, vector<16xf32>,
        %slice3A_371 = vector.extract_strided_slice %get3A_283 {offsets = [5], sizes = [1], strides = [1]} : vector<16xf32> to vector<1xf32>
        %squeeze3A_372 = vector.extract %slice3A_371[0] : f32 from vector<1xf32>
        %get3A_373 = arith.constant 0 : i32
        %get3A_374 = arith.constant 0 : i32
        %get3A_375 = tpu.memref_slice %arg11[%rem3A_185, %get3A_373, %get3A_374] : memref<2x96x128xf32, #tpu.memory_space<vmem>> -> memref<1x96x128xf32, #tpu.memory_space<vmem>>
        %get3A_376 = tpu.memref_squeeze %get3A_375 : memref<1x96x128xf32, #tpu.memory_space<vmem>> -> memref<96x128xf32, #tpu.memory_space<vmem>>
        %get3A_377 = arith.index_cast %scan3A_276 : i32 to index
        %get3A_378 = arith.constant 80 : index
        %get3A_379 = tpu.vector_load %get3A_376[%get3A_377, %get3A_378] {strides = array<i32>} : memref<96x128xf32, #tpu.memory_space<vmem>>, vector<16xf32>,
        %mul3A_380 = vector.broadcast %squeeze3A_372 : f32 to vector<16xf32>
        %mul3A_381 = arith.mulf %get3A_379, %mul3A_380 : vector<16xf32>
        %swap3A_382 = arith.constant 0 : i32
        %swap3A_383 = arith.constant 0 : i32
        %swap3A_384 = tpu.memref_slice %arg11[%rem3A_185, %swap3A_382, %swap3A_383] : memref<2x96x128xf32, #tpu.memory_space<vmem>> -> memref<1x96x128xf32, #tpu.memory_space<vmem>>
        %swap3A_385 = tpu.memref_squeeze %swap3A_384 : memref<1x96x128xf32, #tpu.memory_space<vmem>> -> memref<96x128xf32, #tpu.memory_space<vmem>>
        %swap3A_386 = arith.index_cast %scan3A_276 : i32 to index
        %swap3A_387 = arith.constant 80 : index
        %swap3A_388 = tpu.vector_load %swap3A_385[%swap3A_386, %swap3A_387] {strides = array<i32>} : memref<96x128xf32, #tpu.memory_space<vmem>>, vector<16xf32>,
        tpu.vector_store %swap3A_385[%swap3A_386, %swap3A_387], %mul3A_381 {strides = array<i32>} : memref<96x128xf32, #tpu.memory_space<vmem>>, vector<16xf32>,
        %slice3A_389 = vector.extract_strided_slice %get3A_283 {offsets = [6], sizes = [1], strides = [1]} : vector<16xf32> to vector<1xf32>
        %squeeze3A_390 = vector.extract %slice3A_389[0] : f32 from vector<1xf32>
        %get3A_391 = arith.constant 0 : i32
        %get3A_392 = arith.constant 0 : i32
        %get3A_393 = tpu.memref_slice %arg11[%rem3A_185, %get3A_391, %get3A_392] : memref<2x96x128xf32, #tpu.memory_space<vmem>> -> memref<1x96x128xf32, #tpu.memory_space<vmem>>
        %get3A_394 = tpu.memref_squeeze %get3A_393 : memref<1x96x128xf32, #tpu.memory_space<vmem>> -> memref<96x128xf32, #tpu.memory_space<vmem>>
        %get3A_395 = arith.index_cast %scan3A_276 : i32 to index
        %get3A_396 = arith.constant 96 : index
        %get3A_397 = tpu.vector_load %get3A_394[%get3A_395, %get3A_396] {strides = array<i32>} : memref<96x128xf32, #tpu.memory_space<vmem>>, vector<16xf32>,
        %mul3A_398 = vector.broadcast %squeeze3A_390 : f32 to vector<16xf32>
        %mul3A_399 = arith.mulf %get3A_397, %mul3A_398 : vector<16xf32>
        %swap3A_400 = arith.constant 0 : i32
        %swap3A_401 = arith.constant 0 : i32
        %swap3A_402 = tpu.memref_slice %arg11[%rem3A_185, %swap3A_400, %swap3A_401] : memref<2x96x128xf32, #tpu.memory_space<vmem>> -> memref<1x96x128xf32, #tpu.memory_space<vmem>>
        %swap3A_403 = tpu.memref_squeeze %swap3A_402 : memref<1x96x128xf32, #tpu.memory_space<vmem>> -> memref<96x128xf32, #tpu.memory_space<vmem>>
        %swap3A_404 = arith.index_cast %scan3A_276 : i32 to index
        %swap3A_405 = arith.constant 96 : index
        %swap3A_406 = tpu.vector_load %swap3A_403[%swap3A_404, %swap3A_405] {strides = array<i32>} : memref<96x128xf32, #tpu.memory_space<vmem>>, vector<16xf32>,
        tpu.vector_store %swap3A_403[%swap3A_404, %swap3A_405], %mul3A_399 {strides = array<i32>} : memref<96x128xf32, #tpu.memory_space<vmem>>, vector<16xf32>,
        %slice3A_407 = vector.extract_strided_slice %get3A_283 {offsets = [7], sizes = [1], strides = [1]} : vector<16xf32> to vector<1xf32>
        %squeeze3A_408 = vector.extract %slice3A_407[0] : f32 from vector<1xf32>
        %get3A_409 = arith.constant 0 : i32
        %get3A_410 = arith.constant 0 : i32
        %get3A_411 = tpu.memref_slice %arg11[%rem3A_185, %get3A_409, %get3A_410] : memref<2x96x128xf32, #tpu.memory_space<vmem>> -> memref<1x96x128xf32, #tpu.memory_space<vmem>>
        %get3A_412 = tpu.memref_squeeze %get3A_411 : memref<1x96x128xf32, #tpu.memory_space<vmem>> -> memref<96x128xf32, #tpu.memory_space<vmem>>
        %get3A_413 = arith.index_cast %scan3A_276 : i32 to index
        %get3A_414 = arith.constant 112 : index
        %get3A_415 = tpu.vector_load %get3A_412[%get3A_413, %get3A_414] {strides = array<i32>} : memref<96x128xf32, #tpu.memory_space<vmem>>, vector<16xf32>,
        %mul3A_416 = vector.broadcast %squeeze3A_408 : f32 to vector<16xf32>
        %mul3A_417 = arith.mulf %get3A_415, %mul3A_416 : vector<16xf32>
        %swap3A_418 = arith.constant 0 : i32
        %swap3A_419 = arith.constant 0 : i32
        %swap3A_420 = tpu.memref_slice %arg11[%rem3A_185, %swap3A_418, %swap3A_419] : memref<2x96x128xf32, #tpu.memory_space<vmem>> -> memref<1x96x128xf32, #tpu.memory_space<vmem>>
        %swap3A_421 = tpu.memref_squeeze %swap3A_420 : memref<1x96x128xf32, #tpu.memory_space<vmem>> -> memref<96x128xf32, #tpu.memory_space<vmem>>
        %swap3A_422 = arith.index_cast %scan3A_276 : i32 to index
        %swap3A_423 = arith.constant 112 : index
        %swap3A_424 = tpu.vector_load %swap3A_421[%swap3A_422, %swap3A_423] {strides = array<i32>} : memref<96x128xf32, #tpu.memory_space<vmem>>, vector<16xf32>,
        tpu.vector_store %swap3A_421[%swap3A_422, %swap3A_423], %mul3A_417 {strides = array<i32>} : memref<96x128xf32, #tpu.memory_space<vmem>>, vector<16xf32>,
        %scan3A_425 = arith.constant 0 : i32
        scf.yield %scan3A_425 : i32
      }
      %scan3A_250 = arith.constant 96 : i32
      %rem3A_251 = arith.constant 3 : i32
      %rem3A_252 = arith.remsi %scan3A_182, %rem3A_251 : i32
      %dma_start3A_253 = arith.constant 1 : i32
      %dma_start3A_254 = arith.constant 0 : i32
      %dma_start3A_255 = arith.constant 0 : i32
      %dma_start3A_256 = tpu.memref_slice %arg11[%rem3A_185, %dma_start3A_254, %dma_start3A_255] : memref<2x96x128xf32, #tpu.memory_space<vmem>> -> memref<1x96x128xf32, #tpu.memory_space<vmem>>
      %dma_start3A_257 = tpu.memref_squeeze %dma_start3A_256 : memref<1x96x128xf32, #tpu.memory_space<vmem>> -> memref<96x128xf32, #tpu.memory_space<vmem>>
      %dma_start3A_258 = arith.constant 0 : i32
      %dma_start3A_259 = tpu.memref_slice %arg10[%rem3A_252, %dma_start3A_253, %dma_start3A_258] : memref<3x2x96xi32, #tpu.memory_space<vmem>> -> memref<1x1x96xi32, #tpu.memory_space<vmem>>
      %dma_start3A_260 = tpu.memref_squeeze %dma_start3A_259 : memref<1x1x96xi32, #tpu.memory_space<vmem>> -> memref<96xi32, #tpu.memory_space<vmem>>
      %dma_start3A_261 = arith.constant 0 : i32
      %dma_start3A_262 = arith.constant 0 : i32
      %dma_start3A_263 = tpu.memref_slice %arg8[%dma_start3A_261, %dma_start3A_262] : memref<10240x128xf32, #tpu.memory_space<vmem_shared>> -> memref<10240x128xf32, #tpu.memory_space<vmem_shared>>
      tpu.enqueue_indirect_dma source(%dma_start3A_257 : memref<96x128xf32, #tpu.memory_space<vmem>>) target(%dma_start3A_263 : memref<10240x128xf32, #tpu.memory_space<vmem_shared>>) offsets(%dma_start3A_260 : memref<96xi32, #tpu.memory_space<vmem>>) semaphore(%arg16 : memref<!tpu.dma_semaphore, #tpu.memory_space<semaphore_mem>>) {add = true}
      %dma_start3A_264 = arith.constant 1 : i32
      %dma_start3A_265 = arith.constant 0 : i32
      %dma_start3A_266 = arith.constant 0 : i32
      %dma_start3A_267 = tpu.memref_slice %arg14[%rem3A_185, %dma_start3A_265, %dma_start3A_266] : memref<2x96x16xf32, #tpu.memory_space<vmem>> -> memref<1x96x16xf32, #tpu.memory_space<vmem>>
      %dma_start3A_268 = tpu.memref_squeeze %dma_start3A_267 : memref<1x96x16xf32, #tpu.memory_space<vmem>> -> memref<96x16xf32, #tpu.memory_space<vmem>>
      %dma_start3A_269 = arith.constant 0 : i32
      %dma_start3A_270 = tpu.memref_slice %arg10[%rem3A_252, %dma_start3A_264, %dma_start3A_269] : memref<3x2x96xi32, #tpu.memory_space<vmem>> -> memref<1x1x96xi32, #tpu.memory_space<vmem>>
      %dma_start3A_271 = tpu.memref_squeeze %dma_start3A_270 : memref<1x1x96xi32, #tpu.memory_space<vmem>> -> memref<96xi32, #tpu.memory_space<vmem>>
      %dma_start3A_272 = arith.constant 0 : i32
      %dma_start3A_273 = arith.constant 0 : i32
      %dma_start3A_274 = tpu.memref_slice %arg9[%dma_start3A_272, %dma_start3A_273] : memref<10240x16xf32, #tpu.memory_space<vmem_shared>> -> memref<10240x16xf32, #tpu.memory_space<vmem_shared>>
      tpu.enqueue_indirect_dma source(%dma_start3A_268 : memref<96x16xf32, #tpu.memory_space<vmem>>) target(%dma_start3A_274 : memref<10240x16xf32, #tpu.memory_space<vmem_shared>>) offsets(%dma_start3A_271 : memref<96xi32, #tpu.memory_space<vmem>>) semaphore(%arg16 : memref<!tpu.dma_semaphore, #tpu.memory_space<semaphore_mem>>) {add = true}
      %scan3A_275 = arith.constant 0 : i32
      scf.yield %scan3A_275 : i32
    }
    %scan3A_147 = arith.constant 108 : i32
    %rem3A = arith.constant 107 : i32
    %rem3A_148 = arith.constant 2 : i32
    %rem3A_149 = arith.remsi %rem3A, %rem3A_148 : i32
    %dma_wait3A = arith.constant 0 : i32
    %dma_wait3A_150 = arith.constant 1 : i32
    %dma_wait3A_151 = arith.constant 0 : i32
    %dma_wait3A_152 = arith.constant 0 : i32
    %dma_wait3A_153 = tpu.memref_slice %arg11[%rem3A_149, %dma_wait3A_151, %dma_wait3A_152] : memref<2x96x128xf32, #tpu.memory_space<vmem>> -> memref<1x96x128xf32, #tpu.memory_space<vmem>>
    %dma_wait3A_154 = tpu.memref_squeeze %dma_wait3A_153 : memref<1x96x128xf32, #tpu.memory_space<vmem>> -> memref<96x128xf32, #tpu.memory_space<vmem>>
    %dma_wait3A_155 = arith.constant 0 : i32
    %dma_wait3A_156 = tpu.memref_slice %arg10[%dma_wait3A, %dma_wait3A_150, %dma_wait3A_155] : memref<3x2x96xi32, #tpu.memory_space<vmem>> -> memref<1x1x96xi32, #tpu.memory_space<vmem>>
    %dma_wait3A_157 = tpu.memref_squeeze %dma_wait3A_156 : memref<1x1x96xi32, #tpu.memory_space<vmem>> -> memref<96xi32, #tpu.memory_space<vmem>>
    %dma_wait3A_158 = arith.constant 0 : i32
    %dma_wait3A_159 = arith.constant 0 : i32
    %dma_wait3A_160 = tpu.memref_slice %arg8[%dma_wait3A_158, %dma_wait3A_159] : memref<10240x128xf32, #tpu.memory_space<vmem_shared>> -> memref<10240x128xf32, #tpu.memory_space<vmem_shared>>
    tpu.wait_indirect_dma semaphore(%arg16 : memref<!tpu.dma_semaphore, #tpu.memory_space<semaphore_mem>>) src(%dma_wait3A_154 : memref<96x128xf32, #tpu.memory_space<vmem>>) dst(%dma_wait3A_160 : memref<10240x128xf32, #tpu.memory_space<vmem_shared>>)
    %dma_wait3A_161 = arith.constant 0 : i32
    %dma_wait3A_162 = arith.constant 1 : i32
    %dma_wait3A_163 = arith.constant 0 : i32
    %dma_wait3A_164 = arith.constant 0 : i32
    %dma_wait3A_165 = tpu.memref_slice %arg14[%rem3A_149, %dma_wait3A_163, %dma_wait3A_164] : memref<2x96x16xf32, #tpu.memory_space<vmem>> -> memref<1x96x16xf32, #tpu.memory_space<vmem>>
    %dma_wait3A_166 = tpu.memref_squeeze %dma_wait3A_165 : memref<1x96x16xf32, #tpu.memory_space<vmem>> -> memref<96x16xf32, #tpu.memory_space<vmem>>
    %dma_wait3A_167 = arith.constant 0 : i32
    %dma_wait3A_168 = tpu.memref_slice %arg10[%dma_wait3A_161, %dma_wait3A_162, %dma_wait3A_167] : memref<3x2x96xi32, #tpu.memory_space<vmem>> -> memref<1x1x96xi32, #tpu.memory_space<vmem>>
    %dma_wait3A_169 = tpu.memref_squeeze %dma_wait3A_168 : memref<1x1x96xi32, #tpu.memory_space<vmem>> -> memref<96xi32, #tpu.memory_space<vmem>>
    %dma_wait3A_170 = arith.constant 0 : i32
    %dma_wait3A_171 = arith.constant 0 : i32
    %dma_wait3A_172 = tpu.memref_slice %arg9[%dma_wait3A_170, %dma_wait3A_171] : memref<10240x16xf32, #tpu.memory_space<vmem_shared>> -> memref<10240x16xf32, #tpu.memory_space<vmem_shared>>
    tpu.wait_indirect_dma semaphore(%arg16 : memref<!tpu.dma_semaphore, #tpu.memory_space<semaphore_mem>>) src(%dma_wait3A_166 : memref<96x16xf32, #tpu.memory_space<vmem>>) dst(%dma_wait3A_172 : memref<10240x16xf32, #tpu.memory_space<vmem_shared>>)
    %barrier3A_173 = arith.constant 0 : index
    tpu.barrier barrier_id(%barrier3A_173)
    %mul3A_174 = arith.constant 640 : i32
    %mul3A_175 = arith.muli %arg1, %mul3A_174 : i32
    %mul3A_176 = arith.constant 640 : i32
    %mul3A_177 = arith.muli %arg1, %mul3A_176 : i32
    "tpu.region"() ({
      %run_scoped3A_182 = tpu.sem_alloc : memref<!tpu.dma_semaphore, #tpu.memory_space<semaphore_mem>>
      %dma_start3A_183 = arith.constant 0 : i32
      %dma_start3A_184 = tpu.memref_slice %arg6[%arg0, %mul3A_177, %dma_start3A_183] : memref<2x10240x128xf32, #tpu.memory_space<hbm>> -> memref<1x640x128xf32, #tpu.memory_space<hbm>>
      %dma_start3A_185 = tpu.memref_squeeze %dma_start3A_184 : memref<1x640x128xf32, #tpu.memory_space<hbm>> -> memref<640x128xf32, #tpu.memory_space<hbm>>
      %dma_start3A_186 = arith.constant 0 : i32
      %dma_start3A_187 = tpu.memref_slice %arg8[%mul3A_175, %dma_start3A_186] : memref<10240x128xf32, #tpu.memory_space<vmem_shared>> -> memref<640x128xf32, #tpu.memory_space<vmem_shared>>
      tpu.enqueue_dma source(%dma_start3A_187 : memref<640x128xf32, #tpu.memory_space<vmem_shared>>) target(%dma_start3A_185 : memref<640x128xf32, #tpu.memory_space<hbm>>) target_semaphore(%run_scoped3A_182 : memref<!tpu.dma_semaphore, #tpu.memory_space<semaphore_mem>>)
      %dma_wait3A_188 = arith.constant 0 : i32
      %dma_wait3A_189 = tpu.memref_slice %arg6[%arg0, %mul3A_177, %dma_wait3A_188] : memref<2x10240x128xf32, #tpu.memory_space<hbm>> -> memref<1x640x128xf32, #tpu.memory_space<hbm>>
      %dma_wait3A_190 = tpu.memref_squeeze %dma_wait3A_189 : memref<1x640x128xf32, #tpu.memory_space<hbm>> -> memref<640x128xf32, #tpu.memory_space<hbm>>
      %dma_wait3A_191 = arith.constant 0 : i32
      %dma_wait3A_192 = tpu.memref_slice %arg8[%mul3A_175, %dma_wait3A_191] : memref<10240x128xf32, #tpu.memory_space<vmem_shared>> -> memref<640x128xf32, #tpu.memory_space<vmem_shared>>
      tpu.wait_dma2 semaphore(%run_scoped3A_182 : memref<!tpu.dma_semaphore, #tpu.memory_space<semaphore_mem>>) src(%dma_wait3A_192 : memref<640x128xf32, #tpu.memory_space<vmem_shared>>) dst(%dma_wait3A_190 : memref<640x128xf32, #tpu.memory_space<hbm>>)
      tpu.yield
    }) : () -> ()
    %mul3A_178 = arith.constant 640 : i32
    %mul3A_179 = arith.muli %arg1, %mul3A_178 : i32
    %mul3A_180 = arith.constant 640 : i32
    %mul3A_181 = arith.muli %arg1, %mul3A_180 : i32
    "tpu.region"() ({
      %run_scoped3A_182 = tpu.sem_alloc : memref<!tpu.dma_semaphore, #tpu.memory_space<semaphore_mem>>
      %dma_start3A_183 = arith.constant 0 : i32
      %dma_start3A_184 = tpu.memref_slice %arg7[%arg0, %mul3A_181, %dma_start3A_183] : memref<2x10240x16xf32, #tpu.memory_space<hbm>> -> memref<1x640x16xf32, #tpu.memory_space<hbm>>
      %dma_start3A_185 = tpu.memref_squeeze %dma_start3A_184 : memref<1x640x16xf32, #tpu.memory_space<hbm>> -> memref<640x16xf32, #tpu.memory_space<hbm>>
      %dma_start3A_186 = arith.constant 0 : i32
      %dma_start3A_187 = tpu.memref_slice %arg9[%mul3A_179, %dma_start3A_186] : memref<10240x16xf32, #tpu.memory_space<vmem_shared>> -> memref<640x16xf32, #tpu.memory_space<vmem_shared>>
      tpu.enqueue_dma source(%dma_start3A_187 : memref<640x16xf32, #tpu.memory_space<vmem_shared>>) target(%dma_start3A_185 : memref<640x16xf32, #tpu.memory_space<hbm>>) target_semaphore(%run_scoped3A_182 : memref<!tpu.dma_semaphore, #tpu.memory_space<semaphore_mem>>)
      %dma_wait3A_188 = arith.constant 0 : i32
      %dma_wait3A_189 = tpu.memref_slice %arg7[%arg0, %mul3A_181, %dma_wait3A_188] : memref<2x10240x16xf32, #tpu.memory_space<hbm>> -> memref<1x640x16xf32, #tpu.memory_space<hbm>>
      %dma_wait3A_190 = tpu.memref_squeeze %dma_wait3A_189 : memref<1x640x16xf32, #tpu.memory_space<hbm>> -> memref<640x16xf32, #tpu.memory_space<hbm>>
      %dma_wait3A_191 = arith.constant 0 : i32
      %dma_wait3A_192 = tpu.memref_slice %arg9[%mul3A_179, %dma_wait3A_191] : memref<10240x16xf32, #tpu.memory_space<vmem_shared>> -> memref<640x16xf32, #tpu.memory_space<vmem_shared>>
      tpu.wait_dma2 semaphore(%run_scoped3A_182 : memref<!tpu.dma_semaphore, #tpu.memory_space<semaphore_mem>>) src(%dma_wait3A_192 : memref<640x16xf32, #tpu.memory_space<vmem_shared>>) dst(%dma_wait3A_190 : memref<640x16xf32, #tpu.memory_space<hbm>>)
      tpu.yield
    }) : () -> ()
    return
  }
}

module attributes {stable_mosaic.version = 14 : i64} {
  func.func @_tc_a(%arg0: i32, %arg1: memref<512x128xf32, #tpu.memory_space<vmem>>, %arg2: memref<128x128xf32, #tpu.memory_space<vmem>>, %arg3: memref<128x16xf32, #tpu.memory_space<vmem>>, %arg4: memref<512x128xf32, #tpu.memory_space<vmem>>, %arg5: memref<512x16xf32, #tpu.memory_space<vmem>>) attributes {dimension_semantics = [#tpu.dimension_semantics<arbitrary>], iteration_bounds = array<i64: 20>, scalar_prefetch = 0 : i64, scratch_operands = 0 : i64, tpu.core_type = #tpu.core_type<tc>, window_params = [{transform_indices = @transform_0, window_bounds = array<i64: 512, 128>}, {pipeline_mode = #tpu.pipeline_mode<synchronous>, transform_indices = @transform_1, window_bounds = array<i64: 128, 128>}, {pipeline_mode = #tpu.pipeline_mode<synchronous>, transform_indices = @transform_2, window_bounds = array<i64: 128, 16>}, {transform_indices = @transform_3, window_bounds = array<i64: 512, 128>}, {transform_indices = @transform_4, window_bounds = array<i64: 512, 16>}]} {
    %get3A = arith.constant 0 : index
    %get3A_0 = arith.constant 0 : index
    %get3A_1 = vector.load %arg1[%get3A, %get3A_0] : memref<512x128xf32, #tpu.memory_space<vmem>>, vector<512x128xf32>
    %get3A_2 = arith.constant 0 : index
    %get3A_3 = arith.constant 0 : index
    %get3A_4 = vector.load %arg2[%get3A_2, %get3A_3] : memref<128x128xf32, #tpu.memory_space<vmem>>, vector<128x128xf32>
    %dot_general3A = arith.constant dense<0.000000e+00> : vector<512x128xf32>
    %dot_general3A_5 = tpu.matmul %get3A_1, %get3A_4, %dot_general3A {dimension_numbers = #tpu.dot_dimension_numbers<[1], [0], [0], [1], [0, 0, 1, 1], [], []>, transpose_lhs_hint = false} : vector<512x128xf32>, vector<128x128xf32>, vector<512x128xf32> -> vector<512x128xf32>
    %swap3A = arith.constant 0 : index
    %swap3A_6 = arith.constant 0 : index
    %swap3A_7 = vector.load %arg4[%swap3A, %swap3A_6] : memref<512x128xf32, #tpu.memory_space<vmem>>, vector<512x128xf32>
    tpu.vector_store %arg4[%swap3A, %swap3A_6], %dot_general3A_5 {strides = array<i32>} : memref<512x128xf32, #tpu.memory_space<vmem>>, vector<512x128xf32>,
    %get3A_8 = arith.constant 0 : index
    %get3A_9 = arith.constant 0 : index
    %get3A_10 = vector.load %arg3[%get3A_8, %get3A_9] : memref<128x16xf32, #tpu.memory_space<vmem>>, vector<128x16xf32>
    %dot_general3A_11 = arith.constant dense<0.000000e+00> : vector<512x16xf32>
    %dot_general3A_12 = tpu.matmul %dot_general3A_5, %get3A_10, %dot_general3A_11 {dimension_numbers = #tpu.dot_dimension_numbers<[1], [0], [0], [1], [0, 0, 1, 1], [], []>, transpose_lhs_hint = false} : vector<512x128xf32>, vector<128x16xf32>, vector<512x16xf32> -> vector<512x16xf32>
    %swap3A_13 = arith.constant 0 : index
    %swap3A_14 = arith.constant 0 : index
    %swap3A_15 = vector.load %arg5[%swap3A_13, %swap3A_14] : memref<512x16xf32, #tpu.memory_space<vmem>>, vector<512x16xf32>
    tpu.vector_store %arg5[%swap3A_13, %swap3A_14], %dot_general3A_12 {strides = array<i32>} : memref<512x16xf32, #tpu.memory_space<vmem>>, vector<512x16xf32>,
    return
  }
  func.func @transform_0(%arg0: i32) -> (i32, i32) {
    %c0_i32 = arith.constant 0 : i32
    %c0_i32_0 = arith.constant 0 : i32
    return %arg0, %c0_i32 : i32, i32
  }
  func.func @transform_1(%arg0: i32) -> (i32, i32) {
    %c0_i32 = arith.constant 0 : i32
    %c0_i32_0 = arith.constant 0 : i32
    %c0_i32_1 = arith.constant 0 : i32
    return %c0_i32, %c0_i32_0 : i32, i32
  }
  func.func @transform_2(%arg0: i32) -> (i32, i32) {
    %c0_i32 = arith.constant 0 : i32
    %c0_i32_0 = arith.constant 0 : i32
    %c0_i32_1 = arith.constant 0 : i32
    return %c0_i32, %c0_i32_0 : i32, i32
  }
  func.func @transform_3(%arg0: i32) -> (i32, i32) {
    %c0_i32 = arith.constant 0 : i32
    %c0_i32_0 = arith.constant 0 : i32
    return %arg0, %c0_i32 : i32, i32
  }
  func.func @transform_4(%arg0: i32) -> (i32, i32) {
    %c0_i32 = arith.constant 0 : i32
    %c0_i32_0 = arith.constant 0 : i32
    return %arg0, %c0_i32 : i32, i32
  }
}

module attributes {stable_mosaic.version = 14 : i64} {
  func.func @_tc_b(%arg0: i32, %arg1: memref<512x128xf32, #tpu.memory_space<vmem>>, %arg2: memref<512x128xf32, #tpu.memory_space<vmem>>, %arg3: memref<512x16xf32, #tpu.memory_space<vmem>>, %arg4: memref<512x16xf32, #tpu.memory_space<vmem>>, %arg5: memref<1x128xf32, #tpu.memory_space<vmem>>, %arg6: memref<128x32xf32, #tpu.memory_space<vmem>>, %arg7: memref<32x16xf32, #tpu.memory_space<vmem>>, %arg8: memref<16x128xf32, #tpu.memory_space<vmem>>, %arg9: memref<512x32xf32, #tpu.memory_space<vmem>>, %arg10: memref<512x16xf32, #tpu.memory_space<vmem>>) attributes {dimension_semantics = [#tpu.dimension_semantics<arbitrary>], iteration_bounds = array<i64: 20>, scalar_prefetch = 0 : i64, scratch_operands = 0 : i64, tpu.core_type = #tpu.core_type<tc>, window_params = [{transform_indices = @transform_0, window_bounds = array<i64: 512, 128>}, {transform_indices = @transform_1, window_bounds = array<i64: 512, 128>}, {transform_indices = @transform_2, window_bounds = array<i64: 512, 16>}, {transform_indices = @transform_3, window_bounds = array<i64: 512, 16>}, {pipeline_mode = #tpu.pipeline_mode<synchronous>, transform_indices = @transform_4, window_bounds = array<i64: 1, 128>}, {pipeline_mode = #tpu.pipeline_mode<synchronous>, transform_indices = @transform_5, window_bounds = array<i64: 128, 32>}, {pipeline_mode = #tpu.pipeline_mode<synchronous>, transform_indices = @transform_6, window_bounds = array<i64: 32, 16>}, {pipeline_mode = #tpu.pipeline_mode<synchronous>, transform_indices = @transform_7, window_bounds = array<i64: 16, 128>}, {transform_indices = @transform_8, window_bounds = array<i64: 512, 32>}, {transform_indices = @transform_9, window_bounds = array<i64: 512, 16>}]} {
    %get3A = arith.constant 0 : index
    %get3A_0 = arith.constant 0 : index
    %get3A_1 = vector.load %arg1[%get3A, %get3A_0] : memref<512x128xf32, #tpu.memory_space<vmem>>, vector<512x128xf32>
    %get3A_2 = arith.constant 0 : index
    %get3A_3 = arith.constant 0 : index
    %get3A_4 = vector.load %arg2[%get3A_2, %get3A_3] : memref<512x128xf32, #tpu.memory_space<vmem>>, vector<512x128xf32>
    %add3A = arith.addf %get3A_1, %get3A_4 : vector<512x128xf32>
    %get3A_5 = arith.constant 0 : index
    %get3A_6 = arith.constant 0 : index
    %get3A_7 = vector.load %arg3[%get3A_5, %get3A_6] : memref<512x16xf32, #tpu.memory_space<vmem>>, vector<512x16xf32>
    %get3A_8 = arith.constant 0 : index
    %get3A_9 = arith.constant 0 : index
    %get3A_10 = vector.load %arg4[%get3A_8, %get3A_9] : memref<512x16xf32, #tpu.memory_space<vmem>>, vector<512x16xf32>
    %add3A_11 = arith.addf %get3A_7, %get3A_10 : vector<512x16xf32>
    %get3A_12 = arith.constant 0 : index
    %get3A_13 = arith.constant 0 : index
    %get3A_14 = vector.load %arg8[%get3A_12, %get3A_13] : memref<16x128xf32, #tpu.memory_space<vmem>>, vector<16x128xf32>
    %dot_general3A = arith.constant dense<0.000000e+00> : vector<512x128xf32>
    %dot_general3A_15 = tpu.matmul %add3A_11, %get3A_14, %dot_general3A {dimension_numbers = #tpu.dot_dimension_numbers<[1], [0], [0], [1], [0, 0, 1, 1], [], []>, transpose_lhs_hint = false} : vector<512x16xf32>, vector<16x128xf32>, vector<512x128xf32> -> vector<512x128xf32>
    %add3A_16 = arith.constant 1.000000e-16 : f32
    %add3A_17 = vector.broadcast %add3A_16 : f32 to vector<512x128xf32>
    %add3A_18 = arith.addf %dot_general3A_15, %add3A_17 : vector<512x128xf32>
    %div3A = arith.divf %add3A, %add3A_18 : vector<512x128xf32>
    %get3A_19 = arith.constant 0 : index
    %get3A_20 = arith.constant 0 : index
    %get3A_21 = vector.load %arg5[%get3A_19, %get3A_20] : memref<1x128xf32, #tpu.memory_space<vmem>>, vector<1x128xf32>
    %add3A_22 = vector.broadcast %get3A_21 : vector<1x128xf32> to vector<512x128xf32>
    %add3A_23 = arith.addf %div3A, %add3A_22 : vector<512x128xf32>
    %gt3A = arith.constant 0.000000e+00 : f32
    %gt3A_24 = vector.broadcast %gt3A : f32 to vector<512x128xf32>
    %gt3A_25 = arith.cmpf ogt, %add3A_23, %gt3A_24 : vector<512x128xf32>
    %exp3A = math.exp %add3A_23 : vector<512x128xf32>
    %sub3A = arith.constant 1.000000e+00 : f32
    %sub3A_26 = vector.broadcast %sub3A : f32 to vector<512x128xf32>
    %sub3A_27 = arith.subf %exp3A, %sub3A_26 : vector<512x128xf32>
    %select_n3A = arith.select %gt3A_25, %add3A_23, %sub3A_27 : vector<512x128xi1>, vector<512x128xf32>
    %get3A_28 = arith.constant 0 : index
    %get3A_29 = arith.constant 0 : index
    %get3A_30 = vector.load %arg6[%get3A_28, %get3A_29] : memref<128x32xf32, #tpu.memory_space<vmem>>, vector<128x32xf32>
    %dot_general3A_31 = arith.constant dense<0.000000e+00> : vector<512x32xf32>
    %dot_general3A_32 = tpu.matmul %select_n3A, %get3A_30, %dot_general3A_31 {dimension_numbers = #tpu.dot_dimension_numbers<[1], [0], [0], [1], [0, 0, 1, 1], [], []>, transpose_lhs_hint = false} : vector<512x128xf32>, vector<128x32xf32>, vector<512x32xf32> -> vector<512x32xf32>
    %swap3A = arith.constant 0 : index
    %swap3A_33 = arith.constant 0 : index
    %swap3A_34 = vector.load %arg9[%swap3A, %swap3A_33] : memref<512x32xf32, #tpu.memory_space<vmem>>, vector<512x32xf32>
    tpu.vector_store %arg9[%swap3A, %swap3A_33], %dot_general3A_32 {strides = array<i32>} : memref<512x32xf32, #tpu.memory_space<vmem>>, vector<512x32xf32>,
    %get3A_35 = arith.constant 0 : index
    %get3A_36 = arith.constant 0 : index
    %get3A_37 = vector.load %arg7[%get3A_35, %get3A_36] : memref<32x16xf32, #tpu.memory_space<vmem>>, vector<32x16xf32>
    %dot_general3A_38 = arith.constant dense<0.000000e+00> : vector<512x16xf32>
    %dot_general3A_39 = tpu.matmul %dot_general3A_32, %get3A_37, %dot_general3A_38 {dimension_numbers = #tpu.dot_dimension_numbers<[1], [0], [0], [1], [0, 0, 1, 1], [], []>, transpose_lhs_hint = false} : vector<512x32xf32>, vector<32x16xf32>, vector<512x16xf32> -> vector<512x16xf32>
    %swap3A_40 = arith.constant 0 : index
    %swap3A_41 = arith.constant 0 : index
    %swap3A_42 = vector.load %arg10[%swap3A_40, %swap3A_41] : memref<512x16xf32, #tpu.memory_space<vmem>>, vector<512x16xf32>
    tpu.vector_store %arg10[%swap3A_40, %swap3A_41], %dot_general3A_39 {strides = array<i32>} : memref<512x16xf32, #tpu.memory_space<vmem>>, vector<512x16xf32>,
    return
  }
  func.func @transform_0(%arg0: i32) -> (i32, i32) {
    %c0_i32 = arith.constant 0 : i32
    %c0_i32_0 = arith.constant 0 : i32
    return %arg0, %c0_i32 : i32, i32
  }
  func.func @transform_1(%arg0: i32) -> (i32, i32) {
    %c0_i32 = arith.constant 0 : i32
    %c0_i32_0 = arith.constant 0 : i32
    return %arg0, %c0_i32 : i32, i32
  }
  func.func @transform_2(%arg0: i32) -> (i32, i32) {
    %c0_i32 = arith.constant 0 : i32
    %c0_i32_0 = arith.constant 0 : i32
    return %arg0, %c0_i32 : i32, i32
  }
  func.func @transform_3(%arg0: i32) -> (i32, i32) {
    %c0_i32 = arith.constant 0 : i32
    %c0_i32_0 = arith.constant 0 : i32
    return %arg0, %c0_i32 : i32, i32
  }
  func.func @transform_4(%arg0: i32) -> (i32, i32) {
    %c0_i32 = arith.constant 0 : i32
    %c0_i32_0 = arith.constant 0 : i32
    %c0_i32_1 = arith.constant 0 : i32
    return %c0_i32, %c0_i32_0 : i32, i32
  }
  func.func @transform_5(%arg0: i32) -> (i32, i32) {
    %c0_i32 = arith.constant 0 : i32
    %c0_i32_0 = arith.constant 0 : i32
    %c0_i32_1 = arith.constant 0 : i32
    return %c0_i32, %c0_i32_0 : i32, i32
  }
  func.func @transform_6(%arg0: i32) -> (i32, i32) {
    %c0_i32 = arith.constant 0 : i32
    %c0_i32_0 = arith.constant 0 : i32
    %c0_i32_1 = arith.constant 0 : i32
    return %c0_i32, %c0_i32_0 : i32, i32
  }
  func.func @transform_7(%arg0: i32) -> (i32, i32) {
    %c0_i32 = arith.constant 0 : i32
    %c0_i32_0 = arith.constant 0 : i32
    %c0_i32_1 = arith.constant 0 : i32
    return %c0_i32, %c0_i32_0 : i32, i32
  }
  func.func @transform_8(%arg0: i32) -> (i32, i32) {
    %c0_i32 = arith.constant 0 : i32
    %c0_i32_0 = arith.constant 0 : i32
    return %arg0, %c0_i32 : i32, i32
  }
  func.func @transform_9(%arg0: i32) -> (i32, i32) {
    %c0_i32 = arith.constant 0 : i32
    %c0_i32_0 = arith.constant 0 : i32
    return %arg0, %c0_i32 : i32, i32
  }
}

module attributes {stable_mosaic.version = 14 : i64} {
  func.func @_tc_c(%arg0: i32, %arg1: memref<512x32xf32, #tpu.memory_space<vmem>>, %arg2: memref<512x32xf32, #tpu.memory_space<vmem>>, %arg3: memref<512x16xf32, #tpu.memory_space<vmem>>, %arg4: memref<512x16xf32, #tpu.memory_space<vmem>>, %arg5: memref<1x32xf32, #tpu.memory_space<vmem>>, %arg6: memref<16x32xf32, #tpu.memory_space<vmem>>, %arg7: memref<32x8xf32, #tpu.memory_space<vmem>>, %arg8: memref<1x8xf32, #tpu.memory_space<vmem>>, %arg9: memref<512x8xf32, #tpu.memory_space<vmem>>) attributes {dimension_semantics = [#tpu.dimension_semantics<arbitrary>], iteration_bounds = array<i64: 20>, scalar_prefetch = 0 : i64, scratch_operands = 0 : i64, tpu.core_type = #tpu.core_type<tc>, window_params = [{transform_indices = @transform_0, window_bounds = array<i64: 512, 32>}, {transform_indices = @transform_1, window_bounds = array<i64: 512, 32>}, {transform_indices = @transform_2, window_bounds = array<i64: 512, 16>}, {transform_indices = @transform_3, window_bounds = array<i64: 512, 16>}, {pipeline_mode = #tpu.pipeline_mode<synchronous>, transform_indices = @transform_4, window_bounds = array<i64: 1, 32>}, {pipeline_mode = #tpu.pipeline_mode<synchronous>, transform_indices = @transform_5, window_bounds = array<i64: 16, 32>}, {pipeline_mode = #tpu.pipeline_mode<synchronous>, transform_indices = @transform_6, window_bounds = array<i64: 32, 8>}, {pipeline_mode = #tpu.pipeline_mode<synchronous>, transform_indices = @transform_7, window_bounds = array<i64: 1, 8>}, {transform_indices = @transform_8, window_bounds = array<i64: 512, 8>}]} {
    %get3A = arith.constant 0 : index
    %get3A_0 = arith.constant 0 : index
    %get3A_1 = vector.load %arg3[%get3A, %get3A_0] : memref<512x16xf32, #tpu.memory_space<vmem>>, vector<512x16xf32>
    %get3A_2 = arith.constant 0 : index
    %get3A_3 = arith.constant 0 : index
    %get3A_4 = vector.load %arg4[%get3A_2, %get3A_3] : memref<512x16xf32, #tpu.memory_space<vmem>>, vector<512x16xf32>
    %add3A = arith.addf %get3A_1, %get3A_4 : vector<512x16xf32>
    %get3A_5 = arith.constant 0 : index
    %get3A_6 = arith.constant 0 : index
    %get3A_7 = vector.load %arg6[%get3A_5, %get3A_6] : memref<16x32xf32, #tpu.memory_space<vmem>>, vector<16x32xf32>
    %dot_general3A = arith.constant dense<0.000000e+00> : vector<512x32xf32>
    %dot_general3A_8 = tpu.matmul %add3A, %get3A_7, %dot_general3A {dimension_numbers = #tpu.dot_dimension_numbers<[1], [0], [0], [1], [0, 0, 1, 1], [], []>, transpose_lhs_hint = false} : vector<512x16xf32>, vector<16x32xf32>, vector<512x32xf32> -> vector<512x32xf32>
    %get3A_9 = arith.constant 0 : index
    %get3A_10 = arith.constant 0 : index
    %get3A_11 = vector.load %arg1[%get3A_9, %get3A_10] : memref<512x32xf32, #tpu.memory_space<vmem>>, vector<512x32xf32>
    %get3A_12 = arith.constant 0 : index
    %get3A_13 = arith.constant 0 : index
    %get3A_14 = vector.load %arg2[%get3A_12, %get3A_13] : memref<512x32xf32, #tpu.memory_space<vmem>>, vector<512x32xf32>
    %add3A_15 = arith.addf %get3A_11, %get3A_14 : vector<512x32xf32>
    %add3A_16 = arith.constant 1.000000e-16 : f32
    %add3A_17 = vector.broadcast %add3A_16 : f32 to vector<512x32xf32>
    %add3A_18 = arith.addf %dot_general3A_8, %add3A_17 : vector<512x32xf32>
    %div3A = arith.divf %add3A_15, %add3A_18 : vector<512x32xf32>
    %get3A_19 = arith.constant 0 : index
    %get3A_20 = arith.constant 0 : index
    %get3A_21 = vector.load %arg5[%get3A_19, %get3A_20] : memref<1x32xf32, #tpu.memory_space<vmem>>, vector<1x32xf32>
    %add3A_22 = vector.broadcast %get3A_21 : vector<1x32xf32> to vector<512x32xf32>
    %add3A_23 = arith.addf %div3A, %add3A_22 : vector<512x32xf32>
    %gt3A = arith.constant 0.000000e+00 : f32
    %gt3A_24 = vector.broadcast %gt3A : f32 to vector<512x32xf32>
    %gt3A_25 = arith.cmpf ogt, %add3A_23, %gt3A_24 : vector<512x32xf32>
    %exp3A = math.exp %add3A_23 : vector<512x32xf32>
    %sub3A = arith.constant 1.000000e+00 : f32
    %sub3A_26 = vector.broadcast %sub3A : f32 to vector<512x32xf32>
    %sub3A_27 = arith.subf %exp3A, %sub3A_26 : vector<512x32xf32>
    %select_n3A = arith.select %gt3A_25, %add3A_23, %sub3A_27 : vector<512x32xi1>, vector<512x32xf32>
    %get3A_28 = arith.constant 0 : index
    %get3A_29 = arith.constant 0 : index
    %get3A_30 = vector.load %arg7[%get3A_28, %get3A_29] : memref<32x8xf32, #tpu.memory_space<vmem>>, vector<32x8xf32>
    %dot_general3A_31 = arith.constant dense<0.000000e+00> : vector<512x8xf32>
    %dot_general3A_32 = tpu.matmul %select_n3A, %get3A_30, %dot_general3A_31 {dimension_numbers = #tpu.dot_dimension_numbers<[1], [0], [0], [1], [0, 0, 1, 1], [], []>, transpose_lhs_hint = false} : vector<512x32xf32>, vector<32x8xf32>, vector<512x8xf32> -> vector<512x8xf32>
    %get3A_33 = arith.constant 0 : index
    %get3A_34 = arith.constant 0 : index
    %get3A_35 = vector.load %arg8[%get3A_33, %get3A_34] : memref<1x8xf32, #tpu.memory_space<vmem>>, vector<1x8xf32>
    %add3A_36 = vector.broadcast %get3A_35 : vector<1x8xf32> to vector<512x8xf32>
    %add3A_37 = arith.addf %dot_general3A_32, %add3A_36 : vector<512x8xf32>
    %swap3A = arith.constant 0 : index
    %swap3A_38 = arith.constant 0 : index
    %swap3A_39 = vector.load %arg9[%swap3A, %swap3A_38] : memref<512x8xf32, #tpu.memory_space<vmem>>, vector<512x8xf32>
    tpu.vector_store %arg9[%swap3A, %swap3A_38], %add3A_37 {strides = array<i32>} : memref<512x8xf32, #tpu.memory_space<vmem>>, vector<512x8xf32>,
    return
  }
  func.func @transform_0(%arg0: i32) -> (i32, i32) {
    %c0_i32 = arith.constant 0 : i32
    %c0_i32_0 = arith.constant 0 : i32
    return %arg0, %c0_i32 : i32, i32
  }
  func.func @transform_1(%arg0: i32) -> (i32, i32) {
    %c0_i32 = arith.constant 0 : i32
    %c0_i32_0 = arith.constant 0 : i32
    return %arg0, %c0_i32 : i32, i32
  }
  func.func @transform_2(%arg0: i32) -> (i32, i32) {
    %c0_i32 = arith.constant 0 : i32
    %c0_i32_0 = arith.constant 0 : i32
    return %arg0, %c0_i32 : i32, i32
  }
  func.func @transform_3(%arg0: i32) -> (i32, i32) {
    %c0_i32 = arith.constant 0 : i32
    %c0_i32_0 = arith.constant 0 : i32
    return %arg0, %c0_i32 : i32, i32
  }
  func.func @transform_4(%arg0: i32) -> (i32, i32) {
    %c0_i32 = arith.constant 0 : i32
    %c0_i32_0 = arith.constant 0 : i32
    %c0_i32_1 = arith.constant 0 : i32
    return %c0_i32, %c0_i32_0 : i32, i32
  }
  func.func @transform_5(%arg0: i32) -> (i32, i32) {
    %c0_i32 = arith.constant 0 : i32
    %c0_i32_0 = arith.constant 0 : i32
    %c0_i32_1 = arith.constant 0 : i32
    return %c0_i32, %c0_i32_0 : i32, i32
  }
  func.func @transform_6(%arg0: i32) -> (i32, i32) {
    %c0_i32 = arith.constant 0 : i32
    %c0_i32_0 = arith.constant 0 : i32
    %c0_i32_1 = arith.constant 0 : i32
    return %c0_i32, %c0_i32_0 : i32, i32
  }
  func.func @transform_7(%arg0: i32) -> (i32, i32) {
    %c0_i32 = arith.constant 0 : i32
    %c0_i32_0 = arith.constant 0 : i32
    %c0_i32_1 = arith.constant 0 : i32
    return %c0_i32, %c0_i32_0 : i32, i32
  }
  func.func @transform_8(%arg0: i32) -> (i32, i32) {
    %c0_i32 = arith.constant 0 : i32
    %c0_i32_0 = arith.constant 0 : i32
    return %arg0, %c0_i32 : i32, i32
  }
}

</mosaic_0001>

<sc_bundles>
// kernel: kernel.10.cloned.1.call-start
scs
__scs_entry_jumppad:
0x0: {  	(pc) =	sbr.rel $0x88, $3  }
0x1: {  	(tag) =	ssettag $0x0;
	lr =	simm.s32 $0x1  }
0x2: {  	[smem:$0x3F95] =	sst lr;
	_ =	strace $0xD0000000  }
0x3: {  	_ = 	snop  }
0x4: {  	_ = 	snop  }
0x5: {  	_ = 	snop  }
0x6: {  	_ = 	snop  }
0x7: {  	_ = 	snop  }
__scs_overlays_trampoline_lowered:
0x8: {  	[smem:$0x3FA4] =	sst s0  }
0x9: {  	[smem:$0x3FA5] =	sst s1  }
0xa: {  	[smem:$0x3FA6] =	sst s2  }
0xb: {  	[smem:$0x3FA7] =	sst s3  }
0xc: {  	[smem:$0x3FA8] =	sst s4  }
0xd: {  	[smem:$0x3FA9] =	sst s5  }
0xe: {  	[smem:$0x3FAA] =	sst s6  }
0xf: {  	[smem:$0x3FAB] =	sst s7  }
0x10: {  	[smem:$0x3FAC] =	sst s8  }
0x11: {  	[smem:$0x3FAD] =	sst s9;
	s0 =	simm.s32 @!p0 $0x0  }
0x12: {  	s1 =	sld [smem:$0x3F93];
	s0 =	simm.s32 @p0 $0x1  }
0x13: {  	[smem:$0x3FAE] =	sst s0;
	s0 =	simm.s32 @!p1 $0x0  }
0x14: {  	s2 =	sld [smem:$0x3F92];
	s0 =	simm.s32 @p1 $0x1  }
0x15: {  	[smem:$0x3FAF] =	sst s0;
	s0 =	simm.s32 @!p2 $0x0  }
0x16: {  	s3 =	sld [smem:$0x3FDB];
	s0 =	simm.s32 @p2 $0x1  }
0x17: {  	s4 =	simm.s32 $0x1BF5;
	[smem:$0x3FB1] =	sst s0  }
0x18: {  	s0 =	sld [smem:$0x3F94];
	_ =	swait.ge [sflag:s4], $0x0  }
0x19: {  	s7 =	sld [smem:$0x3F95]  }
0x1a: {  	s8 =	sadd.s32 $0xFFFFE003, lr  }
0x1b: {  	s9 =	sadd.s32 $0xFFFFFEF7, lr;
	s5 =	simm.s32 $0xFFFFFFFF;
	p2 =	slt.u32 s8, $0xFFFFF086  }
0x1c: {  	p1 =	slt.u32 s9, $0xF7A;
	s5 =	simm.s32 @!p2 $0x0  }
0x1d: {  	s5 =	simm.s32 @p1 $0x1;
	p0 =	seq.s32 s7, s2  }
0x1e: {  	s7 =	smul.u32 @!p0 $0xF7A, s2;
	p2 =	seq.s32 @!p0 s5, $0x0  }
0x1f: {  	s9 =	smul.u32 $0xF7A, s1;
	s8 =	simm.s32 @!p0 $0x1BF5;
	p2 =	por !p2, p0  }
0x20: {  	[sflag:s8] =	ssyncset.s32 @!p0 $0xFFFFF086;
	s6 =	sadd.s32 @!p0 s3, s7;
	s7 =	simm.s32 @!p0 $0x108  }
0x21: {  	s3 =	sadd.s32 s3, s9;
	s6 =	sadd.s32 @!p0 $0x88, s6;
	s7 =	simm.s32 @p2 $0x1082  }
0x22: {  	[simem:s7], [sflag:s8] =	dma.local @!p0 [hbm:s6], $0xF7A  }
0x23: {  	s9 =	sor.u32 $0xD0000000, s2;
	s6 =	simm.s32 $0x108;
	_ =	swait.ge @!p0 [sflag:s8], $0x0  }
0x24: {  	s3 =	sadd.s32 $0x88, s3;
	s6 =	simm.s32 @!p1 $0x1082;
	[sflag:s4] =	ssyncset.s32 $0xFFFFF086  }
0x25: {  	[simem:s6], [sflag:s4] =	dma.local [hbm:s3], $0xF7A  }
0x26: {  	[smem:$0x3F95] =	sst s1;
	(tag) =	ssettag s2;
	_ =	strace s9  }
0x27: {  	s1 =	sld [smem:$0x3FA5]  }
0x28: {  	s2 =	sld [smem:$0x3FA6]  }
0x29: {  	s4 =	sld [smem:$0x3FA8]  }
0x2a: {  	p0 =	seq.s32 s5, $0x0;
	s5 =	sld [smem:$0x3FA9]  }
0x2b: {  	s6 =	sld [smem:$0x3FAA]  }
0x2c: {  	s7 =	sld [smem:$0x3FAB]  }
0x2d: {  	s3 =	simm.s32 $0x108;
	s8 =	sld [smem:$0x3FAC]  }
0x2e: {  	s3 =	simm.s32 @!p0 $0x1082;
	s9 =	sld [smem:$0x3FAD]  }
0x2f: {  	lr =	sadd.s32 s0, s3;
	s0 =	sld [smem:$0x3FA4]  }
0x30: {  	s3 =	sld [smem:$0x3FA7]  }
0x31: {  	[smem:$0x3FB0] =	sst s10  }
0x32: {  	s10 =	sld [smem:$0x3FAE];
	_ =	sdelay $0x3  }
0x33: {  	p0 =	seq.s32 s10, $0x1;
	s10 =	sld [smem:$0x3FB0];
	_ =	sdelay $0x3  }
0x34: {  	[smem:$0x3FB0] =	sst s10  }
0x35: {  	s10 =	sld [smem:$0x3FAF];
	_ =	sdelay $0x3  }
0x36: {  	p1 =	seq.s32 s10, $0x1;
	s10 =	sld [smem:$0x3FB0];
	_ =	sdelay $0x3  }
0x37: {  	[smem:$0x3FB0] =	sst s10  }
0x38: {  	s10 =	sld [smem:$0x3FB1]  }
0x39: {  	_ = 	snop;
	(pc) =	sbr.ind lr, $3  }
0x3a: {  	_ = 	snop  }
0x3b: {  	_ = 	snop  }
0x3c: {  	p2 =	seq.s32 s10, $0x1;
	s10 =	sld [smem:$0x3FB0]  }
0x3d: {  	_ =	shalt  }
0x3e: {  	_ =	shalt  }
0x3f: {  	_ =	shalt  }
0x40: {  	_ =	shalt  }
0x41: {  	_ =	shalt  }
0x42: {  	_ =	shalt  }
0x43: {  	_ =	shalt  }
0x44: {  	_ =	shalt  }
0x45: {  	_ =	shalt  }
0x46: {  	_ =	shalt  }
0x47: {  	_ =	shalt  }
0x48: {  	_ =	shalt  }
0x49: {  	_ =	shalt  }
0x4a: {  	_ =	shalt  }
0x4b: {  	_ =	shalt  }
0x4c: {  	_ =	shalt  }
0x4d: {  	_ =	shalt  }
0x4e: {  	_ =	shalt  }
0x4f: {  	_ =	shalt  }
0x50: {  	_ =	shalt  }
0x51: {  	_ =	shalt  }
0x52: {  	_ =	shalt  }
0x53: {  	_ =	shalt  }
0x54: {  	_ =	shalt  }
0x55: {  	_ =	shalt  }
0x56: {  	_ =	shalt  }
0x57: {  	_ =	shalt  }
0x58: {  	_ =	shalt  }
0x59: {  	_ =	shalt  }
0x5a: {  	_ =	shalt  }
0x5b: {  	_ =	shalt  }
0x5c: {  	_ =	shalt  }
0x5d: {  	_ =	shalt  }
0x5e: {  	_ =	shalt  }
0x5f: {  	_ =	shalt  }
0x60: {  	_ =	shalt  }
0x61: {  	_ =	shalt  }
0x62: {  	_ =	shalt  }
0x63: {  	_ =	shalt  }
0x64: {  	_ =	shalt  }
0x65: {  	_ =	shalt  }
0x66: {  	_ =	shalt  }
0x67: {  	_ =	shalt  }
0x68: {  	_ =	shalt  }
0x69: {  	_ =	shalt  }
0x6a: {  	_ =	shalt  }
0x6b: {  	_ =	shalt  }
0x6c: {  	_ =	shalt  }
0x6d: {  	_ =	shalt  }
0x6e: {  	_ =	shalt  }
0x6f: {  	_ =	shalt  }
0x70: {  	_ =	shalt  }
0x71: {  	_ =	shalt  }
0x72: {  	_ =	shalt  }
0x73: {  	_ =	shalt  }
0x74: {  	_ =	shalt  }
0x75: {  	_ =	shalt  }
0x76: {  	_ =	shalt  }
0x77: {  	_ =	shalt  }
0x78: {  	_ =	shalt  }
0x79: {  	_ =	shalt  }
0x7a: {  	_ =	shalt  }
0x7b: {  	_ =	shalt  }
0x7c: {  	_ =	shalt  }
0x7d: {  	_ =	shalt  }
0x7e: {  	_ =	shalt  }
0x7f: {  	_ =	shalt  }
0x80: {  	_ =	shalt  }
0x81: {  	_ =	shalt  }
0x82: {  	_ =	shalt  }
0x83: {  	_ =	shalt  }
0x84: {  	_ =	shalt  }
0x85: {  	_ =	shalt  }
0x86: {  	_ =	shalt  }
0x87: {  	_ =	shalt  }
.Lfunc_end0:
.L_simem_size_0:
called_computation.1_lowered:
.L_overlay_start_0:
0x88: {  	s2 =	sld [smem:$0x3FD9]  }
0x89: {  	s3 =	sld [smem:$0x3FFE];
	_ =	sdelay $0x1  }
0x8a: {  	s1 =	srdreg.scid  }
0x8b: {  	s0 =	sand.u32 $0x1, s1  }
0x8c: {  	s16 =	sshll.u32 s0, $0xA;
	s2 =	sadd.s32 s3, s2  }
0x8d: {  	s2 =	sadd.s32 s2, s16  }
0x8e: {  	[smem:$0x3FBC] =	sst s2  }
0x8f: {  	_ = 	snop  }
0x90: {  	(tm) =	ssettm $0x1  }
0x91: {  	s17 =	sld [smem:$0x3FFB];
	_ =	sdelay $0x3  }
0x92: {  	_ =	strace s17  }
0x93: {  	s2 =	sld [smem:$0x3FFC];
	_ =	sdelay $0x3  }
0x94: {  	_ =	strace s2  }
0x95: {  	s2 =	sld [smem:$0x3FFD];
	_ =	sdelay $0x3  }
0x96: {  	_ =	strace s2  }
0x97: {  	_ =	strace $0x8FFFFFFF  }
0x98: {  	s18 =	sld [smem:$0x3FDB];
	_ =	sdelay $0x1  }
0x99: {  	s19 =	simm.s32 $_scs_section_size  }
0x9a: {  	s4 =	simm.s32 $_size__tile_overlayer_lowered;
	s5 =	simm.s32 $_tile_overlayer_lowered  }
0x9b: {  	s22 =	simm.s32 $0x1BFF;
	s21 =	sshll.u32 s5, $0x1;
	s2 =	sadd.s32 s19, s18  }
0x9c: {  	s6 =	simm.s32 $0x0;
	s20 =	sshll.u32 s4, $0x1;
	s4 =	sadd.s32 s21, s2  }
0x9d: {  	[timem:s6], [sflag:s22] =	dma.local [hbm:s4], s20  }
0x9e: {  	_ =	swait.ge [sflag:s22], s20  }
0x9f: {  	s3 =	ssub.s32 $0x0, s20;
	[sflag:s22] =	ssyncset.done $0x0  }
0xa0: {  	[sflag:s22] =	ssyncadd.s32 s3;
	_ =	sdelay $0x1  }
0xa1: {  	s23 =	simm.s32 $0x1B8B  }
0xa2: {  	_ =	swait.ge [sflag:s23], $0x1  }
0xa3: {  	[sflag:s23] =	ssyncset.done $0x0  }
0xa4: {  	s25 =	simm.s32 $0x1B8E;
	s24 =	sld [smem:$0x3FFE];
	[sflag:s23] =	ssyncadd.s32 $0xFFFFFFFF  }
0xa5: {  	s26 =	simm.s32 $execute0_lowered;
	[smem:$0x3FD2] =	sst s25  }
0xa6: {  	s4 =	sshll.u32 s26, $0x1;
	_ =	strace $0x80000049;
	[dreg:$0x1] =	wrdreg $0xFFFFFFFF  }
0xa7: {  	s28 =	simm.s32 $_size_execute0_lowered;
	s2 =	sadd.s32 s2, s4;
	[dreg:$0x0] =	wrdreg $0x0  }
0xa8: {  	s4 =	sshll.u32 s28, $0x1;
	[dreg:$0x2] =	wrdreg s2  }
0xa9: {  	[dreg:$0x3] =	wrdreg s4  }
0xaa: {  	[dreg:$0x4] =	wrdreg $0xC0  }
0xab: {  	_ =	task [dreg:s6], $0x5FFFF  }
0xac: {  	[dreg:$0x1] =	wrdreg $0xFFFFFFFF  }
0xad: {  	[dreg:$0x0] =	wrdreg $0x60  }
0xae: {  	[dreg:$0x2] =	wrdreg s24  }
0xaf: {  	[dreg:$0x3] =	wrdreg $0x0  }
0xb0: {  	[dreg:$0x4] =	wrdreg $0x50000  }
0xb1: {  	[dreg:$0x5] =	wrdreg $0x9  }
0xb2: {  	_ =	task.clear_ibuf [dreg:s6], $0x6FFFF;
	_ =	strace $0x90000049  }
0xb3: {  	s29 =	simm.s32 $0x9;
	_ =	strace $0x8000004B  }
0xb4: {  	_ =	swait.ge [sflag:s29], $0x1  }
0xb5: {  	[sflag:s29] =	ssyncadd.s32 $0xFFFFFFFF  }
0xb6: {  	_ =	strace $0x9000004B  }
0xb7: {  	_ =	sfence  }
0xb8: {  	s30 =	sld [smem:$0x0];
	_ =	sdelay $0x2  }
0xb9: {  	s31 =	sshll.u32 s1, $0xD;
	s1 =	sshrl.u32 s1, $0x2  }
0xba: {  	s3 =	sand.u32 $0x4000, s31;
	s1 =	sadd.s32 s1, s30  }
0xbb: {  	s0 =	sor.u32 s3, s0;
	s1 =	sshll.u32 s1, $0x11  }
0xbc: {  	s0 =	sor.u32 s1, s0  }
0xbd: {  	s0 =	sadd.s32 $0x8F2B, s0  }
0xbe: {  	[sflag:s0] =	ssyncadd.remote.s32 $0x1  }
0xbf: {  	_ =	sfence.sel $0xFFFF  }
0xc0: {  	[dreg:$0x0] =	wrdreg $0xFFFFFFFF;
	(pc) =	sbr.abs _section_cstart, $3  }
0xc1: {  	[dreg:$0x1] =	wrdreg $0xFFFFFFFF  }
0xc2: {  	_ =	task.clear_ibuf [dreg:s6], $0x2FFFF;
	_ =	strace $0x9FFFFFFF  }
0xc3: {  	(tm) =	ssettm $0x7FFFFFFF  }
tec
execute0_lowered:
.L_overlay_start_1:
0x0: {  	(tag) =	ssettag $0x1  }
0x1: {  	s0 =	rddreg [dreg:$0x0]  }
0x2: {  	s2 =	rddreg [dreg:$0x1]  }
0x3: {  	s3 =	rddreg [dreg:$0x2];
	s15 =	stileid.u32  }
0x4: {  	s1 =	srdreg.scid;
	s9 =	smul.u32 $0x5000, s15  }
0x5: {  	s4 =	simm.s32 $0x0;
	s1 =	sand.u32 $0x1, s1;
	s10 =	smul.u32 $0x2800, s15  }
0x6: {  	[smem:$0x7FF] =	sst s4;
	s5 =	sadd.s32 $0x1E00, s0;
	s14 =	smul.u32 $0x280, s15  }
0x7: {  	s7 =	sadd.s32 $0x39000, s0;
	s15 =	sshll.u32 s15, $0x1;
	s6 =	smul.u32 $0x50000, s1  }
0x8: {  	_ =	strace $0x8000004A;
	s11 =	smul.u32 $0x28000, s1;
	s13 =	ssub.s32 $0x2, s1  }
0x9: {  	s1 =	sor.u32 s1, s15;
	s26 =	sshrl.u32 s13, $0x1;
	s28 =	sor.u32 $0x40, s14  }
0xa: {  	s30 =	sadd.s32 $0x80, s14;
	s17 =	sadd.s32 $0xC0, s14;
	s19 =	sadd.s32 $0x100, s14  }
0xb: {  	s22 =	sadd.s32 $0x140, s14;
	s24 =	sadd.s32 $0x180, s14;
	s8 =	sadd.s32 s9, s6  }
0xc: {  	s6 =	sadd.s32 $0xBE00, s0;
	s11 =	sadd.s32 s10, s11;
	s16 =	ssub.s32 s13, s26  }
0xd: {  	s9 =	sadd.s32 s9, s2;
	s10 =	sadd.s32 s10, s3;
	s29 =	sshll.u32 s28, $0x5  }
0xe: {  	s31 =	sshll.u32 s30, $0x5;
	s18 =	sshll.u32 s17, $0x5;
	s20 =	sshll.u32 s19, $0x5  }
0xf: {  	s21 =	sshll.u32 s19, $0x4;
	s23 =	sshll.u32 s22, $0x5;
	s25 =	sshll.u32 s22, $0x4  }
0x10: {  	s26 =	sshll.u32 s24, $0x5;
	s12 =	sshrl.u32 s8, $0x3;
	s8 =	sadd.s32 $0x2EE00, s0  }
0x11: {  	s11 =	sshrl.u32 s11, $0x3;
	s13 =	sadd.s32 s29, s2;
	s29 =	sshll.u32 s24, $0x4  }
0x12: {  	s12 =	sadd.s32 s12, s0;
	s0 =	sadd.s32 s11, s0;
	[dreg:$0x4] =	wrdreg s13  }
0x13: {  	s11 =	sshll.u32 s28, $0x4;
	s13 =	sshll.u32 s30, $0x4;
	s28 =	sadd.s32 s26, s2  }
0x14: {  	s30 =	sadd.s32 $0x1C0, s14;
	s11 =	sadd.s32 s11, s3;
	[dreg:$0xe] =	wrdreg s28  }
0x15: {  	s26 =	smul.u32 $0x2880, s1;
	s15 =	sadd.s32 s13, s3;
	[dreg:$0x5] =	wrdreg s11  }
0x16: {  	s13 =	sadd.s32 s18, s2;
	s18 =	sshll.u32 s30, $0x5;
	[dreg:$0x7] =	wrdreg s15  }
0x17: {  	s12 =	sadd.s32 $0x1AE00, s12;
	s11 =	sadd.s32 s31, s2;
	[dreg:$0x8] =	wrdreg s13  }
0x18: {  	s31 =	sadd.s32 $0x200, s14;
	s15 =	sadd.s32 s18, s2;
	s28 =	sshrl.u32 s26, $0x3  }
0x19: {  	s13 =	sadd.s32 $0x10E00, s0;
	[dreg:$0x6] =	wrdreg s11;
	s11 =	sshll.u32 s17, $0x4  }
0x1a: {  	s17 =	sshll.u32 s31, $0x5;
	[dreg:$0x10] =	wrdreg s15;
	s11 =	sadd.s32 s11, s3  }
0x1b: {  	s18 =	simm.s32 $0x7800;
	s19 =	sadd.s32 s17, s2;
	[dreg:$0x9] =	wrdreg s11  }
0x1c: {  	s15 =	simm.s32 $0x7A40;
	s11 =	sadd.s32 s20, s2;
	[dreg:$0x12] =	wrdreg s19  }
0x1d: {  	s20 =	sshll.u32 s31, $0x4;
	[dreg:$0xa] =	wrdreg s11;
	s11 =	sadd.s32 s21, s3  }
0x1e: {  	s17 =	simm.s32 $0xAA40;
	s22 =	sadd.s32 s20, s3;
	[dreg:$0xb] =	wrdreg s11  }
0x1f: {  	s21 =	sadd.s32 $0x240, s14;
	s11 =	sadd.s32 s23, s2;
	[dreg:$0x13] =	wrdreg s22  }
0x20: {  	s23 =	sshll.u32 s21, $0x5;
	[dreg:$0xc] =	wrdreg s11;
	s11 =	sadd.s32 s25, s3  }
0x21: {  	s24 =	sshll.u32 s21, $0x4;
	s1 =	sadd.s32 s23, s2;
	[dreg:$0xd] =	wrdreg s11  }
0x22: {  	s19 =	simm.s32 $0x7860;
	s25 =	sadd.s32 s24, s3;
	[dreg:$0x14] =	wrdreg s1  }
0x23: {  	s14 =	smax.u32 s16, $0x1;
	s11 =	sadd.s32 s29, s3;
	[dreg:$0x15] =	wrdreg s25  }
0x24: {  	s29 =	sadd.s32 s7, s28;
	s1 =	sor.u32 $0xC, s28;
	[dreg:$0xf] =	wrdreg s11  }
0x25: {  	s11 =	sshll.u32 s30, $0x4;
	[dreg:$0x16] =	wrdreg s29;
	s30 =	sadd.s32 s8, s28  }
0x26: {  	s16 =	simm.s32 $0x4;
	s31 =	sadd.s32 s7, s1;
	[dreg:$0x17] =	wrdreg s30  }
0x27: {  	v1 =	vlaneseq.u32;
	s20 =	simm.s32 $0x60;
	s1 =	sadd.s32 s8, s1;
	[dreg:$0x18] =	wrdreg s31  }
0x28: {  	v1 =	vmul.u32 $0x10, v1;
	s21 =	simm.s32 $0x1;
	s11 =	sadd.s32 s11, s3;
	[dreg:$0x19] =	wrdreg s1  }
0x29: {  	v0 =	vimm.f32 $0.0e+00;
	s22 =	simm.s32 $0x2;
	s23 =	simm.s32 $0x3;
	[dreg:$0x11] =	wrdreg s11  }
.LBB2_1:
0x2a: {  	s0 =	simm.s32 $0x7A50  }
0x2b: {  	[tilespmem:s0+$0xFFFFFFF0] =	vst v0  }
0x2c: {  	s24 =	simm.s32 $0x40;
	s1 =	simm.s32 $0x0;
	[tilespmem:s0+$0x0] =	vst v0  }
.LBB2_2:
0x2d: {  	p0 =	sne.s32 s24, $0x17C0  }
0x2e: {  	[tilespmem:s1+$0xAA40] =	vst v0;
	s0 =	sadd.s32 $0x20, s0;
	s25 =	smov.u32 s24;
	s24 =	sadd.s32 $0x40, s24  }
.Ltmp0:
0x2f: {  	[tilespmem:s1+$0xB040] =	vst v0;
	(pc) =	sbr.rel @p0 .LBB2_2-.Ltmp0, $3  }
0x30: {  	_ =	sdelay $0x1  }
0x31: {  	[tilespmem:s0+$0xFFFFFFF0] =	vst v0  }
0x32: {  	s1 =	sshra.s32 s25, $0x2;
	[tilespmem:s0+$0x0] =	vst v0  }
0x33: {  	[tilespmem:s1+$0xAA40] =	vst v0  }
0x34: {  	[tilespmem:s1+$0xB040] =	vst v0  }
0x35: {  	[spmem:s9] =	stream.linear.scatter [tilespmem:s15], [sflag:$0x4], $0x800, $0x38;
	[tilespmem:$0xB640] =	vst v63  }
0x36: {  	_ =	swait.ge [sflag:s16], $0x800  }
0x37: {  	[sflag:s16] =	ssyncset.done $0x0  }
0x38: {  	[sflag:s16] =	ssyncadd.s32 $0xFFFFF800  }
0x39: {  	[spmem:s10] =	stream.linear.scatter [tilespmem:s17], [sflag:$0x4], $0x400, $0x38;
	[tilespmem:$0xB640] =	vst v63  }
0x3a: {  	_ =	swait.ge [sflag:s16], $0x400  }
0x3b: {  	[sflag:s16] =	ssyncset.done $0x0  }
0x3c: {  	s0 =	rddreg [dreg:$0x4];
	[sflag:s16] =	ssyncadd.s32 $0xFFFFFC00  }
0x3d: {  	[spmem:s0] =	stream.linear.scatter [tilespmem:s15], [sflag:$0x4], $0x800, $0x38;
	[tilespmem:$0xB640] =	vst v63  }
0x3e: {  	_ =	swait.ge [sflag:s16], $0x800  }
0x3f: {  	[sflag:s16] =	ssyncset.done $0x0  }
0x40: {  	s30 =	rddreg [dreg:$0x5];
	[sflag:s16] =	ssyncadd.s32 $0xFFFFF800  }
0x41: {  	[spmem:s30] =	stream.linear.scatter [tilespmem:s17], [sflag:$0x4], $0x400, $0x38;
	[tilespmem:$0xB640] =	vst v63  }
0x42: {  	_ =	swait.ge [sflag:s16], $0x400  }
0x43: {  	[sflag:s16] =	ssyncset.done $0x0  }
0x44: {  	s31 =	rddreg [dreg:$0x6];
	[sflag:s16] =	ssyncadd.s32 $0xFFFFFC00  }
0x45: {  	[spmem:s31] =	stream.linear.scatter [tilespmem:s15], [sflag:$0x4], $0x800, $0x38;
	[tilespmem:$0xB640] =	vst v63  }
0x46: {  	_ =	swait.ge [sflag:s16], $0x800  }
0x47: {  	[sflag:s16] =	ssyncset.done $0x0  }
0x48: {  	s1 =	rddreg [dreg:$0x7];
	[sflag:s16] =	ssyncadd.s32 $0xFFFFF800  }
0x49: {  	[spmem:s1] =	stream.linear.scatter [tilespmem:s17], [sflag:$0x4], $0x400, $0x38;
	[tilespmem:$0xB640] =	vst v63  }
0x4a: {  	_ =	swait.ge [sflag:s16], $0x400  }
0x4b: {  	[sflag:s16] =	ssyncset.done $0x0  }
0x4c: {  	s11 =	rddreg [dreg:$0x8];
	[sflag:s16] =	ssyncadd.s32 $0xFFFFFC00  }
0x4d: {  	[spmem:s11] =	stream.linear.scatter [tilespmem:s15], [sflag:$0x4], $0x800, $0x38;
	[tilespmem:$0xB640] =	vst v63  }
0x4e: {  	_ =	swait.ge [sflag:s16], $0x800  }
0x4f: {  	[sflag:s16] =	ssyncset.done $0x0  }
0x50: {  	s24 =	rddreg [dreg:$0x9];
	[sflag:s16] =	ssyncadd.s32 $0xFFFFF800  }
0x51: {  	[spmem:s24] =	stream.linear.scatter [tilespmem:s17], [sflag:$0x4], $0x400, $0x38;
	[tilespmem:$0xB640] =	vst v63  }
0x52: {  	_ =	swait.ge [sflag:s16], $0x400  }
0x53: {  	[sflag:s16] =	ssyncset.done $0x0  }
0x54: {  	s25 =	rddreg [dreg:$0xa];
	[sflag:s16] =	ssyncadd.s32 $0xFFFFFC00  }
0x55: {  	[spmem:s25] =	stream.linear.scatter [tilespmem:s15], [sflag:$0x4], $0x800, $0x38;
	[tilespmem:$0xB640] =	vst v63  }
0x56: {  	_ =	swait.ge [sflag:s16], $0x800  }
0x57: {  	[sflag:s16] =	ssyncset.done $0x0  }
0x58: {  	s28 =	rddreg [dreg:$0xb];
	[sflag:s16] =	ssyncadd.s32 $0xFFFFF800  }
0x59: {  	[spmem:s28] =	stream.linear.scatter [tilespmem:s17], [sflag:$0x4], $0x400, $0x38;
	[tilespmem:$0xB640] =	vst v63  }
0x5a: {  	_ =	swait.ge [sflag:s16], $0x400  }
0x5b: {  	[sflag:s16] =	ssyncset.done $0x0  }
0x5c: {  	s29 =	rddreg [dreg:$0xc];
	[sflag:s16] =	ssyncadd.s32 $0xFFFFFC00  }
0x5d: {  	[spmem:s29] =	stream.linear.scatter [tilespmem:s15], [sflag:$0x4], $0x800, $0x38;
	[tilespmem:$0xB640] =	vst v63  }
0x5e: {  	_ =	swait.ge [sflag:s16], $0x800  }
0x5f: {  	[sflag:s16] =	ssyncset.done $0x0  }
0x60: {  	s30 =	rddreg [dreg:$0xd];
	[sflag:s16] =	ssyncadd.s32 $0xFFFFF800  }
0x61: {  	[spmem:s30] =	stream.linear.scatter [tilespmem:s17], [sflag:$0x4], $0x400, $0x38;
	[tilespmem:$0xB640] =	vst v63  }
0x62: {  	_ =	swait.ge [sflag:s16], $0x400  }
0x63: {  	[sflag:s16] =	ssyncset.done $0x0  }
0x64: {  	s31 =	rddreg [dreg:$0xe];
	[sflag:s16] =	ssyncadd.s32 $0xFFFFFC00  }
0x65: {  	[spmem:s31] =	stream.linear.scatter [tilespmem:s15], [sflag:$0x4], $0x800, $0x38;
	[tilespmem:$0xB640] =	vst v63  }
0x66: {  	_ =	swait.ge [sflag:s16], $0x800  }
0x67: {  	[sflag:s16] =	ssyncset.done $0x0  }
0x68: {  	s1 =	rddreg [dreg:$0xf];
	[sflag:s16] =	ssyncadd.s32 $0xFFFFF800  }
0x69: {  	[spmem:s1] =	stream.linear.scatter [tilespmem:s17], [sflag:$0x4], $0x400, $0x38;
	[tilespmem:$0xB640] =	vst v63  }
0x6a: {  	_ =	swait.ge [sflag:s16], $0x400  }
0x6b: {  	[sflag:s16] =	ssyncset.done $0x0  }
0x6c: {  	s11 =	rddreg [dreg:$0x10];
	[sflag:s16] =	ssyncadd.s32 $0xFFFFFC00  }
0x6d: {  	[spmem:s11] =	stream.linear.scatter [tilespmem:s15], [sflag:$0x4], $0x800, $0x38;
	[tilespmem:$0xB640] =	vst v63  }
0x6e: {  	_ =	swait.ge [sflag:s16], $0x800  }
0x6f: {  	[sflag:s16] =	ssyncset.done $0x0  }
0x70: {  	s24 =	rddreg [dreg:$0x11];
	[sflag:s16] =	ssyncadd.s32 $0xFFFFF800  }
0x71: {  	[spmem:s24] =	stream.linear.scatter [tilespmem:s17], [sflag:$0x4], $0x400, $0x38;
	[tilespmem:$0xB640] =	vst v63  }
0x72: {  	_ =	swait.ge [sflag:s16], $0x400  }
0x73: {  	[sflag:s16] =	ssyncset.done $0x0  }
0x74: {  	s25 =	rddreg [dreg:$0x12];
	[sflag:s16] =	ssyncadd.s32 $0xFFFFFC00  }
0x75: {  	[spmem:s25] =	stream.linear.scatter [tilespmem:s15], [sflag:$0x4], $0x800, $0x38;
	[tilespmem:$0xB640] =	vst v63  }
0x76: {  	_ =	swait.ge [sflag:s16], $0x800  }
0x77: {  	[sflag:s16] =	ssyncset.done $0x0  }
0x78: {  	s28 =	rddreg [dreg:$0x13];
	[sflag:s16] =	ssyncadd.s32 $0xFFFFF800  }
0x79: {  	[spmem:s28] =	stream.linear.scatter [tilespmem:s17], [sflag:$0x4], $0x400, $0x38;
	[tilespmem:$0xB640] =	vst v63  }
0x7a: {  	_ =	swait.ge [sflag:s16], $0x400  }
0x7b: {  	[sflag:s16] =	ssyncset.done $0x0  }
0x7c: {  	s29 =	rddreg [dreg:$0x14];
	[sflag:s16] =	ssyncadd.s32 $0xFFFFFC00  }
0x7d: {  	[spmem:s29] =	stream.linear.scatter [tilespmem:s15], [sflag:$0x4], $0x800, $0x38;
	[tilespmem:$0xB640] =	vst v63  }
0x7e: {  	_ =	swait.ge [sflag:s16], $0x800  }
0x7f: {  	[sflag:s16] =	ssyncset.done $0x0  }
0x80: {  	s30 =	rddreg [dreg:$0x15];
	[sflag:s16] =	ssyncadd.s32 $0xFFFFF800  }
0x81: {  	[spmem:s30] =	stream.linear.scatter [tilespmem:s17], [sflag:$0x4], $0x400, $0x38;
	[tilespmem:$0xB640] =	vst v63  }
0x82: {  	_ =	swait.ge [sflag:s16], $0x400  }
0x83: {  	[sflag:s16] =	ssyncset.done $0x0  }
0x84: {  	[sflag:s16] =	ssyncadd.s32 $0xFFFFFC00  }
0x85: {  	[bflag:$0x0] =	sbarrier.arrive $0xFFFF  }
0x86: {  	s24 =	simm.s32 $0x0;
	s31 =	rddreg [dreg:$0x16]  }
0x87: {  	[tilespmem:s18], [sflag:$0x4] =	stream.linear.gather [hbm4b:s31+s24], $0x60, $0x38;
	[tilespmem:$0xB640] =	vst v63  }
0x88: {  	_ =	swait.ge [sflag:s16], $0x60  }
0x89: {  	[sflag:s16] =	ssyncset.done $0x0  }
0x8a: {  	s1 =	rddreg [dreg:$0x17];
	[sflag:s16] =	ssyncadd.s32 $0xFFFFFFA0  }
0x8b: {  	[tilespmem:s19], [sflag:$0x4] =	stream.linear.gather [hbm4b:s1+s24], $0x60, $0x38;
	[tilespmem:$0xB640] =	vst v63  }
0x8c: {  	_ =	swait.ge [sflag:s16], $0x60  }
0x8d: {  	[sflag:s16] =	ssyncset.done $0x0  }
0x8e: {  	s25 =	simm.s32 $0x78C0;
	s11 =	rddreg [dreg:$0x18];
	[sflag:s16] =	ssyncadd.s32 $0xFFFFFFA0  }
0x8f: {  	[tilespmem:s25], [sflag:$0x3] =	stream.linear.gather [hbm4b:s11+s24], $0x60, $0x38;
	[tilespmem:$0xB640] =	vst v63  }
0x90: {  	s29 =	simm.s32 $0x7920;
	s28 =	rddreg [dreg:$0x19]  }
0x91: {  	[tilespmem:s29], [sflag:$0x3] =	stream.linear.gather [hbm4b:s28+s24], $0x60, $0x38;
	[tilespmem:$0xB640] =	vst v63  }
0x92: {  	_ = 	snop  }
0x93: {  	[tilespmem:s15], [sflag:$0x1] =	stream.indirect.gather [hbm4b:s5+s20], $0x20, s18, s20, $0xb8;
	[tilespmem:$0xB640] =	vst v63  }
0x94: {  	s30 =	simm.s32 $0x9240  }
0x95: {  	[tilespmem:s30], [sflag:$0x1] =	stream.indirect.gather [hbm4b:s6+s20], $0x10, s18, s20, $0xb8;
	[tilespmem:$0xB640] =	vst v63  }
0x96: {  	s31 =	simm.s32 $0x9E40  }
0x97: {  	[tilespmem:s31], [sflag:$0x1] =	stream.indirect.gather [hbm4b:s6+s20], $0x10, s19, s20, $0xb8;
	[tilespmem:$0xB640] =	vst v63  }
.LBB2_4:
0x98: {  	_ =	swait.ge [sflag:s21], $0xC00  }
0x99: {  	[sflag:s21] =	ssyncset.done $0x0  }
0x9a: {  	[sflag:s21] =	ssyncadd.s32 $0xFFFFF400  }
0x9b: {  	_ =	swait.ge [sflag:s21], $0x600  }
0x9c: {  	[sflag:s21] =	ssyncset.done $0x0  }
0x9d: {  	[sflag:s21] =	ssyncadd.s32 $0xFFFFFA00  }
0x9e: {  	_ =	swait.ge [sflag:s21], $0x600  }
0x9f: {  	p0 =	seq.s32 s24, $0x0;
	[sflag:s21] =	ssyncset.done $0x0  }
0xa0: {  	s0 =	simm.s32 @!p0 $0x2;
	p1 =	seq.s32 @!p0 s24, $0x6B;
	[sflag:s21] =	ssyncadd.s32 $0xFFFFFA00  }
0xa1: {  	p1 =	por p0, !p1;
	_ =	swait.ge @!p0 [sflag:s0], $0xC00  }
.Ltmp1:
0xa2: {  	[sflag:s0] =	ssyncset.done @!p0 $0x0;
	(pc) =	sbr.rel @!p1 .LBB2_6-.Ltmp1, $4  }
0xa3: {  	[sflag:s0] =	ssyncadd.s32 @!p0 $0xFFFFF400  }
0xa4: {  	_ =	swait.ge @!p0 [sflag:s0], $0x600  }
0xa5: {  	[sflag:s0] =	ssyncset.done @!p0 $0x0  }
0xa6: {  	s28 =	sand.u32 $0x1, s24;
	s25 =	simm.s32 @!p0 $0x6C;
	[sflag:s0] =	ssyncadd.s32 @!p0 $0xFFFFFA00  }
0xa7: {  	s25 =	sadd.s32 @!p0 $0x1, s24  }
0xa8: {  	s25 =	simm.s32 @p0 $0x1  }
0xa9: {  	s0 =	smul.u32 $0xAB, s25;
	_ =	sdelay $0x1  }
0xaa: {  	s0 =	sshrl.u32 s0, $0x9  }
0xab: {  	s0 =	sand.u32 $0x7F, s0  }
0xac: {  	s0 =	smul.u32 $0x3, s0;
	_ =	sdelay $0x1  }
0xad: {  	_ =	swait.ge [sflag:s23], $0x60;
	s1 =	sxor.u32 $0x1, s28;
	s0 =	ssub.s32 s25, s0  }
0xae: {  	[sflag:s23] =	ssyncset.done $0x0;
	s29 =	smul.u32 $0x3000, s1;
	s0 =	sand.u32 $0xFF, s0  }
0xaf: {  	[sflag:s23] =	ssyncadd.s32 $0xFFFFFFA0;
	s0 =	smul.u32 $0x300, s0  }
0xb0: {  	s1 =	smul.u32 $0x600, s1;
	p0 =	sgt.u32 s24, $0x69;
	_ =	swait.ge [sflag:s23], $0x60  }
0xb1: {  	s29 =	sshrl.u32 s29, $0x2;
	[sflag:s23] =	ssyncset.done $0x0;
	s0 =	sshrl.u32 s0, $0x2  }
0xb2: {  	s29 =	sadd.s32 $0x7A40, s29;
	[sflag:s23] =	ssyncadd.s32 $0xFFFFFFA0;
	s30 =	sor.u32 $0x7800, s0  }
0xb3: {  	[tilespmem:s29], [sflag:$0x1] =	stream.indirect.gather [hbm4b:s5+s20], $0x20, s30, s20, $0xb8;
	[tilespmem:$0xB640] =	vst v63  }
0xb4: {  	s29 =	sadd.s32 @!p0 $0x2, s24  }
0xb5: {  	s31 =	sadd.s32 $0x9240, s1;
	s11 =	smul.u32 @!p0 $0xAB, s29  }
0xb6: {  	[tilespmem:s31], [sflag:$0x1] =	stream.indirect.gather [hbm4b:s6+s20], $0x10, s30, s20, $0xb8;
	[tilespmem:$0xB640] =	vst v63  }
0xb7: {  	s11 =	sshrl.u32 @!p0 s11, $0x9  }
0xb8: {  	s11 =	sand.u32 @!p0 $0x7F, s11  }
0xb9: {  	s1 =	sadd.s32 $0x9E40, s1;
	s0 =	sadd.s32 $0x7860, s0;
	s11 =	smul.u32 @!p0 $0x3, s11  }
0xba: {  	[tilespmem:s1], [sflag:$0x1] =	stream.indirect.gather [hbm4b:s6+s20], $0x10, s0, s20, $0xb8;
	[tilespmem:$0xB640] =	vst v63  }
0xbb: {  	s0 =	ssub.s32 @!p0 s29, s11  }
0xbc: {  	s1 =	smul.u32 @!p0 $0x60, s29;
	s0 =	sand.u32 @!p0 $0xFF, s0  }
0xbd: {  	s0 =	smul.u32 @!p0 $0x300, s0  }
0xbe: {  	s1 =	sadd.s32 @!p0 s26, s1  }
0xbf: {  	s1 =	sshrl.u32 @!p0 s1, $0x3;
	s0 =	sshrl.u32 @!p0 s0, $0x2  }
0xc0: {  	s30 =	simm.s32 @!p0 $0x0;
	s29 =	sadd.s32 @!p0 s7, s1;
	s11 =	sor.u32 @!p0 $0x7800, s0  }
0xc1: {  	[tilespmem:s11], [sflag:$0x3] =	stream.linear.gather @!p0 [hbm4b:s29+s30], $0x60, $0x38;
	[tilespmem:$0xB640] =	vst v63  }
0xc2: {  	s1 =	sadd.s32 @!p0 s8, s1;
	s0 =	sadd.s32 @!p0 $0x7860, s0  }
0xc3: {  	[tilespmem:s0], [sflag:$0x3] =	stream.linear.gather @!p0 [hbm4b:s1+s30], $0x60, $0x38;
	[tilespmem:$0xB640] =	vst v63  }
.LBB2_6:
0xc4: {  	s1 =	simm.s32 $0x0  }
0xc5: {  	v2 =	vmov s1  }
0xc6: {  	v2 =	vshll.u32 v2, $0x4  }
0xc7: {  	v2 =	vor.u32 v1, v2  }
0xc8: {  	v3 =	vor.u32 $0x1, v2  }
0xc9: {  	s0 =	smul.u32 $0x600, s28;
	_ =	sdelay $0x1  }
0xca: {  	s30 =	sadd.s32 $0x9240, s0  }
0xcb: {  	s31 =	sadd.s32 $0x9E40, s0;
	v4 =	vld.idx.msk [tilespmem:v2+s30+$0x0], $0xffff  }
0xcc: {  	v3 =	vld.idx.msk [tilespmem:v3+s31+$0x0], $0xffff;
	_ =	sdelay $0x4  }
0xcd: {  	v3 =	vadd.f32 v3, v4;
	_ =	sdelay $0x1  }
0xce: {  	v4 =	vmul.f32 $2.000000030e-01, v3  }
0xcf: {  	vm0 =	vlt.f32 v3, $0.0e+00  }
0xd0: {  	v3 =	vsel vm0, v4, v3  }
0xd1: {  	v3 =	vmul.f32 $1.442695020e+00, v3;
	_ =	sdelay $0x1  }
0xd2: {  	(erf) = vpow2.f32 v3;
	_ =	sdelay $0x1  }
0xd3: {  	s11 =	simm.s32 $0x10  }
0xd4: {  	v4 =	vmov s11  }
0xd5: {  	s29 =	sadd.s32 $0xAA40, s0;
	s0 =	simm.s32 $0x20;
	v3 =	vshll.u32 v4, $0x4  }
.LBB2_7:
0xd6: {  	p0 =	seq.s32 s0, $0x50;
	v3 =	vor.u32 v1, v3  }
0xd7: {  	v4 =	vor.u32 $0x1, v3;
	_ =	sdelay $0x2  }
0xd8: {  	v5 =	vpop (erf)  }
0xd9: {  	[tilespmem:v2+s29+$0x0] =	vst.idx.msk $0xffff, v5;
	v2 =	vmov v3  }
0xda: {  	v4 =	vld.idx.msk [tilespmem:v4+s31+$0x0], $0xffff  }
0xdb: {  	v3 =	vld.idx.msk [tilespmem:v3+s30+$0x0], $0xffff;
	_ =	sdelay $0x5  }
0xdc: {  	v3 =	vadd.f32 v4, v3;
	_ =	sdelay $0x1  }
0xdd: {  	v4 =	vmul.f32 $2.000000030e-01, v3  }
0xde: {  	vm0 =	vlt.f32 v3, $0.0e+00  }
0xdf: {  	v3 =	vsel vm0, v4, v3  }
0xe0: {  	v3 =	vmul.f32 $1.442695020e+00, v3;
	_ =	sdelay $0x1  }
.Ltmp2:
0xe1: {  	(erf) = vpow2.f32 v3;
	(pc) =	sbr.rel @!p0 .LBB2_7-.Ltmp2, $3  }
0xe2: {  	_ =	sdelay $0x1  }
0xe3: {  	v3 =	vmov s0  }
0xe4: {  	s0 =	sadd.s32 $0x10, s0;
	v3 =	vshll.u32 v3, $0x4  }
0xe5: {  	v3 =	vor.u32 v1, v3  }
0xe6: {  	v4 =	vor.u32 $0x1, v3;
	_ =	sdelay $0x2  }
0xe7: {  	v5 =	vpop (erf)  }
0xe8: {  	[tilespmem:v2+s29+$0x0] =	vst.idx.msk $0xffff, v5  }
0xe9: {  	v2 =	vld.idx.msk [tilespmem:v4+s31+$0x0], $0xffff  }
0xea: {  	v61 =	vld.idx.msk [tilespmem:v3+s30+$0x0], $0xffff;
	_ =	sdelay $0x4  }
0xeb: {  	v2 =	vadd.f32 v2, v61;
	_ =	sdelay $0x1  }
0xec: {  	v4 =	vmul.f32 $2.000000030e-01, v2  }
0xed: {  	vm0 =	vlt.f32 v2, $0.0e+00  }
0xee: {  	v2 =	vsel vm0, v4, v2  }
0xef: {  	v2 =	vmul.f32 $1.442695020e+00, v2;
	_ =	sdelay $0x1  }
0xf0: {  	(erf) = vpow2.f32 v2;
	_ =	sdelay $0x5  }
0xf1: {  	s0 =	smul.u32 $0x1800, s28  }
0xf2: {  	s1 =	smul.u32 $0x3000, s28;
	_ =	sdelay $0x1  }
0xf3: {  	s0 =	sshrl.u32 s0, $0x2;
	s1 =	sshrl.u32 s1, $0x2;
	v2 =	vpop (erf)  }
0xf4: {  	s28 =	sadd.s32 $0xAA40, s0;
	s30 =	sadd.s32 $0x7A50, s1;
	[tilespmem:v3+s29+$0x0] =	vst.idx.msk $0xffff, v2  }
0xf5: {  	s0 =	sadd.s32 $0x0, s28;
	v2 =	vld [tilespmem:s30+$0xFFFFFFF0]  }
0xf6: {  	v3 =	vld.msk [tilespmem:s0+$0x0 ss:$0x0], $0xffff  }
0xf7: {  	v62 =	vld [tilespmem:s30+$0x0];
	_ =	sdelay $0x3  }
0xf8: {  	v63 =	vmul.f32 v3, v2  }
0xf9: {  	s31 =	simm.s32 $0x80;
	v2 =	vmul.f32 v62, v3  }
0xfa: {  	s29 =	sadd.s32 $0x7A40, s1;
	s1 =	simm.s32 $0x10;
	s0 =	sadd.s32 $0x20, s30;
	[tilespmem:s30+$0xFFFFFFF0] =	vst v63  }
.LBB2_9:
0xfb: {  	p0 =	sne.s32 s31, $0x17C0;
	s1 =	sadd.s32 s1, s28;
	v3 =	vld [tilespmem:s0+$0xFFFFFFF0];
	[tilespmem:s30+$0x0] =	vst v2;
	s30 =	smov.u32 s0  }
0xfc: {  	v2 =	vld.msk [tilespmem:s1+$0x0 ss:$0x0], $0xffff  }
0xfd: {  	v4 =	vld [tilespmem:s0+$0x0];
	_ =	sdelay $0x2  }
.Ltmp3:
0xfe: {  	(pc) =	sbr.rel @p0 .LBB2_9-.Ltmp3, $3  }
0xff: {  	_ = 	snop  }
0x100: {  	v3 =	vmul.f32 v2, v3;
	v2 =	vmul.f32 v4, v2;
	_ =	sdelay $0x1  }
0x101: {  	s1 =	sshra.s32 s31, $0x2;
	s31 =	sadd.s32 $0x40, s31;
	s0 =	sadd.s32 $0x20, s0;
	[tilespmem:s30+$0xFFFFFFF0] =	vst v3  }
0x102: {  	s11 =	smul.u32 $0xAB, s24;
	_ =	sdelay $0x1  }
0x103: {  	v3 =	vld [tilespmem:s0+$0xFFFFFFF0];
	[tilespmem:s30+$0x0] =	vst v2;
	s1 =	sadd.s32 s1, s28;
	s11 =	sshrl.u32 s11, $0x9  }
0x104: {  	v2 =	vld.msk [tilespmem:s1+$0x0 ss:$0x0], $0xffff;
	s30 =	sand.u32 $0x7F, s11  }
0x105: {  	v4 =	vld [tilespmem:s0+$0x0];
	s1 =	smul.u32 $0x3, s30;
	_ =	sdelay $0x1  }
0x106: {  	s1 =	ssub.s32 s24, s1  }
0x107: {  	s1 =	sand.u32 $0xFF, s1  }
0x108: {  	v3 =	vmul.f32 v2, v3;
	s1 =	smul.u32 $0x300, s1  }
0x109: {  	p0 =	slt.u32 s25, $0x6C;
	v2 =	vmul.f32 v4, v2  }
.Ltmp4:
0x10a: {  	[tilespmem:s0+$0xFFFFFFF0] =	vst v3;
	s1 =	sshrl.u32 s1, $0x2;
	(pc) =	sbr.rel @p0 .LBB2_4-.Ltmp4, $4  }
0x10b: {  	[tilespmem:s0+$0x0] =	vst v2;
	s31 =	sadd.s32 $0x7860, s1  }
0x10c: {  	[spmem:s2] =	stream.indirect.scatter.add.f32 [tilespmem:s29], [sflag:$0x2], $0x20, s31, s20, $0xb8;
	[tilespmem:$0xB640] =	vst v63  }
0x10d: {  	s24 =	smov.u32 s25  }
0x10e: {  	[spmem:s3] =	stream.indirect.scatter.add.f32 [tilespmem:s28], [sflag:$0x2], $0x10, s31, s20, $0xb8;
	[tilespmem:$0xB640] =	vst v63  }
0x10f: {  	_ =	swait.ge [sflag:s22], $0xC00  }
0x110: {  	[sflag:s22] =	ssyncset.done $0x0  }
0x111: {  	[sflag:s22] =	ssyncadd.s32 $0xFFFFF400  }
0x112: {  	_ =	swait.ge [sflag:s22], $0x600  }
0x113: {  	s0 =	stileid.u32;
	[sflag:s22] =	ssyncset.done $0x0  }
0x114: {  	s0 =	sshll.u32 s0, $0x6;
	[sflag:s22] =	ssyncadd.s32 $0xFFFFFA00  }
0x115: {  	s1 =	sshrl.u32 s9, $0x3;
	s0 =	sor.u32 $0x1C04, s0;
	[bflag:$0x0] =	sbarrier.arrive $0xFFFF  }
0x116: {  	[hbm:s12], [sflag:s0] =	dma.local [spmem:s1], $0xA00  }
0x117: {  	s4 =	sadd.s32 $0x1, s4;
	_ =	swait.ge [sflag:s16], $0xA00  }
0x118: {  	p0 =	sne.s32 s4, s14;
	[sflag:s16] =	ssyncset.done $0x0  }
.Ltmp5:
0x119: {  	s31 =	sshrl.u32 s10, $0x3;
	[sflag:s16] =	ssyncadd.s32 $0xFFFFF600;
	(pc) =	sbr.rel @p0 .LBB2_1-.Ltmp5, $4  }
0x11a: {  	[hbm:s13], [sflag:s0] =	dma.local [spmem:s31], $0x500  }
0x11b: {  	_ =	swait.ge [sflag:s16], $0x500  }
0x11c: {  	[sflag:s16] =	ssyncset.done $0x0  }
0x11d: {  	[sflag:s16] =	ssyncadd.s32 $0xFFFFFB00  }
0x11e: {  	_ =	sfence.sel $0x180000  }
0x11f: {  	[bflag:$0x0] =	sbarrier.arrive $0xFFFF  }
0x120: {  	_ =	strace $0x9000004A  }
0x121: {  	s0 =	stileid.u32;
	[bflag:$0x2] =	sbarrier.arrive $0xFFFF  }
0x122: {  	p0 =	sne.s32 s0, $0x0;
	s0 =	rddreg [dreg:$0x3]  }
0x123: {  	s0 =	sadd.s32 @!p0 $0x100000, s0  }
0x124: {  	[sflag:s0] =	ssyncadd.tile.s32 @!p0 $0x1;
	_ =	shalt  }
.Lfunc_end2:
_tile_overlayer_lowered:
.L_overlay_start_2:
0x125: {  	(tag) =	ssettag $0x2  }
0x126: {  	s0 =	rddreg [dreg:$0x0];
	s2 =	stileid.u32  }
0x127: {  	s1 =	rddreg [dreg:$0x1];
	p0 =	sne.s32 s2, $0x0  }
0x128: {  	s3 =	rddreg [dreg:$0x2];
	[bflag:$0x3] =	sbarrier.arrive $0xFFFF;
	s2 =	simm.s32 @!p0 $0x1C04  }
0x129: {  	[timem:s3], [sflag:s2] =	dma.local @!p0 [hbm:s0], s1  }
0x12a: {  	s0 =	simm.s32 @!p0 $0x4  }
0x12b: {  	_ =	swait.ge @!p0 [sflag:s0], s1  }
0x12c: {  	s1 =	ssub.s32 @!p0 $0x0, s1;
	[sflag:s0] =	ssyncset.done @!p0 $0x0  }
0x12d: {  	[sflag:s0] =	ssyncadd.s32 @!p0 s1  }
0x12e: {  	[bflag:$0x3] =	sbarrier.arrive $0xFFFF  }
0x12f: {  	_ =	shalt  }

// kernel: kernel.7.cloned.1.call-start
scs
__scs_entry_jumppad:
0x0: {  	(pc) =	sbr.rel $0x88, $3  }
0x1: {  	(tag) =	ssettag $0x0;
	lr =	simm.s32 $0x1  }
0x2: {  	[smem:$0x3F95] =	sst lr;
	_ =	strace $0xD0000000  }
0x3: {  	_ = 	snop  }
0x4: {  	_ = 	snop  }
0x5: {  	_ = 	snop  }
0x6: {  	_ = 	snop  }
0x7: {  	_ = 	snop  }
__scs_overlays_trampoline_lowered:
0x8: {  	[smem:$0x3FA4] =	sst s0  }
0x9: {  	[smem:$0x3FA5] =	sst s1  }
0xa: {  	[smem:$0x3FA6] =	sst s2  }
0xb: {  	[smem:$0x3FA7] =	sst s3  }
0xc: {  	[smem:$0x3FA8] =	sst s4  }
0xd: {  	[smem:$0x3FA9] =	sst s5  }
0xe: {  	[smem:$0x3FAA] =	sst s6  }
0xf: {  	[smem:$0x3FAB] =	sst s7  }
0x10: {  	[smem:$0x3FAC] =	sst s8  }
0x11: {  	[smem:$0x3FAD] =	sst s9;
	s0 =	simm.s32 @!p0 $0x0  }
0x12: {  	s1 =	sld [smem:$0x3F93];
	s0 =	simm.s32 @p0 $0x1  }
0x13: {  	[smem:$0x3FAE] =	sst s0;
	s0 =	simm.s32 @!p1 $0x0  }
0x14: {  	s2 =	sld [smem:$0x3F92];
	s0 =	simm.s32 @p1 $0x1  }
0x15: {  	[smem:$0x3FAF] =	sst s0;
	s0 =	simm.s32 @!p2 $0x0  }
0x16: {  	s3 =	sld [smem:$0x3FDB];
	s0 =	simm.s32 @p2 $0x1  }
0x17: {  	s4 =	simm.s32 $0x1BF5;
	[smem:$0x3FB1] =	sst s0  }
0x18: {  	s0 =	sld [smem:$0x3F94];
	_ =	swait.ge [sflag:s4], $0x0  }
0x19: {  	s7 =	sld [smem:$0x3F95]  }
0x1a: {  	s8 =	sadd.s32 $0xFFFFE003, lr  }
0x1b: {  	s9 =	sadd.s32 $0xFFFFFEF7, lr;
	s5 =	simm.s32 $0xFFFFFFFF;
	p2 =	slt.u32 s8, $0xFFFFF086  }
0x1c: {  	p1 =	slt.u32 s9, $0xF7A;
	s5 =	simm.s32 @!p2 $0x0  }
0x1d: {  	s5 =	simm.s32 @p1 $0x1;
	p0 =	seq.s32 s7, s2  }
0x1e: {  	s7 =	smul.u32 @!p0 $0xF7A, s2;
	p2 =	seq.s32 @!p0 s5, $0x0  }
0x1f: {  	s9 =	smul.u32 $0xF7A, s1;
	s8 =	simm.s32 @!p0 $0x1BF5;
	p2 =	por !p2, p0  }
0x20: {  	[sflag:s8] =	ssyncset.s32 @!p0 $0xFFFFF086;
	s6 =	sadd.s32 @!p0 s3, s7;
	s7 =	simm.s32 @!p0 $0x108  }
0x21: {  	s3 =	sadd.s32 s3, s9;
	s6 =	sadd.s32 @!p0 $0x88, s6;
	s7 =	simm.s32 @p2 $0x1082  }
0x22: {  	[simem:s7], [sflag:s8] =	dma.local @!p0 [hbm:s6], $0xF7A  }
0x23: {  	s9 =	sor.u32 $0xD0000000, s2;
	s6 =	simm.s32 $0x108;
	_ =	swait.ge @!p0 [sflag:s8], $0x0  }
0x24: {  	s3 =	sadd.s32 $0x88, s3;
	s6 =	simm.s32 @!p1 $0x1082;
	[sflag:s4] =	ssyncset.s32 $0xFFFFF086  }
0x25: {  	[simem:s6], [sflag:s4] =	dma.local [hbm:s3], $0xF7A  }
0x26: {  	[smem:$0x3F95] =	sst s1;
	(tag) =	ssettag s2;
	_ =	strace s9  }
0x27: {  	s1 =	sld [smem:$0x3FA5]  }
0x28: {  	s2 =	sld [smem:$0x3FA6]  }
0x29: {  	s4 =	sld [smem:$0x3FA8]  }
0x2a: {  	p0 =	seq.s32 s5, $0x0;
	s5 =	sld [smem:$0x3FA9]  }
0x2b: {  	s6 =	sld [smem:$0x3FAA]  }
0x2c: {  	s7 =	sld [smem:$0x3FAB]  }
0x2d: {  	s3 =	simm.s32 $0x108;
	s8 =	sld [smem:$0x3FAC]  }
0x2e: {  	s3 =	simm.s32 @!p0 $0x1082;
	s9 =	sld [smem:$0x3FAD]  }
0x2f: {  	lr =	sadd.s32 s0, s3;
	s0 =	sld [smem:$0x3FA4]  }
0x30: {  	s3 =	sld [smem:$0x3FA7]  }
0x31: {  	[smem:$0x3FB0] =	sst s10  }
0x32: {  	s10 =	sld [smem:$0x3FAE];
	_ =	sdelay $0x3  }
0x33: {  	p0 =	seq.s32 s10, $0x1;
	s10 =	sld [smem:$0x3FB0];
	_ =	sdelay $0x3  }
0x34: {  	[smem:$0x3FB0] =	sst s10  }
0x35: {  	s10 =	sld [smem:$0x3FAF];
	_ =	sdelay $0x3  }
0x36: {  	p1 =	seq.s32 s10, $0x1;
	s10 =	sld [smem:$0x3FB0];
	_ =	sdelay $0x3  }
0x37: {  	[smem:$0x3FB0] =	sst s10  }
0x38: {  	s10 =	sld [smem:$0x3FB1]  }
0x39: {  	_ = 	snop;
	(pc) =	sbr.ind lr, $3  }
0x3a: {  	_ = 	snop  }
0x3b: {  	_ = 	snop  }
0x3c: {  	p2 =	seq.s32 s10, $0x1;
	s10 =	sld [smem:$0x3FB0]  }
0x3d: {  	_ =	shalt  }
0x3e: {  	_ =	shalt  }
0x3f: {  	_ =	shalt  }
0x40: {  	_ =	shalt  }
0x41: {  	_ =	shalt  }
0x42: {  	_ =	shalt  }
0x43: {  	_ =	shalt  }
0x44: {  	_ =	shalt  }
0x45: {  	_ =	shalt  }
0x46: {  	_ =	shalt  }
0x47: {  	_ =	shalt  }
0x48: {  	_ =	shalt  }
0x49: {  	_ =	shalt  }
0x4a: {  	_ =	shalt  }
0x4b: {  	_ =	shalt  }
0x4c: {  	_ =	shalt  }
0x4d: {  	_ =	shalt  }
0x4e: {  	_ =	shalt  }
0x4f: {  	_ =	shalt  }
0x50: {  	_ =	shalt  }
0x51: {  	_ =	shalt  }
0x52: {  	_ =	shalt  }
0x53: {  	_ =	shalt  }
0x54: {  	_ =	shalt  }
0x55: {  	_ =	shalt  }
0x56: {  	_ =	shalt  }
0x57: {  	_ =	shalt  }
0x58: {  	_ =	shalt  }
0x59: {  	_ =	shalt  }
0x5a: {  	_ =	shalt  }
0x5b: {  	_ =	shalt  }
0x5c: {  	_ =	shalt  }
0x5d: {  	_ =	shalt  }
0x5e: {  	_ =	shalt  }
0x5f: {  	_ =	shalt  }
0x60: {  	_ =	shalt  }
0x61: {  	_ =	shalt  }
0x62: {  	_ =	shalt  }
0x63: {  	_ =	shalt  }
0x64: {  	_ =	shalt  }
0x65: {  	_ =	shalt  }
0x66: {  	_ =	shalt  }
0x67: {  	_ =	shalt  }
0x68: {  	_ =	shalt  }
0x69: {  	_ =	shalt  }
0x6a: {  	_ =	shalt  }
0x6b: {  	_ =	shalt  }
0x6c: {  	_ =	shalt  }
0x6d: {  	_ =	shalt  }
0x6e: {  	_ =	shalt  }
0x6f: {  	_ =	shalt  }
0x70: {  	_ =	shalt  }
0x71: {  	_ =	shalt  }
0x72: {  	_ =	shalt  }
0x73: {  	_ =	shalt  }
0x74: {  	_ =	shalt  }
0x75: {  	_ =	shalt  }
0x76: {  	_ =	shalt  }
0x77: {  	_ =	shalt  }
0x78: {  	_ =	shalt  }
0x79: {  	_ =	shalt  }
0x7a: {  	_ =	shalt  }
0x7b: {  	_ =	shalt  }
0x7c: {  	_ =	shalt  }
0x7d: {  	_ =	shalt  }
0x7e: {  	_ =	shalt  }
0x7f: {  	_ =	shalt  }
0x80: {  	_ =	shalt  }
0x81: {  	_ =	shalt  }
0x82: {  	_ =	shalt  }
0x83: {  	_ =	shalt  }
0x84: {  	_ =	shalt  }
0x85: {  	_ =	shalt  }
0x86: {  	_ =	shalt  }
0x87: {  	_ =	shalt  }
.Lfunc_end0:
.L_simem_size_0:
called_computation_lowered:
.L_overlay_start_0:
0x88: {  	s2 =	sld [smem:$0x3FD9]  }
0x89: {  	s3 =	sld [smem:$0x3FFE];
	_ =	sdelay $0x1  }
0x8a: {  	s1 =	srdreg.scid  }
0x8b: {  	s0 =	sand.u32 $0x1, s1  }
0x8c: {  	s16 =	sshll.u32 s0, $0xA;
	s2 =	sadd.s32 s3, s2  }
0x8d: {  	s2 =	sadd.s32 s2, s16  }
0x8e: {  	[smem:$0x3FBC] =	sst s2  }
0x8f: {  	_ = 	snop  }
0x90: {  	(tm) =	ssettm $0x1  }
0x91: {  	s17 =	sld [smem:$0x3FFB];
	_ =	sdelay $0x3  }
0x92: {  	_ =	strace s17  }
0x93: {  	s2 =	sld [smem:$0x3FFC];
	_ =	sdelay $0x3  }
0x94: {  	_ =	strace s2  }
0x95: {  	s2 =	sld [smem:$0x3FFD];
	_ =	sdelay $0x3  }
0x96: {  	_ =	strace s2  }
0x97: {  	_ =	strace $0x8FFFFFFF  }
0x98: {  	s18 =	sld [smem:$0x3FDB];
	_ =	sdelay $0x1  }
0x99: {  	s19 =	simm.s32 $_scs_section_size  }
0x9a: {  	s4 =	simm.s32 $_size__tile_overlayer_lowered;
	s5 =	simm.s32 $_tile_overlayer_lowered  }
0x9b: {  	s22 =	simm.s32 $0x1BFF;
	s21 =	sshll.u32 s5, $0x1;
	s2 =	sadd.s32 s19, s18  }
0x9c: {  	s6 =	simm.s32 $0x0;
	s20 =	sshll.u32 s4, $0x1;
	s4 =	sadd.s32 s21, s2  }
0x9d: {  	[timem:s6], [sflag:s22] =	dma.local [hbm:s4], s20  }
0x9e: {  	_ =	swait.ge [sflag:s22], s20  }
0x9f: {  	s3 =	ssub.s32 $0x0, s20;
	[sflag:s22] =	ssyncset.done $0x0  }
0xa0: {  	[sflag:s22] =	ssyncadd.s32 s3;
	_ =	sdelay $0x1  }
0xa1: {  	s23 =	simm.s32 $0x1B8B  }
0xa2: {  	_ =	swait.ge [sflag:s23], $0x1  }
0xa3: {  	[sflag:s23] =	ssyncset.done $0x0  }
0xa4: {  	s25 =	simm.s32 $0x1B8E;
	s24 =	sld [smem:$0x3FFE];
	[sflag:s23] =	ssyncadd.s32 $0xFFFFFFFF  }
0xa5: {  	s26 =	simm.s32 $execute0_lowered;
	[smem:$0x3FD2] =	sst s25  }
0xa6: {  	s4 =	sshll.u32 s26, $0x1;
	_ =	strace $0x80000046;
	[dreg:$0x1] =	wrdreg $0xFFFFFFFF  }
0xa7: {  	s28 =	simm.s32 $_size_execute0_lowered;
	s2 =	sadd.s32 s2, s4;
	[dreg:$0x0] =	wrdreg $0x0  }
0xa8: {  	s4 =	sshll.u32 s28, $0x1;
	[dreg:$0x2] =	wrdreg s2  }
0xa9: {  	[dreg:$0x3] =	wrdreg s4  }
0xaa: {  	[dreg:$0x4] =	wrdreg $0xC0  }
0xab: {  	_ =	task [dreg:s6], $0x5FFFF  }
0xac: {  	[dreg:$0x1] =	wrdreg $0xFFFFFFFF  }
0xad: {  	[dreg:$0x0] =	wrdreg $0x60  }
0xae: {  	[dreg:$0x2] =	wrdreg s24  }
0xaf: {  	[dreg:$0x3] =	wrdreg $0x0  }
0xb0: {  	[dreg:$0x4] =	wrdreg $0x140000  }
0xb1: {  	[dreg:$0x5] =	wrdreg $0x9  }
0xb2: {  	_ =	task.clear_ibuf [dreg:s6], $0x6FFFF;
	_ =	strace $0x90000046  }
0xb3: {  	s29 =	simm.s32 $0x9;
	_ =	strace $0x80000048  }
0xb4: {  	_ =	swait.ge [sflag:s29], $0x1  }
0xb5: {  	[sflag:s29] =	ssyncadd.s32 $0xFFFFFFFF  }
0xb6: {  	_ =	strace $0x90000048  }
0xb7: {  	_ =	sfence  }
0xb8: {  	s30 =	sld [smem:$0x0];
	_ =	sdelay $0x2  }
0xb9: {  	s31 =	sshll.u32 s1, $0xD;
	s1 =	sshrl.u32 s1, $0x2  }
0xba: {  	s3 =	sand.u32 $0x4000, s31;
	s1 =	sadd.s32 s1, s30  }
0xbb: {  	s0 =	sor.u32 s3, s0;
	s1 =	sshll.u32 s1, $0x11  }
0xbc: {  	s0 =	sor.u32 s1, s0  }
0xbd: {  	s0 =	sadd.s32 $0x8F2B, s0  }
0xbe: {  	[sflag:s0] =	ssyncadd.remote.s32 $0x1  }
0xbf: {  	_ =	sfence.sel $0xFFFF  }
0xc0: {  	[dreg:$0x0] =	wrdreg $0xFFFFFFFF;
	(pc) =	sbr.abs _section_cstart, $3  }
0xc1: {  	[dreg:$0x1] =	wrdreg $0xFFFFFFFF  }
0xc2: {  	_ =	task.clear_ibuf [dreg:s6], $0x2FFFF;
	_ =	strace $0x9FFFFFFF  }
0xc3: {  	(tm) =	ssettm $0x7FFFFFFF  }
tec
execute0_lowered:
.L_overlay_start_1:
0x0: {  	(tag) =	ssettag $0x1  }
0x1: {  	s0 =	rddreg [dreg:$0x0]  }
0x2: {  	s2 =	rddreg [dreg:$0x1]  }
0x3: {  	s3 =	rddreg [dreg:$0x2];
	s16 =	stileid.u32  }
0x4: {  	s1 =	srdreg.scid;
	s4 =	simm.s32 $0x0;
	s9 =	smul.u32 $0x14000, s16  }
0x5: {  	s1 =	sand.u32 $0x1, s1;
	[smem:$0x7FF] =	sst s4;
	s10 =	smul.u32 $0x2800, s16  }
0x6: {  	s5 =	sadd.s32 $0x1E00, s0;
	s7 =	sadd.s32 $0x39000, s0;
	s14 =	smul.u32 $0x280, s16  }
0x7: {  	s26 =	sshll.u32 s16, $0x1;
	s6 =	smul.u32 $0x140000, s1;
	s13 =	ssub.s32 $0x2, s1  }
0x8: {  	_ =	strace $0x80000047;
	s11 =	smul.u32 $0x28000, s1;
	s25 =	sshrl.u32 s13, $0x1  }
0x9: {  	s28 =	sor.u32 $0x40, s14;
	s30 =	sadd.s32 $0x80, s14;
	s18 =	sadd.s32 $0x100, s14  }
0xa: {  	s21 =	sadd.s32 $0x140, s14;
	s23 =	sadd.s32 $0x180, s14;
	s8 =	sadd.s32 s9, s6  }
0xb: {  	s6 =	sadd.s32 $0x29E00, s0;
	s11 =	sadd.s32 s10, s11;
	s16 =	ssub.s32 s13, s25  }
0xc: {  	s9 =	sadd.s32 s9, s2;
	s10 =	sadd.s32 s10, s3;
	s29 =	sshll.u32 s28, $0x7  }
0xd: {  	s31 =	sshll.u32 s30, $0x7;
	s13 =	sadd.s32 $0xC0, s14;
	s19 =	sshll.u32 s18, $0x7  }
0xe: {  	s20 =	sshll.u32 s18, $0x4;
	s22 =	sshll.u32 s21, $0x7;
	s24 =	sshll.u32 s21, $0x4  }
0xf: {  	s25 =	sshll.u32 s23, $0x7;
	s12 =	sshrl.u32 s8, $0x3;
	s8 =	sadd.s32 $0x2EE00, s0  }
0x10: {  	s11 =	sshrl.u32 s11, $0x3;
	s17 =	sshll.u32 s13, $0x7;
	s12 =	sadd.s32 s12, s0  }
0x11: {  	s15 =	sadd.s32 s11, s0;
	s0 =	sor.u32 s1, s26;
	s11 =	sadd.s32 s29, s2  }
0x12: {  	s1 =	sshll.u32 s28, $0x4;
	s26 =	sadd.s32 s25, s2;
	s28 =	sshll.u32 s23, $0x4  }
0x13: {  	s29 =	sadd.s32 $0x1C0, s14;
	[dreg:$0x4] =	wrdreg s11;
	s1 =	sadd.s32 s1, s3  }
0x14: {  	s11 =	sshll.u32 s30, $0x4;
	[dreg:$0xe] =	wrdreg s26;
	s30 =	sadd.s32 $0x200, s14  }
0x15: {  	s26 =	smul.u32 $0x2880, s0;
	[dreg:$0x5] =	wrdreg s1;
	s1 =	sadd.s32 s31, s2  }
0x16: {  	s12 =	sadd.s32 $0x4D200, s12;
	s11 =	sadd.s32 s11, s3;
	[dreg:$0x6] =	wrdreg s1  }
0x17: {  	s31 =	sshll.u32 s29, $0x7;
	[dreg:$0x7] =	wrdreg s11;
	s1 =	sshll.u32 s13, $0x4  }
0x18: {  	s11 =	sadd.s32 s17, s2;
	s17 =	sshll.u32 s30, $0x7;
	s13 =	sadd.s32 s31, s2  }
0x19: {  	s25 =	sshrl.u32 s26, $0x3;
	[dreg:$0x8] =	wrdreg s11;
	s1 =	sadd.s32 s1, s3  }
0x1a: {  	[dreg:$0x10] =	wrdreg s13;
	s18 =	sadd.s32 s17, s2;
	s13 =	sadd.s32 $0x43200, s15  }
0x1b: {  	s15 =	simm.s32 $0x16A40;
	s17 =	simm.s32 $0x1E240;
	[dreg:$0x9] =	wrdreg s1  }
0x1c: {  	s1 =	sadd.s32 s19, s2;
	[dreg:$0x12] =	wrdreg s18;
	s19 =	sshll.u32 s30, $0x4  }
0x1d: {  	s30 =	sor.u32 $0xC, s25;
	[dreg:$0xa] =	wrdreg s1;
	s1 =	sadd.s32 s20, s3  }
0x1e: {  	s18 =	simm.s32 $0x16800;
	s21 =	sadd.s32 s19, s3;
	[dreg:$0xb] =	wrdreg s1  }
0x1f: {  	s20 =	sadd.s32 $0x240, s14;
	s31 =	sadd.s32 s7, s30;
	[dreg:$0x13] =	wrdreg s21  }
0x20: {  	s11 =	sadd.s32 s8, s30;
	s1 =	sadd.s32 s22, s2;
	[dreg:$0x18] =	wrdreg s31  }
0x21: {  	s22 =	sshll.u32 s20, $0x7;
	[dreg:$0xc] =	wrdreg s1;
	s1 =	sadd.s32 s24, s3  }
0x22: {  	s23 =	sshll.u32 s20, $0x4;
	s0 =	sadd.s32 s22, s2;
	[dreg:$0xd] =	wrdreg s1  }
0x23: {  	s14 =	smax.u32 s16, $0x1;
	s24 =	sadd.s32 s23, s3;
	[dreg:$0x14] =	wrdreg s0  }
0x24: {  	s16 =	simm.s32 $0x4;
	s1 =	sadd.s32 s28, s3;
	[dreg:$0x15] =	wrdreg s24  }
0x25: {  	s20 =	simm.s32 $0x60;
	s28 =	sadd.s32 s7, s25;
	[dreg:$0xf] =	wrdreg s1  }
0x26: {  	s1 =	sshll.u32 s29, $0x4;
	[dreg:$0x16] =	wrdreg s28;
	s29 =	sadd.s32 s8, s25  }
0x27: {  	v1 =	vlaneseq.u32;
	s21 =	simm.s32 $0x1;
	s1 =	sadd.s32 s1, s3;
	[dreg:$0x17] =	wrdreg s29  }
0x28: {  	v0 =	vimm.f32 $0.0e+00;
	v1 =	vmul.u32 $0x10, v1;
	s22 =	simm.s32 $0x2;
	s23 =	simm.s32 $0x3;
	[dreg:$0x11] =	wrdreg s1  }
.LBB2_1:
0x29: {  	s19 =	simm.s32 $0x16A80  }
0x2a: {  	[tilespmem:s19+$0x20] =	vst v0  }
0x2b: {  	[tilespmem:s19+$0x10] =	vst v0  }
0x2c: {  	[tilespmem:s19+$0x0] =	vst v0  }
0x2d: {  	[tilespmem:s19+$0xFFFFFFF0] =	vst v0  }
0x2e: {  	[tilespmem:s19+$0xFFFFFFE0] =	vst v0  }
0x2f: {  	[tilespmem:s19+$0xFFFFFFD0] =	vst v0  }
0x30: {  	[tilespmem:s19+$0xFFFFFFC0] =	vst v0  }
0x31: {  	s25 =	simm.s32 $0x0;
	s24 =	simm.s32 $0x40;
	[tilespmem:s19+$0x30] =	vst v0  }
.LBB2_2:
0x32: {  	p0 =	sne.s32 s24, $0x17C0;
	[tilespmem:s25+$0x1E840] =	vst v0  }
0x33: {  	s19 =	sadd.s32 $0x80, s19;
	[tilespmem:s25+$0x1E240] =	vst v0  }
0x34: {  	[tilespmem:s19+$0x20] =	vst v0  }
0x35: {  	[tilespmem:s19+$0x10] =	vst v0  }
0x36: {  	[tilespmem:s19+$0x0] =	vst v0  }
.Ltmp0:
0x37: {  	[tilespmem:s19+$0xFFFFFFF0] =	vst v0;
	(pc) =	sbr.rel @p0 .LBB2_2-.Ltmp0, $4  }
0x38: {  	[tilespmem:s19+$0xFFFFFFE0] =	vst v0  }
0x39: {  	[tilespmem:s19+$0xFFFFFFD0] =	vst v0  }
0x3a: {  	[tilespmem:s19+$0xFFFFFFC0] =	vst v0  }
0x3b: {  	s25 =	sshra.s32 s24, $0x2;
	s24 =	sadd.s32 $0x40, s24;
	[tilespmem:s19+$0x30] =	vst v0  }
0x3c: {  	[tilespmem:s25+$0x1E840] =	vst v0  }
0x3d: {  	[tilespmem:s25+$0x1E240] =	vst v0  }
0x3e: {  	[spmem:s9] =	stream.linear.scatter [tilespmem:s15], [sflag:$0x4], $0x2000, $0x38;
	[tilespmem:$0x1EE40] =	vst v63  }
0x3f: {  	_ =	swait.ge [sflag:s16], $0x2000  }
0x40: {  	[sflag:s16] =	ssyncset.done $0x0  }
0x41: {  	[sflag:s16] =	ssyncadd.s32 $0xFFFFE000  }
0x42: {  	[spmem:s10] =	stream.linear.scatter [tilespmem:s17], [sflag:$0x4], $0x400, $0x38;
	[tilespmem:$0x1EE40] =	vst v63  }
0x43: {  	_ =	swait.ge [sflag:s16], $0x400  }
0x44: {  	[sflag:s16] =	ssyncset.done $0x0  }
0x45: {  	s0 =	rddreg [dreg:$0x4];
	[sflag:s16] =	ssyncadd.s32 $0xFFFFFC00  }
0x46: {  	[spmem:s0] =	stream.linear.scatter [tilespmem:s15], [sflag:$0x4], $0x2000, $0x38;
	[tilespmem:$0x1EE40] =	vst v63  }
0x47: {  	_ =	swait.ge [sflag:s16], $0x2000  }
0x48: {  	[sflag:s16] =	ssyncset.done $0x0  }
0x49: {  	s1 =	rddreg [dreg:$0x5];
	[sflag:s16] =	ssyncadd.s32 $0xFFFFE000  }
0x4a: {  	[spmem:s1] =	stream.linear.scatter [tilespmem:s17], [sflag:$0x4], $0x400, $0x38;
	[tilespmem:$0x1EE40] =	vst v63  }
0x4b: {  	_ =	swait.ge [sflag:s16], $0x400  }
0x4c: {  	[sflag:s16] =	ssyncset.done $0x0  }
0x4d: {  	s19 =	rddreg [dreg:$0x6];
	[sflag:s16] =	ssyncadd.s32 $0xFFFFFC00  }
0x4e: {  	[spmem:s19] =	stream.linear.scatter [tilespmem:s15], [sflag:$0x4], $0x2000, $0x38;
	[tilespmem:$0x1EE40] =	vst v63  }
0x4f: {  	_ =	swait.ge [sflag:s16], $0x2000  }
0x50: {  	[sflag:s16] =	ssyncset.done $0x0  }
0x51: {  	s24 =	rddreg [dreg:$0x7];
	[sflag:s16] =	ssyncadd.s32 $0xFFFFE000  }
0x52: {  	[spmem:s24] =	stream.linear.scatter [tilespmem:s17], [sflag:$0x4], $0x400, $0x38;
	[tilespmem:$0x1EE40] =	vst v63  }
0x53: {  	_ =	swait.ge [sflag:s16], $0x400  }
0x54: {  	[sflag:s16] =	ssyncset.done $0x0  }
0x55: {  	s25 =	rddreg [dreg:$0x8];
	[sflag:s16] =	ssyncadd.s32 $0xFFFFFC00  }
0x56: {  	[spmem:s25] =	stream.linear.scatter [tilespmem:s15], [sflag:$0x4], $0x2000, $0x38;
	[tilespmem:$0x1EE40] =	vst v63  }
0x57: {  	_ =	swait.ge [sflag:s16], $0x2000  }
0x58: {  	[sflag:s16] =	ssyncset.done $0x0  }
0x59: {  	s28 =	rddreg [dreg:$0x9];
	[sflag:s16] =	ssyncadd.s32 $0xFFFFE000  }
0x5a: {  	[spmem:s28] =	stream.linear.scatter [tilespmem:s17], [sflag:$0x4], $0x400, $0x38;
	[tilespmem:$0x1EE40] =	vst v63  }
0x5b: {  	_ =	swait.ge [sflag:s16], $0x400  }
0x5c: {  	[sflag:s16] =	ssyncset.done $0x0  }
0x5d: {  	s29 =	rddreg [dreg:$0xa];
	[sflag:s16] =	ssyncadd.s32 $0xFFFFFC00  }
0x5e: {  	[spmem:s29] =	stream.linear.scatter [tilespmem:s15], [sflag:$0x4], $0x2000, $0x38;
	[tilespmem:$0x1EE40] =	vst v63  }
0x5f: {  	_ =	swait.ge [sflag:s16], $0x2000  }
0x60: {  	[sflag:s16] =	ssyncset.done $0x0  }
0x61: {  	s30 =	rddreg [dreg:$0xb];
	[sflag:s16] =	ssyncadd.s32 $0xFFFFE000  }
0x62: {  	[spmem:s30] =	stream.linear.scatter [tilespmem:s17], [sflag:$0x4], $0x400, $0x38;
	[tilespmem:$0x1EE40] =	vst v63  }
0x63: {  	_ =	swait.ge [sflag:s16], $0x400  }
0x64: {  	[sflag:s16] =	ssyncset.done $0x0  }
0x65: {  	s31 =	rddreg [dreg:$0xc];
	[sflag:s16] =	ssyncadd.s32 $0xFFFFFC00  }
0x66: {  	[spmem:s31] =	stream.linear.scatter [tilespmem:s15], [sflag:$0x4], $0x2000, $0x38;
	[tilespmem:$0x1EE40] =	vst v63  }
0x67: {  	_ =	swait.ge [sflag:s16], $0x2000  }
0x68: {  	[sflag:s16] =	ssyncset.done $0x0  }
0x69: {  	s1 =	rddreg [dreg:$0xd];
	[sflag:s16] =	ssyncadd.s32 $0xFFFFE000  }
0x6a: {  	[spmem:s1] =	stream.linear.scatter [tilespmem:s17], [sflag:$0x4], $0x400, $0x38;
	[tilespmem:$0x1EE40] =	vst v63  }
0x6b: {  	_ =	swait.ge [sflag:s16], $0x400  }
0x6c: {  	[sflag:s16] =	ssyncset.done $0x0  }
0x6d: {  	s19 =	rddreg [dreg:$0xe];
	[sflag:s16] =	ssyncadd.s32 $0xFFFFFC00  }
0x6e: {  	[spmem:s19] =	stream.linear.scatter [tilespmem:s15], [sflag:$0x4], $0x2000, $0x38;
	[tilespmem:$0x1EE40] =	vst v63  }
0x6f: {  	_ =	swait.ge [sflag:s16], $0x2000  }
0x70: {  	[sflag:s16] =	ssyncset.done $0x0  }
0x71: {  	s24 =	rddreg [dreg:$0xf];
	[sflag:s16] =	ssyncadd.s32 $0xFFFFE000  }
0x72: {  	[spmem:s24] =	stream.linear.scatter [tilespmem:s17], [sflag:$0x4], $0x400, $0x38;
	[tilespmem:$0x1EE40] =	vst v63  }
0x73: {  	_ =	swait.ge [sflag:s16], $0x400  }
0x74: {  	[sflag:s16] =	ssyncset.done $0x0  }
0x75: {  	s25 =	rddreg [dreg:$0x10];
	[sflag:s16] =	ssyncadd.s32 $0xFFFFFC00  }
0x76: {  	[spmem:s25] =	stream.linear.scatter [tilespmem:s15], [sflag:$0x4], $0x2000, $0x38;
	[tilespmem:$0x1EE40] =	vst v63  }
0x77: {  	_ =	swait.ge [sflag:s16], $0x2000  }
0x78: {  	[sflag:s16] =	ssyncset.done $0x0  }
0x79: {  	s28 =	rddreg [dreg:$0x11];
	[sflag:s16] =	ssyncadd.s32 $0xFFFFE000  }
0x7a: {  	[spmem:s28] =	stream.linear.scatter [tilespmem:s17], [sflag:$0x4], $0x400, $0x38;
	[tilespmem:$0x1EE40] =	vst v63  }
0x7b: {  	_ =	swait.ge [sflag:s16], $0x400  }
0x7c: {  	[sflag:s16] =	ssyncset.done $0x0  }
0x7d: {  	s29 =	rddreg [dreg:$0x12];
	[sflag:s16] =	ssyncadd.s32 $0xFFFFFC00  }
0x7e: {  	[spmem:s29] =	stream.linear.scatter [tilespmem:s15], [sflag:$0x4], $0x2000, $0x38;
	[tilespmem:$0x1EE40] =	vst v63  }
0x7f: {  	_ =	swait.ge [sflag:s16], $0x2000  }
0x80: {  	[sflag:s16] =	ssyncset.done $0x0  }
0x81: {  	s30 =	rddreg [dreg:$0x13];
	[sflag:s16] =	ssyncadd.s32 $0xFFFFE000  }
0x82: {  	[spmem:s30] =	stream.linear.scatter [tilespmem:s17], [sflag:$0x4], $0x400, $0x38;
	[tilespmem:$0x1EE40] =	vst v63  }
0x83: {  	_ =	swait.ge [sflag:s16], $0x400  }
0x84: {  	[sflag:s16] =	ssyncset.done $0x0  }
0x85: {  	s31 =	rddreg [dreg:$0x14];
	[sflag:s16] =	ssyncadd.s32 $0xFFFFFC00  }
0x86: {  	[spmem:s31] =	stream.linear.scatter [tilespmem:s15], [sflag:$0x4], $0x2000, $0x38;
	[tilespmem:$0x1EE40] =	vst v63  }
0x87: {  	_ =	swait.ge [sflag:s16], $0x2000  }
0x88: {  	[sflag:s16] =	ssyncset.done $0x0  }
0x89: {  	s1 =	rddreg [dreg:$0x15];
	[sflag:s16] =	ssyncadd.s32 $0xFFFFE000  }
0x8a: {  	[spmem:s1] =	stream.linear.scatter [tilespmem:s17], [sflag:$0x4], $0x400, $0x38;
	[tilespmem:$0x1EE40] =	vst v63  }
0x8b: {  	_ =	swait.ge [sflag:s16], $0x400  }
0x8c: {  	[sflag:s16] =	ssyncset.done $0x0  }
0x8d: {  	[sflag:s16] =	ssyncadd.s32 $0xFFFFFC00  }
0x8e: {  	[bflag:$0x0] =	sbarrier.arrive $0xFFFF  }
0x8f: {  	s24 =	simm.s32 $0x0;
	s19 =	rddreg [dreg:$0x16]  }
0x90: {  	[tilespmem:s18], [sflag:$0x4] =	stream.linear.gather [hbm4b:s19+s24], $0x60, $0x38;
	[tilespmem:$0x1EE40] =	vst v63  }
0x91: {  	_ =	swait.ge [sflag:s16], $0x60  }
0x92: {  	[sflag:s16] =	ssyncset.done $0x0  }
0x93: {  	s1 =	simm.s32 $0x16860;
	s25 =	rddreg [dreg:$0x17];
	[sflag:s16] =	ssyncadd.s32 $0xFFFFFFA0  }
0x94: {  	[tilespmem:s1], [sflag:$0x4] =	stream.linear.gather [hbm4b:s25+s24], $0x60, $0x38;
	[tilespmem:$0x1EE40] =	vst v63  }
0x95: {  	_ =	swait.ge [sflag:s16], $0x60  }
0x96: {  	[sflag:s16] =	ssyncset.done $0x0  }
0x97: {  	s19 =	simm.s32 $0x168C0;
	s28 =	rddreg [dreg:$0x18];
	[sflag:s16] =	ssyncadd.s32 $0xFFFFFFA0  }
0x98: {  	[tilespmem:s19], [sflag:$0x3] =	stream.linear.gather [hbm4b:s28+s24], $0x60, $0x38;
	[tilespmem:$0x1EE40] =	vst v63  }
0x99: {  	s29 =	simm.s32 $0x16920  }
0x9a: {  	[tilespmem:s29], [sflag:$0x3] =	stream.linear.gather [hbm4b:s11+s24], $0x60, $0x38;
	[tilespmem:$0x1EE40] =	vst v63  }
0x9b: {  	_ = 	snop  }
0x9c: {  	[tilespmem:s15], [sflag:$0x1] =	stream.indirect.gather [hbm4b:s5+s20], $0x80, s18, s20, $0xb8;
	[tilespmem:$0x1EE40] =	vst v63  }
0x9d: {  	s30 =	simm.s32 $0x1CA40  }
0x9e: {  	[tilespmem:s30], [sflag:$0x1] =	stream.indirect.gather [hbm4b:s6+s20], $0x10, s18, s20, $0xb8;
	[tilespmem:$0x1EE40] =	vst v63  }
0x9f: {  	s31 =	simm.s32 $0x1D640  }
0xa0: {  	[tilespmem:s31], [sflag:$0x1] =	stream.indirect.gather [hbm4b:s6+s20], $0x10, s1, s20, $0xb8;
	[tilespmem:$0x1EE40] =	vst v63  }
.LBB2_4:
0xa1: {  	_ =	swait.ge [sflag:s21], $0x3000  }
0xa2: {  	[sflag:s21] =	ssyncset.done $0x0  }
0xa3: {  	[sflag:s21] =	ssyncadd.s32 $0xFFFFD000  }
0xa4: {  	_ =	swait.ge [sflag:s21], $0x600  }
0xa5: {  	[sflag:s21] =	ssyncset.done $0x0  }
0xa6: {  	[sflag:s21] =	ssyncadd.s32 $0xFFFFFA00  }
0xa7: {  	_ =	swait.ge [sflag:s21], $0x600  }
0xa8: {  	p0 =	seq.s32 s24, $0x0;
	[sflag:s21] =	ssyncset.done $0x0  }
0xa9: {  	s19 =	simm.s32 @!p0 $0x2;
	p1 =	seq.s32 @!p0 s24, $0x6B;
	[sflag:s21] =	ssyncadd.s32 $0xFFFFFA00  }
0xaa: {  	p1 =	por p0, !p1;
	_ =	swait.ge @!p0 [sflag:s19], $0x3000  }
.Ltmp1:
0xab: {  	[sflag:s19] =	ssyncset.done @!p0 $0x0;
	(pc) =	sbr.rel @!p1 .LBB2_6-.Ltmp1, $4  }
0xac: {  	[sflag:s19] =	ssyncadd.s32 @!p0 $0xFFFFD000  }
0xad: {  	_ =	swait.ge @!p0 [sflag:s19], $0x600  }
0xae: {  	[sflag:s19] =	ssyncset.done @!p0 $0x0  }
0xaf: {  	s28 =	sand.u32 $0x1, s24;
	s25 =	simm.s32 @!p0 $0x6C;
	[sflag:s19] =	ssyncadd.s32 @!p0 $0xFFFFFA00  }
0xb0: {  	s25 =	sadd.s32 @!p0 $0x1, s24  }
0xb1: {  	s25 =	simm.s32 @p0 $0x1  }
0xb2: {  	s19 =	smul.u32 $0xAB, s25;
	_ =	sdelay $0x1  }
0xb3: {  	s19 =	sshrl.u32 s19, $0x9  }
0xb4: {  	s19 =	sand.u32 $0x7F, s19  }
0xb5: {  	s19 =	smul.u32 $0x3, s19;
	_ =	sdelay $0x1  }
0xb6: {  	_ =	swait.ge [sflag:s23], $0x60;
	s29 =	sxor.u32 $0x1, s28;
	s19 =	ssub.s32 s25, s19  }
0xb7: {  	[sflag:s23] =	ssyncset.done $0x0;
	s30 =	smul.u32 $0xC000, s29;
	s19 =	sand.u32 $0xFF, s19  }
0xb8: {  	[sflag:s23] =	ssyncadd.s32 $0xFFFFFFA0;
	s19 =	smul.u32 $0x300, s19  }
0xb9: {  	s29 =	smul.u32 $0x600, s29;
	p0 =	sgt.u32 s24, $0x69;
	_ =	swait.ge [sflag:s23], $0x60  }
0xba: {  	s30 =	sshrl.u32 s30, $0x2;
	[sflag:s23] =	ssyncset.done $0x0;
	s19 =	sshrl.u32 s19, $0x2  }
0xbb: {  	s30 =	sadd.s32 $0x16A40, s30;
	[sflag:s23] =	ssyncadd.s32 $0xFFFFFFA0;
	s31 =	sor.u32 $0x16800, s19  }
0xbc: {  	[tilespmem:s30], [sflag:$0x1] =	stream.indirect.gather [hbm4b:s5+s20], $0x80, s31, s20, $0xb8;
	[tilespmem:$0x1EE40] =	vst v63  }
0xbd: {  	s30 =	sadd.s32 @!p0 $0x2, s24  }
0xbe: {  	s0 =	sadd.s32 $0x1CA40, s29;
	s1 =	smul.u32 @!p0 $0xAB, s30  }
0xbf: {  	[tilespmem:s0], [sflag:$0x1] =	stream.indirect.gather [hbm4b:s6+s20], $0x10, s31, s20, $0xb8;
	[tilespmem:$0x1EE40] =	vst v63  }
0xc0: {  	s0 =	sshrl.u32 @!p0 s1, $0x9  }
0xc1: {  	s0 =	sand.u32 @!p0 $0x7F, s0  }
0xc2: {  	s19 =	sadd.s32 $0x16860, s19;
	s31 =	sadd.s32 $0x1D640, s29;
	s0 =	smul.u32 @!p0 $0x3, s0  }
0xc3: {  	[tilespmem:s31], [sflag:$0x1] =	stream.indirect.gather [hbm4b:s6+s20], $0x10, s19, s20, $0xb8;
	[tilespmem:$0x1EE40] =	vst v63  }
0xc4: {  	s0 =	ssub.s32 @!p0 s30, s0  }
0xc5: {  	s1 =	smul.u32 @!p0 $0x60, s30;
	s0 =	sand.u32 @!p0 $0xFF, s0  }
0xc6: {  	s0 =	smul.u32 @!p0 $0x300, s0  }
0xc7: {  	s1 =	sadd.s32 @!p0 s26, s1  }
0xc8: {  	s1 =	sshrl.u32 @!p0 s1, $0x3;
	s0 =	sshrl.u32 @!p0 s0, $0x2  }
0xc9: {  	s29 =	sadd.s32 @!p0 s7, s1;
	s30 =	simm.s32 @!p0 $0x0;
	s19 =	sor.u32 @!p0 $0x16800, s0  }
0xca: {  	[tilespmem:s19], [sflag:$0x3] =	stream.linear.gather @!p0 [hbm4b:s29+s30], $0x60, $0x38;
	[tilespmem:$0x1EE40] =	vst v63  }
0xcb: {  	s1 =	sadd.s32 @!p0 s8, s1;
	s0 =	sadd.s32 @!p0 $0x16860, s0  }
0xcc: {  	[tilespmem:s0], [sflag:$0x3] =	stream.linear.gather @!p0 [hbm4b:s1+s30], $0x60, $0x38;
	[tilespmem:$0x1EE40] =	vst v63  }
.LBB2_6:
0xcd: {  	s31 =	simm.s32 $0x0  }
0xce: {  	v2 =	vmov s31  }
0xcf: {  	v2 =	vshll.u32 v2, $0x4  }
0xd0: {  	v2 =	vor.u32 v1, v2  }
0xd1: {  	v3 =	vor.u32 $0x8, v2  }
0xd2: {  	s0 =	smul.u32 $0x600, s28;
	_ =	sdelay $0x1  }
0xd3: {  	s30 =	sadd.s32 $0x1CA40, s0  }
0xd4: {  	s19 =	sadd.s32 $0x1D640, s0;
	v4 =	vld.idx.msk [tilespmem:v2+s30+$0x0], $0xffff  }
0xd5: {  	v3 =	vld.idx.msk [tilespmem:v3+s19+$0x0], $0xffff;
	_ =	sdelay $0x4  }
0xd6: {  	v3 =	vadd.f32 v3, v4;
	_ =	sdelay $0x1  }
0xd7: {  	v4 =	vmul.f32 $2.000000030e-01, v3  }
0xd8: {  	vm0 =	vlt.f32 v3, $0.0e+00  }
0xd9: {  	v3 =	vsel vm0, v4, v3  }
0xda: {  	v3 =	vmul.f32 $1.442695020e+00, v3;
	_ =	sdelay $0x1  }
0xdb: {  	(erf) = vpow2.f32 v3;
	_ =	sdelay $0x5  }
0xdc: {  	v3 =	vor.u32 $0x1, v2  }
0xdd: {  	v4 =	vor.u32 $0x9, v2;
	_ =	sdelay $0x1  }
0xde: {  	s29 =	sadd.s32 $0x1E240, s0;
	v5 =	vpop (erf)  }
0xdf: {  	[tilespmem:v2+s29+$0x0] =	vst.idx.msk $0xffff, v5  }
0xe0: {  	v5 =	vld.idx.msk [tilespmem:v3+s30+$0x0], $0xffff  }
0xe1: {  	v4 =	vld.idx.msk [tilespmem:v4+s19+$0x0], $0xffff;
	_ =	sdelay $0x4  }
0xe2: {  	v4 =	vadd.f32 v4, v5;
	_ =	sdelay $0x1  }
0xe3: {  	v5 =	vmul.f32 $2.000000030e-01, v4  }
0xe4: {  	vm9 =	vlt.f32 v4, $0.0e+00  }
0xe5: {  	v4 =	vsel vm9, v5, v4  }
0xe6: {  	v4 =	vmul.f32 $1.442695020e+00, v4;
	_ =	sdelay $0x1  }
0xe7: {  	(erf) = vpow2.f32 v4;
	_ =	sdelay $0x5  }
0xe8: {  	v4 =	vor.u32 $0x2, v2  }
0xe9: {  	v5 =	vor.u32 $0xA, v2;
	_ =	sdelay $0x1  }
0xea: {  	v6 =	vpop (erf)  }
0xeb: {  	[tilespmem:v3+s29+$0x0] =	vst.idx.msk $0xffff, v6  }
0xec: {  	v3 =	vld.idx.msk [tilespmem:v4+s30+$0x0], $0xffff  }
0xed: {  	v5 =	vld.idx.msk [tilespmem:v5+s19+$0x0], $0xffff;
	_ =	sdelay $0x4  }
0xee: {  	v3 =	vadd.f32 v5, v3;
	_ =	sdelay $0x1  }
0xef: {  	v5 =	vmul.f32 $2.000000030e-01, v3  }
0xf0: {  	vm10 =	vlt.f32 v3, $0.0e+00  }
0xf1: {  	v3 =	vsel vm10, v5, v3  }
0xf2: {  	v3 =	vmul.f32 $1.442695020e+00, v3;
	_ =	sdelay $0x1  }
0xf3: {  	(erf) = vpow2.f32 v3;
	_ =	sdelay $0x5  }
0xf4: {  	v3 =	vor.u32 $0x3, v2  }
0xf5: {  	v5 =	vor.u32 $0xB, v2;
	_ =	sdelay $0x1  }
0xf6: {  	v60 =	vpop (erf)  }
0xf7: {  	[tilespmem:v4+s29+$0x0] =	vst.idx.msk $0xffff, v60  }
0xf8: {  	v4 =	vld.idx.msk [tilespmem:v3+s30+$0x0], $0xffff  }
0xf9: {  	v5 =	vld.idx.msk [tilespmem:v5+s19+$0x0], $0xffff;
	_ =	sdelay $0x4  }
0xfa: {  	v4 =	vadd.f32 v5, v4;
	_ =	sdelay $0x1  }
0xfb: {  	v5 =	vmul.f32 $2.000000030e-01, v4  }
0xfc: {  	vm11 =	vlt.f32 v4, $0.0e+00  }
0xfd: {  	v4 =	vsel vm11, v5, v4  }
0xfe: {  	v4 =	vmul.f32 $1.442695020e+00, v4;
	_ =	sdelay $0x1  }
0xff: {  	(erf) = vpow2.f32 v4;
	_ =	sdelay $0x5  }
0x100: {  	v4 =	vor.u32 $0x4, v2  }
0x101: {  	v5 =	vor.u32 $0xC, v2;
	_ =	sdelay $0x1  }
0x102: {  	v61 =	vpop (erf)  }
0x103: {  	[tilespmem:v3+s29+$0x0] =	vst.idx.msk $0xffff, v61  }
0x104: {  	v3 =	vld.idx.msk [tilespmem:v4+s30+$0x0], $0xffff  }
0x105: {  	v5 =	vld.idx.msk [tilespmem:v5+s19+$0x0], $0xffff;
	_ =	sdelay $0x4  }
0x106: {  	v3 =	vadd.f32 v5, v3;
	_ =	sdelay $0x1  }
0x107: {  	v5 =	vmul.f32 $2.000000030e-01, v3  }
0x108: {  	vm12 =	vlt.f32 v3, $0.0e+00  }
0x109: {  	v3 =	vsel vm12, v5, v3  }
0x10a: {  	v3 =	vmul.f32 $1.442695020e+00, v3;
	_ =	sdelay $0x1  }
0x10b: {  	(erf) = vpow2.f32 v3;
	_ =	sdelay $0x5  }
0x10c: {  	v3 =	vor.u32 $0x5, v2  }
0x10d: {  	v5 =	vor.u32 $0xD, v2;
	_ =	sdelay $0x1  }
0x10e: {  	v62 =	vpop (erf)  }
0x10f: {  	[tilespmem:v4+s29+$0x0] =	vst.idx.msk $0xffff, v62  }
0x110: {  	v4 =	vld.idx.msk [tilespmem:v3+s30+$0x0], $0xffff  }
0x111: {  	v5 =	vld.idx.msk [tilespmem:v5+s19+$0x0], $0xffff;
	_ =	sdelay $0x4  }
0x112: {  	v4 =	vadd.f32 v5, v4;
	_ =	sdelay $0x1  }
0x113: {  	v5 =	vmul.f32 $2.000000030e-01, v4  }
0x114: {  	vm13 =	vlt.f32 v4, $0.0e+00  }
0x115: {  	v4 =	vsel vm13, v5, v4  }
0x116: {  	v4 =	vmul.f32 $1.442695020e+00, v4;
	_ =	sdelay $0x1  }
0x117: {  	(erf) = vpow2.f32 v4;
	_ =	sdelay $0x5  }
0x118: {  	v4 =	vor.u32 $0x6, v2  }
0x119: {  	v5 =	vor.u32 $0xE, v2;
	_ =	sdelay $0x1  }
0x11a: {  	v63 =	vpop (erf)  }
0x11b: {  	[tilespmem:v3+s29+$0x0] =	vst.idx.msk $0xffff, v63  }
0x11c: {  	v3 =	vld.idx.msk [tilespmem:v4+s30+$0x0], $0xffff  }
0x11d: {  	v5 =	vld.idx.msk [tilespmem:v5+s19+$0x0], $0xffff;
	_ =	sdelay $0x4  }
0x11e: {  	v3 =	vadd.f32 v5, v3;
	_ =	sdelay $0x1  }
0x11f: {  	v5 =	vmul.f32 $2.000000030e-01, v3  }
0x120: {  	vm14 =	vlt.f32 v3, $0.0e+00  }
0x121: {  	v3 =	vsel vm14, v5, v3  }
0x122: {  	v3 =	vmul.f32 $1.442695020e+00, v3;
	_ =	sdelay $0x1  }
0x123: {  	(erf) = vpow2.f32 v3;
	_ =	sdelay $0x5  }
0x124: {  	v3 =	vor.u32 $0x7, v2  }
0x125: {  	v2 =	vor.u32 $0xF, v2;
	_ =	sdelay $0x1  }
0x126: {  	v5 =	vpop (erf)  }
0x127: {  	[tilespmem:v4+s29+$0x0] =	vst.idx.msk $0xffff, v5  }
0x128: {  	v4 =	vld.idx.msk [tilespmem:v3+s30+$0x0], $0xffff  }
0x129: {  	v2 =	vld.idx.msk [tilespmem:v2+s19+$0x0], $0xffff;
	_ =	sdelay $0x4  }
0x12a: {  	v2 =	vadd.f32 v2, v4;
	_ =	sdelay $0x1  }
0x12b: {  	v4 =	vmul.f32 $2.000000030e-01, v2  }
0x12c: {  	vm15 =	vlt.f32 v2, $0.0e+00  }
0x12d: {  	v2 =	vsel vm15, v4, v2  }
0x12e: {  	v2 =	vmul.f32 $1.442695020e+00, v2;
	_ =	sdelay $0x1  }
0x12f: {  	s31 =	simm.s32 $0x10;
	(erf) = vpow2.f32 v2  }
.LBB2_7:
0x130: {  	_ =	sdelay $0x1  }
0x131: {  	p0 =	seq.s32 s31, $0x50;
	s0 =	smov.u32 s31;
	s31 =	sadd.s32 $0x10, s31  }
0x132: {  	v2 =	vmov s0  }
0x133: {  	v2 =	vshll.u32 v2, $0x4  }
0x134: {  	v2 =	vor.u32 v1, v2  }
0x135: {  	v4 =	vor.u32 $0x8, v2;
	_ =	sdelay $0x1  }
0x136: {  	v5 =	vpop (erf)  }
0x137: {  	[tilespmem:v3+s29+$0x0] =	vst.idx.msk $0xffff, v5  }
0x138: {  	v3 =	vld.idx.msk [tilespmem:v2+s30+$0x0], $0xffff  }
0x139: {  	v4 =	vld.idx.msk [tilespmem:v4+s19+$0x0], $0xffff;
	_ =	sdelay $0x5  }
0x13a: {  	v3 =	vadd.f32 v4, v3;
	_ =	sdelay $0x1  }
0x13b: {  	v4 =	vmul.f32 $2.000000030e-01, v3  }
0x13c: {  	vm0 =	vlt.f32 v3, $0.0e+00  }
0x13d: {  	v3 =	vsel vm0, v4, v3  }
0x13e: {  	v3 =	vmul.f32 $1.442695020e+00, v3;
	_ =	sdelay $0x1  }
0x13f: {  	(erf) = vpow2.f32 v3;
	_ =	sdelay $0x5  }
0x140: {  	v4 =	vor.u32 $0x9, v2;
	v3 =	vor.u32 $0x1, v2;
	_ =	sdelay $0x2  }
0x141: {  	v5 =	vpop (erf)  }
0x142: {  	[tilespmem:v2+s29+$0x0] =	vst.idx.msk $0xffff, v5  }
0x143: {  	v5 =	vld.idx.msk [tilespmem:v3+s30+$0x0], $0xffff  }
0x144: {  	v4 =	vld.idx.msk [tilespmem:v4+s19+$0x0], $0xffff;
	_ =	sdelay $0x5  }
0x145: {  	v4 =	vadd.f32 v4, v5;
	_ =	sdelay $0x1  }
0x146: {  	vm0 =	vlt.f32 v4, $0.0e+00;
	v5 =	vmul.f32 $2.000000030e-01, v4;
	_ =	sdelay $0x1  }
0x147: {  	v4 =	vsel vm0, v5, v4  }
0x148: {  	v4 =	vmul.f32 $1.442695020e+00, v4;
	_ =	sdelay $0x1  }
0x149: {  	(erf) = vpow2.f32 v4;
	_ =	sdelay $0x5  }
0x14a: {  	v5 =	vor.u32 $0xA, v2;
	v4 =	vor.u32 $0x2, v2;
	_ =	sdelay $0x2  }
0x14b: {  	v6 =	vpop (erf)  }
0x14c: {  	[tilespmem:v3+s29+$0x0] =	vst.idx.msk $0xffff, v6  }
0x14d: {  	v3 =	vld.idx.msk [tilespmem:v4+s30+$0x0], $0xffff  }
0x14e: {  	v5 =	vld.idx.msk [tilespmem:v5+s19+$0x0], $0xffff;
	_ =	sdelay $0x5  }
0x14f: {  	v3 =	vadd.f32 v5, v3;
	_ =	sdelay $0x1  }
0x150: {  	vm0 =	vlt.f32 v3, $0.0e+00;
	v5 =	vmul.f32 $2.000000030e-01, v3;
	_ =	sdelay $0x1  }
0x151: {  	v3 =	vsel vm0, v5, v3  }
0x152: {  	v3 =	vmul.f32 $1.442695020e+00, v3;
	_ =	sdelay $0x1  }
0x153: {  	(erf) = vpow2.f32 v3;
	_ =	sdelay $0x5  }
0x154: {  	v5 =	vor.u32 $0xB, v2;
	v3 =	vor.u32 $0x3, v2;
	_ =	sdelay $0x2  }
0x155: {  	v6 =	vpop (erf)  }
0x156: {  	[tilespmem:v4+s29+$0x0] =	vst.idx.msk $0xffff, v6  }
0x157: {  	v4 =	vld.idx.msk [tilespmem:v3+s30+$0x0], $0xffff  }
0x158: {  	v5 =	vld.idx.msk [tilespmem:v5+s19+$0x0], $0xffff;
	_ =	sdelay $0x5  }
0x159: {  	v4 =	vadd.f32 v5, v4;
	_ =	sdelay $0x1  }
0x15a: {  	vm0 =	vlt.f32 v4, $0.0e+00;
	v5 =	vmul.f32 $2.000000030e-01, v4;
	_ =	sdelay $0x1  }
0x15b: {  	v4 =	vsel vm0, v5, v4  }
0x15c: {  	v4 =	vmul.f32 $1.442695020e+00, v4;
	_ =	sdelay $0x1  }
0x15d: {  	(erf) = vpow2.f32 v4;
	_ =	sdelay $0x5  }
0x15e: {  	v5 =	vor.u32 $0xC, v2;
	v4 =	vor.u32 $0x4, v2;
	_ =	sdelay $0x2  }
0x15f: {  	v6 =	vpop (erf)  }
0x160: {  	[tilespmem:v3+s29+$0x0] =	vst.idx.msk $0xffff, v6  }
0x161: {  	v3 =	vld.idx.msk [tilespmem:v4+s30+$0x0], $0xffff  }
0x162: {  	v5 =	vld.idx.msk [tilespmem:v5+s19+$0x0], $0xffff;
	_ =	sdelay $0x5  }
0x163: {  	v3 =	vadd.f32 v5, v3;
	_ =	sdelay $0x1  }
0x164: {  	vm0 =	vlt.f32 v3, $0.0e+00;
	v5 =	vmul.f32 $2.000000030e-01, v3;
	_ =	sdelay $0x1  }
0x165: {  	v3 =	vsel vm0, v5, v3  }
0x166: {  	v3 =	vmul.f32 $1.442695020e+00, v3;
	_ =	sdelay $0x1  }
0x167: {  	(erf) = vpow2.f32 v3;
	_ =	sdelay $0x5  }
0x168: {  	v5 =	vor.u32 $0xD, v2;
	v3 =	vor.u32 $0x5, v2;
	_ =	sdelay $0x2  }
0x169: {  	v6 =	vpop (erf)  }
0x16a: {  	[tilespmem:v4+s29+$0x0] =	vst.idx.msk $0xffff, v6  }
0x16b: {  	v4 =	vld.idx.msk [tilespmem:v3+s30+$0x0], $0xffff  }
0x16c: {  	v5 =	vld.idx.msk [tilespmem:v5+s19+$0x0], $0xffff;
	_ =	sdelay $0x5  }
0x16d: {  	v4 =	vadd.f32 v5, v4;
	_ =	sdelay $0x1  }
0x16e: {  	vm0 =	vlt.f32 v4, $0.0e+00;
	v5 =	vmul.f32 $2.000000030e-01, v4;
	_ =	sdelay $0x1  }
0x16f: {  	v4 =	vsel vm0, v5, v4  }
0x170: {  	v4 =	vmul.f32 $1.442695020e+00, v4;
	_ =	sdelay $0x1  }
0x171: {  	(erf) = vpow2.f32 v4;
	_ =	sdelay $0x5  }
0x172: {  	v5 =	vor.u32 $0xE, v2;
	v4 =	vor.u32 $0x6, v2;
	_ =	sdelay $0x2  }
0x173: {  	v6 =	vpop (erf)  }
0x174: {  	[tilespmem:v3+s29+$0x0] =	vst.idx.msk $0xffff, v6  }
0x175: {  	v3 =	vld.idx.msk [tilespmem:v4+s30+$0x0], $0xffff  }
0x176: {  	v5 =	vld.idx.msk [tilespmem:v5+s19+$0x0], $0xffff;
	_ =	sdelay $0x5  }
0x177: {  	v3 =	vadd.f32 v5, v3;
	_ =	sdelay $0x1  }
0x178: {  	vm0 =	vlt.f32 v3, $0.0e+00;
	v5 =	vmul.f32 $2.000000030e-01, v3;
	_ =	sdelay $0x1  }
0x179: {  	v3 =	vsel vm0, v5, v3  }
0x17a: {  	v3 =	vmul.f32 $1.442695020e+00, v3;
	_ =	sdelay $0x1  }
0x17b: {  	(erf) = vpow2.f32 v3;
	_ =	sdelay $0x5  }
0x17c: {  	v3 =	vor.u32 $0x7, v2;
	v2 =	vor.u32 $0xF, v2;
	_ =	sdelay $0x2  }
0x17d: {  	v5 =	vpop (erf)  }
0x17e: {  	[tilespmem:v4+s29+$0x0] =	vst.idx.msk $0xffff, v5  }
0x17f: {  	v4 =	vld.idx.msk [tilespmem:v3+s30+$0x0], $0xffff  }
0x180: {  	v2 =	vld.idx.msk [tilespmem:v2+s19+$0x0], $0xffff;
	_ =	sdelay $0x5  }
0x181: {  	v2 =	vadd.f32 v2, v4;
	_ =	sdelay $0x1  }
0x182: {  	vm0 =	vlt.f32 v2, $0.0e+00;
	v4 =	vmul.f32 $2.000000030e-01, v2  }
.Ltmp2:
0x183: {  	(pc) =	sbr.rel @!p0 .LBB2_7-.Ltmp2, $3  }
0x184: {  	v2 =	vsel vm0, v4, v2  }
0x185: {  	v2 =	vmul.f32 $1.442695020e+00, v2;
	_ =	sdelay $0x1  }
0x186: {  	(erf) = vpow2.f32 v2  }
0x187: {  	_ =	sdelay $0x4  }
0x188: {  	s0 =	smul.u32 $0x1800, s28;
	_ =	sdelay $0x1  }
0x189: {  	s0 =	sshrl.u32 s0, $0x2  }
0x18a: {  	s19 =	sadd.s32 $0x1E240, s0;
	v2 =	vpop (erf)  }
0x18b: {  	[tilespmem:v3+s29+$0x0] =	vst.idx.msk $0xffff, v2;
	v2 =	vmov s19  }
0x18c: {  	s1 =	smul.u32 $0xC000, s28;
	_ =	sdelay $0x1  }
0x18d: {  	s1 =	sshrl.u32 s1, $0x2  }
0x18e: {  	s28 =	sadd.s32 $0x16A40, s1;
	s29 =	sadd.s32 $0x16A80, s1;
	s1 =	simm.s32 $0x0  }
0x18f: {  	v3 =	vld.idx.msk [tilespmem:v2+s1+$0x0 ss:$0x1], $0xffff;
	_ =	sdelay $0x1  }
0x190: {  	v4 =	vld [tilespmem:s29+$0xFFFFFFC0]  }
0x191: {  	v5 =	vld [tilespmem:s29+$0xFFFFFFD0]  }
0x192: {  	v6 =	vld [tilespmem:s29+$0xFFFFFFE0]  }
0x193: {  	v7 =	vld [tilespmem:s29+$0xFFFFFFF0];
	v8 =	vbroadcast v3, $0x0;
	v9 =	vbroadcast v3, $0x1  }
0x194: {  	v11 =	vld [tilespmem:s29+$0x10];
	v12 =	vbroadcast v3, $0x2;
	v58 =	vbroadcast v3, $0x3  }
0x195: {  	v13 =	vld [tilespmem:s29+$0x30];
	v60 =	vbroadcast v3, $0x4;
	v4 =	vmul.f32 v8, v4  }
0x196: {  	v10 =	vld [tilespmem:s29+$0x0];
	v61 =	vbroadcast v3, $0x5;
	v5 =	vmul.f32 v5, v9  }
0x197: {  	v59 =	vld [tilespmem:s29+$0x20];
	v62 =	vbroadcast v3, $0x6;
	v6 =	vmul.f32 v6, v12;
	[tilespmem:s29+$0xFFFFFFC0] =	vst v4  }
0x198: {  	v3 =	vbroadcast v3, $0x7;
	v7 =	vmul.f32 v7, v58;
	[tilespmem:s29+$0xFFFFFFD0] =	vst v5  }
0x199: {  	v63 =	vmul.f32 v11, v61;
	[tilespmem:s29+$0xFFFFFFE0] =	vst v6  }
0x19a: {  	v3 =	vmul.f32 v13, v3;
	[tilespmem:s29+$0xFFFFFFF0] =	vst v7  }
0x19b: {  	v4 =	vmul.f32 v10, v60;
	[tilespmem:s29+$0x10] =	vst v63  }
0x19c: {  	v5 =	vmul.f32 v59, v62;
	[tilespmem:s29+$0x30] =	vst v3  }
0x19d: {  	[tilespmem:s29+$0x0] =	vst v4  }
0x19e: {  	s31 =	simm.s32 $0x10;
	s30 =	simm.s32 $0x80;
	[tilespmem:s29+$0x20] =	vst v5  }
.LBB2_9:
0x19f: {  	p0 =	sne.s32 s30, $0x17C0;
	v3 =	vld.idx.msk [tilespmem:v2+s31+$0x0 ss:$0x1], $0xffff;
	s29 =	sadd.s32 $0x80, s29  }
0x1a0: {  	v4 =	vld [tilespmem:s29+$0xFFFFFFF0]  }
0x1a1: {  	v5 =	vld [tilespmem:s29+$0xFFFFFFD0]  }
0x1a2: {  	v6 =	vld [tilespmem:s29+$0xFFFFFFC0]  }
0x1a3: {  	v7 =	vld [tilespmem:s29+$0xFFFFFFE0]  }
0x1a4: {  	v8 =	vld [tilespmem:s29+$0x30]  }
0x1a5: {  	v9 =	vbroadcast v3, $0x0;
	v10 =	vbroadcast v3, $0x1;
	v11 =	vld [tilespmem:s29+$0x10]  }
0x1a6: {  	v12 =	vbroadcast v3, $0x2;
	v13 =	vbroadcast v3, $0x3;
	v14 =	vld [tilespmem:s29+$0x0]  }
0x1a7: {  	v5 =	vmul.f32 v5, v10;
	v6 =	vmul.f32 v9, v6;
	v9 =	vld [tilespmem:s29+$0x20]  }
0x1a8: {  	v4 =	vmul.f32 v4, v13;
	v7 =	vmul.f32 v7, v12  }
0x1a9: {  	v10 =	vbroadcast v3, $0x5;
	[tilespmem:s29+$0xFFFFFFC0] =	vst v6;
	v6 =	vbroadcast v3, $0x4  }
0x1aa: {  	[tilespmem:s29+$0xFFFFFFD0] =	vst v5;
	v5 =	vbroadcast v3, $0x6;
	v3 =	vbroadcast v3, $0x7  }
0x1ab: {  	[tilespmem:s29+$0xFFFFFFE0] =	vst v7;
	v6 =	vmul.f32 v14, v6;
	v7 =	vmul.f32 v11, v10  }
.Ltmp3:
0x1ac: {  	[tilespmem:s29+$0xFFFFFFF0] =	vst v4;
	v4 =	vmul.f32 v9, v5;
	v3 =	vmul.f32 v8, v3;
	(pc) =	sbr.rel @p0 .LBB2_9-.Ltmp3, $4  }
0x1ad: {  	[tilespmem:s29+$0x0] =	vst v6  }
0x1ae: {  	[tilespmem:s29+$0x10] =	vst v7  }
0x1af: {  	[tilespmem:s29+$0x20] =	vst v4  }
0x1b0: {  	s31 =	sshra.s32 s30, $0x2;
	s30 =	sadd.s32 $0x40, s30;
	[tilespmem:s29+$0x30] =	vst v3  }
0x1b1: {  	_ =	sdelay $0x3  }
0x1b2: {  	v2 =	vld.idx.msk [tilespmem:v2+s31+$0x0 ss:$0x1], $0xffff  }
0x1b3: {  	s0 =	sadd.s32 $0x80, s29  }
0x1b4: {  	v3 =	vld [tilespmem:s0+$0xFFFFFFC0]  }
0x1b5: {  	v4 =	vld [tilespmem:s0+$0xFFFFFFD0]  }
0x1b6: {  	v5 =	vld [tilespmem:s0+$0xFFFFFFE0]  }
0x1b7: {  	s1 =	smul.u32 $0xAB, s24;
	v6 =	vld [tilespmem:s0+$0xFFFFFFF0];
	v7 =	vbroadcast v2, $0x0  }
0x1b8: {  	v10 =	vld [tilespmem:s0+$0x10];
	v8 =	vbroadcast v2, $0x1  }
0x1b9: {  	v60 =	vld [tilespmem:s0+$0x20];
	s1 =	sshrl.u32 s1, $0x9;
	v11 =	vbroadcast v2, $0x2;
	v3 =	vmul.f32 v7, v3  }
0x1ba: {  	v9 =	vld [tilespmem:s0+$0x0];
	s1 =	sand.u32 $0x7F, s1;
	v59 =	vbroadcast v2, $0x3;
	v4 =	vmul.f32 v4, v8  }
0x1bb: {  	v12 =	vld [tilespmem:s0+$0x30];
	s1 =	smul.u32 $0x3, s1;
	v61 =	vbroadcast v2, $0x5;
	v5 =	vmul.f32 v5, v11;
	[tilespmem:s0+$0xFFFFFFC0] =	vst v3  }
0x1bc: {  	v62 =	vbroadcast v2, $0x6;
	v6 =	vmul.f32 v6, v59;
	[tilespmem:s0+$0xFFFFFFD0] =	vst v4  }
0x1bd: {  	s1 =	ssub.s32 s24, s1;
	v63 =	vmul.f32 v10, v61;
	v3 =	vbroadcast v2, $0x4;
	[tilespmem:s0+$0xFFFFFFE0] =	vst v5  }
0x1be: {  	s1 =	sand.u32 $0xFF, s1;
	v2 =	vbroadcast v2, $0x7;
	[tilespmem:s0+$0xFFFFFFF0] =	vst v6;
	v4 =	vmul.f32 v60, v62  }
0x1bf: {  	s1 =	smul.u32 $0x300, s1;
	[tilespmem:s0+$0x10] =	vst v63;
	v3 =	vmul.f32 v9, v3  }
0x1c0: {  	p0 =	slt.u32 s25, $0x6C;
	v2 =	vmul.f32 v12, v2;
	[tilespmem:s0+$0x20] =	vst v4  }
.Ltmp4:
0x1c1: {  	s1 =	sshrl.u32 s1, $0x2;
	[tilespmem:s0+$0x0] =	vst v3;
	(pc) =	sbr.rel @p0 .LBB2_4-.Ltmp4, $4  }
0x1c2: {  	s31 =	sadd.s32 $0x16860, s1;
	[tilespmem:s0+$0x30] =	vst v2  }
0x1c3: {  	[spmem:s2] =	stream.indirect.scatter.add.f32 [tilespmem:s28], [sflag:$0x2], $0x80, s31, s20, $0xb8;
	[tilespmem:$0x1EE40] =	vst v63  }
0x1c4: {  	s24 =	smov.u32 s25  }
0x1c5: {  	[spmem:s3] =	stream.indirect.scatter.add.f32 [tilespmem:s19], [sflag:$0x2], $0x10, s31, s20, $0xb8;
	[tilespmem:$0x1EE40] =	vst v63  }
0x1c6: {  	_ =	swait.ge [sflag:s22], $0x3000  }
0x1c7: {  	[sflag:s22] =	ssyncset.done $0x0  }
0x1c8: {  	[sflag:s22] =	ssyncadd.s32 $0xFFFFD000  }
0x1c9: {  	_ =	swait.ge [sflag:s22], $0x600  }
0x1ca: {  	s0 =	stileid.u32;
	[sflag:s22] =	ssyncset.done $0x0  }
0x1cb: {  	s0 =	sshll.u32 s0, $0x6;
	[sflag:s22] =	ssyncadd.s32 $0xFFFFFA00  }
0x1cc: {  	s1 =	sshrl.u32 s9, $0x3;
	s0 =	sor.u32 $0x1C04, s0;
	[bflag:$0x0] =	sbarrier.arrive $0xFFFF  }
0x1cd: {  	[hbm:s12], [sflag:s0] =	dma.local [spmem:s1], $0x2800  }
0x1ce: {  	s4 =	sadd.s32 $0x1, s4;
	_ =	swait.ge [sflag:s16], $0x2800  }
0x1cf: {  	p0 =	sne.s32 s4, s14;
	[sflag:s16] =	ssyncset.done $0x0  }
.Ltmp5:
0x1d0: {  	s31 =	sshrl.u32 s10, $0x3;
	[sflag:s16] =	ssyncadd.s32 $0xFFFFD800;
	(pc) =	sbr.rel @p0 .LBB2_1-.Ltmp5, $4  }
0x1d1: {  	[hbm:s13], [sflag:s0] =	dma.local [spmem:s31], $0x500  }
0x1d2: {  	_ =	swait.ge [sflag:s16], $0x500  }
0x1d3: {  	[sflag:s16] =	ssyncset.done $0x0  }
0x1d4: {  	[sflag:s16] =	ssyncadd.s32 $0xFFFFFB00  }
0x1d5: {  	_ =	sfence.sel $0x180000  }
0x1d6: {  	[bflag:$0x0] =	sbarrier.arrive $0xFFFF  }
0x1d7: {  	_ =	strace $0x90000047  }
0x1d8: {  	s0 =	stileid.u32;
	[bflag:$0x2] =	sbarrier.arrive $0xFFFF  }
0x1d9: {  	p0 =	sne.s32 s0, $0x0;
	s0 =	rddreg [dreg:$0x3]  }
0x1da: {  	s0 =	sadd.s32 @!p0 $0x100000, s0  }
0x1db: {  	[sflag:s0] =	ssyncadd.tile.s32 @!p0 $0x1;
	_ =	shalt  }
.Lfunc_end2:
_tile_overlayer_lowered:
.L_overlay_start_2:
0x1dc: {  	(tag) =	ssettag $0x2  }
0x1dd: {  	s0 =	rddreg [dreg:$0x0];
	s2 =	stileid.u32  }
0x1de: {  	s1 =	rddreg [dreg:$0x1];
	p0 =	sne.s32 s2, $0x0  }
0x1df: {  	s3 =	rddreg [dreg:$0x2];
	[bflag:$0x3] =	sbarrier.arrive $0xFFFF;
	s2 =	simm.s32 @!p0 $0x1C04  }
0x1e0: {  	[timem:s3], [sflag:s2] =	dma.local @!p0 [hbm:s0], s1  }
0x1e1: {  	s0 =	simm.s32 @!p0 $0x4  }
0x1e2: {  	_ =	swait.ge @!p0 [sflag:s0], s1  }
0x1e3: {  	s1 =	ssub.s32 @!p0 $0x0, s1;
	[sflag:s0] =	ssyncset.done @!p0 $0x0  }
0x1e4: {  	[sflag:s0] =	ssyncadd.s32 @!p0 s1  }
0x1e5: {  	[bflag:$0x3] =	sbarrier.arrive $0xFFFF  }
0x1e6: {  	_ =	shalt  }

</sc_bundles>
